<compile_context>
chip_gen: v7x
topology: tpu7x:2x2x1
jax: 0.10.2.dev20260603
libtpu: 0.0.44.dev20260713+nightly
codegen_flags: <defaults>
</compile_context>

<pallas_src>
import functools
import jax
import jax.numpy as jnp
from jax import lax
from jax.experimental import pallas as pl
from jax.experimental.pallas import tpu as pltpu
from jax.experimental.pallas import tpu_sc as plsc

NUM_LEVELS_ = 8
K_ = 8192
D_ = 256
B_ = 4096
BT_ = 256
NBT_ = B_ // BT_
BR_ = 1024
NBR_ = B_ // BR_

_HI = jax.lax.Precision.HIGHEST
_BIG = 3e38


def _nt(a, b):
    return jax.lax.dot_general(a, b, (((1,), (1,)), ((), ())),
                               preferred_element_type=jnp.float32)


def _split3(x):
    x0 = x.astype(jnp.bfloat16)
    rem = x - x0.astype(jnp.float32)
    x1 = rem.astype(jnp.bfloat16)
    x2 = (rem - x1.astype(jnp.float32)).astype(jnp.bfloat16)
    return x0, x1, x2


def _scores_body(r_ref, cb_ref, ids1_ref, ids2_ref,
                 cnorm_scratch, c0_s, c1_s, c2_s):
    b = pl.program_id(0)

    @pl.when(b == 0)
    def _prep():
        cb = cb_ref[...]
        ones = jnp.ones((1, D_), jnp.float32)
        cnorm_scratch[...] = jax.lax.dot_general(
            ones, cb * cb, (((1,), (1,)), ((), ())),
            precision=_HI, preferred_element_type=jnp.float32)
        p0, p1, p2 = _split3(cb)
        c0_s[...] = p0
        c1_s[...] = p1
        c2_s[...] = p2

    r = r_ref[...]
    r0, r1, r2 = _split3(r)
    c0 = c0_s[...]
    c1 = c1_s[...]
    c2 = c2_s[...]
    rc = (_nt(r0, c0) + _nt(r0, c1) + _nt(r1, c0)
          + _nt(r0, c2) + _nt(r1, c1) + _nt(r2, c0))
    s = cnorm_scratch[...] - 2.0 * rc

    m1 = jnp.min(s, axis=1, keepdims=True)
    kiota = jax.lax.broadcasted_iota(jnp.int32, (BT_, K_), 1)
    idx1 = jnp.min(jnp.where(s == m1, kiota, K_), axis=1)
    s2 = jnp.where(kiota == idx1[:, None], _BIG, s)
    idx2 = jnp.argmin(s2, axis=1).astype(jnp.int32)
    ids1_ref[...] = idx1.reshape(1, 1, BT_)
    ids2_ref[...] = idx2.reshape(1, 1, BT_)


def _tc_scores_top2(r, cb_l):
    ids1, ids2 = pl.pallas_call(
        _scores_body,
        grid=(NBT_,),
        in_specs=[
            pl.BlockSpec((BT_, D_), lambda b: (b, 0)),
            pl.BlockSpec((K_, D_), lambda b: (0, 0)),
        ],
        out_specs=[
            pl.BlockSpec((1, 1, BT_), lambda b: (0, 0, b)),
            pl.BlockSpec((1, 1, BT_), lambda b: (0, 0, b)),
        ],
        out_shape=[
            jax.ShapeDtypeStruct((1, 1, B_), jnp.int32),
            jax.ShapeDtypeStruct((1, 1, B_), jnp.int32),
        ],
        scratch_shapes=[
            pltpu.VMEM((1, K_), jnp.float32),
            pltpu.VMEM((K_, D_), jnp.bfloat16),
            pltpu.VMEM((K_, D_), jnp.bfloat16),
            pltpu.VMEM((K_, D_), jnp.bfloat16),
        ],
    )(r, cb_l)
    return ids1.reshape(B_), ids2.reshape(B_)


def _make_sc_gather2():
    info = plsc.get_sparse_core_info()
    nw = info.num_cores * info.num_subcores
    bw = B_ // nw
    mesh = plsc.VectorSubcoreMesh(core_axis_name="c", subcore_axis_name="s")

    @functools.partial(
        pl.kernel, mesh=mesh,
        out_type=[
            jax.ShapeDtypeStruct((B_, D_), jnp.float32),
            jax.ShapeDtypeStruct((B_, D_), jnp.float32),
        ],
        scratch_types=[
            pltpu.VMEM((bw,), jnp.int32),
            pltpu.VMEM((bw,), jnp.int32),
            pltpu.VMEM((bw, D_), jnp.float32),
            pltpu.VMEM((bw, D_), jnp.float32),
            pltpu.SemaphoreType.DMA,
            pltpu.SemaphoreType.DMA,
        ],
    )
    def sc_gather2(cb_hbm, idx1_hbm, idx2_hbm, g1_hbm, g2_hbm,
                   i1_v, i2_v, rows1_v, rows2_v, sem1, sem2):
        wid = lax.axis_index("s") * info.num_cores + lax.axis_index("c")
        base = wid * bw
        pltpu.sync_copy(idx1_hbm.at[pl.ds(base, bw)], i1_v)
        pltpu.sync_copy(idx2_hbm.at[pl.ds(base, bw)], i2_v)
        cp1 = pltpu.async_copy(cb_hbm.at[i1_v], rows1_v, sem1)
        cp2 = pltpu.async_copy(cb_hbm.at[i2_v], rows2_v, sem2)
        cp1.wait()
        pltpu.sync_copy(rows1_v, g1_hbm.at[pl.ds(base, bw)])
        cp2.wait()
        pltpu.sync_copy(rows2_v, g2_hbm.at[pl.ds(base, bw)])

    return sc_gather2


def _rescore_body(r_ref, g1_ref, g2_ref, i1_ref, i2_ref, rout_ref, ids_ref):
    rp = r_ref[...]
    g1 = g1_ref[...]
    g2 = g2_ref[...]
    idx1 = i1_ref[0, 0, :]
    idx2 = i2_ref[0, 0, :]
    diff1 = rp - g1
    d1 = jnp.sqrt(jnp.maximum(jnp.sum(diff1 * diff1, axis=1), 0.0))
    diff2 = rp - g2
    d2 = jnp.sqrt(jnp.maximum(jnp.sum(diff2 * diff2, axis=1), 0.0))
    take2 = jnp.logical_or(d2 < d1,
                           jnp.logical_and(d2 == d1, idx2 < idx1))
    winner = jnp.where(take2, idx2, idx1)
    chosen = jnp.where(take2[:, None], g2, g1)
    rout_ref[...] = rp - chosen
    ids_ref[...] = winner.reshape(1, 1, BR_)


def _tc_rescore(r, g1, g2, ids1, ids2):
    r_new, win = pl.pallas_call(
        _rescore_body,
        grid=(NBR_,),
        in_specs=[
            pl.BlockSpec((BR_, D_), lambda b: (b, 0)),
            pl.BlockSpec((BR_, D_), lambda b: (b, 0)),
            pl.BlockSpec((BR_, D_), lambda b: (b, 0)),
            pl.BlockSpec((1, 1, BR_), lambda b: (0, 0, b)),
            pl.BlockSpec((1, 1, BR_), lambda b: (0, 0, b)),
        ],
        out_specs=[
            pl.BlockSpec((BR_, D_), lambda b: (b, 0)),
            pl.BlockSpec((1, 1, BR_), lambda b: (0, 0, b)),
        ],
        out_shape=[
            jax.ShapeDtypeStruct((B_, D_), jnp.float32),
            jax.ShapeDtypeStruct((1, 1, B_), jnp.int32),
        ],
    )(r, g1, g2, ids1.reshape(1, 1, B_), ids2.reshape(1, 1, B_))
    return r_new, win.reshape(B_)


def kernel(preference_vector, codebooks):
    sc_gather2 = _make_sc_gather2()
    r = preference_vector
    ids = []
    for l in range(NUM_LEVELS_):
        cb_l = codebooks[l]
        idx1, idx2 = _tc_scores_top2(r, cb_l)
        g1, g2 = sc_gather2(cb_l, idx1, idx2)
        r, win = _tc_rescore(r, g1, g2, idx1, idx2)
        ids.append(win)
    return jnp.stack(ids, axis=1), r

# --- scband reference (transcript-rebuilt; emitter-appended) ---
"""Pipeline reference for scband-simple-semantic-encoder-66194035966314 (READ-ONLY COPY).

The authoritative reference and input builder live on the scoring server;
editing this copy changes nothing except your own understanding.
"""

import jax, jax.numpy as jnp
import numpy as np

NUM_LEVELS = 8
CODEBOOK_SIZE = 8192
HIDDEN_DIM = 256
BATCH = 4096


def setup_inputs(seed: int = 0) -> dict:
    key = jax.random.key(seed)
    k_pv, k_cb = jax.random.split(key)
    preference_vector = jax.random.normal(k_pv, (BATCH, HIDDEN_DIM), dtype=jnp.float32)
    cb_keys = jax.random.split(k_cb, NUM_LEVELS)
    codebooks = jnp.stack([
        jax.random.normal(cb_keys[i], (CODEBOOK_SIZE, HIDDEN_DIM), dtype=jnp.float32) * 0.1
        for i in range(NUM_LEVELS)
    ])  # [NUM_LEVELS, K, D], the nn.ParameterList materialized as a stacked array
    return {"preference_vector": preference_vector, "codebooks": codebooks}


def _encode_one(vec, codebooks):
    # Faithful residual-VQ encode of a single preference vector, matching
    # SimpleSemanticEncoder.encode: at each level compute euclidean distances
    # (torch.cdist default p=2), take argmin, subtract the chosen code.
    def body(residual, cb):
        diff = residual[None, :] - cb  # [K, D]
        d2 = jnp.sum(diff * diff, axis=-1)  # [K]
        dist = jnp.sqrt(jnp.maximum(d2, 0.0))
        idx = jnp.argmin(dist)
        new_residual = residual - cb[idx]
        return new_residual, idx
    residual, ids = jax.lax.scan(body, vec, codebooks)
    return ids, residual


def reference(preference_vector, codebooks):
    # Batched over independent preference vectors (per-vector math identical
    # to the original single-vector encode).
    ids, residual = jax.vmap(_encode_one, in_axes=(0, None))(preference_vector, codebooks)
    return ids.astype(jnp.int32), residual

if __name__ == "__main__":
    import jax
    _d = setup_inputs()
    print(jax.jit(kernel)(*tuple(_d.values())))

</pallas_src>

<mosaic_0001>
#map = affine_map<(d0, d1) -> (0, 0)>
#map1 = affine_map<(d0, d1) -> (0)>
module attributes {stable_mosaic.version = 14 : i64} {
  func.func @sc_gather2(%arg0: i32, %arg1: i32, %arg2: memref<8192x256xf32, #tpu.memory_space<hbm>>, %arg3: memref<4096xi32, #tpu.memory_space<hbm>>, %arg4: memref<4096xi32, #tpu.memory_space<hbm>>, %arg5: memref<4096x256xf32, #tpu.memory_space<hbm>>, %arg6: memref<4096x256xf32, #tpu.memory_space<hbm>>, %arg7: memref<128xi32, #tpu.memory_space<vmem>>, %arg8: memref<128xi32, #tpu.memory_space<vmem>>, %arg9: memref<128x256xf32, #tpu.memory_space<vmem>>, %arg10: memref<128x256xf32, #tpu.memory_space<vmem>>, %arg11: memref<!tpu.dma_semaphore, #tpu.memory_space<semaphore_mem>>, %arg12: memref<!tpu.dma_semaphore, #tpu.memory_space<semaphore_mem>>) attributes {dimension_semantics = [#tpu.dimension_semantics<core_parallel>, #tpu.dimension_semantics<subcore_parallel>], iteration_bounds = array<i64: 2, 16>, scalar_prefetch = 0 : i64, scratch_operands = 6 : i64, tpu.core_type = #tpu.core_type<sc_vector_subcore>, window_params = [{transform_indices = #map}, {transform_indices = #map1}, {transform_indices = #map1}, {transform_indices = #map}, {transform_indices = #map}]} {
    %mul3A = arith.constant 2 : i32
    %mul3A_0 = arith.muli %arg1, %mul3A : i32
    %add3A = arith.addi %mul3A_0, %arg0 : i32
    %mul3A_1 = arith.constant 128 : i32
    %mul3A_2 = arith.muli %add3A, %mul3A_1 : i32
    "tpu.region"() ({
      %run_scoped3A = tpu.sem_alloc : memref<!tpu.dma_semaphore, #tpu.memory_space<semaphore_mem>>
      %dma_start3A_13 = tpu.memref_slice %arg3[%mul3A_2] : memref<4096xi32, #tpu.memory_space<hbm>> -> memref<128xi32, #tpu.memory_space<hbm>>
      %dma_start3A_14 = tpu.memref_slice %arg3[%mul3A_2] : memref<4096xi32, #tpu.memory_space<hbm>> -> memref<128xi32, #tpu.memory_space<hbm>>
      tpu.enqueue_dma source(%dma_start3A_14 : memref<128xi32, #tpu.memory_space<hbm>>) target(%arg7 : memref<128xi32, #tpu.memory_space<vmem>>) target_semaphore(%run_scoped3A : memref<!tpu.dma_semaphore, #tpu.memory_space<semaphore_mem>>)
      %dma_wait3A_15 = tpu.memref_slice %arg3[%mul3A_2] : memref<4096xi32, #tpu.memory_space<hbm>> -> memref<128xi32, #tpu.memory_space<hbm>>
      %dma_wait3A_16 = tpu.memref_slice %arg3[%mul3A_2] : memref<4096xi32, #tpu.memory_space<hbm>> -> memref<128xi32, #tpu.memory_space<hbm>>
      tpu.wait_dma2 semaphore(%run_scoped3A : memref<!tpu.dma_semaphore, #tpu.memory_space<semaphore_mem>>) src(%dma_wait3A_16 : memref<128xi32, #tpu.memory_space<hbm>>) dst(%arg7 : memref<128xi32, #tpu.memory_space<vmem>>)
      tpu.yield
    }) : () -> ()
    "tpu.region"() ({
      %run_scoped3A = tpu.sem_alloc : memref<!tpu.dma_semaphore, #tpu.memory_space<semaphore_mem>>
      %dma_start3A_13 = tpu.memref_slice %arg4[%mul3A_2] : memref<4096xi32, #tpu.memory_space<hbm>> -> memref<128xi32, #tpu.memory_space<hbm>>
      %dma_start3A_14 = tpu.memref_slice %arg4[%mul3A_2] : memref<4096xi32, #tpu.memory_space<hbm>> -> memref<128xi32, #tpu.memory_space<hbm>>
      tpu.enqueue_dma source(%dma_start3A_14 : memref<128xi32, #tpu.memory_space<hbm>>) target(%arg8 : memref<128xi32, #tpu.memory_space<vmem>>) target_semaphore(%run_scoped3A : memref<!tpu.dma_semaphore, #tpu.memory_space<semaphore_mem>>)
      %dma_wait3A_15 = tpu.memref_slice %arg4[%mul3A_2] : memref<4096xi32, #tpu.memory_space<hbm>> -> memref<128xi32, #tpu.memory_space<hbm>>
      %dma_wait3A_16 = tpu.memref_slice %arg4[%mul3A_2] : memref<4096xi32, #tpu.memory_space<hbm>> -> memref<128xi32, #tpu.memory_space<hbm>>
      tpu.wait_dma2 semaphore(%run_scoped3A : memref<!tpu.dma_semaphore, #tpu.memory_space<semaphore_mem>>) src(%dma_wait3A_16 : memref<128xi32, #tpu.memory_space<hbm>>) dst(%arg8 : memref<128xi32, #tpu.memory_space<vmem>>)
      tpu.yield
    }) : () -> ()
    %dma_start3A = arith.constant 0 : i32
    %dma_start3A_3 = arith.constant 0 : i32
    %dma_start3A_4 = tpu.memref_slice %arg2[%dma_start3A, %dma_start3A_3] : memref<8192x256xf32, #tpu.memory_space<hbm>> -> memref<8192x256xf32, #tpu.memory_space<hbm>>
    tpu.enqueue_indirect_dma source(%dma_start3A_4 : memref<8192x256xf32, #tpu.memory_space<hbm>>) target(%arg9 : memref<128x256xf32, #tpu.memory_space<vmem>>) offsets(%arg7 : memref<128xi32, #tpu.memory_space<vmem>>) semaphore(%arg11 : memref<!tpu.dma_semaphore, #tpu.memory_space<semaphore_mem>>)
    %dma_start3A_5 = arith.constant 0 : i32
    %dma_start3A_6 = arith.constant 0 : i32
    %dma_start3A_7 = tpu.memref_slice %arg2[%dma_start3A_5, %dma_start3A_6] : memref<8192x256xf32, #tpu.memory_space<hbm>> -> memref<8192x256xf32, #tpu.memory_space<hbm>>
    tpu.enqueue_indirect_dma source(%dma_start3A_7 : memref<8192x256xf32, #tpu.memory_space<hbm>>) target(%arg10 : memref<128x256xf32, #tpu.memory_space<vmem>>) offsets(%arg8 : memref<128xi32, #tpu.memory_space<vmem>>) semaphore(%arg12 : memref<!tpu.dma_semaphore, #tpu.memory_space<semaphore_mem>>)
    %dma_wait3A = arith.constant 0 : i32
    %dma_wait3A_8 = arith.constant 0 : i32
    %dma_wait3A_9 = tpu.memref_slice %arg2[%dma_wait3A, %dma_wait3A_8] : memref<8192x256xf32, #tpu.memory_space<hbm>> -> memref<8192x256xf32, #tpu.memory_space<hbm>>
    tpu.wait_indirect_dma semaphore(%arg11 : memref<!tpu.dma_semaphore, #tpu.memory_space<semaphore_mem>>) src(%dma_wait3A_9 : memref<8192x256xf32, #tpu.memory_space<hbm>>) dst(%arg9 : memref<128x256xf32, #tpu.memory_space<vmem>>)
    "tpu.region"() ({
      %run_scoped3A = tpu.sem_alloc : memref<!tpu.dma_semaphore, #tpu.memory_space<semaphore_mem>>
      %dma_start3A_13 = arith.constant 0 : i32
      %dma_start3A_14 = tpu.memref_slice %arg5[%mul3A_2, %dma_start3A_13] : memref<4096x256xf32, #tpu.memory_space<hbm>> -> memref<128x256xf32, #tpu.memory_space<hbm>>
      %dma_start3A_15 = arith.constant 0 : i32
      %dma_start3A_16 = tpu.memref_slice %arg5[%mul3A_2, %dma_start3A_15] : memref<4096x256xf32, #tpu.memory_space<hbm>> -> memref<128x256xf32, #tpu.memory_space<hbm>>
      tpu.enqueue_dma source(%arg9 : memref<128x256xf32, #tpu.memory_space<vmem>>) target(%dma_start3A_16 : memref<128x256xf32, #tpu.memory_space<hbm>>) target_semaphore(%run_scoped3A : memref<!tpu.dma_semaphore, #tpu.memory_space<semaphore_mem>>)
      %dma_wait3A_17 = arith.constant 0 : i32
      %dma_wait3A_18 = tpu.memref_slice %arg5[%mul3A_2, %dma_wait3A_17] : memref<4096x256xf32, #tpu.memory_space<hbm>> -> memref<128x256xf32, #tpu.memory_space<hbm>>
      %dma_wait3A_19 = arith.constant 0 : i32
      %dma_wait3A_20 = tpu.memref_slice %arg5[%mul3A_2, %dma_wait3A_19] : memref<4096x256xf32, #tpu.memory_space<hbm>> -> memref<128x256xf32, #tpu.memory_space<hbm>>
      tpu.wait_dma2 semaphore(%run_scoped3A : memref<!tpu.dma_semaphore, #tpu.memory_space<semaphore_mem>>) src(%arg9 : memref<128x256xf32, #tpu.memory_space<vmem>>) dst(%dma_wait3A_20 : memref<128x256xf32, #tpu.memory_space<hbm>>)
      tpu.yield
    }) : () -> ()
    %dma_wait3A_10 = arith.constant 0 : i32
    %dma_wait3A_11 = arith.constant 0 : i32
    %dma_wait3A_12 = tpu.memref_slice %arg2[%dma_wait3A_10, %dma_wait3A_11] : memref<8192x256xf32, #tpu.memory_space<hbm>> -> memref<8192x256xf32, #tpu.memory_space<hbm>>
    tpu.wait_indirect_dma semaphore(%arg12 : memref<!tpu.dma_semaphore, #tpu.memory_space<semaphore_mem>>) src(%dma_wait3A_12 : memref<8192x256xf32, #tpu.memory_space<hbm>>) dst(%arg10 : memref<128x256xf32, #tpu.memory_space<vmem>>)
    "tpu.region"() ({
      %run_scoped3A = tpu.sem_alloc : memref<!tpu.dma_semaphore, #tpu.memory_space<semaphore_mem>>
      %dma_start3A_13 = arith.constant 0 : i32
      %dma_start3A_14 = tpu.memref_slice %arg6[%mul3A_2, %dma_start3A_13] : memref<4096x256xf32, #tpu.memory_space<hbm>> -> memref<128x256xf32, #tpu.memory_space<hbm>>
      %dma_start3A_15 = arith.constant 0 : i32
      %dma_start3A_16 = tpu.memref_slice %arg6[%mul3A_2, %dma_start3A_15] : memref<4096x256xf32, #tpu.memory_space<hbm>> -> memref<128x256xf32, #tpu.memory_space<hbm>>
      tpu.enqueue_dma source(%arg10 : memref<128x256xf32, #tpu.memory_space<vmem>>) target(%dma_start3A_16 : memref<128x256xf32, #tpu.memory_space<hbm>>) target_semaphore(%run_scoped3A : memref<!tpu.dma_semaphore, #tpu.memory_space<semaphore_mem>>)
      %dma_wait3A_17 = arith.constant 0 : i32
      %dma_wait3A_18 = tpu.memref_slice %arg6[%mul3A_2, %dma_wait3A_17] : memref<4096x256xf32, #tpu.memory_space<hbm>> -> memref<128x256xf32, #tpu.memory_space<hbm>>
      %dma_wait3A_19 = arith.constant 0 : i32
      %dma_wait3A_20 = tpu.memref_slice %arg6[%mul3A_2, %dma_wait3A_19] : memref<4096x256xf32, #tpu.memory_space<hbm>> -> memref<128x256xf32, #tpu.memory_space<hbm>>
      tpu.wait_dma2 semaphore(%run_scoped3A : memref<!tpu.dma_semaphore, #tpu.memory_space<semaphore_mem>>) src(%arg10 : memref<128x256xf32, #tpu.memory_space<vmem>>) dst(%dma_wait3A_20 : memref<128x256xf32, #tpu.memory_space<hbm>>)
      tpu.yield
    }) : () -> ()
    return
  }
}

#map = affine_map<(d0, d1) -> (0, 0)>
#map1 = affine_map<(d0, d1) -> (0)>
module attributes {stable_mosaic.version = 14 : i64} {
  func.func @sc_gather2(%arg0: i32, %arg1: i32, %arg2: memref<8192x256xf32, #tpu.memory_space<hbm>>, %arg3: memref<4096xi32, #tpu.memory_space<hbm>>, %arg4: memref<4096xi32, #tpu.memory_space<hbm>>, %arg5: memref<4096x256xf32, #tpu.memory_space<hbm>>, %arg6: memref<4096x256xf32, #tpu.memory_space<hbm>>, %arg7: memref<128xi32, #tpu.memory_space<vmem>>, %arg8: memref<128xi32, #tpu.memory_space<vmem>>, %arg9: memref<128x256xf32, #tpu.memory_space<vmem>>, %arg10: memref<128x256xf32, #tpu.memory_space<vmem>>, %arg11: memref<!tpu.dma_semaphore, #tpu.memory_space<semaphore_mem>>, %arg12: memref<!tpu.dma_semaphore, #tpu.memory_space<semaphore_mem>>) attributes {dimension_semantics = [#tpu.dimension_semantics<core_parallel>, #tpu.dimension_semantics<subcore_parallel>], iteration_bounds = array<i64: 2, 16>, scalar_prefetch = 0 : i64, scratch_operands = 6 : i64, tpu.core_type = #tpu.core_type<sc_vector_subcore>, window_params = [{transform_indices = #map}, {transform_indices = #map1}, {transform_indices = #map1}, {transform_indices = #map}, {transform_indices = #map}]} {
    %mul3A = arith.constant 2 : i32
    %mul3A_0 = arith.muli %arg1, %mul3A : i32
    %add3A = arith.addi %mul3A_0, %arg0 : i32
    %mul3A_1 = arith.constant 128 : i32
    %mul3A_2 = arith.muli %add3A, %mul3A_1 : i32
    "tpu.region"() ({
      %run_scoped3A = tpu.sem_alloc : memref<!tpu.dma_semaphore, #tpu.memory_space<semaphore_mem>>
      %dma_start3A_13 = tpu.memref_slice %arg3[%mul3A_2] : memref<4096xi32, #tpu.memory_space<hbm>> -> memref<128xi32, #tpu.memory_space<hbm>>
      %dma_start3A_14 = tpu.memref_slice %arg3[%mul3A_2] : memref<4096xi32, #tpu.memory_space<hbm>> -> memref<128xi32, #tpu.memory_space<hbm>>
      tpu.enqueue_dma source(%dma_start3A_14 : memref<128xi32, #tpu.memory_space<hbm>>) target(%arg7 : memref<128xi32, #tpu.memory_space<vmem>>) target_semaphore(%run_scoped3A : memref<!tpu.dma_semaphore, #tpu.memory_space<semaphore_mem>>)
      %dma_wait3A_15 = tpu.memref_slice %arg3[%mul3A_2] : memref<4096xi32, #tpu.memory_space<hbm>> -> memref<128xi32, #tpu.memory_space<hbm>>
      %dma_wait3A_16 = tpu.memref_slice %arg3[%mul3A_2] : memref<4096xi32, #tpu.memory_space<hbm>> -> memref<128xi32, #tpu.memory_space<hbm>>
      tpu.wait_dma2 semaphore(%run_scoped3A : memref<!tpu.dma_semaphore, #tpu.memory_space<semaphore_mem>>) src(%dma_wait3A_16 : memref<128xi32, #tpu.memory_space<hbm>>) dst(%arg7 : memref<128xi32, #tpu.memory_space<vmem>>)
      tpu.yield
    }) : () -> ()
    "tpu.region"() ({
      %run_scoped3A = tpu.sem_alloc : memref<!tpu.dma_semaphore, #tpu.memory_space<semaphore_mem>>
      %dma_start3A_13 = tpu.memref_slice %arg4[%mul3A_2] : memref<4096xi32, #tpu.memory_space<hbm>> -> memref<128xi32, #tpu.memory_space<hbm>>
      %dma_start3A_14 = tpu.memref_slice %arg4[%mul3A_2] : memref<4096xi32, #tpu.memory_space<hbm>> -> memref<128xi32, #tpu.memory_space<hbm>>
      tpu.enqueue_dma source(%dma_start3A_14 : memref<128xi32, #tpu.memory_space<hbm>>) target(%arg8 : memref<128xi32, #tpu.memory_space<vmem>>) target_semaphore(%run_scoped3A : memref<!tpu.dma_semaphore, #tpu.memory_space<semaphore_mem>>)
      %dma_wait3A_15 = tpu.memref_slice %arg4[%mul3A_2] : memref<4096xi32, #tpu.memory_space<hbm>> -> memref<128xi32, #tpu.memory_space<hbm>>
      %dma_wait3A_16 = tpu.memref_slice %arg4[%mul3A_2] : memref<4096xi32, #tpu.memory_space<hbm>> -> memref<128xi32, #tpu.memory_space<hbm>>
      tpu.wait_dma2 semaphore(%run_scoped3A : memref<!tpu.dma_semaphore, #tpu.memory_space<semaphore_mem>>) src(%dma_wait3A_16 : memref<128xi32, #tpu.memory_space<hbm>>) dst(%arg8 : memref<128xi32, #tpu.memory_space<vmem>>)
      tpu.yield
    }) : () -> ()
    %dma_start3A = arith.constant 0 : i32
    %dma_start3A_3 = arith.constant 0 : i32
    %dma_start3A_4 = tpu.memref_slice %arg2[%dma_start3A, %dma_start3A_3] : memref<8192x256xf32, #tpu.memory_space<hbm>> -> memref<8192x256xf32, #tpu.memory_space<hbm>>
    tpu.enqueue_indirect_dma source(%dma_start3A_4 : memref<8192x256xf32, #tpu.memory_space<hbm>>) target(%arg9 : memref<128x256xf32, #tpu.memory_space<vmem>>) offsets(%arg7 : memref<128xi32, #tpu.memory_space<vmem>>) semaphore(%arg11 : memref<!tpu.dma_semaphore, #tpu.memory_space<semaphore_mem>>)
    %dma_start3A_5 = arith.constant 0 : i32
    %dma_start3A_6 = arith.constant 0 : i32
    %dma_start3A_7 = tpu.memref_slice %arg2[%dma_start3A_5, %dma_start3A_6] : memref<8192x256xf32, #tpu.memory_space<hbm>> -> memref<8192x256xf32, #tpu.memory_space<hbm>>
    tpu.enqueue_indirect_dma source(%dma_start3A_7 : memref<8192x256xf32, #tpu.memory_space<hbm>>) target(%arg10 : memref<128x256xf32, #tpu.memory_space<vmem>>) offsets(%arg8 : memref<128xi32, #tpu.memory_space<vmem>>) semaphore(%arg12 : memref<!tpu.dma_semaphore, #tpu.memory_space<semaphore_mem>>)
    %dma_wait3A = arith.constant 0 : i32
    %dma_wait3A_8 = arith.constant 0 : i32
    %dma_wait3A_9 = tpu.memref_slice %arg2[%dma_wait3A, %dma_wait3A_8] : memref<8192x256xf32, #tpu.memory_space<hbm>> -> memref<8192x256xf32, #tpu.memory_space<hbm>>
    tpu.wait_indirect_dma semaphore(%arg11 : memref<!tpu.dma_semaphore, #tpu.memory_space<semaphore_mem>>) src(%dma_wait3A_9 : memref<8192x256xf32, #tpu.memory_space<hbm>>) dst(%arg9 : memref<128x256xf32, #tpu.memory_space<vmem>>)
    "tpu.region"() ({
      %run_scoped3A = tpu.sem_alloc : memref<!tpu.dma_semaphore, #tpu.memory_space<semaphore_mem>>
      %dma_start3A_13 = arith.constant 0 : i32
      %dma_start3A_14 = tpu.memref_slice %arg5[%mul3A_2, %dma_start3A_13] : memref<4096x256xf32, #tpu.memory_space<hbm>> -> memref<128x256xf32, #tpu.memory_space<hbm>>
      %dma_start3A_15 = arith.constant 0 : i32
      %dma_start3A_16 = tpu.memref_slice %arg5[%mul3A_2, %dma_start3A_15] : memref<4096x256xf32, #tpu.memory_space<hbm>> -> memref<128x256xf32, #tpu.memory_space<hbm>>
      tpu.enqueue_dma source(%arg9 : memref<128x256xf32, #tpu.memory_space<vmem>>) target(%dma_start3A_16 : memref<128x256xf32, #tpu.memory_space<hbm>>) target_semaphore(%run_scoped3A : memref<!tpu.dma_semaphore, #tpu.memory_space<semaphore_mem>>)
      %dma_wait3A_17 = arith.constant 0 : i32
      %dma_wait3A_18 = tpu.memref_slice %arg5[%mul3A_2, %dma_wait3A_17] : memref<4096x256xf32, #tpu.memory_space<hbm>> -> memref<128x256xf32, #tpu.memory_space<hbm>>
      %dma_wait3A_19 = arith.constant 0 : i32
      %dma_wait3A_20 = tpu.memref_slice %arg5[%mul3A_2, %dma_wait3A_19] : memref<4096x256xf32, #tpu.memory_space<hbm>> -> memref<128x256xf32, #tpu.memory_space<hbm>>
      tpu.wait_dma2 semaphore(%run_scoped3A : memref<!tpu.dma_semaphore, #tpu.memory_space<semaphore_mem>>) src(%arg9 : memref<128x256xf32, #tpu.memory_space<vmem>>) dst(%dma_wait3A_20 : memref<128x256xf32, #tpu.memory_space<hbm>>)
      tpu.yield
    }) : () -> ()
    %dma_wait3A_10 = arith.constant 0 : i32
    %dma_wait3A_11 = arith.constant 0 : i32
    %dma_wait3A_12 = tpu.memref_slice %arg2[%dma_wait3A_10, %dma_wait3A_11] : memref<8192x256xf32, #tpu.memory_space<hbm>> -> memref<8192x256xf32, #tpu.memory_space<hbm>>
    tpu.wait_indirect_dma semaphore(%arg12 : memref<!tpu.dma_semaphore, #tpu.memory_space<semaphore_mem>>) src(%dma_wait3A_12 : memref<8192x256xf32, #tpu.memory_space<hbm>>) dst(%arg10 : memref<128x256xf32, #tpu.memory_space<vmem>>)
    "tpu.region"() ({
      %run_scoped3A = tpu.sem_alloc : memref<!tpu.dma_semaphore, #tpu.memory_space<semaphore_mem>>
      %dma_start3A_13 = arith.constant 0 : i32
      %dma_start3A_14 = tpu.memref_slice %arg6[%mul3A_2, %dma_start3A_13] : memref<4096x256xf32, #tpu.memory_space<hbm>> -> memref<128x256xf32, #tpu.memory_space<hbm>>
      %dma_start3A_15 = arith.constant 0 : i32
      %dma_start3A_16 = tpu.memref_slice %arg6[%mul3A_2, %dma_start3A_15] : memref<4096x256xf32, #tpu.memory_space<hbm>> -> memref<128x256xf32, #tpu.memory_space<hbm>>
      tpu.enqueue_dma source(%arg10 : memref<128x256xf32, #tpu.memory_space<vmem>>) target(%dma_start3A_16 : memref<128x256xf32, #tpu.memory_space<hbm>>) target_semaphore(%run_scoped3A : memref<!tpu.dma_semaphore, #tpu.memory_space<semaphore_mem>>)
      %dma_wait3A_17 = arith.constant 0 : i32
      %dma_wait3A_18 = tpu.memref_slice %arg6[%mul3A_2, %dma_wait3A_17] : memref<4096x256xf32, #tpu.memory_space<hbm>> -> memref<128x256xf32, #tpu.memory_space<hbm>>
      %dma_wait3A_19 = arith.constant 0 : i32
      %dma_wait3A_20 = tpu.memref_slice %arg6[%mul3A_2, %dma_wait3A_19] : memref<4096x256xf32, #tpu.memory_space<hbm>> -> memref<128x256xf32, #tpu.memory_space<hbm>>
      tpu.wait_dma2 semaphore(%run_scoped3A : memref<!tpu.dma_semaphore, #tpu.memory_space<semaphore_mem>>) src(%arg10 : memref<128x256xf32, #tpu.memory_space<vmem>>) dst(%dma_wait3A_20 : memref<128x256xf32, #tpu.memory_space<hbm>>)
      tpu.yield
    }) : () -> ()
    return
  }
}

#map = affine_map<(d0, d1) -> (0, 0)>
#map1 = affine_map<(d0, d1) -> (0)>
module attributes {stable_mosaic.version = 14 : i64} {
  func.func @sc_gather2(%arg0: i32, %arg1: i32, %arg2: memref<8192x256xf32, #tpu.memory_space<hbm>>, %arg3: memref<4096xi32, #tpu.memory_space<hbm>>, %arg4: memref<4096xi32, #tpu.memory_space<hbm>>, %arg5: memref<4096x256xf32, #tpu.memory_space<hbm>>, %arg6: memref<4096x256xf32, #tpu.memory_space<hbm>>, %arg7: memref<128xi32, #tpu.memory_space<vmem>>, %arg8: memref<128xi32, #tpu.memory_space<vmem>>, %arg9: memref<128x256xf32, #tpu.memory_space<vmem>>, %arg10: memref<128x256xf32, #tpu.memory_space<vmem>>, %arg11: memref<!tpu.dma_semaphore, #tpu.memory_space<semaphore_mem>>, %arg12: memref<!tpu.dma_semaphore, #tpu.memory_space<semaphore_mem>>) attributes {dimension_semantics = [#tpu.dimension_semantics<core_parallel>, #tpu.dimension_semantics<subcore_parallel>], iteration_bounds = array<i64: 2, 16>, scalar_prefetch = 0 : i64, scratch_operands = 6 : i64, tpu.core_type = #tpu.core_type<sc_vector_subcore>, window_params = [{transform_indices = #map}, {transform_indices = #map1}, {transform_indices = #map1}, {transform_indices = #map}, {transform_indices = #map}]} {
    %mul3A = arith.constant 2 : i32
    %mul3A_0 = arith.muli %arg1, %mul3A : i32
    %add3A = arith.addi %mul3A_0, %arg0 : i32
    %mul3A_1 = arith.constant 128 : i32
    %mul3A_2 = arith.muli %add3A, %mul3A_1 : i32
    "tpu.region"() ({
      %run_scoped3A = tpu.sem_alloc : memref<!tpu.dma_semaphore, #tpu.memory_space<semaphore_mem>>
      %dma_start3A_13 = tpu.memref_slice %arg3[%mul3A_2] : memref<4096xi32, #tpu.memory_space<hbm>> -> memref<128xi32, #tpu.memory_space<hbm>>
      %dma_start3A_14 = tpu.memref_slice %arg3[%mul3A_2] : memref<4096xi32, #tpu.memory_space<hbm>> -> memref<128xi32, #tpu.memory_space<hbm>>
      tpu.enqueue_dma source(%dma_start3A_14 : memref<128xi32, #tpu.memory_space<hbm>>) target(%arg7 : memref<128xi32, #tpu.memory_space<vmem>>) target_semaphore(%run_scoped3A : memref<!tpu.dma_semaphore, #tpu.memory_space<semaphore_mem>>)
      %dma_wait3A_15 = tpu.memref_slice %arg3[%mul3A_2] : memref<4096xi32, #tpu.memory_space<hbm>> -> memref<128xi32, #tpu.memory_space<hbm>>
      %dma_wait3A_16 = tpu.memref_slice %arg3[%mul3A_2] : memref<4096xi32, #tpu.memory_space<hbm>> -> memref<128xi32, #tpu.memory_space<hbm>>
      tpu.wait_dma2 semaphore(%run_scoped3A : memref<!tpu.dma_semaphore, #tpu.memory_space<semaphore_mem>>) src(%dma_wait3A_16 : memref<128xi32, #tpu.memory_space<hbm>>) dst(%arg7 : memref<128xi32, #tpu.memory_space<vmem>>)
      tpu.yield
    }) : () -> ()
    "tpu.region"() ({
      %run_scoped3A = tpu.sem_alloc : memref<!tpu.dma_semaphore, #tpu.memory_space<semaphore_mem>>
      %dma_start3A_13 = tpu.memref_slice %arg4[%mul3A_2] : memref<4096xi32, #tpu.memory_space<hbm>> -> memref<128xi32, #tpu.memory_space<hbm>>
      %dma_start3A_14 = tpu.memref_slice %arg4[%mul3A_2] : memref<4096xi32, #tpu.memory_space<hbm>> -> memref<128xi32, #tpu.memory_space<hbm>>
      tpu.enqueue_dma source(%dma_start3A_14 : memref<128xi32, #tpu.memory_space<hbm>>) target(%arg8 : memref<128xi32, #tpu.memory_space<vmem>>) target_semaphore(%run_scoped3A : memref<!tpu.dma_semaphore, #tpu.memory_space<semaphore_mem>>)
      %dma_wait3A_15 = tpu.memref_slice %arg4[%mul3A_2] : memref<4096xi32, #tpu.memory_space<hbm>> -> memref<128xi32, #tpu.memory_space<hbm>>
      %dma_wait3A_16 = tpu.memref_slice %arg4[%mul3A_2] : memref<4096xi32, #tpu.memory_space<hbm>> -> memref<128xi32, #tpu.memory_space<hbm>>
      tpu.wait_dma2 semaphore(%run_scoped3A : memref<!tpu.dma_semaphore, #tpu.memory_space<semaphore_mem>>) src(%dma_wait3A_16 : memref<128xi32, #tpu.memory_space<hbm>>) dst(%arg8 : memref<128xi32, #tpu.memory_space<vmem>>)
      tpu.yield
    }) : () -> ()
    %dma_start3A = arith.constant 0 : i32
    %dma_start3A_3 = arith.constant 0 : i32
    %dma_start3A_4 = tpu.memref_slice %arg2[%dma_start3A, %dma_start3A_3] : memref<8192x256xf32, #tpu.memory_space<hbm>> -> memref<8192x256xf32, #tpu.memory_space<hbm>>
    tpu.enqueue_indirect_dma source(%dma_start3A_4 : memref<8192x256xf32, #tpu.memory_space<hbm>>) target(%arg9 : memref<128x256xf32, #tpu.memory_space<vmem>>) offsets(%arg7 : memref<128xi32, #tpu.memory_space<vmem>>) semaphore(%arg11 : memref<!tpu.dma_semaphore, #tpu.memory_space<semaphore_mem>>)
    %dma_start3A_5 = arith.constant 0 : i32
    %dma_start3A_6 = arith.constant 0 : i32
    %dma_start3A_7 = tpu.memref_slice %arg2[%dma_start3A_5, %dma_start3A_6] : memref<8192x256xf32, #tpu.memory_space<hbm>> -> memref<8192x256xf32, #tpu.memory_space<hbm>>
    tpu.enqueue_indirect_dma source(%dma_start3A_7 : memref<8192x256xf32, #tpu.memory_space<hbm>>) target(%arg10 : memref<128x256xf32, #tpu.memory_space<vmem>>) offsets(%arg8 : memref<128xi32, #tpu.memory_space<vmem>>) semaphore(%arg12 : memref<!tpu.dma_semaphore, #tpu.memory_space<semaphore_mem>>)
    %dma_wait3A = arith.constant 0 : i32
    %dma_wait3A_8 = arith.constant 0 : i32
    %dma_wait3A_9 = tpu.memref_slice %arg2[%dma_wait3A, %dma_wait3A_8] : memref<8192x256xf32, #tpu.memory_space<hbm>> -> memref<8192x256xf32, #tpu.memory_space<hbm>>
    tpu.wait_indirect_dma semaphore(%arg11 : memref<!tpu.dma_semaphore, #tpu.memory_space<semaphore_mem>>) src(%dma_wait3A_9 : memref<8192x256xf32, #tpu.memory_space<hbm>>) dst(%arg9 : memref<128x256xf32, #tpu.memory_space<vmem>>)
    "tpu.region"() ({
      %run_scoped3A = tpu.sem_alloc : memref<!tpu.dma_semaphore, #tpu.memory_space<semaphore_mem>>
      %dma_start3A_13 = arith.constant 0 : i32
      %dma_start3A_14 = tpu.memref_slice %arg5[%mul3A_2, %dma_start3A_13] : memref<4096x256xf32, #tpu.memory_space<hbm>> -> memref<128x256xf32, #tpu.memory_space<hbm>>
      %dma_start3A_15 = arith.constant 0 : i32
      %dma_start3A_16 = tpu.memref_slice %arg5[%mul3A_2, %dma_start3A_15] : memref<4096x256xf32, #tpu.memory_space<hbm>> -> memref<128x256xf32, #tpu.memory_space<hbm>>
      tpu.enqueue_dma source(%arg9 : memref<128x256xf32, #tpu.memory_space<vmem>>) target(%dma_start3A_16 : memref<128x256xf32, #tpu.memory_space<hbm>>) target_semaphore(%run_scoped3A : memref<!tpu.dma_semaphore, #tpu.memory_space<semaphore_mem>>)
      %dma_wait3A_17 = arith.constant 0 : i32
      %dma_wait3A_18 = tpu.memref_slice %arg5[%mul3A_2, %dma_wait3A_17] : memref<4096x256xf32, #tpu.memory_space<hbm>> -> memref<128x256xf32, #tpu.memory_space<hbm>>
      %dma_wait3A_19 = arith.constant 0 : i32
      %dma_wait3A_20 = tpu.memref_slice %arg5[%mul3A_2, %dma_wait3A_19] : memref<4096x256xf32, #tpu.memory_space<hbm>> -> memref<128x256xf32, #tpu.memory_space<hbm>>
      tpu.wait_dma2 semaphore(%run_scoped3A : memref<!tpu.dma_semaphore, #tpu.memory_space<semaphore_mem>>) src(%arg9 : memref<128x256xf32, #tpu.memory_space<vmem>>) dst(%dma_wait3A_20 : memref<128x256xf32, #tpu.memory_space<hbm>>)
      tpu.yield
    }) : () -> ()
    %dma_wait3A_10 = arith.constant 0 : i32
    %dma_wait3A_11 = arith.constant 0 : i32
    %dma_wait3A_12 = tpu.memref_slice %arg2[%dma_wait3A_10, %dma_wait3A_11] : memref<8192x256xf32, #tpu.memory_space<hbm>> -> memref<8192x256xf32, #tpu.memory_space<hbm>>
    tpu.wait_indirect_dma semaphore(%arg12 : memref<!tpu.dma_semaphore, #tpu.memory_space<semaphore_mem>>) src(%dma_wait3A_12 : memref<8192x256xf32, #tpu.memory_space<hbm>>) dst(%arg10 : memref<128x256xf32, #tpu.memory_space<vmem>>)
    "tpu.region"() ({
      %run_scoped3A = tpu.sem_alloc : memref<!tpu.dma_semaphore, #tpu.memory_space<semaphore_mem>>
      %dma_start3A_13 = arith.constant 0 : i32
      %dma_start3A_14 = tpu.memref_slice %arg6[%mul3A_2, %dma_start3A_13] : memref<4096x256xf32, #tpu.memory_space<hbm>> -> memref<128x256xf32, #tpu.memory_space<hbm>>
      %dma_start3A_15 = arith.constant 0 : i32
      %dma_start3A_16 = tpu.memref_slice %arg6[%mul3A_2, %dma_start3A_15] : memref<4096x256xf32, #tpu.memory_space<hbm>> -> memref<128x256xf32, #tpu.memory_space<hbm>>
      tpu.enqueue_dma source(%arg10 : memref<128x256xf32, #tpu.memory_space<vmem>>) target(%dma_start3A_16 : memref<128x256xf32, #tpu.memory_space<hbm>>) target_semaphore(%run_scoped3A : memref<!tpu.dma_semaphore, #tpu.memory_space<semaphore_mem>>)
      %dma_wait3A_17 = arith.constant 0 : i32
      %dma_wait3A_18 = tpu.memref_slice %arg6[%mul3A_2, %dma_wait3A_17] : memref<4096x256xf32, #tpu.memory_space<hbm>> -> memref<128x256xf32, #tpu.memory_space<hbm>>
      %dma_wait3A_19 = arith.constant 0 : i32
      %dma_wait3A_20 = tpu.memref_slice %arg6[%mul3A_2, %dma_wait3A_19] : memref<4096x256xf32, #tpu.memory_space<hbm>> -> memref<128x256xf32, #tpu.memory_space<hbm>>
      tpu.wait_dma2 semaphore(%run_scoped3A : memref<!tpu.dma_semaphore, #tpu.memory_space<semaphore_mem>>) src(%arg10 : memref<128x256xf32, #tpu.memory_space<vmem>>) dst(%dma_wait3A_20 : memref<128x256xf32, #tpu.memory_space<hbm>>)
      tpu.yield
    }) : () -> ()
    return
  }
}

#map = affine_map<(d0, d1) -> (0, 0)>
#map1 = affine_map<(d0, d1) -> (0)>
module attributes {stable_mosaic.version = 14 : i64} {
  func.func @sc_gather2(%arg0: i32, %arg1: i32, %arg2: memref<8192x256xf32, #tpu.memory_space<hbm>>, %arg3: memref<4096xi32, #tpu.memory_space<hbm>>, %arg4: memref<4096xi32, #tpu.memory_space<hbm>>, %arg5: memref<4096x256xf32, #tpu.memory_space<hbm>>, %arg6: memref<4096x256xf32, #tpu.memory_space<hbm>>, %arg7: memref<128xi32, #tpu.memory_space<vmem>>, %arg8: memref<128xi32, #tpu.memory_space<vmem>>, %arg9: memref<128x256xf32, #tpu.memory_space<vmem>>, %arg10: memref<128x256xf32, #tpu.memory_space<vmem>>, %arg11: memref<!tpu.dma_semaphore, #tpu.memory_space<semaphore_mem>>, %arg12: memref<!tpu.dma_semaphore, #tpu.memory_space<semaphore_mem>>) attributes {dimension_semantics = [#tpu.dimension_semantics<core_parallel>, #tpu.dimension_semantics<subcore_parallel>], iteration_bounds = array<i64: 2, 16>, scalar_prefetch = 0 : i64, scratch_operands = 6 : i64, tpu.core_type = #tpu.core_type<sc_vector_subcore>, window_params = [{transform_indices = #map}, {transform_indices = #map1}, {transform_indices = #map1}, {transform_indices = #map}, {transform_indices = #map}]} {
    %mul3A = arith.constant 2 : i32
    %mul3A_0 = arith.muli %arg1, %mul3A : i32
    %add3A = arith.addi %mul3A_0, %arg0 : i32
    %mul3A_1 = arith.constant 128 : i32
    %mul3A_2 = arith.muli %add3A, %mul3A_1 : i32
    "tpu.region"() ({
      %run_scoped3A = tpu.sem_alloc : memref<!tpu.dma_semaphore, #tpu.memory_space<semaphore_mem>>
      %dma_start3A_13 = tpu.memref_slice %arg3[%mul3A_2] : memref<4096xi32, #tpu.memory_space<hbm>> -> memref<128xi32, #tpu.memory_space<hbm>>
      %dma_start3A_14 = tpu.memref_slice %arg3[%mul3A_2] : memref<4096xi32, #tpu.memory_space<hbm>> -> memref<128xi32, #tpu.memory_space<hbm>>
      tpu.enqueue_dma source(%dma_start3A_14 : memref<128xi32, #tpu.memory_space<hbm>>) target(%arg7 : memref<128xi32, #tpu.memory_space<vmem>>) target_semaphore(%run_scoped3A : memref<!tpu.dma_semaphore, #tpu.memory_space<semaphore_mem>>)
      %dma_wait3A_15 = tpu.memref_slice %arg3[%mul3A_2] : memref<4096xi32, #tpu.memory_space<hbm>> -> memref<128xi32, #tpu.memory_space<hbm>>
      %dma_wait3A_16 = tpu.memref_slice %arg3[%mul3A_2] : memref<4096xi32, #tpu.memory_space<hbm>> -> memref<128xi32, #tpu.memory_space<hbm>>
      tpu.wait_dma2 semaphore(%run_scoped3A : memref<!tpu.dma_semaphore, #tpu.memory_space<semaphore_mem>>) src(%dma_wait3A_16 : memref<128xi32, #tpu.memory_space<hbm>>) dst(%arg7 : memref<128xi32, #tpu.memory_space<vmem>>)
      tpu.yield
    }) : () -> ()
    "tpu.region"() ({
      %run_scoped3A = tpu.sem_alloc : memref<!tpu.dma_semaphore, #tpu.memory_space<semaphore_mem>>
      %dma_start3A_13 = tpu.memref_slice %arg4[%mul3A_2] : memref<4096xi32, #tpu.memory_space<hbm>> -> memref<128xi32, #tpu.memory_space<hbm>>
      %dma_start3A_14 = tpu.memref_slice %arg4[%mul3A_2] : memref<4096xi32, #tpu.memory_space<hbm>> -> memref<128xi32, #tpu.memory_space<hbm>>
      tpu.enqueue_dma source(%dma_start3A_14 : memref<128xi32, #tpu.memory_space<hbm>>) target(%arg8 : memref<128xi32, #tpu.memory_space<vmem>>) target_semaphore(%run_scoped3A : memref<!tpu.dma_semaphore, #tpu.memory_space<semaphore_mem>>)
      %dma_wait3A_15 = tpu.memref_slice %arg4[%mul3A_2] : memref<4096xi32, #tpu.memory_space<hbm>> -> memref<128xi32, #tpu.memory_space<hbm>>
      %dma_wait3A_16 = tpu.memref_slice %arg4[%mul3A_2] : memref<4096xi32, #tpu.memory_space<hbm>> -> memref<128xi32, #tpu.memory_space<hbm>>
      tpu.wait_dma2 semaphore(%run_scoped3A : memref<!tpu.dma_semaphore, #tpu.memory_space<semaphore_mem>>) src(%dma_wait3A_16 : memref<128xi32, #tpu.memory_space<hbm>>) dst(%arg8 : memref<128xi32, #tpu.memory_space<vmem>>)
      tpu.yield
    }) : () -> ()
    %dma_start3A = arith.constant 0 : i32
    %dma_start3A_3 = arith.constant 0 : i32
    %dma_start3A_4 = tpu.memref_slice %arg2[%dma_start3A, %dma_start3A_3] : memref<8192x256xf32, #tpu.memory_space<hbm>> -> memref<8192x256xf32, #tpu.memory_space<hbm>>
    tpu.enqueue_indirect_dma source(%dma_start3A_4 : memref<8192x256xf32, #tpu.memory_space<hbm>>) target(%arg9 : memref<128x256xf32, #tpu.memory_space<vmem>>) offsets(%arg7 : memref<128xi32, #tpu.memory_space<vmem>>) semaphore(%arg11 : memref<!tpu.dma_semaphore, #tpu.memory_space<semaphore_mem>>)
    %dma_start3A_5 = arith.constant 0 : i32
    %dma_start3A_6 = arith.constant 0 : i32
    %dma_start3A_7 = tpu.memref_slice %arg2[%dma_start3A_5, %dma_start3A_6] : memref<8192x256xf32, #tpu.memory_space<hbm>> -> memref<8192x256xf32, #tpu.memory_space<hbm>>
    tpu.enqueue_indirect_dma source(%dma_start3A_7 : memref<8192x256xf32, #tpu.memory_space<hbm>>) target(%arg10 : memref<128x256xf32, #tpu.memory_space<vmem>>) offsets(%arg8 : memref<128xi32, #tpu.memory_space<vmem>>) semaphore(%arg12 : memref<!tpu.dma_semaphore, #tpu.memory_space<semaphore_mem>>)
    %dma_wait3A = arith.constant 0 : i32
    %dma_wait3A_8 = arith.constant 0 : i32
    %dma_wait3A_9 = tpu.memref_slice %arg2[%dma_wait3A, %dma_wait3A_8] : memref<8192x256xf32, #tpu.memory_space<hbm>> -> memref<8192x256xf32, #tpu.memory_space<hbm>>
    tpu.wait_indirect_dma semaphore(%arg11 : memref<!tpu.dma_semaphore, #tpu.memory_space<semaphore_mem>>) src(%dma_wait3A_9 : memref<8192x256xf32, #tpu.memory_space<hbm>>) dst(%arg9 : memref<128x256xf32, #tpu.memory_space<vmem>>)
    "tpu.region"() ({
      %run_scoped3A = tpu.sem_alloc : memref<!tpu.dma_semaphore, #tpu.memory_space<semaphore_mem>>
      %dma_start3A_13 = arith.constant 0 : i32
      %dma_start3A_14 = tpu.memref_slice %arg5[%mul3A_2, %dma_start3A_13] : memref<4096x256xf32, #tpu.memory_space<hbm>> -> memref<128x256xf32, #tpu.memory_space<hbm>>
      %dma_start3A_15 = arith.constant 0 : i32
      %dma_start3A_16 = tpu.memref_slice %arg5[%mul3A_2, %dma_start3A_15] : memref<4096x256xf32, #tpu.memory_space<hbm>> -> memref<128x256xf32, #tpu.memory_space<hbm>>
      tpu.enqueue_dma source(%arg9 : memref<128x256xf32, #tpu.memory_space<vmem>>) target(%dma_start3A_16 : memref<128x256xf32, #tpu.memory_space<hbm>>) target_semaphore(%run_scoped3A : memref<!tpu.dma_semaphore, #tpu.memory_space<semaphore_mem>>)
      %dma_wait3A_17 = arith.constant 0 : i32
      %dma_wait3A_18 = tpu.memref_slice %arg5[%mul3A_2, %dma_wait3A_17] : memref<4096x256xf32, #tpu.memory_space<hbm>> -> memref<128x256xf32, #tpu.memory_space<hbm>>
      %dma_wait3A_19 = arith.constant 0 : i32
      %dma_wait3A_20 = tpu.memref_slice %arg5[%mul3A_2, %dma_wait3A_19] : memref<4096x256xf32, #tpu.memory_space<hbm>> -> memref<128x256xf32, #tpu.memory_space<hbm>>
      tpu.wait_dma2 semaphore(%run_scoped3A : memref<!tpu.dma_semaphore, #tpu.memory_space<semaphore_mem>>) src(%arg9 : memref<128x256xf32, #tpu.memory_space<vmem>>) dst(%dma_wait3A_20 : memref<128x256xf32, #tpu.memory_space<hbm>>)
      tpu.yield
    }) : () -> ()
    %dma_wait3A_10 = arith.constant 0 : i32
    %dma_wait3A_11 = arith.constant 0 : i32
    %dma_wait3A_12 = tpu.memref_slice %arg2[%dma_wait3A_10, %dma_wait3A_11] : memref<8192x256xf32, #tpu.memory_space<hbm>> -> memref<8192x256xf32, #tpu.memory_space<hbm>>
    tpu.wait_indirect_dma semaphore(%arg12 : memref<!tpu.dma_semaphore, #tpu.memory_space<semaphore_mem>>) src(%dma_wait3A_12 : memref<8192x256xf32, #tpu.memory_space<hbm>>) dst(%arg10 : memref<128x256xf32, #tpu.memory_space<vmem>>)
    "tpu.region"() ({
      %run_scoped3A = tpu.sem_alloc : memref<!tpu.dma_semaphore, #tpu.memory_space<semaphore_mem>>
      %dma_start3A_13 = arith.constant 0 : i32
      %dma_start3A_14 = tpu.memref_slice %arg6[%mul3A_2, %dma_start3A_13] : memref<4096x256xf32, #tpu.memory_space<hbm>> -> memref<128x256xf32, #tpu.memory_space<hbm>>
      %dma_start3A_15 = arith.constant 0 : i32
      %dma_start3A_16 = tpu.memref_slice %arg6[%mul3A_2, %dma_start3A_15] : memref<4096x256xf32, #tpu.memory_space<hbm>> -> memref<128x256xf32, #tpu.memory_space<hbm>>
      tpu.enqueue_dma source(%arg10 : memref<128x256xf32, #tpu.memory_space<vmem>>) target(%dma_start3A_16 : memref<128x256xf32, #tpu.memory_space<hbm>>) target_semaphore(%run_scoped3A : memref<!tpu.dma_semaphore, #tpu.memory_space<semaphore_mem>>)
      %dma_wait3A_17 = arith.constant 0 : i32
      %dma_wait3A_18 = tpu.memref_slice %arg6[%mul3A_2, %dma_wait3A_17] : memref<4096x256xf32, #tpu.memory_space<hbm>> -> memref<128x256xf32, #tpu.memory_space<hbm>>
      %dma_wait3A_19 = arith.constant 0 : i32
      %dma_wait3A_20 = tpu.memref_slice %arg6[%mul3A_2, %dma_wait3A_19] : memref<4096x256xf32, #tpu.memory_space<hbm>> -> memref<128x256xf32, #tpu.memory_space<hbm>>
      tpu.wait_dma2 semaphore(%run_scoped3A : memref<!tpu.dma_semaphore, #tpu.memory_space<semaphore_mem>>) src(%arg10 : memref<128x256xf32, #tpu.memory_space<vmem>>) dst(%dma_wait3A_20 : memref<128x256xf32, #tpu.memory_space<hbm>>)
      tpu.yield
    }) : () -> ()
    return
  }
}

#map = affine_map<(d0, d1) -> (0, 0)>
#map1 = affine_map<(d0, d1) -> (0)>
module attributes {stable_mosaic.version = 14 : i64} {
  func.func @sc_gather2(%arg0: i32, %arg1: i32, %arg2: memref<8192x256xf32, #tpu.memory_space<hbm>>, %arg3: memref<4096xi32, #tpu.memory_space<hbm>>, %arg4: memref<4096xi32, #tpu.memory_space<hbm>>, %arg5: memref<4096x256xf32, #tpu.memory_space<hbm>>, %arg6: memref<4096x256xf32, #tpu.memory_space<hbm>>, %arg7: memref<128xi32, #tpu.memory_space<vmem>>, %arg8: memref<128xi32, #tpu.memory_space<vmem>>, %arg9: memref<128x256xf32, #tpu.memory_space<vmem>>, %arg10: memref<128x256xf32, #tpu.memory_space<vmem>>, %arg11: memref<!tpu.dma_semaphore, #tpu.memory_space<semaphore_mem>>, %arg12: memref<!tpu.dma_semaphore, #tpu.memory_space<semaphore_mem>>) attributes {dimension_semantics = [#tpu.dimension_semantics<core_parallel>, #tpu.dimension_semantics<subcore_parallel>], iteration_bounds = array<i64: 2, 16>, scalar_prefetch = 0 : i64, scratch_operands = 6 : i64, tpu.core_type = #tpu.core_type<sc_vector_subcore>, window_params = [{transform_indices = #map}, {transform_indices = #map1}, {transform_indices = #map1}, {transform_indices = #map}, {transform_indices = #map}]} {
    %mul3A = arith.constant 2 : i32
    %mul3A_0 = arith.muli %arg1, %mul3A : i32
    %add3A = arith.addi %mul3A_0, %arg0 : i32
    %mul3A_1 = arith.constant 128 : i32
    %mul3A_2 = arith.muli %add3A, %mul3A_1 : i32
    "tpu.region"() ({
      %run_scoped3A = tpu.sem_alloc : memref<!tpu.dma_semaphore, #tpu.memory_space<semaphore_mem>>
      %dma_start3A_13 = tpu.memref_slice %arg3[%mul3A_2] : memref<4096xi32, #tpu.memory_space<hbm>> -> memref<128xi32, #tpu.memory_space<hbm>>
      %dma_start3A_14 = tpu.memref_slice %arg3[%mul3A_2] : memref<4096xi32, #tpu.memory_space<hbm>> -> memref<128xi32, #tpu.memory_space<hbm>>
      tpu.enqueue_dma source(%dma_start3A_14 : memref<128xi32, #tpu.memory_space<hbm>>) target(%arg7 : memref<128xi32, #tpu.memory_space<vmem>>) target_semaphore(%run_scoped3A : memref<!tpu.dma_semaphore, #tpu.memory_space<semaphore_mem>>)
      %dma_wait3A_15 = tpu.memref_slice %arg3[%mul3A_2] : memref<4096xi32, #tpu.memory_space<hbm>> -> memref<128xi32, #tpu.memory_space<hbm>>
      %dma_wait3A_16 = tpu.memref_slice %arg3[%mul3A_2] : memref<4096xi32, #tpu.memory_space<hbm>> -> memref<128xi32, #tpu.memory_space<hbm>>
      tpu.wait_dma2 semaphore(%run_scoped3A : memref<!tpu.dma_semaphore, #tpu.memory_space<semaphore_mem>>) src(%dma_wait3A_16 : memref<128xi32, #tpu.memory_space<hbm>>) dst(%arg7 : memref<128xi32, #tpu.memory_space<vmem>>)
      tpu.yield
    }) : () -> ()
    "tpu.region"() ({
      %run_scoped3A = tpu.sem_alloc : memref<!tpu.dma_semaphore, #tpu.memory_space<semaphore_mem>>
      %dma_start3A_13 = tpu.memref_slice %arg4[%mul3A_2] : memref<4096xi32, #tpu.memory_space<hbm>> -> memref<128xi32, #tpu.memory_space<hbm>>
      %dma_start3A_14 = tpu.memref_slice %arg4[%mul3A_2] : memref<4096xi32, #tpu.memory_space<hbm>> -> memref<128xi32, #tpu.memory_space<hbm>>
      tpu.enqueue_dma source(%dma_start3A_14 : memref<128xi32, #tpu.memory_space<hbm>>) target(%arg8 : memref<128xi32, #tpu.memory_space<vmem>>) target_semaphore(%run_scoped3A : memref<!tpu.dma_semaphore, #tpu.memory_space<semaphore_mem>>)
      %dma_wait3A_15 = tpu.memref_slice %arg4[%mul3A_2] : memref<4096xi32, #tpu.memory_space<hbm>> -> memref<128xi32, #tpu.memory_space<hbm>>
      %dma_wait3A_16 = tpu.memref_slice %arg4[%mul3A_2] : memref<4096xi32, #tpu.memory_space<hbm>> -> memref<128xi32, #tpu.memory_space<hbm>>
      tpu.wait_dma2 semaphore(%run_scoped3A : memref<!tpu.dma_semaphore, #tpu.memory_space<semaphore_mem>>) src(%dma_wait3A_16 : memref<128xi32, #tpu.memory_space<hbm>>) dst(%arg8 : memref<128xi32, #tpu.memory_space<vmem>>)
      tpu.yield
    }) : () -> ()
    %dma_start3A = arith.constant 0 : i32
    %dma_start3A_3 = arith.constant 0 : i32
    %dma_start3A_4 = tpu.memref_slice %arg2[%dma_start3A, %dma_start3A_3] : memref<8192x256xf32, #tpu.memory_space<hbm>> -> memref<8192x256xf32, #tpu.memory_space<hbm>>
    tpu.enqueue_indirect_dma source(%dma_start3A_4 : memref<8192x256xf32, #tpu.memory_space<hbm>>) target(%arg9 : memref<128x256xf32, #tpu.memory_space<vmem>>) offsets(%arg7 : memref<128xi32, #tpu.memory_space<vmem>>) semaphore(%arg11 : memref<!tpu.dma_semaphore, #tpu.memory_space<semaphore_mem>>)
    %dma_start3A_5 = arith.constant 0 : i32
    %dma_start3A_6 = arith.constant 0 : i32
    %dma_start3A_7 = tpu.memref_slice %arg2[%dma_start3A_5, %dma_start3A_6] : memref<8192x256xf32, #tpu.memory_space<hbm>> -> memref<8192x256xf32, #tpu.memory_space<hbm>>
    tpu.enqueue_indirect_dma source(%dma_start3A_7 : memref<8192x256xf32, #tpu.memory_space<hbm>>) target(%arg10 : memref<128x256xf32, #tpu.memory_space<vmem>>) offsets(%arg8 : memref<128xi32, #tpu.memory_space<vmem>>) semaphore(%arg12 : memref<!tpu.dma_semaphore, #tpu.memory_space<semaphore_mem>>)
    %dma_wait3A = arith.constant 0 : i32
    %dma_wait3A_8 = arith.constant 0 : i32
    %dma_wait3A_9 = tpu.memref_slice %arg2[%dma_wait3A, %dma_wait3A_8] : memref<8192x256xf32, #tpu.memory_space<hbm>> -> memref<8192x256xf32, #tpu.memory_space<hbm>>
    tpu.wait_indirect_dma semaphore(%arg11 : memref<!tpu.dma_semaphore, #tpu.memory_space<semaphore_mem>>) src(%dma_wait3A_9 : memref<8192x256xf32, #tpu.memory_space<hbm>>) dst(%arg9 : memref<128x256xf32, #tpu.memory_space<vmem>>)
    "tpu.region"() ({
      %run_scoped3A = tpu.sem_alloc : memref<!tpu.dma_semaphore, #tpu.memory_space<semaphore_mem>>
      %dma_start3A_13 = arith.constant 0 : i32
      %dma_start3A_14 = tpu.memref_slice %arg5[%mul3A_2, %dma_start3A_13] : memref<4096x256xf32, #tpu.memory_space<hbm>> -> memref<128x256xf32, #tpu.memory_space<hbm>>
      %dma_start3A_15 = arith.constant 0 : i32
      %dma_start3A_16 = tpu.memref_slice %arg5[%mul3A_2, %dma_start3A_15] : memref<4096x256xf32, #tpu.memory_space<hbm>> -> memref<128x256xf32, #tpu.memory_space<hbm>>
      tpu.enqueue_dma source(%arg9 : memref<128x256xf32, #tpu.memory_space<vmem>>) target(%dma_start3A_16 : memref<128x256xf32, #tpu.memory_space<hbm>>) target_semaphore(%run_scoped3A : memref<!tpu.dma_semaphore, #tpu.memory_space<semaphore_mem>>)
      %dma_wait3A_17 = arith.constant 0 : i32
      %dma_wait3A_18 = tpu.memref_slice %arg5[%mul3A_2, %dma_wait3A_17] : memref<4096x256xf32, #tpu.memory_space<hbm>> -> memref<128x256xf32, #tpu.memory_space<hbm>>
      %dma_wait3A_19 = arith.constant 0 : i32
      %dma_wait3A_20 = tpu.memref_slice %arg5[%mul3A_2, %dma_wait3A_19] : memref<4096x256xf32, #tpu.memory_space<hbm>> -> memref<128x256xf32, #tpu.memory_space<hbm>>
      tpu.wait_dma2 semaphore(%run_scoped3A : memref<!tpu.dma_semaphore, #tpu.memory_space<semaphore_mem>>) src(%arg9 : memref<128x256xf32, #tpu.memory_space<vmem>>) dst(%dma_wait3A_20 : memref<128x256xf32, #tpu.memory_space<hbm>>)
      tpu.yield
    }) : () -> ()
    %dma_wait3A_10 = arith.constant 0 : i32
    %dma_wait3A_11 = arith.constant 0 : i32
    %dma_wait3A_12 = tpu.memref_slice %arg2[%dma_wait3A_10, %dma_wait3A_11] : memref<8192x256xf32, #tpu.memory_space<hbm>> -> memref<8192x256xf32, #tpu.memory_space<hbm>>
    tpu.wait_indirect_dma semaphore(%arg12 : memref<!tpu.dma_semaphore, #tpu.memory_space<semaphore_mem>>) src(%dma_wait3A_12 : memref<8192x256xf32, #tpu.memory_space<hbm>>) dst(%arg10 : memref<128x256xf32, #tpu.memory_space<vmem>>)
    "tpu.region"() ({
      %run_scoped3A = tpu.sem_alloc : memref<!tpu.dma_semaphore, #tpu.memory_space<semaphore_mem>>
      %dma_start3A_13 = arith.constant 0 : i32
      %dma_start3A_14 = tpu.memref_slice %arg6[%mul3A_2, %dma_start3A_13] : memref<4096x256xf32, #tpu.memory_space<hbm>> -> memref<128x256xf32, #tpu.memory_space<hbm>>
      %dma_start3A_15 = arith.constant 0 : i32
      %dma_start3A_16 = tpu.memref_slice %arg6[%mul3A_2, %dma_start3A_15] : memref<4096x256xf32, #tpu.memory_space<hbm>> -> memref<128x256xf32, #tpu.memory_space<hbm>>
      tpu.enqueue_dma source(%arg10 : memref<128x256xf32, #tpu.memory_space<vmem>>) target(%dma_start3A_16 : memref<128x256xf32, #tpu.memory_space<hbm>>) target_semaphore(%run_scoped3A : memref<!tpu.dma_semaphore, #tpu.memory_space<semaphore_mem>>)
      %dma_wait3A_17 = arith.constant 0 : i32
      %dma_wait3A_18 = tpu.memref_slice %arg6[%mul3A_2, %dma_wait3A_17] : memref<4096x256xf32, #tpu.memory_space<hbm>> -> memref<128x256xf32, #tpu.memory_space<hbm>>
      %dma_wait3A_19 = arith.constant 0 : i32
      %dma_wait3A_20 = tpu.memref_slice %arg6[%mul3A_2, %dma_wait3A_19] : memref<4096x256xf32, #tpu.memory_space<hbm>> -> memref<128x256xf32, #tpu.memory_space<hbm>>
      tpu.wait_dma2 semaphore(%run_scoped3A : memref<!tpu.dma_semaphore, #tpu.memory_space<semaphore_mem>>) src(%arg10 : memref<128x256xf32, #tpu.memory_space<vmem>>) dst(%dma_wait3A_20 : memref<128x256xf32, #tpu.memory_space<hbm>>)
      tpu.yield
    }) : () -> ()
    return
  }
}

#map = affine_map<(d0, d1) -> (0, 0)>
#map1 = affine_map<(d0, d1) -> (0)>
module attributes {stable_mosaic.version = 14 : i64} {
  func.func @sc_gather2(%arg0: i32, %arg1: i32, %arg2: memref<8192x256xf32, #tpu.memory_space<hbm>>, %arg3: memref<4096xi32, #tpu.memory_space<hbm>>, %arg4: memref<4096xi32, #tpu.memory_space<hbm>>, %arg5: memref<4096x256xf32, #tpu.memory_space<hbm>>, %arg6: memref<4096x256xf32, #tpu.memory_space<hbm>>, %arg7: memref<128xi32, #tpu.memory_space<vmem>>, %arg8: memref<128xi32, #tpu.memory_space<vmem>>, %arg9: memref<128x256xf32, #tpu.memory_space<vmem>>, %arg10: memref<128x256xf32, #tpu.memory_space<vmem>>, %arg11: memref<!tpu.dma_semaphore, #tpu.memory_space<semaphore_mem>>, %arg12: memref<!tpu.dma_semaphore, #tpu.memory_space<semaphore_mem>>) attributes {dimension_semantics = [#tpu.dimension_semantics<core_parallel>, #tpu.dimension_semantics<subcore_parallel>], iteration_bounds = array<i64: 2, 16>, scalar_prefetch = 0 : i64, scratch_operands = 6 : i64, tpu.core_type = #tpu.core_type<sc_vector_subcore>, window_params = [{transform_indices = #map}, {transform_indices = #map1}, {transform_indices = #map1}, {transform_indices = #map}, {transform_indices = #map}]} {
    %mul3A = arith.constant 2 : i32
    %mul3A_0 = arith.muli %arg1, %mul3A : i32
    %add3A = arith.addi %mul3A_0, %arg0 : i32
    %mul3A_1 = arith.constant 128 : i32
    %mul3A_2 = arith.muli %add3A, %mul3A_1 : i32
    "tpu.region"() ({
      %run_scoped3A = tpu.sem_alloc : memref<!tpu.dma_semaphore, #tpu.memory_space<semaphore_mem>>
      %dma_start3A_13 = tpu.memref_slice %arg3[%mul3A_2] : memref<4096xi32, #tpu.memory_space<hbm>> -> memref<128xi32, #tpu.memory_space<hbm>>
      %dma_start3A_14 = tpu.memref_slice %arg3[%mul3A_2] : memref<4096xi32, #tpu.memory_space<hbm>> -> memref<128xi32, #tpu.memory_space<hbm>>
      tpu.enqueue_dma source(%dma_start3A_14 : memref<128xi32, #tpu.memory_space<hbm>>) target(%arg7 : memref<128xi32, #tpu.memory_space<vmem>>) target_semaphore(%run_scoped3A : memref<!tpu.dma_semaphore, #tpu.memory_space<semaphore_mem>>)
      %dma_wait3A_15 = tpu.memref_slice %arg3[%mul3A_2] : memref<4096xi32, #tpu.memory_space<hbm>> -> memref<128xi32, #tpu.memory_space<hbm>>
      %dma_wait3A_16 = tpu.memref_slice %arg3[%mul3A_2] : memref<4096xi32, #tpu.memory_space<hbm>> -> memref<128xi32, #tpu.memory_space<hbm>>
      tpu.wait_dma2 semaphore(%run_scoped3A : memref<!tpu.dma_semaphore, #tpu.memory_space<semaphore_mem>>) src(%dma_wait3A_16 : memref<128xi32, #tpu.memory_space<hbm>>) dst(%arg7 : memref<128xi32, #tpu.memory_space<vmem>>)
      tpu.yield
    }) : () -> ()
    "tpu.region"() ({
      %run_scoped3A = tpu.sem_alloc : memref<!tpu.dma_semaphore, #tpu.memory_space<semaphore_mem>>
      %dma_start3A_13 = tpu.memref_slice %arg4[%mul3A_2] : memref<4096xi32, #tpu.memory_space<hbm>> -> memref<128xi32, #tpu.memory_space<hbm>>
      %dma_start3A_14 = tpu.memref_slice %arg4[%mul3A_2] : memref<4096xi32, #tpu.memory_space<hbm>> -> memref<128xi32, #tpu.memory_space<hbm>>
      tpu.enqueue_dma source(%dma_start3A_14 : memref<128xi32, #tpu.memory_space<hbm>>) target(%arg8 : memref<128xi32, #tpu.memory_space<vmem>>) target_semaphore(%run_scoped3A : memref<!tpu.dma_semaphore, #tpu.memory_space<semaphore_mem>>)
      %dma_wait3A_15 = tpu.memref_slice %arg4[%mul3A_2] : memref<4096xi32, #tpu.memory_space<hbm>> -> memref<128xi32, #tpu.memory_space<hbm>>
      %dma_wait3A_16 = tpu.memref_slice %arg4[%mul3A_2] : memref<4096xi32, #tpu.memory_space<hbm>> -> memref<128xi32, #tpu.memory_space<hbm>>
      tpu.wait_dma2 semaphore(%run_scoped3A : memref<!tpu.dma_semaphore, #tpu.memory_space<semaphore_mem>>) src(%dma_wait3A_16 : memref<128xi32, #tpu.memory_space<hbm>>) dst(%arg8 : memref<128xi32, #tpu.memory_space<vmem>>)
      tpu.yield
    }) : () -> ()
    %dma_start3A = arith.constant 0 : i32
    %dma_start3A_3 = arith.constant 0 : i32
    %dma_start3A_4 = tpu.memref_slice %arg2[%dma_start3A, %dma_start3A_3] : memref<8192x256xf32, #tpu.memory_space<hbm>> -> memref<8192x256xf32, #tpu.memory_space<hbm>>
    tpu.enqueue_indirect_dma source(%dma_start3A_4 : memref<8192x256xf32, #tpu.memory_space<hbm>>) target(%arg9 : memref<128x256xf32, #tpu.memory_space<vmem>>) offsets(%arg7 : memref<128xi32, #tpu.memory_space<vmem>>) semaphore(%arg11 : memref<!tpu.dma_semaphore, #tpu.memory_space<semaphore_mem>>)
    %dma_start3A_5 = arith.constant 0 : i32
    %dma_start3A_6 = arith.constant 0 : i32
    %dma_start3A_7 = tpu.memref_slice %arg2[%dma_start3A_5, %dma_start3A_6] : memref<8192x256xf32, #tpu.memory_space<hbm>> -> memref<8192x256xf32, #tpu.memory_space<hbm>>
    tpu.enqueue_indirect_dma source(%dma_start3A_7 : memref<8192x256xf32, #tpu.memory_space<hbm>>) target(%arg10 : memref<128x256xf32, #tpu.memory_space<vmem>>) offsets(%arg8 : memref<128xi32, #tpu.memory_space<vmem>>) semaphore(%arg12 : memref<!tpu.dma_semaphore, #tpu.memory_space<semaphore_mem>>)
    %dma_wait3A = arith.constant 0 : i32
    %dma_wait3A_8 = arith.constant 0 : i32
    %dma_wait3A_9 = tpu.memref_slice %arg2[%dma_wait3A, %dma_wait3A_8] : memref<8192x256xf32, #tpu.memory_space<hbm>> -> memref<8192x256xf32, #tpu.memory_space<hbm>>
    tpu.wait_indirect_dma semaphore(%arg11 : memref<!tpu.dma_semaphore, #tpu.memory_space<semaphore_mem>>) src(%dma_wait3A_9 : memref<8192x256xf32, #tpu.memory_space<hbm>>) dst(%arg9 : memref<128x256xf32, #tpu.memory_space<vmem>>)
    "tpu.region"() ({
      %run_scoped3A = tpu.sem_alloc : memref<!tpu.dma_semaphore, #tpu.memory_space<semaphore_mem>>
      %dma_start3A_13 = arith.constant 0 : i32
      %dma_start3A_14 = tpu.memref_slice %arg5[%mul3A_2, %dma_start3A_13] : memref<4096x256xf32, #tpu.memory_space<hbm>> -> memref<128x256xf32, #tpu.memory_space<hbm>>
      %dma_start3A_15 = arith.constant 0 : i32
      %dma_start3A_16 = tpu.memref_slice %arg5[%mul3A_2, %dma_start3A_15] : memref<4096x256xf32, #tpu.memory_space<hbm>> -> memref<128x256xf32, #tpu.memory_space<hbm>>
      tpu.enqueue_dma source(%arg9 : memref<128x256xf32, #tpu.memory_space<vmem>>) target(%dma_start3A_16 : memref<128x256xf32, #tpu.memory_space<hbm>>) target_semaphore(%run_scoped3A : memref<!tpu.dma_semaphore, #tpu.memory_space<semaphore_mem>>)
      %dma_wait3A_17 = arith.constant 0 : i32
      %dma_wait3A_18 = tpu.memref_slice %arg5[%mul3A_2, %dma_wait3A_17] : memref<4096x256xf32, #tpu.memory_space<hbm>> -> memref<128x256xf32, #tpu.memory_space<hbm>>
      %dma_wait3A_19 = arith.constant 0 : i32
      %dma_wait3A_20 = tpu.memref_slice %arg5[%mul3A_2, %dma_wait3A_19] : memref<4096x256xf32, #tpu.memory_space<hbm>> -> memref<128x256xf32, #tpu.memory_space<hbm>>
      tpu.wait_dma2 semaphore(%run_scoped3A : memref<!tpu.dma_semaphore, #tpu.memory_space<semaphore_mem>>) src(%arg9 : memref<128x256xf32, #tpu.memory_space<vmem>>) dst(%dma_wait3A_20 : memref<128x256xf32, #tpu.memory_space<hbm>>)
      tpu.yield
    }) : () -> ()
    %dma_wait3A_10 = arith.constant 0 : i32
    %dma_wait3A_11 = arith.constant 0 : i32
    %dma_wait3A_12 = tpu.memref_slice %arg2[%dma_wait3A_10, %dma_wait3A_11] : memref<8192x256xf32, #tpu.memory_space<hbm>> -> memref<8192x256xf32, #tpu.memory_space<hbm>>
    tpu.wait_indirect_dma semaphore(%arg12 : memref<!tpu.dma_semaphore, #tpu.memory_space<semaphore_mem>>) src(%dma_wait3A_12 : memref<8192x256xf32, #tpu.memory_space<hbm>>) dst(%arg10 : memref<128x256xf32, #tpu.memory_space<vmem>>)
    "tpu.region"() ({
      %run_scoped3A = tpu.sem_alloc : memref<!tpu.dma_semaphore, #tpu.memory_space<semaphore_mem>>
      %dma_start3A_13 = arith.constant 0 : i32
      %dma_start3A_14 = tpu.memref_slice %arg6[%mul3A_2, %dma_start3A_13] : memref<4096x256xf32, #tpu.memory_space<hbm>> -> memref<128x256xf32, #tpu.memory_space<hbm>>
      %dma_start3A_15 = arith.constant 0 : i32
      %dma_start3A_16 = tpu.memref_slice %arg6[%mul3A_2, %dma_start3A_15] : memref<4096x256xf32, #tpu.memory_space<hbm>> -> memref<128x256xf32, #tpu.memory_space<hbm>>
      tpu.enqueue_dma source(%arg10 : memref<128x256xf32, #tpu.memory_space<vmem>>) target(%dma_start3A_16 : memref<128x256xf32, #tpu.memory_space<hbm>>) target_semaphore(%run_scoped3A : memref<!tpu.dma_semaphore, #tpu.memory_space<semaphore_mem>>)
      %dma_wait3A_17 = arith.constant 0 : i32
      %dma_wait3A_18 = tpu.memref_slice %arg6[%mul3A_2, %dma_wait3A_17] : memref<4096x256xf32, #tpu.memory_space<hbm>> -> memref<128x256xf32, #tpu.memory_space<hbm>>
      %dma_wait3A_19 = arith.constant 0 : i32
      %dma_wait3A_20 = tpu.memref_slice %arg6[%mul3A_2, %dma_wait3A_19] : memref<4096x256xf32, #tpu.memory_space<hbm>> -> memref<128x256xf32, #tpu.memory_space<hbm>>
      tpu.wait_dma2 semaphore(%run_scoped3A : memref<!tpu.dma_semaphore, #tpu.memory_space<semaphore_mem>>) src(%arg10 : memref<128x256xf32, #tpu.memory_space<vmem>>) dst(%dma_wait3A_20 : memref<128x256xf32, #tpu.memory_space<hbm>>)
      tpu.yield
    }) : () -> ()
    return
  }
}

#map = affine_map<(d0, d1) -> (0, 0)>
#map1 = affine_map<(d0, d1) -> (0)>
module attributes {stable_mosaic.version = 14 : i64} {
  func.func @sc_gather2(%arg0: i32, %arg1: i32, %arg2: memref<8192x256xf32, #tpu.memory_space<hbm>>, %arg3: memref<4096xi32, #tpu.memory_space<hbm>>, %arg4: memref<4096xi32, #tpu.memory_space<hbm>>, %arg5: memref<4096x256xf32, #tpu.memory_space<hbm>>, %arg6: memref<4096x256xf32, #tpu.memory_space<hbm>>, %arg7: memref<128xi32, #tpu.memory_space<vmem>>, %arg8: memref<128xi32, #tpu.memory_space<vmem>>, %arg9: memref<128x256xf32, #tpu.memory_space<vmem>>, %arg10: memref<128x256xf32, #tpu.memory_space<vmem>>, %arg11: memref<!tpu.dma_semaphore, #tpu.memory_space<semaphore_mem>>, %arg12: memref<!tpu.dma_semaphore, #tpu.memory_space<semaphore_mem>>) attributes {dimension_semantics = [#tpu.dimension_semantics<core_parallel>, #tpu.dimension_semantics<subcore_parallel>], iteration_bounds = array<i64: 2, 16>, scalar_prefetch = 0 : i64, scratch_operands = 6 : i64, tpu.core_type = #tpu.core_type<sc_vector_subcore>, window_params = [{transform_indices = #map}, {transform_indices = #map1}, {transform_indices = #map1}, {transform_indices = #map}, {transform_indices = #map}]} {
    %mul3A = arith.constant 2 : i32
    %mul3A_0 = arith.muli %arg1, %mul3A : i32
    %add3A = arith.addi %mul3A_0, %arg0 : i32
    %mul3A_1 = arith.constant 128 : i32
    %mul3A_2 = arith.muli %add3A, %mul3A_1 : i32
    "tpu.region"() ({
      %run_scoped3A = tpu.sem_alloc : memref<!tpu.dma_semaphore, #tpu.memory_space<semaphore_mem>>
      %dma_start3A_13 = tpu.memref_slice %arg3[%mul3A_2] : memref<4096xi32, #tpu.memory_space<hbm>> -> memref<128xi32, #tpu.memory_space<hbm>>
      %dma_start3A_14 = tpu.memref_slice %arg3[%mul3A_2] : memref<4096xi32, #tpu.memory_space<hbm>> -> memref<128xi32, #tpu.memory_space<hbm>>
      tpu.enqueue_dma source(%dma_start3A_14 : memref<128xi32, #tpu.memory_space<hbm>>) target(%arg7 : memref<128xi32, #tpu.memory_space<vmem>>) target_semaphore(%run_scoped3A : memref<!tpu.dma_semaphore, #tpu.memory_space<semaphore_mem>>)
      %dma_wait3A_15 = tpu.memref_slice %arg3[%mul3A_2] : memref<4096xi32, #tpu.memory_space<hbm>> -> memref<128xi32, #tpu.memory_space<hbm>>
      %dma_wait3A_16 = tpu.memref_slice %arg3[%mul3A_2] : memref<4096xi32, #tpu.memory_space<hbm>> -> memref<128xi32, #tpu.memory_space<hbm>>
      tpu.wait_dma2 semaphore(%run_scoped3A : memref<!tpu.dma_semaphore, #tpu.memory_space<semaphore_mem>>) src(%dma_wait3A_16 : memref<128xi32, #tpu.memory_space<hbm>>) dst(%arg7 : memref<128xi32, #tpu.memory_space<vmem>>)
      tpu.yield
    }) : () -> ()
    "tpu.region"() ({
      %run_scoped3A = tpu.sem_alloc : memref<!tpu.dma_semaphore, #tpu.memory_space<semaphore_mem>>
      %dma_start3A_13 = tpu.memref_slice %arg4[%mul3A_2] : memref<4096xi32, #tpu.memory_space<hbm>> -> memref<128xi32, #tpu.memory_space<hbm>>
      %dma_start3A_14 = tpu.memref_slice %arg4[%mul3A_2] : memref<4096xi32, #tpu.memory_space<hbm>> -> memref<128xi32, #tpu.memory_space<hbm>>
      tpu.enqueue_dma source(%dma_start3A_14 : memref<128xi32, #tpu.memory_space<hbm>>) target(%arg8 : memref<128xi32, #tpu.memory_space<vmem>>) target_semaphore(%run_scoped3A : memref<!tpu.dma_semaphore, #tpu.memory_space<semaphore_mem>>)
      %dma_wait3A_15 = tpu.memref_slice %arg4[%mul3A_2] : memref<4096xi32, #tpu.memory_space<hbm>> -> memref<128xi32, #tpu.memory_space<hbm>>
      %dma_wait3A_16 = tpu.memref_slice %arg4[%mul3A_2] : memref<4096xi32, #tpu.memory_space<hbm>> -> memref<128xi32, #tpu.memory_space<hbm>>
      tpu.wait_dma2 semaphore(%run_scoped3A : memref<!tpu.dma_semaphore, #tpu.memory_space<semaphore_mem>>) src(%dma_wait3A_16 : memref<128xi32, #tpu.memory_space<hbm>>) dst(%arg8 : memref<128xi32, #tpu.memory_space<vmem>>)
      tpu.yield
    }) : () -> ()
    %dma_start3A = arith.constant 0 : i32
    %dma_start3A_3 = arith.constant 0 : i32
    %dma_start3A_4 = tpu.memref_slice %arg2[%dma_start3A, %dma_start3A_3] : memref<8192x256xf32, #tpu.memory_space<hbm>> -> memref<8192x256xf32, #tpu.memory_space<hbm>>
    tpu.enqueue_indirect_dma source(%dma_start3A_4 : memref<8192x256xf32, #tpu.memory_space<hbm>>) target(%arg9 : memref<128x256xf32, #tpu.memory_space<vmem>>) offsets(%arg7 : memref<128xi32, #tpu.memory_space<vmem>>) semaphore(%arg11 : memref<!tpu.dma_semaphore, #tpu.memory_space<semaphore_mem>>)
    %dma_start3A_5 = arith.constant 0 : i32
    %dma_start3A_6 = arith.constant 0 : i32
    %dma_start3A_7 = tpu.memref_slice %arg2[%dma_start3A_5, %dma_start3A_6] : memref<8192x256xf32, #tpu.memory_space<hbm>> -> memref<8192x256xf32, #tpu.memory_space<hbm>>
    tpu.enqueue_indirect_dma source(%dma_start3A_7 : memref<8192x256xf32, #tpu.memory_space<hbm>>) target(%arg10 : memref<128x256xf32, #tpu.memory_space<vmem>>) offsets(%arg8 : memref<128xi32, #tpu.memory_space<vmem>>) semaphore(%arg12 : memref<!tpu.dma_semaphore, #tpu.memory_space<semaphore_mem>>)
    %dma_wait3A = arith.constant 0 : i32
    %dma_wait3A_8 = arith.constant 0 : i32
    %dma_wait3A_9 = tpu.memref_slice %arg2[%dma_wait3A, %dma_wait3A_8] : memref<8192x256xf32, #tpu.memory_space<hbm>> -> memref<8192x256xf32, #tpu.memory_space<hbm>>
    tpu.wait_indirect_dma semaphore(%arg11 : memref<!tpu.dma_semaphore, #tpu.memory_space<semaphore_mem>>) src(%dma_wait3A_9 : memref<8192x256xf32, #tpu.memory_space<hbm>>) dst(%arg9 : memref<128x256xf32, #tpu.memory_space<vmem>>)
    "tpu.region"() ({
      %run_scoped3A = tpu.sem_alloc : memref<!tpu.dma_semaphore, #tpu.memory_space<semaphore_mem>>
      %dma_start3A_13 = arith.constant 0 : i32
      %dma_start3A_14 = tpu.memref_slice %arg5[%mul3A_2, %dma_start3A_13] : memref<4096x256xf32, #tpu.memory_space<hbm>> -> memref<128x256xf32, #tpu.memory_space<hbm>>
      %dma_start3A_15 = arith.constant 0 : i32
      %dma_start3A_16 = tpu.memref_slice %arg5[%mul3A_2, %dma_start3A_15] : memref<4096x256xf32, #tpu.memory_space<hbm>> -> memref<128x256xf32, #tpu.memory_space<hbm>>
      tpu.enqueue_dma source(%arg9 : memref<128x256xf32, #tpu.memory_space<vmem>>) target(%dma_start3A_16 : memref<128x256xf32, #tpu.memory_space<hbm>>) target_semaphore(%run_scoped3A : memref<!tpu.dma_semaphore, #tpu.memory_space<semaphore_mem>>)
      %dma_wait3A_17 = arith.constant 0 : i32
      %dma_wait3A_18 = tpu.memref_slice %arg5[%mul3A_2, %dma_wait3A_17] : memref<4096x256xf32, #tpu.memory_space<hbm>> -> memref<128x256xf32, #tpu.memory_space<hbm>>
      %dma_wait3A_19 = arith.constant 0 : i32
      %dma_wait3A_20 = tpu.memref_slice %arg5[%mul3A_2, %dma_wait3A_19] : memref<4096x256xf32, #tpu.memory_space<hbm>> -> memref<128x256xf32, #tpu.memory_space<hbm>>
      tpu.wait_dma2 semaphore(%run_scoped3A : memref<!tpu.dma_semaphore, #tpu.memory_space<semaphore_mem>>) src(%arg9 : memref<128x256xf32, #tpu.memory_space<vmem>>) dst(%dma_wait3A_20 : memref<128x256xf32, #tpu.memory_space<hbm>>)
      tpu.yield
    }) : () -> ()
    %dma_wait3A_10 = arith.constant 0 : i32
    %dma_wait3A_11 = arith.constant 0 : i32
    %dma_wait3A_12 = tpu.memref_slice %arg2[%dma_wait3A_10, %dma_wait3A_11] : memref<8192x256xf32, #tpu.memory_space<hbm>> -> memref<8192x256xf32, #tpu.memory_space<hbm>>
    tpu.wait_indirect_dma semaphore(%arg12 : memref<!tpu.dma_semaphore, #tpu.memory_space<semaphore_mem>>) src(%dma_wait3A_12 : memref<8192x256xf32, #tpu.memory_space<hbm>>) dst(%arg10 : memref<128x256xf32, #tpu.memory_space<vmem>>)
    "tpu.region"() ({
      %run_scoped3A = tpu.sem_alloc : memref<!tpu.dma_semaphore, #tpu.memory_space<semaphore_mem>>
      %dma_start3A_13 = arith.constant 0 : i32
      %dma_start3A_14 = tpu.memref_slice %arg6[%mul3A_2, %dma_start3A_13] : memref<4096x256xf32, #tpu.memory_space<hbm>> -> memref<128x256xf32, #tpu.memory_space<hbm>>
      %dma_start3A_15 = arith.constant 0 : i32
      %dma_start3A_16 = tpu.memref_slice %arg6[%mul3A_2, %dma_start3A_15] : memref<4096x256xf32, #tpu.memory_space<hbm>> -> memref<128x256xf32, #tpu.memory_space<hbm>>
      tpu.enqueue_dma source(%arg10 : memref<128x256xf32, #tpu.memory_space<vmem>>) target(%dma_start3A_16 : memref<128x256xf32, #tpu.memory_space<hbm>>) target_semaphore(%run_scoped3A : memref<!tpu.dma_semaphore, #tpu.memory_space<semaphore_mem>>)
      %dma_wait3A_17 = arith.constant 0 : i32
      %dma_wait3A_18 = tpu.memref_slice %arg6[%mul3A_2, %dma_wait3A_17] : memref<4096x256xf32, #tpu.memory_space<hbm>> -> memref<128x256xf32, #tpu.memory_space<hbm>>
      %dma_wait3A_19 = arith.constant 0 : i32
      %dma_wait3A_20 = tpu.memref_slice %arg6[%mul3A_2, %dma_wait3A_19] : memref<4096x256xf32, #tpu.memory_space<hbm>> -> memref<128x256xf32, #tpu.memory_space<hbm>>
      tpu.wait_dma2 semaphore(%run_scoped3A : memref<!tpu.dma_semaphore, #tpu.memory_space<semaphore_mem>>) src(%arg10 : memref<128x256xf32, #tpu.memory_space<vmem>>) dst(%dma_wait3A_20 : memref<128x256xf32, #tpu.memory_space<hbm>>)
      tpu.yield
    }) : () -> ()
    return
  }
}

#map = affine_map<(d0, d1) -> (0, 0)>
#map1 = affine_map<(d0, d1) -> (0)>
module attributes {stable_mosaic.version = 14 : i64} {
  func.func @sc_gather2(%arg0: i32, %arg1: i32, %arg2: memref<8192x256xf32, #tpu.memory_space<hbm>>, %arg3: memref<4096xi32, #tpu.memory_space<hbm>>, %arg4: memref<4096xi32, #tpu.memory_space<hbm>>, %arg5: memref<4096x256xf32, #tpu.memory_space<hbm>>, %arg6: memref<4096x256xf32, #tpu.memory_space<hbm>>, %arg7: memref<128xi32, #tpu.memory_space<vmem>>, %arg8: memref<128xi32, #tpu.memory_space<vmem>>, %arg9: memref<128x256xf32, #tpu.memory_space<vmem>>, %arg10: memref<128x256xf32, #tpu.memory_space<vmem>>, %arg11: memref<!tpu.dma_semaphore, #tpu.memory_space<semaphore_mem>>, %arg12: memref<!tpu.dma_semaphore, #tpu.memory_space<semaphore_mem>>) attributes {dimension_semantics = [#tpu.dimension_semantics<core_parallel>, #tpu.dimension_semantics<subcore_parallel>], iteration_bounds = array<i64: 2, 16>, scalar_prefetch = 0 : i64, scratch_operands = 6 : i64, tpu.core_type = #tpu.core_type<sc_vector_subcore>, window_params = [{transform_indices = #map}, {transform_indices = #map1}, {transform_indices = #map1}, {transform_indices = #map}, {transform_indices = #map}]} {
    %mul3A = arith.constant 2 : i32
    %mul3A_0 = arith.muli %arg1, %mul3A : i32
    %add3A = arith.addi %mul3A_0, %arg0 : i32
    %mul3A_1 = arith.constant 128 : i32
    %mul3A_2 = arith.muli %add3A, %mul3A_1 : i32
    "tpu.region"() ({
      %run_scoped3A = tpu.sem_alloc : memref<!tpu.dma_semaphore, #tpu.memory_space<semaphore_mem>>
      %dma_start3A_13 = tpu.memref_slice %arg3[%mul3A_2] : memref<4096xi32, #tpu.memory_space<hbm>> -> memref<128xi32, #tpu.memory_space<hbm>>
      %dma_start3A_14 = tpu.memref_slice %arg3[%mul3A_2] : memref<4096xi32, #tpu.memory_space<hbm>> -> memref<128xi32, #tpu.memory_space<hbm>>
      tpu.enqueue_dma source(%dma_start3A_14 : memref<128xi32, #tpu.memory_space<hbm>>) target(%arg7 : memref<128xi32, #tpu.memory_space<vmem>>) target_semaphore(%run_scoped3A : memref<!tpu.dma_semaphore, #tpu.memory_space<semaphore_mem>>)
      %dma_wait3A_15 = tpu.memref_slice %arg3[%mul3A_2] : memref<4096xi32, #tpu.memory_space<hbm>> -> memref<128xi32, #tpu.memory_space<hbm>>
      %dma_wait3A_16 = tpu.memref_slice %arg3[%mul3A_2] : memref<4096xi32, #tpu.memory_space<hbm>> -> memref<128xi32, #tpu.memory_space<hbm>>
      tpu.wait_dma2 semaphore(%run_scoped3A : memref<!tpu.dma_semaphore, #tpu.memory_space<semaphore_mem>>) src(%dma_wait3A_16 : memref<128xi32, #tpu.memory_space<hbm>>) dst(%arg7 : memref<128xi32, #tpu.memory_space<vmem>>)
      tpu.yield
    }) : () -> ()
    "tpu.region"() ({
      %run_scoped3A = tpu.sem_alloc : memref<!tpu.dma_semaphore, #tpu.memory_space<semaphore_mem>>
      %dma_start3A_13 = tpu.memref_slice %arg4[%mul3A_2] : memref<4096xi32, #tpu.memory_space<hbm>> -> memref<128xi32, #tpu.memory_space<hbm>>
      %dma_start3A_14 = tpu.memref_slice %arg4[%mul3A_2] : memref<4096xi32, #tpu.memory_space<hbm>> -> memref<128xi32, #tpu.memory_space<hbm>>
      tpu.enqueue_dma source(%dma_start3A_14 : memref<128xi32, #tpu.memory_space<hbm>>) target(%arg8 : memref<128xi32, #tpu.memory_space<vmem>>) target_semaphore(%run_scoped3A : memref<!tpu.dma_semaphore, #tpu.memory_space<semaphore_mem>>)
      %dma_wait3A_15 = tpu.memref_slice %arg4[%mul3A_2] : memref<4096xi32, #tpu.memory_space<hbm>> -> memref<128xi32, #tpu.memory_space<hbm>>
      %dma_wait3A_16 = tpu.memref_slice %arg4[%mul3A_2] : memref<4096xi32, #tpu.memory_space<hbm>> -> memref<128xi32, #tpu.memory_space<hbm>>
      tpu.wait_dma2 semaphore(%run_scoped3A : memref<!tpu.dma_semaphore, #tpu.memory_space<semaphore_mem>>) src(%dma_wait3A_16 : memref<128xi32, #tpu.memory_space<hbm>>) dst(%arg8 : memref<128xi32, #tpu.memory_space<vmem>>)
      tpu.yield
    }) : () -> ()
    %dma_start3A = arith.constant 0 : i32
    %dma_start3A_3 = arith.constant 0 : i32
    %dma_start3A_4 = tpu.memref_slice %arg2[%dma_start3A, %dma_start3A_3] : memref<8192x256xf32, #tpu.memory_space<hbm>> -> memref<8192x256xf32, #tpu.memory_space<hbm>>
    tpu.enqueue_indirect_dma source(%dma_start3A_4 : memref<8192x256xf32, #tpu.memory_space<hbm>>) target(%arg9 : memref<128x256xf32, #tpu.memory_space<vmem>>) offsets(%arg7 : memref<128xi32, #tpu.memory_space<vmem>>) semaphore(%arg11 : memref<!tpu.dma_semaphore, #tpu.memory_space<semaphore_mem>>)
    %dma_start3A_5 = arith.constant 0 : i32
    %dma_start3A_6 = arith.constant 0 : i32
    %dma_start3A_7 = tpu.memref_slice %arg2[%dma_start3A_5, %dma_start3A_6] : memref<8192x256xf32, #tpu.memory_space<hbm>> -> memref<8192x256xf32, #tpu.memory_space<hbm>>
    tpu.enqueue_indirect_dma source(%dma_start3A_7 : memref<8192x256xf32, #tpu.memory_space<hbm>>) target(%arg10 : memref<128x256xf32, #tpu.memory_space<vmem>>) offsets(%arg8 : memref<128xi32, #tpu.memory_space<vmem>>) semaphore(%arg12 : memref<!tpu.dma_semaphore, #tpu.memory_space<semaphore_mem>>)
    %dma_wait3A = arith.constant 0 : i32
    %dma_wait3A_8 = arith.constant 0 : i32
    %dma_wait3A_9 = tpu.memref_slice %arg2[%dma_wait3A, %dma_wait3A_8] : memref<8192x256xf32, #tpu.memory_space<hbm>> -> memref<8192x256xf32, #tpu.memory_space<hbm>>
    tpu.wait_indirect_dma semaphore(%arg11 : memref<!tpu.dma_semaphore, #tpu.memory_space<semaphore_mem>>) src(%dma_wait3A_9 : memref<8192x256xf32, #tpu.memory_space<hbm>>) dst(%arg9 : memref<128x256xf32, #tpu.memory_space<vmem>>)
    "tpu.region"() ({
      %run_scoped3A = tpu.sem_alloc : memref<!tpu.dma_semaphore, #tpu.memory_space<semaphore_mem>>
      %dma_start3A_13 = arith.constant 0 : i32
      %dma_start3A_14 = tpu.memref_slice %arg5[%mul3A_2, %dma_start3A_13] : memref<4096x256xf32, #tpu.memory_space<hbm>> -> memref<128x256xf32, #tpu.memory_space<hbm>>
      %dma_start3A_15 = arith.constant 0 : i32
      %dma_start3A_16 = tpu.memref_slice %arg5[%mul3A_2, %dma_start3A_15] : memref<4096x256xf32, #tpu.memory_space<hbm>> -> memref<128x256xf32, #tpu.memory_space<hbm>>
      tpu.enqueue_dma source(%arg9 : memref<128x256xf32, #tpu.memory_space<vmem>>) target(%dma_start3A_16 : memref<128x256xf32, #tpu.memory_space<hbm>>) target_semaphore(%run_scoped3A : memref<!tpu.dma_semaphore, #tpu.memory_space<semaphore_mem>>)
      %dma_wait3A_17 = arith.constant 0 : i32
      %dma_wait3A_18 = tpu.memref_slice %arg5[%mul3A_2, %dma_wait3A_17] : memref<4096x256xf32, #tpu.memory_space<hbm>> -> memref<128x256xf32, #tpu.memory_space<hbm>>
      %dma_wait3A_19 = arith.constant 0 : i32
      %dma_wait3A_20 = tpu.memref_slice %arg5[%mul3A_2, %dma_wait3A_19] : memref<4096x256xf32, #tpu.memory_space<hbm>> -> memref<128x256xf32, #tpu.memory_space<hbm>>
      tpu.wait_dma2 semaphore(%run_scoped3A : memref<!tpu.dma_semaphore, #tpu.memory_space<semaphore_mem>>) src(%arg9 : memref<128x256xf32, #tpu.memory_space<vmem>>) dst(%dma_wait3A_20 : memref<128x256xf32, #tpu.memory_space<hbm>>)
      tpu.yield
    }) : () -> ()
    %dma_wait3A_10 = arith.constant 0 : i32
    %dma_wait3A_11 = arith.constant 0 : i32
    %dma_wait3A_12 = tpu.memref_slice %arg2[%dma_wait3A_10, %dma_wait3A_11] : memref<8192x256xf32, #tpu.memory_space<hbm>> -> memref<8192x256xf32, #tpu.memory_space<hbm>>
    tpu.wait_indirect_dma semaphore(%arg12 : memref<!tpu.dma_semaphore, #tpu.memory_space<semaphore_mem>>) src(%dma_wait3A_12 : memref<8192x256xf32, #tpu.memory_space<hbm>>) dst(%arg10 : memref<128x256xf32, #tpu.memory_space<vmem>>)
    "tpu.region"() ({
      %run_scoped3A = tpu.sem_alloc : memref<!tpu.dma_semaphore, #tpu.memory_space<semaphore_mem>>
      %dma_start3A_13 = arith.constant 0 : i32
      %dma_start3A_14 = tpu.memref_slice %arg6[%mul3A_2, %dma_start3A_13] : memref<4096x256xf32, #tpu.memory_space<hbm>> -> memref<128x256xf32, #tpu.memory_space<hbm>>
      %dma_start3A_15 = arith.constant 0 : i32
      %dma_start3A_16 = tpu.memref_slice %arg6[%mul3A_2, %dma_start3A_15] : memref<4096x256xf32, #tpu.memory_space<hbm>> -> memref<128x256xf32, #tpu.memory_space<hbm>>
      tpu.enqueue_dma source(%arg10 : memref<128x256xf32, #tpu.memory_space<vmem>>) target(%dma_start3A_16 : memref<128x256xf32, #tpu.memory_space<hbm>>) target_semaphore(%run_scoped3A : memref<!tpu.dma_semaphore, #tpu.memory_space<semaphore_mem>>)
      %dma_wait3A_17 = arith.constant 0 : i32
      %dma_wait3A_18 = tpu.memref_slice %arg6[%mul3A_2, %dma_wait3A_17] : memref<4096x256xf32, #tpu.memory_space<hbm>> -> memref<128x256xf32, #tpu.memory_space<hbm>>
      %dma_wait3A_19 = arith.constant 0 : i32
      %dma_wait3A_20 = tpu.memref_slice %arg6[%mul3A_2, %dma_wait3A_19] : memref<4096x256xf32, #tpu.memory_space<hbm>> -> memref<128x256xf32, #tpu.memory_space<hbm>>
      tpu.wait_dma2 semaphore(%run_scoped3A : memref<!tpu.dma_semaphore, #tpu.memory_space<semaphore_mem>>) src(%arg10 : memref<128x256xf32, #tpu.memory_space<vmem>>) dst(%dma_wait3A_20 : memref<128x256xf32, #tpu.memory_space<hbm>>)
      tpu.yield
    }) : () -> ()
    return
  }
}

module attributes {stable_mosaic.version = 14 : i64} {
  func.func @_rescore_body(%arg0: i32, %arg1: memref<1024x256xf32, #tpu.memory_space<vmem>>, %arg2: memref<1024x256xf32, #tpu.memory_space<vmem>>, %arg3: memref<1024x256xf32, #tpu.memory_space<vmem>>, %arg4: memref<1x1x1024xi32, #tpu.memory_space<vmem>>, %arg5: memref<1x1x1024xi32, #tpu.memory_space<vmem>>, %arg6: memref<1024x256xf32, #tpu.memory_space<vmem>>, %arg7: memref<1x1x1024xi32, #tpu.memory_space<vmem>>) attributes {dimension_semantics = [#tpu.dimension_semantics<arbitrary>], iteration_bounds = array<i64: 4>, scalar_prefetch = 0 : i64, scratch_operands = 0 : i64, tpu.core_type = #tpu.core_type<tc>, window_params = [{transform_indices = @transform_0, window_bounds = array<i64: 1024, 256>}, {transform_indices = @transform_1, window_bounds = array<i64: 1024, 256>}, {transform_indices = @transform_2, window_bounds = array<i64: 1024, 256>}, {transform_indices = @transform_3, window_bounds = array<i64: 1, 1, 1024>}, {transform_indices = @transform_4, window_bounds = array<i64: 1, 1, 1024>}, {transform_indices = @transform_5, window_bounds = array<i64: 1024, 256>}, {transform_indices = @transform_6, window_bounds = array<i64: 1, 1, 1024>}]} {
    %get3A = arith.constant 0 : index
    %get3A_0 = arith.constant 0 : index
    %get3A_1 = vector.load %arg1[%get3A, %get3A_0] : memref<1024x256xf32, #tpu.memory_space<vmem>>, vector<1024x256xf32>
    %get3A_2 = arith.constant 0 : index
    %get3A_3 = arith.constant 0 : index
    %get3A_4 = vector.load %arg2[%get3A_2, %get3A_3] : memref<1024x256xf32, #tpu.memory_space<vmem>>, vector<1024x256xf32>
    %get3A_5 = arith.constant 0 : index
    %get3A_6 = arith.constant 0 : index
    %get3A_7 = vector.load %arg3[%get3A_5, %get3A_6] : memref<1024x256xf32, #tpu.memory_space<vmem>>, vector<1024x256xf32>
    %get3A_8 = arith.constant 0 : index
    %get3A_9 = arith.constant 0 : index
    %get3A_10 = arith.constant 0 : index
    %get3A_11 = vector.load %arg4[%get3A_8, %get3A_9, %get3A_10] : memref<1x1x1024xi32, #tpu.memory_space<vmem>>, vector<1x1x1024xi32>
    %get3A_12 = vector.shape_cast %get3A_11 : vector<1x1x1024xi32> to vector<1024xi32>
    %get3A_13 = arith.constant 0 : index
    %get3A_14 = arith.constant 0 : index
    %get3A_15 = arith.constant 0 : index
    %get3A_16 = vector.load %arg5[%get3A_13, %get3A_14, %get3A_15] : memref<1x1x1024xi32, #tpu.memory_space<vmem>>, vector<1x1x1024xi32>
    %get3A_17 = vector.shape_cast %get3A_16 : vector<1x1x1024xi32> to vector<1024xi32>
    %sub3A = arith.subf %get3A_1, %get3A_4 : vector<1024x256xf32>
    %mul3A = arith.mulf %sub3A, %sub3A : vector<1024x256xf32>
    %reduce_sum3A = arith.constant dense<0.000000e+00> : vector<1024xf32>
    %reduce_sum3A_18 = vector.multi_reduction <add>, %mul3A, %reduce_sum3A [1] : vector<1024x256xf32> to vector<1024xf32>
    %max3A = arith.constant 0.000000e+00 : f32
    %max3A_19 = vector.broadcast %max3A : f32 to vector<1024xf32>
    %max3A_20 = arith.maximumf %reduce_sum3A_18, %max3A_19 : vector<1024xf32>
    %sqrt3A = math.sqrt %max3A_20 : vector<1024xf32>
    %sub3A_21 = arith.subf %get3A_1, %get3A_7 : vector<1024x256xf32>
    %mul3A_22 = arith.mulf %sub3A_21, %sub3A_21 : vector<1024x256xf32>
    %reduce_sum3A_23 = arith.constant dense<0.000000e+00> : vector<1024xf32>
    %reduce_sum3A_24 = vector.multi_reduction <add>, %mul3A_22, %reduce_sum3A_23 [1] : vector<1024x256xf32> to vector<1024xf32>
    %max3A_25 = arith.constant 0.000000e+00 : f32
    %max3A_26 = vector.broadcast %max3A_25 : f32 to vector<1024xf32>
    %max3A_27 = arith.maximumf %reduce_sum3A_24, %max3A_26 : vector<1024xf32>
    %sqrt3A_28 = math.sqrt %max3A_27 : vector<1024xf32>
    %lt3A = arith.cmpf olt, %sqrt3A_28, %sqrt3A : vector<1024xf32>
    %eq3A = arith.cmpf oeq, %sqrt3A_28, %sqrt3A : vector<1024xf32>
    %lt3A_29 = arith.cmpi slt, %get3A_17, %get3A_12 : vector<1024xi32>
    %and3A = arith.andi %eq3A, %lt3A_29 : vector<1024xi1>
    %or3A = arith.ori %lt3A, %and3A : vector<1024xi1>
    %select_n3A = arith.select %or3A, %get3A_17, %get3A_12 : vector<1024xi1>, vector<1024xi32>
    %broadcast_in_dim3A = vector.shape_cast %or3A : vector<1024xi1> to vector<1024x1xi1>
    %broadcast_in_dim3A_30 = vector.shape_cast %broadcast_in_dim3A : vector<1024x1xi1> to vector<1024x1xi1>
    %broadcast_in_dim3A_31 = vector.broadcast %broadcast_in_dim3A_30 : vector<1024x1xi1> to vector<1024x256xi1>
    %select_n3A_32 = arith.select %broadcast_in_dim3A_31, %get3A_7, %get3A_4 : vector<1024x256xi1>, vector<1024x256xf32>
    %sub3A_33 = arith.subf %get3A_1, %select_n3A_32 : vector<1024x256xf32>
    %swap3A = arith.constant 0 : index
    %swap3A_34 = arith.constant 0 : index
    %swap3A_35 = vector.load %arg6[%swap3A, %swap3A_34] : memref<1024x256xf32, #tpu.memory_space<vmem>>, vector<1024x256xf32>
    tpu.vector_store %arg6[%swap3A, %swap3A_34], %sub3A_33 {strides = array<i32>} : memref<1024x256xf32, #tpu.memory_space<vmem>>, vector<1024x256xf32>,
    %reshape3A = vector.shape_cast %select_n3A : vector<1024xi32> to vector<1x1x1024xi32>
    %swap3A_36 = arith.constant 0 : index
    %swap3A_37 = arith.constant 0 : index
    %swap3A_38 = arith.constant 0 : index
    %swap3A_39 = vector.load %arg7[%swap3A_36, %swap3A_37, %swap3A_38] : memref<1x1x1024xi32, #tpu.memory_space<vmem>>, vector<1x1x1024xi32>
    tpu.vector_store %arg7[%swap3A_36, %swap3A_37, %swap3A_38], %reshape3A {strides = array<i32>} : memref<1x1x1024xi32, #tpu.memory_space<vmem>>, vector<1x1x1024xi32>,
    return
  }
  func.func @transform_0(%arg0: i32) -> (i32, i32) {
    %c0_i32 = arith.constant 0 : i32
    %c0_i32_0 = arith.constant 0 : i32
    return %arg0, %c0_i32 : i32, i32
  }
  func.func @transform_1(%arg0: i32) -> (i32, i32) {
    %c0_i32 = arith.constant 0 : i32
    %c0_i32_0 = arith.constant 0 : i32
    return %arg0, %c0_i32 : i32, i32
  }
  func.func @transform_2(%arg0: i32) -> (i32, i32) {
    %c0_i32 = arith.constant 0 : i32
    %c0_i32_0 = arith.constant 0 : i32
    return %arg0, %c0_i32 : i32, i32
  }
  func.func @transform_3(%arg0: i32) -> (i32, i32, i32) {
    %c0_i32 = arith.constant 0 : i32
    %c0_i32_0 = arith.constant 0 : i32
    %c0_i32_1 = arith.constant 0 : i32
    return %c0_i32, %c0_i32_0, %arg0 : i32, i32, i32
  }
  func.func @transform_4(%arg0: i32) -> (i32, i32, i32) {
    %c0_i32 = arith.constant 0 : i32
    %c0_i32_0 = arith.constant 0 : i32
    %c0_i32_1 = arith.constant 0 : i32
    return %c0_i32, %c0_i32_0, %arg0 : i32, i32, i32
  }
  func.func @transform_5(%arg0: i32) -> (i32, i32) {
    %c0_i32 = arith.constant 0 : i32
    %c0_i32_0 = arith.constant 0 : i32
    return %arg0, %c0_i32 : i32, i32
  }
  func.func @transform_6(%arg0: i32) -> (i32, i32, i32) {
    %c0_i32 = arith.constant 0 : i32
    %c0_i32_0 = arith.constant 0 : i32
    %c0_i32_1 = arith.constant 0 : i32
    return %c0_i32, %c0_i32_0, %arg0 : i32, i32, i32
  }
}

module attributes {stable_mosaic.version = 14 : i64} {
  func.func @_rescore_body(%arg0: i32, %arg1: memref<1024x256xf32, #tpu.memory_space<vmem>>, %arg2: memref<1024x256xf32, #tpu.memory_space<vmem>>, %arg3: memref<1024x256xf32, #tpu.memory_space<vmem>>, %arg4: memref<1x1x1024xi32, #tpu.memory_space<vmem>>, %arg5: memref<1x1x1024xi32, #tpu.memory_space<vmem>>, %arg6: memref<1024x256xf32, #tpu.memory_space<vmem>>, %arg7: memref<1x1x1024xi32, #tpu.memory_space<vmem>>) attributes {dimension_semantics = [#tpu.dimension_semantics<arbitrary>], iteration_bounds = array<i64: 4>, scalar_prefetch = 0 : i64, scratch_operands = 0 : i64, tpu.core_type = #tpu.core_type<tc>, window_params = [{transform_indices = @transform_0, window_bounds = array<i64: 1024, 256>}, {transform_indices = @transform_1, window_bounds = array<i64: 1024, 256>}, {transform_indices = @transform_2, window_bounds = array<i64: 1024, 256>}, {transform_indices = @transform_3, window_bounds = array<i64: 1, 1, 1024>}, {transform_indices = @transform_4, window_bounds = array<i64: 1, 1, 1024>}, {transform_indices = @transform_5, window_bounds = array<i64: 1024, 256>}, {transform_indices = @transform_6, window_bounds = array<i64: 1, 1, 1024>}]} {
    %get3A = arith.constant 0 : index
    %get3A_0 = arith.constant 0 : index
    %get3A_1 = vector.load %arg1[%get3A, %get3A_0] : memref<1024x256xf32, #tpu.memory_space<vmem>>, vector<1024x256xf32>
    %get3A_2 = arith.constant 0 : index
    %get3A_3 = arith.constant 0 : index
    %get3A_4 = vector.load %arg2[%get3A_2, %get3A_3] : memref<1024x256xf32, #tpu.memory_space<vmem>>, vector<1024x256xf32>
    %get3A_5 = arith.constant 0 : index
    %get3A_6 = arith.constant 0 : index
    %get3A_7 = vector.load %arg3[%get3A_5, %get3A_6] : memref<1024x256xf32, #tpu.memory_space<vmem>>, vector<1024x256xf32>
    %get3A_8 = arith.constant 0 : index
    %get3A_9 = arith.constant 0 : index
    %get3A_10 = arith.constant 0 : index
    %get3A_11 = vector.load %arg4[%get3A_8, %get3A_9, %get3A_10] : memref<1x1x1024xi32, #tpu.memory_space<vmem>>, vector<1x1x1024xi32>
    %get3A_12 = vector.shape_cast %get3A_11 : vector<1x1x1024xi32> to vector<1024xi32>
    %get3A_13 = arith.constant 0 : index
    %get3A_14 = arith.constant 0 : index
    %get3A_15 = arith.constant 0 : index
    %get3A_16 = vector.load %arg5[%get3A_13, %get3A_14, %get3A_15] : memref<1x1x1024xi32, #tpu.memory_space<vmem>>, vector<1x1x1024xi32>
    %get3A_17 = vector.shape_cast %get3A_16 : vector<1x1x1024xi32> to vector<1024xi32>
    %sub3A = arith.subf %get3A_1, %get3A_4 : vector<1024x256xf32>
    %mul3A = arith.mulf %sub3A, %sub3A : vector<1024x256xf32>
    %reduce_sum3A = arith.constant dense<0.000000e+00> : vector<1024xf32>
    %reduce_sum3A_18 = vector.multi_reduction <add>, %mul3A, %reduce_sum3A [1] : vector<1024x256xf32> to vector<1024xf32>
    %max3A = arith.constant 0.000000e+00 : f32
    %max3A_19 = vector.broadcast %max3A : f32 to vector<1024xf32>
    %max3A_20 = arith.maximumf %reduce_sum3A_18, %max3A_19 : vector<1024xf32>
    %sqrt3A = math.sqrt %max3A_20 : vector<1024xf32>
    %sub3A_21 = arith.subf %get3A_1, %get3A_7 : vector<1024x256xf32>
    %mul3A_22 = arith.mulf %sub3A_21, %sub3A_21 : vector<1024x256xf32>
    %reduce_sum3A_23 = arith.constant dense<0.000000e+00> : vector<1024xf32>
    %reduce_sum3A_24 = vector.multi_reduction <add>, %mul3A_22, %reduce_sum3A_23 [1] : vector<1024x256xf32> to vector<1024xf32>
    %max3A_25 = arith.constant 0.000000e+00 : f32
    %max3A_26 = vector.broadcast %max3A_25 : f32 to vector<1024xf32>
    %max3A_27 = arith.maximumf %reduce_sum3A_24, %max3A_26 : vector<1024xf32>
    %sqrt3A_28 = math.sqrt %max3A_27 : vector<1024xf32>
    %lt3A = arith.cmpf olt, %sqrt3A_28, %sqrt3A : vector<1024xf32>
    %eq3A = arith.cmpf oeq, %sqrt3A_28, %sqrt3A : vector<1024xf32>
    %lt3A_29 = arith.cmpi slt, %get3A_17, %get3A_12 : vector<1024xi32>
    %and3A = arith.andi %eq3A, %lt3A_29 : vector<1024xi1>
    %or3A = arith.ori %lt3A, %and3A : vector<1024xi1>
    %select_n3A = arith.select %or3A, %get3A_17, %get3A_12 : vector<1024xi1>, vector<1024xi32>
    %broadcast_in_dim3A = vector.shape_cast %or3A : vector<1024xi1> to vector<1024x1xi1>
    %broadcast_in_dim3A_30 = vector.shape_cast %broadcast_in_dim3A : vector<1024x1xi1> to vector<1024x1xi1>
    %broadcast_in_dim3A_31 = vector.broadcast %broadcast_in_dim3A_30 : vector<1024x1xi1> to vector<1024x256xi1>
    %select_n3A_32 = arith.select %broadcast_in_dim3A_31, %get3A_7, %get3A_4 : vector<1024x256xi1>, vector<1024x256xf32>
    %sub3A_33 = arith.subf %get3A_1, %select_n3A_32 : vector<1024x256xf32>
    %swap3A = arith.constant 0 : index
    %swap3A_34 = arith.constant 0 : index
    %swap3A_35 = vector.load %arg6[%swap3A, %swap3A_34] : memref<1024x256xf32, #tpu.memory_space<vmem>>, vector<1024x256xf32>
    tpu.vector_store %arg6[%swap3A, %swap3A_34], %sub3A_33 {strides = array<i32>} : memref<1024x256xf32, #tpu.memory_space<vmem>>, vector<1024x256xf32>,
    %reshape3A = vector.shape_cast %select_n3A : vector<1024xi32> to vector<1x1x1024xi32>
    %swap3A_36 = arith.constant 0 : index
    %swap3A_37 = arith.constant 0 : index
    %swap3A_38 = arith.constant 0 : index
    %swap3A_39 = vector.load %arg7[%swap3A_36, %swap3A_37, %swap3A_38] : memref<1x1x1024xi32, #tpu.memory_space<vmem>>, vector<1x1x1024xi32>
    tpu.vector_store %arg7[%swap3A_36, %swap3A_37, %swap3A_38], %reshape3A {strides = array<i32>} : memref<1x1x1024xi32, #tpu.memory_space<vmem>>, vector<1x1x1024xi32>,
    return
  }
  func.func @transform_0(%arg0: i32) -> (i32, i32) {
    %c0_i32 = arith.constant 0 : i32
    %c0_i32_0 = arith.constant 0 : i32
    return %arg0, %c0_i32 : i32, i32
  }
  func.func @transform_1(%arg0: i32) -> (i32, i32) {
    %c0_i32 = arith.constant 0 : i32
    %c0_i32_0 = arith.constant 0 : i32
    return %arg0, %c0_i32 : i32, i32
  }
  func.func @transform_2(%arg0: i32) -> (i32, i32) {
    %c0_i32 = arith.constant 0 : i32
    %c0_i32_0 = arith.constant 0 : i32
    return %arg0, %c0_i32 : i32, i32
  }
  func.func @transform_3(%arg0: i32) -> (i32, i32, i32) {
    %c0_i32 = arith.constant 0 : i32
    %c0_i32_0 = arith.constant 0 : i32
    %c0_i32_1 = arith.constant 0 : i32
    return %c0_i32, %c0_i32_0, %arg0 : i32, i32, i32
  }
  func.func @transform_4(%arg0: i32) -> (i32, i32, i32) {
    %c0_i32 = arith.constant 0 : i32
    %c0_i32_0 = arith.constant 0 : i32
    %c0_i32_1 = arith.constant 0 : i32
    return %c0_i32, %c0_i32_0, %arg0 : i32, i32, i32
  }
  func.func @transform_5(%arg0: i32) -> (i32, i32) {
    %c0_i32 = arith.constant 0 : i32
    %c0_i32_0 = arith.constant 0 : i32
    return %arg0, %c0_i32 : i32, i32
  }
  func.func @transform_6(%arg0: i32) -> (i32, i32, i32) {
    %c0_i32 = arith.constant 0 : i32
    %c0_i32_0 = arith.constant 0 : i32
    %c0_i32_1 = arith.constant 0 : i32
    return %c0_i32, %c0_i32_0, %arg0 : i32, i32, i32
  }
}

module attributes {stable_mosaic.version = 14 : i64} {
  func.func @_scores_body(%arg0: i32, %arg1: memref<256x256xf32, #tpu.memory_space<vmem>>, %arg2: memref<8192x256xf32, #tpu.memory_space<vmem>>, %arg3: memref<1x1x256xi32, #tpu.memory_space<vmem>>, %arg4: memref<1x1x256xi32, #tpu.memory_space<vmem>>, %arg5: memref<1x8192xf32, #tpu.memory_space<vmem>>, %arg6: memref<8192x256xbf16, #tpu.memory_space<vmem>>, %arg7: memref<8192x256xbf16, #tpu.memory_space<vmem>>, %arg8: memref<8192x256xbf16, #tpu.memory_space<vmem>>) attributes {dimension_semantics = [#tpu.dimension_semantics<arbitrary>], iteration_bounds = array<i64: 16>, scalar_prefetch = 0 : i64, scratch_operands = 4 : i64, tpu.core_type = #tpu.core_type<tc>, window_params = [{transform_indices = @transform_0, window_bounds = array<i64: 256, 256>}, {pipeline_mode = #tpu.pipeline_mode<synchronous>, transform_indices = @transform_1, window_bounds = array<i64: 8192, 256>}, {transform_indices = @transform_2, window_bounds = array<i64: 1, 1, 256>}, {transform_indices = @transform_3, window_bounds = array<i64: 1, 1, 256>}]} {
    %eq3A = arith.constant 0 : i32
    %eq3A_0 = arith.cmpi eq, %arg0, %eq3A : i32
    %convert_element_type3A = arith.extui %eq3A_0 : i1 to i32
    %cond3A = arith.constant 0 : i32
    %cond3A_1 = arith.cmpi ne, %convert_element_type3A, %cond3A : i32
    scf.if %cond3A_1 {
      %get3A_61 = arith.constant 0 : index
      %get3A_62 = arith.constant 0 : index
      %get3A_63 = vector.load %arg2[%get3A_61, %get3A_62] : memref<8192x256xf32, #tpu.memory_space<vmem>>, vector<8192x256xf32>
      %broadcast_in_dim3A_64 = arith.constant 1.000000e+00 : f32
      %broadcast_in_dim3A_65 = vector.broadcast %broadcast_in_dim3A_64 : f32 to vector<1x256xf32>
      %mul3A_66 = arith.mulf %get3A_63, %get3A_63 : vector<8192x256xf32>
      %dot_general3A_67 = arith.constant dense<0.000000e+00> : vector<1x8192xf32>
      %dot_general3A_68 = tpu.matmul %broadcast_in_dim3A_65, %mul3A_66, %dot_general3A_67 {dimension_numbers = #tpu.dot_dimension_numbers<[1], [1], [0], [0], [0, 0, 1, 0], [], []>, precision = #tpu.contract_precision<fp32>, transpose_lhs_hint = false} : vector<1x256xf32>, vector<8192x256xf32>, vector<1x8192xf32> -> vector<1x8192xf32>
      %swap3A_69 = arith.constant 0 : index
      %swap3A_70 = arith.constant 0 : index
      %swap3A_71 = vector.load %arg5[%swap3A_69, %swap3A_70] : memref<1x8192xf32, #tpu.memory_space<vmem>>, vector<1x8192xf32>
      tpu.vector_store %arg5[%swap3A_69, %swap3A_70], %dot_general3A_68 {strides = array<i32>} : memref<1x8192xf32, #tpu.memory_space<vmem>>, vector<1x8192xf32>,
      %convert_element_type3A_72 = arith.truncf %get3A_63 : vector<8192x256xf32> to vector<8192x256xbf16>
      %convert_element_type3A_73 = arith.extf %convert_element_type3A_72 : vector<8192x256xbf16> to vector<8192x256xf32>
      %sub3A_74 = arith.subf %get3A_63, %convert_element_type3A_73 : vector<8192x256xf32>
      %convert_element_type3A_75 = arith.truncf %sub3A_74 : vector<8192x256xf32> to vector<8192x256xbf16>
      %convert_element_type3A_76 = arith.extf %convert_element_type3A_75 : vector<8192x256xbf16> to vector<8192x256xf32>
      %sub3A_77 = arith.subf %sub3A_74, %convert_element_type3A_76 : vector<8192x256xf32>
      %convert_element_type3A_78 = arith.truncf %sub3A_77 : vector<8192x256xf32> to vector<8192x256xbf16>
      %swap3A_79 = arith.constant 0 : index
      %swap3A_80 = arith.constant 0 : index
      %swap3A_81 = vector.load %arg6[%swap3A_79, %swap3A_80] : memref<8192x256xbf16, #tpu.memory_space<vmem>>, vector<8192x256xbf16>
      tpu.vector_store %arg6[%swap3A_79, %swap3A_80], %convert_element_type3A_72 {strides = array<i32>} : memref<8192x256xbf16, #tpu.memory_space<vmem>>, vector<8192x256xbf16>,
      %swap3A_82 = arith.constant 0 : index
      %swap3A_83 = arith.constant 0 : index
      %swap3A_84 = vector.load %arg7[%swap3A_82, %swap3A_83] : memref<8192x256xbf16, #tpu.memory_space<vmem>>, vector<8192x256xbf16>
      tpu.vector_store %arg7[%swap3A_82, %swap3A_83], %convert_element_type3A_75 {strides = array<i32>} : memref<8192x256xbf16, #tpu.memory_space<vmem>>, vector<8192x256xbf16>,
      %swap3A_85 = arith.constant 0 : index
      %swap3A_86 = arith.constant 0 : index
      %swap3A_87 = vector.load %arg8[%swap3A_85, %swap3A_86] : memref<8192x256xbf16, #tpu.memory_space<vmem>>, vector<8192x256xbf16>
      tpu.vector_store %arg8[%swap3A_85, %swap3A_86], %convert_element_type3A_78 {strides = array<i32>} : memref<8192x256xbf16, #tpu.memory_space<vmem>>, vector<8192x256xbf16>,
    } else {
    }
    %get3A = arith.constant 0 : index
    %get3A_2 = arith.constant 0 : index
    %get3A_3 = vector.load %arg1[%get3A, %get3A_2] : memref<256x256xf32, #tpu.memory_space<vmem>>, vector<256x256xf32>
    %convert_element_type3A_4 = arith.truncf %get3A_3 : vector<256x256xf32> to vector<256x256xbf16>
    %convert_element_type3A_5 = arith.extf %convert_element_type3A_4 : vector<256x256xbf16> to vector<256x256xf32>
    %sub3A = arith.subf %get3A_3, %convert_element_type3A_5 : vector<256x256xf32>
    %convert_element_type3A_6 = arith.truncf %sub3A : vector<256x256xf32> to vector<256x256xbf16>
    %convert_element_type3A_7 = arith.extf %convert_element_type3A_6 : vector<256x256xbf16> to vector<256x256xf32>
    %sub3A_8 = arith.subf %sub3A, %convert_element_type3A_7 : vector<256x256xf32>
    %convert_element_type3A_9 = arith.truncf %sub3A_8 : vector<256x256xf32> to vector<256x256xbf16>
    %get3A_10 = arith.constant 0 : index
    %get3A_11 = arith.constant 0 : index
    %get3A_12 = vector.load %arg6[%get3A_10, %get3A_11] : memref<8192x256xbf16, #tpu.memory_space<vmem>>, vector<8192x256xbf16>
    %get3A_13 = arith.constant 0 : index
    %get3A_14 = arith.constant 0 : index
    %get3A_15 = vector.load %arg7[%get3A_13, %get3A_14] : memref<8192x256xbf16, #tpu.memory_space<vmem>>, vector<8192x256xbf16>
    %get3A_16 = arith.constant 0 : index
    %get3A_17 = arith.constant 0 : index
    %get3A_18 = vector.load %arg8[%get3A_16, %get3A_17] : memref<8192x256xbf16, #tpu.memory_space<vmem>>, vector<8192x256xbf16>
    %dot_general3A = arith.constant dense<0.000000e+00> : vector<256x8192xf32>
    %dot_general3A_19 = tpu.matmul %convert_element_type3A_4, %get3A_12, %dot_general3A {dimension_numbers = #tpu.dot_dimension_numbers<[1], [1], [0], [0], [0, 0, 1, 0], [], []>, transpose_lhs_hint = false} : vector<256x256xbf16>, vector<8192x256xbf16>, vector<256x8192xf32> -> vector<256x8192xf32>
    %dot_general3A_20 = arith.constant dense<0.000000e+00> : vector<256x8192xf32>
    %dot_general3A_21 = tpu.matmul %convert_element_type3A_4, %get3A_15, %dot_general3A_20 {dimension_numbers = #tpu.dot_dimension_numbers<[1], [1], [0], [0], [0, 0, 1, 0], [], []>, transpose_lhs_hint = false} : vector<256x256xbf16>, vector<8192x256xbf16>, vector<256x8192xf32> -> vector<256x8192xf32>
    %add3A = arith.addf %dot_general3A_19, %dot_general3A_21 : vector<256x8192xf32>
    %dot_general3A_22 = arith.constant dense<0.000000e+00> : vector<256x8192xf32>
    %dot_general3A_23 = tpu.matmul %convert_element_type3A_6, %get3A_12, %dot_general3A_22 {dimension_numbers = #tpu.dot_dimension_numbers<[1], [1], [0], [0], [0, 0, 1, 0], [], []>, transpose_lhs_hint = false} : vector<256x256xbf16>, vector<8192x256xbf16>, vector<256x8192xf32> -> vector<256x8192xf32>
    %add3A_24 = arith.addf %add3A, %dot_general3A_23 : vector<256x8192xf32>
    %dot_general3A_25 = arith.constant dense<0.000000e+00> : vector<256x8192xf32>
    %dot_general3A_26 = tpu.matmul %convert_element_type3A_4, %get3A_18, %dot_general3A_25 {dimension_numbers = #tpu.dot_dimension_numbers<[1], [1], [0], [0], [0, 0, 1, 0], [], []>, transpose_lhs_hint = false} : vector<256x256xbf16>, vector<8192x256xbf16>, vector<256x8192xf32> -> vector<256x8192xf32>
    %add3A_27 = arith.addf %add3A_24, %dot_general3A_26 : vector<256x8192xf32>
    %dot_general3A_28 = arith.constant dense<0.000000e+00> : vector<256x8192xf32>
    %dot_general3A_29 = tpu.matmul %convert_element_type3A_6, %get3A_15, %dot_general3A_28 {dimension_numbers = #tpu.dot_dimension_numbers<[1], [1], [0], [0], [0, 0, 1, 0], [], []>, transpose_lhs_hint = false} : vector<256x256xbf16>, vector<8192x256xbf16>, vector<256x8192xf32> -> vector<256x8192xf32>
    %add3A_30 = arith.addf %add3A_27, %dot_general3A_29 : vector<256x8192xf32>
    %dot_general3A_31 = arith.constant dense<0.000000e+00> : vector<256x8192xf32>
    %dot_general3A_32 = tpu.matmul %convert_element_type3A_9, %get3A_12, %dot_general3A_31 {dimension_numbers = #tpu.dot_dimension_numbers<[1], [1], [0], [0], [0, 0, 1, 0], [], []>, transpose_lhs_hint = false} : vector<256x256xbf16>, vector<8192x256xbf16>, vector<256x8192xf32> -> vector<256x8192xf32>
    %add3A_33 = arith.addf %add3A_30, %dot_general3A_32 : vector<256x8192xf32>
    %get3A_34 = arith.constant 0 : index
    %get3A_35 = arith.constant 0 : index
    %get3A_36 = vector.load %arg5[%get3A_34, %get3A_35] : memref<1x8192xf32, #tpu.memory_space<vmem>>, vector<1x8192xf32>
    %mul3A = arith.constant 2.000000e+00 : f32
    %mul3A_37 = vector.broadcast %mul3A : f32 to vector<256x8192xf32>
    %mul3A_38 = arith.mulf %mul3A_37, %add3A_33 : vector<256x8192xf32>
    %sub3A_39 = vector.broadcast %get3A_36 : vector<1x8192xf32> to vector<256x8192xf32>
    %sub3A_40 = arith.subf %sub3A_39, %mul3A_38 : vector<256x8192xf32>
    %reduce_min3A = arith.constant dense<0x7F800000> : vector<256xf32>
    %reduce_min3A_41 = vector.multi_reduction <minimumf>, %sub3A_40, %reduce_min3A [1] : vector<256x8192xf32> to vector<256xf32>
    %broadcast_in_dim3A = vector.shape_cast %reduce_min3A_41 : vector<256xf32> to vector<256x1xf32>
    %iota3A = tpu.iota {dimensions = array<i32: 1>} : vector<256x8192xi32>
    %eq3A_42 = vector.broadcast %broadcast_in_dim3A : vector<256x1xf32> to vector<256x8192xf32>
    %eq3A_43 = arith.cmpf oeq, %sub3A_40, %eq3A_42 : vector<256x8192xf32>
    %jit3A = arith.constant 8192 : i32
    %broadcast_in_dim3A_44 = vector.broadcast %jit3A : i32 to vector<256x8192xi32>
    %select_n3A = arith.select %eq3A_43, %iota3A, %broadcast_in_dim3A_44 : vector<256x8192xi1>, vector<256x8192xi32>
    %reduce_min3A_45 = arith.constant dense<2147483647> : vector<256xi32>
    %reduce_min3A_46 = vector.multi_reduction <minsi>, %select_n3A, %reduce_min3A_45 [1] : vector<256x8192xi32> to vector<256xi32>
    %broadcast_in_dim3A_47 = vector.shape_cast %reduce_min3A_46 : vector<256xi32> to vector<256x1xi32>
    %eq3A_48 = vector.broadcast %broadcast_in_dim3A_47 : vector<256x1xi32> to vector<256x8192xi32>
    %eq3A_49 = arith.cmpi eq, %iota3A, %eq3A_48 : vector<256x8192xi32>
    %jit3A_50 = arith.constant 3.000000e+38 : f32
    %broadcast_in_dim3A_51 = vector.broadcast %jit3A_50 : f32 to vector<256x8192xf32>
    %select_n3A_52 = arith.select %eq3A_49, %broadcast_in_dim3A_51, %sub3A_40 : vector<256x8192xi1>, vector<256x8192xf32>
    %argmin3A = tpu.reduce_index %select_n3A_52 {axis = 1 : i32, kind = #tpu.reduction_kind<arg_min>} : vector<256x8192xf32> -> vector<256xi32>
    %reshape3A = vector.shape_cast %reduce_min3A_46 : vector<256xi32> to vector<1x1x256xi32>
    %swap3A = arith.constant 0 : index
    %swap3A_53 = arith.constant 0 : index
    %swap3A_54 = arith.constant 0 : index
    %swap3A_55 = vector.load %arg3[%swap3A, %swap3A_53, %swap3A_54] : memref<1x1x256xi32, #tpu.memory_space<vmem>>, vector<1x1x256xi32>
    tpu.vector_store %arg3[%swap3A, %swap3A_53, %swap3A_54], %reshape3A {strides = array<i32>} : memref<1x1x256xi32, #tpu.memory_space<vmem>>, vector<1x1x256xi32>,
    %reshape3A_56 = vector.shape_cast %argmin3A : vector<256xi32> to vector<1x1x256xi32>
    %swap3A_57 = arith.constant 0 : index
    %swap3A_58 = arith.constant 0 : index
    %swap3A_59 = arith.constant 0 : index
    %swap3A_60 = vector.load %arg4[%swap3A_57, %swap3A_58, %swap3A_59] : memref<1x1x256xi32, #tpu.memory_space<vmem>>, vector<1x1x256xi32>
    tpu.vector_store %arg4[%swap3A_57, %swap3A_58, %swap3A_59], %reshape3A_56 {strides = array<i32>} : memref<1x1x256xi32, #tpu.memory_space<vmem>>, vector<1x1x256xi32>,
    return
  }
  func.func @transform_0(%arg0: i32) -> (i32, i32) {
    %c0_i32 = arith.constant 0 : i32
    %c0_i32_0 = arith.constant 0 : i32
    return %arg0, %c0_i32 : i32, i32
  }
  func.func @transform_1(%arg0: i32) -> (i32, i32) {
    %c0_i32 = arith.constant 0 : i32
    %c0_i32_0 = arith.constant 0 : i32
    %c0_i32_1 = arith.constant 0 : i32
    return %c0_i32, %c0_i32_0 : i32, i32
  }
  func.func @transform_2(%arg0: i32) -> (i32, i32, i32) {
    %c0_i32 = arith.constant 0 : i32
    %c0_i32_0 = arith.constant 0 : i32
    %c0_i32_1 = arith.constant 0 : i32
    return %c0_i32, %c0_i32_0, %arg0 : i32, i32, i32
  }
  func.func @transform_3(%arg0: i32) -> (i32, i32, i32) {
    %c0_i32 = arith.constant 0 : i32
    %c0_i32_0 = arith.constant 0 : i32
    %c0_i32_1 = arith.constant 0 : i32
    return %c0_i32, %c0_i32_0, %arg0 : i32, i32, i32
  }
}

</mosaic_0001>

<sc_bundles>
// kernel: kernel.26.cloned.1.call-start
scs
__scs_entry_jumppad:
0x0: {  	(pc) =	sbr.rel $0x88, $3  }
0x1: {  	(tag) =	ssettag $0x0;
	lr =	simm.s32 $0x1  }
0x2: {  	[smem:$0x3F9F] =	sst lr;
	_ =	strace $0xD0000000  }
0x3: {  	_ = 	snop  }
0x4: {  	_ = 	snop  }
0x5: {  	_ = 	snop  }
0x6: {  	_ = 	snop  }
0x7: {  	_ = 	snop  }
__scs_overlays_trampoline_lowered:
0x8: {  	[smem:$0x3FAE] =	sst s0  }
0x9: {  	[smem:$0x3FAF] =	sst s1  }
0xa: {  	[smem:$0x3FB0] =	sst s2  }
0xb: {  	[smem:$0x3FB1] =	sst s3  }
0xc: {  	[smem:$0x3FB2] =	sst s4  }
0xd: {  	[smem:$0x3FB3] =	sst s5  }
0xe: {  	[smem:$0x3FB4] =	sst s6  }
0xf: {  	[smem:$0x3FB5] =	sst s7  }
0x10: {  	[smem:$0x3FB6] =	sst s8  }
0x11: {  	[smem:$0x3FB7] =	sst s9;
	s0 =	simm.s32 @!p0 $0x0  }
0x12: {  	s1 =	sld [smem:$0x3F9D];
	s0 =	simm.s32 @p0 $0x1  }
0x13: {  	[smem:$0x3FB8] =	sst s0;
	s0 =	simm.s32 @!p1 $0x0  }
0x14: {  	s2 =	sld [smem:$0x3F9C];
	s0 =	simm.s32 @p1 $0x1  }
0x15: {  	[smem:$0x3FB9] =	sst s0;
	s0 =	simm.s32 @!p2 $0x0  }
0x16: {  	s3 =	sld [smem:$0x3FDB];
	s0 =	simm.s32 @p2 $0x1  }
0x17: {  	s4 =	simm.s32 $0x1BF5;
	[smem:$0x3FBB] =	sst s0  }
0x18: {  	s0 =	sld [smem:$0x3F9E];
	_ =	swait.ge [sflag:s4], $0x0  }
0x19: {  	s7 =	sld [smem:$0x3F9F]  }
0x1a: {  	s8 =	sadd.s32 $0xFFFFE003, lr  }
0x1b: {  	s9 =	sadd.s32 $0xFFFFFEF7, lr;
	s5 =	simm.s32 $0xFFFFFFFF;
	p2 =	slt.u32 s8, $0xFFFFF086  }
0x1c: {  	p1 =	slt.u32 s9, $0xF7A;
	s5 =	simm.s32 @!p2 $0x0  }
0x1d: {  	s5 =	simm.s32 @p1 $0x1;
	p0 =	seq.s32 s7, s2  }
0x1e: {  	s7 =	smul.u32 @!p0 $0xF7A, s2;
	p2 =	seq.s32 @!p0 s5, $0x0  }
0x1f: {  	s9 =	smul.u32 $0xF7A, s1;
	s8 =	simm.s32 @!p0 $0x1BF5;
	p2 =	por !p2, p0  }
0x20: {  	[sflag:s8] =	ssyncset.s32 @!p0 $0xFFFFF086;
	s6 =	sadd.s32 @!p0 s3, s7;
	s7 =	simm.s32 @!p0 $0x108  }
0x21: {  	s3 =	sadd.s32 s3, s9;
	s6 =	sadd.s32 @!p0 $0x88, s6;
	s7 =	simm.s32 @p2 $0x1082  }
0x22: {  	[simem:s7], [sflag:s8] =	dma.local @!p0 [hbm:s6], $0xF7A  }
0x23: {  	s9 =	sor.u32 $0xD0000000, s2;
	s6 =	simm.s32 $0x108;
	_ =	swait.ge @!p0 [sflag:s8], $0x0  }
0x24: {  	s3 =	sadd.s32 $0x88, s3;
	s6 =	simm.s32 @!p1 $0x1082;
	[sflag:s4] =	ssyncset.s32 $0xFFFFF086  }
0x25: {  	[simem:s6], [sflag:s4] =	dma.local [hbm:s3], $0xF7A  }
0x26: {  	[smem:$0x3F9F] =	sst s1;
	(tag) =	ssettag s2;
	_ =	strace s9  }
0x27: {  	s1 =	sld [smem:$0x3FAF]  }
0x28: {  	s2 =	sld [smem:$0x3FB0]  }
0x29: {  	s4 =	sld [smem:$0x3FB2]  }
0x2a: {  	p0 =	seq.s32 s5, $0x0;
	s5 =	sld [smem:$0x3FB3]  }
0x2b: {  	s6 =	sld [smem:$0x3FB4]  }
0x2c: {  	s7 =	sld [smem:$0x3FB5]  }
0x2d: {  	s3 =	simm.s32 $0x108;
	s8 =	sld [smem:$0x3FB6]  }
0x2e: {  	s3 =	simm.s32 @!p0 $0x1082;
	s9 =	sld [smem:$0x3FB7]  }
0x2f: {  	lr =	sadd.s32 s0, s3;
	s0 =	sld [smem:$0x3FAE]  }
0x30: {  	s3 =	sld [smem:$0x3FB1]  }
0x31: {  	[smem:$0x3FBA] =	sst s10  }
0x32: {  	s10 =	sld [smem:$0x3FB8];
	_ =	sdelay $0x3  }
0x33: {  	p0 =	seq.s32 s10, $0x1;
	s10 =	sld [smem:$0x3FBA];
	_ =	sdelay $0x3  }
0x34: {  	[smem:$0x3FBA] =	sst s10  }
0x35: {  	s10 =	sld [smem:$0x3FB9];
	_ =	sdelay $0x3  }
0x36: {  	p1 =	seq.s32 s10, $0x1;
	s10 =	sld [smem:$0x3FBA];
	_ =	sdelay $0x3  }
0x37: {  	[smem:$0x3FBA] =	sst s10  }
0x38: {  	s10 =	sld [smem:$0x3FBB]  }
0x39: {  	_ = 	snop;
	(pc) =	sbr.ind lr, $3  }
0x3a: {  	_ = 	snop  }
0x3b: {  	_ = 	snop  }
0x3c: {  	p2 =	seq.s32 s10, $0x1;
	s10 =	sld [smem:$0x3FBA]  }
0x3d: {  	_ =	shalt  }
0x3e: {  	_ =	shalt  }
0x3f: {  	_ =	shalt  }
0x40: {  	_ =	shalt  }
0x41: {  	_ =	shalt  }
0x42: {  	_ =	shalt  }
0x43: {  	_ =	shalt  }
0x44: {  	_ =	shalt  }
0x45: {  	_ =	shalt  }
0x46: {  	_ =	shalt  }
0x47: {  	_ =	shalt  }
0x48: {  	_ =	shalt  }
0x49: {  	_ =	shalt  }
0x4a: {  	_ =	shalt  }
0x4b: {  	_ =	shalt  }
0x4c: {  	_ =	shalt  }
0x4d: {  	_ =	shalt  }
0x4e: {  	_ =	shalt  }
0x4f: {  	_ =	shalt  }
0x50: {  	_ =	shalt  }
0x51: {  	_ =	shalt  }
0x52: {  	_ =	shalt  }
0x53: {  	_ =	shalt  }
0x54: {  	_ =	shalt  }
0x55: {  	_ =	shalt  }
0x56: {  	_ =	shalt  }
0x57: {  	_ =	shalt  }
0x58: {  	_ =	shalt  }
0x59: {  	_ =	shalt  }
0x5a: {  	_ =	shalt  }
0x5b: {  	_ =	shalt  }
0x5c: {  	_ =	shalt  }
0x5d: {  	_ =	shalt  }
0x5e: {  	_ =	shalt  }
0x5f: {  	_ =	shalt  }
0x60: {  	_ =	shalt  }
0x61: {  	_ =	shalt  }
0x62: {  	_ =	shalt  }
0x63: {  	_ =	shalt  }
0x64: {  	_ =	shalt  }
0x65: {  	_ =	shalt  }
0x66: {  	_ =	shalt  }
0x67: {  	_ =	shalt  }
0x68: {  	_ =	shalt  }
0x69: {  	_ =	shalt  }
0x6a: {  	_ =	shalt  }
0x6b: {  	_ =	shalt  }
0x6c: {  	_ =	shalt  }
0x6d: {  	_ =	shalt  }
0x6e: {  	_ =	shalt  }
0x6f: {  	_ =	shalt  }
0x70: {  	_ =	shalt  }
0x71: {  	_ =	shalt  }
0x72: {  	_ =	shalt  }
0x73: {  	_ =	shalt  }
0x74: {  	_ =	shalt  }
0x75: {  	_ =	shalt  }
0x76: {  	_ =	shalt  }
0x77: {  	_ =	shalt  }
0x78: {  	_ =	shalt  }
0x79: {  	_ =	shalt  }
0x7a: {  	_ =	shalt  }
0x7b: {  	_ =	shalt  }
0x7c: {  	_ =	shalt  }
0x7d: {  	_ =	shalt  }
0x7e: {  	_ =	shalt  }
0x7f: {  	_ =	shalt  }
0x80: {  	_ =	shalt  }
0x81: {  	_ =	shalt  }
0x82: {  	_ =	shalt  }
0x83: {  	_ =	shalt  }
0x84: {  	_ =	shalt  }
0x85: {  	_ =	shalt  }
0x86: {  	_ =	shalt  }
0x87: {  	_ =	shalt  }
.Lfunc_end0:
.L_simem_size_0:
called_computation_lowered:
.L_overlay_start_0:
0x88: {  	s2 =	sld [smem:$0x3FD9]  }
0x89: {  	s3 =	sld [smem:$0x3FFE];
	_ =	sdelay $0x1  }
0x8a: {  	s1 =	srdreg.scid  }
0x8b: {  	s0 =	sand.u32 $0x1, s1  }
0x8c: {  	s14 =	sshll.u32 s0, $0xA;
	s2 =	sadd.s32 s3, s2  }
0x8d: {  	s2 =	sadd.s32 s2, s14  }
0x8e: {  	[smem:$0x3FC6] =	sst s2  }
0x8f: {  	_ = 	snop  }
0x90: {  	s2 =	sld [smem:$0x3FD0];
	_ =	sdelay $0x2  }
0x91: {  	s15 =	simm.s32 $0xA;
	s4 =	simm.s32 $0x10  }
0x92: {  	[smem:s4], [sflag:s15] =	dma.local [hbm:s2], $0x1  }
0x93: {  	_ =	swait.eq [sflag:s15], $0x1  }
0x94: {  	[sflag:s15] =	ssyncset.done $0x0  }
0x95: {  	s16 =	sld [smem:$0x10];
	[sflag:s15] =	ssyncadd.s32 $0xFFFFFFFF  }
0x96: {  	s17 =	sld [smem:$0x11];
	(tm) =	ssettm $0x1  }
0x97: {  	s18 =	sld [smem:$0x3FFB];
	_ =	sdelay $0x3  }
0x98: {  	_ =	strace s18  }
0x99: {  	s4 =	sld [smem:$0x3FFC];
	_ =	sdelay $0x3  }
0x9a: {  	_ =	strace s4  }
0x9b: {  	s4 =	sld [smem:$0x3FFD];
	_ =	sdelay $0x3  }
0x9c: {  	_ =	strace s4  }
0x9d: {  	_ =	strace $0x8FFFFFFF  }
0x9e: {  	s19 =	sld [smem:$0x3FDB];
	_ =	sdelay $0x1  }
0x9f: {  	s5 =	simm.s32 $_scs_section_size  }
0xa0: {  	s6 =	simm.s32 $_size__tile_overlayer_lowered;
	s7 =	simm.s32 $_tile_overlayer_lowered  }
0xa1: {  	s22 =	simm.s32 $0x1BFF;
	s21 =	sshll.u32 s7, $0x1;
	s4 =	sadd.s32 s5, s19  }
0xa2: {  	s8 =	simm.s32 $0x0;
	s20 =	sshll.u32 s6, $0x1;
	s6 =	sadd.s32 s21, s4  }
0xa3: {  	[timem:s8], [sflag:s22] =	dma.local [hbm:s6], s20  }
0xa4: {  	_ =	swait.ge [sflag:s22], s20  }
0xa5: {  	s5 =	ssub.s32 $0x0, s20;
	[sflag:s22] =	ssyncset.done $0x0  }
0xa6: {  	[sflag:s22] =	ssyncadd.s32 s5;
	_ =	sdelay $0x1  }
0xa7: {  	s23 =	simm.s32 $0x1B8B  }
0xa8: {  	_ =	swait.ge [sflag:s23], $0x1  }
0xa9: {  	[sflag:s23] =	ssyncset.done $0x0  }
0xaa: {  	s25 =	simm.s32 $0x1B8E;
	s24 =	sld [smem:$0x3FFE];
	[sflag:s23] =	ssyncadd.s32 $0xFFFFFFFF  }
0xab: {  	s26 =	simm.s32 $execute0_lowered;
	[smem:$0x3FD2] =	sst s25  }
0xac: {  	s6 =	sshll.u32 s26, $0x1;
	_ =	strace $0x80000046;
	[dreg:$0x1] =	wrdreg $0xFFFFFFFF  }
0xad: {  	s28 =	simm.s32 $_size_execute0_lowered;
	s4 =	sadd.s32 s4, s6;
	[dreg:$0x0] =	wrdreg $0x0  }
0xae: {  	s6 =	sshll.u32 s28, $0x1;
	[dreg:$0x2] =	wrdreg s4  }
0xaf: {  	[dreg:$0x3] =	wrdreg s6  }
0xb0: {  	[dreg:$0x4] =	wrdreg $0xC0  }
0xb1: {  	_ =	task [dreg:s8], $0x5FFFF  }
0xb2: {  	[dreg:$0x1] =	wrdreg $0xFFFFFFFF  }
0xb3: {  	[dreg:$0x0] =	wrdreg $0x60  }
0xb4: {  	[dreg:$0x2] =	wrdreg s24  }
0xb5: {  	[dreg:$0x3] =	wrdreg s16  }
0xb6: {  	[dreg:$0x4] =	wrdreg s17  }
0xb7: {  	[dreg:$0x5] =	wrdreg $0x9  }
0xb8: {  	_ =	task.clear_ibuf [dreg:s8], $0x6FFFF;
	_ =	strace $0x90000046  }
0xb9: {  	s29 =	simm.s32 $0x9;
	_ =	strace $0x80000048  }
0xba: {  	_ =	swait.ge [sflag:s29], $0x1  }
0xbb: {  	[sflag:s29] =	ssyncadd.s32 $0xFFFFFFFF  }
0xbc: {  	_ =	strace $0x90000048  }
0xbd: {  	_ =	sfence  }
0xbe: {  	s30 =	sld [smem:$0x0];
	_ =	sdelay $0x2  }
0xbf: {  	s31 =	sshll.u32 s1, $0xD;
	s1 =	sshrl.u32 s1, $0x2  }
0xc0: {  	s3 =	sand.u32 $0x4000, s31;
	s1 =	sadd.s32 s1, s30  }
0xc1: {  	s0 =	sor.u32 s3, s0;
	s1 =	sshll.u32 s1, $0x11  }
0xc2: {  	s0 =	sor.u32 s1, s0  }
0xc3: {  	s0 =	sadd.s32 $0x8F2B, s0  }
0xc4: {  	[sflag:s0] =	ssyncadd.remote.s32 $0x1  }
0xc5: {  	_ =	sfence.sel $0xFFFF  }
0xc6: {  	[dreg:$0x0] =	wrdreg $0xFFFFFFFF;
	(pc) =	sbr.abs _section_cstart, $3  }
0xc7: {  	[dreg:$0x1] =	wrdreg $0xFFFFFFFF  }
0xc8: {  	_ =	task.clear_ibuf [dreg:s8], $0x2FFFF;
	_ =	strace $0x9FFFFFFF  }
0xc9: {  	(tm) =	ssettm $0x7FFFFFFF  }
tec
execute0_lowered:
.L_overlay_start_1:
0x0: {  	(tag) =	ssettag $0x1  }
0x1: {  	s1 =	rddreg [dreg:$0x0];
	s2 =	srdreg.scid  }
0x2: {  	s3 =	rddreg [dreg:$0x1];
	s0 =	stileid.u32  }
0x3: {  	s5 =	rddreg [dreg:$0x2];
	s17 =	simm.s32 $0x80;
	s18 =	simm.s32 $0x900  }
0x4: {  	s19 =	simm.s32 $0x1100;
	s4 =	sand.u32 $0x1, s2;
	s2 =	simm.s32 $0x0  }
0x5: {  	s20 =	simm.s32 $0x1900;
	s21 =	simm.s32 $0x2100;
	[smem:$0x7FF] =	sst s2  }
0x6: {  	s23 =	simm.s32 $0x2900;
	_ =	strace $0x80000047;
	[dreg:$0x8] =	wrdreg s17  }
0x7: {  	s24 =	simm.s32 $0x3100;
	s25 =	simm.s32 $0x3900;
	[dreg:$0x9] =	wrdreg s18  }
0x8: {  	s26 =	simm.s32 $0x4100;
	s9 =	simm.s32 $0x5900;
	[dreg:$0xa] =	wrdreg s19  }
0x9: {  	s10 =	simm.s32 $0x6100;
	s11 =	simm.s32 $0x6900;
	[dreg:$0xb] =	wrdreg s20  }
0xa: {  	s12 =	simm.s32 $0x7100;
	s28 =	simm.s32 $0xE900;
	[dreg:$0xc] =	wrdreg s21  }
0xb: {  	s29 =	simm.s32 $0xF100;
	s30 =	simm.s32 $0xF900;
	[dreg:$0xd] =	wrdreg s23  }
0xc: {  	s31 =	simm.s32 $0x1;
	s6 =	sshll.u32 s0, $0x8;
	[dreg:$0xe] =	wrdreg s24  }
0xd: {  	s7 =	sshll.u32 s4, $0x7;
	s4 =	ssub.s32 $0x2, s4;
	[dreg:$0xf] =	wrdreg s25  }
0xe: {  	s6 =	sor.u32 s7, s6;
	s22 =	sshrl.u32 s4, $0x1;
	[dreg:$0x10] =	wrdreg s26  }
0xf: {  	s17 =	simm.s32 $0x9900;
	s18 =	simm.s32 $0xA100;
	s19 =	simm.s32 $0xA900  }
0x10: {  	s20 =	simm.s32 $0xB100;
	s21 =	simm.s32 $0xB900;
	s23 =	simm.s32 $0xC900  }
0x11: {  	s24 =	simm.s32 $0xD100;
	s25 =	simm.s32 $0xD900;
	s26 =	simm.s32 $0xE100  }
0x12: {  	s7 =	sshrl.u32 s6, $0x3;
	s6 =	sshll.u32 s6, $0x5;
	s4 =	ssub.s32 s4, s22  }
0x13: {  	s22 =	simm.s32 $0xC100;
	s8 =	sadd.s32 s7, s1;
	s3 =	sadd.s32 s3, s7  }
0x14: {  	s14 =	sadd.s32 s6, s1;
	s15 =	sadd.s32 s5, s6;
	s4 =	smax.u32 s4, $0x1  }
0x15: {  	s5 =	simm.s32 $0x3;
	s6 =	simm.s32 $0x100;
	[dreg:$0x4] =	wrdreg s3  }
0x16: {  	s13 =	sadd.s32 $0x20D400, s8;
	[dreg:$0x6] =	wrdreg s15;
	s16 =	sadd.s32 $0x20D600, s14  }
0x17: {  	v2 =	vlaneseq.u32;
	s3 =	sadd.s32 $0x1CD400, s1;
	s8 =	simm.s32 $0x5100;
	s14 =	simm.s32 $0x8100  }
0x18: {  	vm0 =	vmmov $0xffff;
	v1 =	vshrl.u32 v2, $0x3;
	s15 =	simm.s32 $0x8900;
	s1 =	simm.s32 $0x2;
	[dreg:$0x5] =	wrdreg s13  }
0x19: {  	v0 =	vand.u32 $0x7, v2;
	v2 =	vor.u32 $0x8, v2;
	v1 =	vmul.u32 $0x8, v1;
	[dreg:$0x7] =	wrdreg s16;
	s13 =	simm.s32 $0x7900;
	s16 =	simm.s32 $0x9100  }
.LBB2_1:
0x1a: {  	s0 =	rddreg [dreg:$0x4]  }
0x1b: {  	[tilespmem:s2], [sflag:$0x3] =	stream.linear.gather [hbm4b:s0+s2], $0x80, $0x38;
	[tilespmem:$0x10100] =	vst v63  }
0x1c: {  	_ =	swait.ge [sflag:s5], $0x80  }
0x1d: {  	s0 =	rddreg [dreg:$0x5];
	[sflag:s5] =	ssyncset.done $0x0  }
0x1e: {  	s7 =	rddreg [dreg:$0x8];
	[sflag:s5] =	ssyncadd.s32 $0xFFFFFF80  }
0x1f: {  	[tilespmem:s7], [sflag:$0x3] =	stream.linear.gather [hbm4b:s0+s2], $0x80, $0x38;
	[tilespmem:$0x10100] =	vst v63  }
0x20: {  	_ =	swait.ge [sflag:s5], $0x80  }
0x21: {  	[sflag:s5] =	ssyncset.done $0x0  }
0x22: {  	[sflag:s5] =	ssyncadd.s32 $0xFFFFFF80  }
0x23: {  	v3 =	vld [tilespmem:$0x0];
	_ =	sdelay $0x4  }
0x24: {  	v4 =	vshll.u32 v3, $0x1  }
0x25: {  	v3 =	vand.u32 $0x7, v3;
	v4 =	vand.u32 $0xFFFFFFF0, v4  }
0x26: {  	v3 =	vor.u32 v3, v4  }
0x27: {  	v4 =	vperm.xlane v3, v0;
	_ =	sdelay $0x1  }
0x28: {  	v3 =	vperm.xlane v3, v2;
	v4 =	vadd.s32 v1, v4;
	_ =	sdelay $0x1  }
0x29: {  	v3 =	vadd.s32 v1, v3;
	_ =	sdelay $0x2  }
0x2a: {  	[tilespmem:s6], [sflag:$0x1] =	stream.indirect_vreg.gather [hbm4b:s3+s2], $0x80, v4, vm0, $0xb8;
	[tilespmem:$0x10100] =	vst v63  }
0x2b: {  	s7 =	rddreg [dreg:$0x9]  }
0x2c: {  	[tilespmem:s7], [sflag:$0x1] =	stream.indirect_vreg.gather [hbm4b:s3+s2], $0x80, v3, vm0, $0xb8;
	[tilespmem:$0x10100] =	vst v63  }
0x2d: {  	v3 =	vld [tilespmem:$0x10];
	_ =	sdelay $0x4  }
0x2e: {  	v49 =	vshll.u32 v3, $0x1  }
0x2f: {  	v3 =	vand.u32 $0x7, v3;
	v4 =	vand.u32 $0xFFFFFFF0, v49  }
0x30: {  	v3 =	vor.u32 v3, v4  }
0x31: {  	v4 =	vperm.xlane v3, v0;
	_ =	sdelay $0x1  }
0x32: {  	v3 =	vperm.xlane v3, v2;
	v4 =	vadd.s32 v1, v4;
	_ =	sdelay $0x1  }
0x33: {  	v3 =	vadd.s32 v1, v3;
	_ =	sdelay $0x1  }
0x34: {  	s0 =	rddreg [dreg:$0xa]  }
0x35: {  	[tilespmem:s0], [sflag:$0x1] =	stream.indirect_vreg.gather [hbm4b:s3+s2], $0x80, v4, vm0, $0xb8;
	[tilespmem:$0x10100] =	vst v63  }
0x36: {  	s7 =	rddreg [dreg:$0xb]  }
0x37: {  	[tilespmem:s7], [sflag:$0x1] =	stream.indirect_vreg.gather [hbm4b:s3+s2], $0x80, v3, vm0, $0xb8;
	[tilespmem:$0x10100] =	vst v63  }
0x38: {  	v3 =	vld [tilespmem:$0x20];
	_ =	sdelay $0x4  }
0x39: {  	v50 =	vshll.u32 v3, $0x1  }
0x3a: {  	v3 =	vand.u32 $0x7, v3;
	v4 =	vand.u32 $0xFFFFFFF0, v50  }
0x3b: {  	v3 =	vor.u32 v3, v4  }
0x3c: {  	v4 =	vperm.xlane v3, v0;
	_ =	sdelay $0x1  }
0x3d: {  	v3 =	vperm.xlane v3, v2;
	v4 =	vadd.s32 v1, v4;
	_ =	sdelay $0x1  }
0x3e: {  	v3 =	vadd.s32 v1, v3;
	_ =	sdelay $0x1  }
0x3f: {  	s0 =	rddreg [dreg:$0xc]  }
0x40: {  	[tilespmem:s0], [sflag:$0x1] =	stream.indirect_vreg.gather [hbm4b:s3+s2], $0x80, v4, vm0, $0xb8;
	[tilespmem:$0x10100] =	vst v63  }
0x41: {  	s7 =	rddreg [dreg:$0xd]  }
0x42: {  	[tilespmem:s7], [sflag:$0x1] =	stream.indirect_vreg.gather [hbm4b:s3+s2], $0x80, v3, vm0, $0xb8;
	[tilespmem:$0x10100] =	vst v63  }
0x43: {  	v3 =	vld [tilespmem:$0x30];
	_ =	sdelay $0x4  }
0x44: {  	v51 =	vshll.u32 v3, $0x1  }
0x45: {  	v3 =	vand.u32 $0x7, v3;
	v4 =	vand.u32 $0xFFFFFFF0, v51  }
0x46: {  	v3 =	vor.u32 v3, v4  }
0x47: {  	v4 =	vperm.xlane v3, v0;
	_ =	sdelay $0x1  }
0x48: {  	v3 =	vperm.xlane v3, v2;
	v4 =	vadd.s32 v1, v4;
	_ =	sdelay $0x1  }
0x49: {  	v3 =	vadd.s32 v1, v3;
	_ =	sdelay $0x1  }
0x4a: {  	s0 =	rddreg [dreg:$0xe]  }
0x4b: {  	[tilespmem:s0], [sflag:$0x1] =	stream.indirect_vreg.gather [hbm4b:s3+s2], $0x80, v4, vm0, $0xb8;
	[tilespmem:$0x10100] =	vst v63  }
0x4c: {  	s7 =	rddreg [dreg:$0xf]  }
0x4d: {  	[tilespmem:s7], [sflag:$0x1] =	stream.indirect_vreg.gather [hbm4b:s3+s2], $0x80, v3, vm0, $0xb8;
	[tilespmem:$0x10100] =	vst v63  }
0x4e: {  	v3 =	vld [tilespmem:$0x40];
	_ =	sdelay $0x4  }
0x4f: {  	v52 =	vshll.u32 v3, $0x1  }
0x50: {  	v3 =	vand.u32 $0x7, v3;
	v4 =	vand.u32 $0xFFFFFFF0, v52  }
0x51: {  	v3 =	vor.u32 v3, v4  }
0x52: {  	v4 =	vperm.xlane v3, v0;
	_ =	sdelay $0x1  }
0x53: {  	v3 =	vperm.xlane v3, v2;
	v4 =	vadd.s32 v1, v4;
	_ =	sdelay $0x1  }
0x54: {  	v3 =	vadd.s32 v1, v3;
	_ =	sdelay $0x1  }
0x55: {  	s7 =	rddreg [dreg:$0x10]  }
0x56: {  	[tilespmem:s7], [sflag:$0x1] =	stream.indirect_vreg.gather [hbm4b:s3+s2], $0x80, v4, vm0, $0xb8;
	[tilespmem:$0x10100] =	vst v63  }
0x57: {  	s7 =	simm.s32 $0x4900  }
0x58: {  	[tilespmem:s7], [sflag:$0x1] =	stream.indirect_vreg.gather [hbm4b:s3+s2], $0x80, v3, vm0, $0xb8;
	[tilespmem:$0x10100] =	vst v63  }
0x59: {  	v3 =	vld [tilespmem:$0x50];
	_ =	sdelay $0x4  }
0x5a: {  	v53 =	vshll.u32 v3, $0x1  }
0x5b: {  	v3 =	vand.u32 $0x7, v3;
	v4 =	vand.u32 $0xFFFFFFF0, v53  }
0x5c: {  	v3 =	vor.u32 v3, v4  }
0x5d: {  	v4 =	vperm.xlane v3, v0;
	_ =	sdelay $0x1  }
0x5e: {  	v3 =	vperm.xlane v3, v2;
	v4 =	vadd.s32 v1, v4;
	_ =	sdelay $0x1  }
0x5f: {  	v3 =	vadd.s32 v1, v3;
	_ =	sdelay $0x2  }
0x60: {  	[tilespmem:s8], [sflag:$0x1] =	stream.indirect_vreg.gather [hbm4b:s3+s2], $0x80, v4, vm0, $0xb8;
	[tilespmem:$0x10100] =	vst v63  }
0x61: {  	_ = 	snop  }
0x62: {  	[tilespmem:s9], [sflag:$0x1] =	stream.indirect_vreg.gather [hbm4b:s3+s2], $0x80, v3, vm0, $0xb8;
	[tilespmem:$0x10100] =	vst v63  }
0x63: {  	v3 =	vld [tilespmem:$0x60];
	_ =	sdelay $0x4  }
0x64: {  	v54 =	vshll.u32 v3, $0x1  }
0x65: {  	v3 =	vand.u32 $0x7, v3;
	v4 =	vand.u32 $0xFFFFFFF0, v54  }
0x66: {  	v3 =	vor.u32 v3, v4  }
0x67: {  	v4 =	vperm.xlane v3, v0;
	_ =	sdelay $0x1  }
0x68: {  	v3 =	vperm.xlane v3, v2;
	v4 =	vadd.s32 v1, v4;
	_ =	sdelay $0x1  }
0x69: {  	v3 =	vadd.s32 v1, v3;
	_ =	sdelay $0x2  }
0x6a: {  	[tilespmem:s10], [sflag:$0x1] =	stream.indirect_vreg.gather [hbm4b:s3+s2], $0x80, v4, vm0, $0xb8;
	[tilespmem:$0x10100] =	vst v63  }
0x6b: {  	_ = 	snop  }
0x6c: {  	[tilespmem:s11], [sflag:$0x1] =	stream.indirect_vreg.gather [hbm4b:s3+s2], $0x80, v3, vm0, $0xb8;
	[tilespmem:$0x10100] =	vst v63  }
0x6d: {  	v3 =	vld [tilespmem:$0x70];
	_ =	sdelay $0x4  }
0x6e: {  	v55 =	vshll.u32 v3, $0x1  }
0x6f: {  	v3 =	vand.u32 $0x7, v3;
	v4 =	vand.u32 $0xFFFFFFF0, v55  }
0x70: {  	v3 =	vor.u32 v3, v4  }
0x71: {  	v4 =	vperm.xlane v3, v0;
	_ =	sdelay $0x1  }
0x72: {  	v3 =	vperm.xlane v3, v2;
	v4 =	vadd.s32 v1, v4;
	_ =	sdelay $0x1  }
0x73: {  	v3 =	vadd.s32 v1, v3;
	_ =	sdelay $0x2  }
0x74: {  	[tilespmem:s12], [sflag:$0x1] =	stream.indirect_vreg.gather [hbm4b:s3+s2], $0x80, v4, vm0, $0xb8;
	[tilespmem:$0x10100] =	vst v63  }
0x75: {  	_ = 	snop  }
0x76: {  	[tilespmem:s13], [sflag:$0x1] =	stream.indirect_vreg.gather [hbm4b:s3+s2], $0x80, v3, vm0, $0xb8;
	[tilespmem:$0x10100] =	vst v63  }
0x77: {  	v3 =	vld [tilespmem:$0x80];
	_ =	sdelay $0x4  }
0x78: {  	v56 =	vshll.u32 v3, $0x1  }
0x79: {  	v3 =	vand.u32 $0x7, v3;
	v4 =	vand.u32 $0xFFFFFFF0, v56  }
0x7a: {  	v3 =	vor.u32 v3, v4  }
0x7b: {  	v4 =	vperm.xlane v3, v0;
	_ =	sdelay $0x1  }
0x7c: {  	v3 =	vperm.xlane v3, v2;
	v4 =	vadd.s32 v1, v4;
	_ =	sdelay $0x1  }
0x7d: {  	v3 =	vadd.s32 v1, v3;
	_ =	sdelay $0x2  }
0x7e: {  	[tilespmem:s14], [sflag:$0x2] =	stream.indirect_vreg.gather [hbm4b:s3+s2], $0x80, v4, vm0, $0xb8;
	[tilespmem:$0x10100] =	vst v63  }
0x7f: {  	_ = 	snop  }
0x80: {  	[tilespmem:s15], [sflag:$0x2] =	stream.indirect_vreg.gather [hbm4b:s3+s2], $0x80, v3, vm0, $0xb8;
	[tilespmem:$0x10100] =	vst v63  }
0x81: {  	v3 =	vld [tilespmem:$0x90];
	_ =	sdelay $0x4  }
0x82: {  	v57 =	vshll.u32 v3, $0x1  }
0x83: {  	v3 =	vand.u32 $0x7, v3;
	v4 =	vand.u32 $0xFFFFFFF0, v57  }
0x84: {  	v3 =	vor.u32 v3, v4  }
0x85: {  	v4 =	vperm.xlane v3, v0;
	_ =	sdelay $0x1  }
0x86: {  	v3 =	vperm.xlane v3, v2;
	v4 =	vadd.s32 v1, v4;
	_ =	sdelay $0x1  }
0x87: {  	v3 =	vadd.s32 v1, v3;
	_ =	sdelay $0x2  }
0x88: {  	[tilespmem:s16], [sflag:$0x2] =	stream.indirect_vreg.gather [hbm4b:s3+s2], $0x80, v4, vm0, $0xb8;
	[tilespmem:$0x10100] =	vst v63  }
0x89: {  	_ = 	snop  }
0x8a: {  	[tilespmem:s17], [sflag:$0x2] =	stream.indirect_vreg.gather [hbm4b:s3+s2], $0x80, v3, vm0, $0xb8;
	[tilespmem:$0x10100] =	vst v63  }
0x8b: {  	v3 =	vld [tilespmem:$0xA0];
	_ =	sdelay $0x4  }
0x8c: {  	v58 =	vshll.u32 v3, $0x1  }
0x8d: {  	v3 =	vand.u32 $0x7, v3;
	v4 =	vand.u32 $0xFFFFFFF0, v58  }
0x8e: {  	v3 =	vor.u32 v3, v4  }
0x8f: {  	v4 =	vperm.xlane v3, v0;
	_ =	sdelay $0x1  }
0x90: {  	v3 =	vperm.xlane v3, v2;
	v4 =	vadd.s32 v1, v4;
	_ =	sdelay $0x1  }
0x91: {  	v3 =	vadd.s32 v1, v3;
	_ =	sdelay $0x2  }
0x92: {  	[tilespmem:s18], [sflag:$0x2] =	stream.indirect_vreg.gather [hbm4b:s3+s2], $0x80, v4, vm0, $0xb8;
	[tilespmem:$0x10100] =	vst v63  }
0x93: {  	_ = 	snop  }
0x94: {  	[tilespmem:s19], [sflag:$0x2] =	stream.indirect_vreg.gather [hbm4b:s3+s2], $0x80, v3, vm0, $0xb8;
	[tilespmem:$0x10100] =	vst v63  }
0x95: {  	v3 =	vld [tilespmem:$0xB0];
	_ =	sdelay $0x4  }
0x96: {  	v59 =	vshll.u32 v3, $0x1  }
0x97: {  	v3 =	vand.u32 $0x7, v3;
	v4 =	vand.u32 $0xFFFFFFF0, v59  }
0x98: {  	v3 =	vor.u32 v3, v4  }
0x99: {  	v4 =	vperm.xlane v3, v0;
	_ =	sdelay $0x1  }
0x9a: {  	v3 =	vperm.xlane v3, v2;
	v4 =	vadd.s32 v1, v4;
	_ =	sdelay $0x1  }
0x9b: {  	v3 =	vadd.s32 v1, v3;
	_ =	sdelay $0x2  }
0x9c: {  	[tilespmem:s20], [sflag:$0x2] =	stream.indirect_vreg.gather [hbm4b:s3+s2], $0x80, v4, vm0, $0xb8;
	[tilespmem:$0x10100] =	vst v63  }
0x9d: {  	_ = 	snop  }
0x9e: {  	[tilespmem:s21], [sflag:$0x2] =	stream.indirect_vreg.gather [hbm4b:s3+s2], $0x80, v3, vm0, $0xb8;
	[tilespmem:$0x10100] =	vst v63  }
0x9f: {  	v3 =	vld [tilespmem:$0xC0];
	_ =	sdelay $0x4  }
0xa0: {  	v60 =	vshll.u32 v3, $0x1  }
0xa1: {  	v3 =	vand.u32 $0x7, v3;
	v4 =	vand.u32 $0xFFFFFFF0, v60  }
0xa2: {  	v3 =	vor.u32 v3, v4  }
0xa3: {  	v4 =	vperm.xlane v3, v0;
	_ =	sdelay $0x1  }
0xa4: {  	v3 =	vperm.xlane v3, v2;
	v4 =	vadd.s32 v1, v4;
	_ =	sdelay $0x1  }
0xa5: {  	v3 =	vadd.s32 v1, v3;
	_ =	sdelay $0x2  }
0xa6: {  	[tilespmem:s22], [sflag:$0x2] =	stream.indirect_vreg.gather [hbm4b:s3+s2], $0x80, v4, vm0, $0xb8;
	[tilespmem:$0x10100] =	vst v63  }
0xa7: {  	_ = 	snop  }
0xa8: {  	[tilespmem:s23], [sflag:$0x2] =	stream.indirect_vreg.gather [hbm4b:s3+s2], $0x80, v3, vm0, $0xb8;
	[tilespmem:$0x10100] =	vst v63  }
0xa9: {  	v3 =	vld [tilespmem:$0xD0];
	_ =	sdelay $0x4  }
0xaa: {  	v61 =	vshll.u32 v3, $0x1  }
0xab: {  	v3 =	vand.u32 $0x7, v3;
	v4 =	vand.u32 $0xFFFFFFF0, v61  }
0xac: {  	v3 =	vor.u32 v3, v4  }
0xad: {  	v4 =	vperm.xlane v3, v0;
	_ =	sdelay $0x1  }
0xae: {  	v3 =	vperm.xlane v3, v2;
	v4 =	vadd.s32 v1, v4;
	_ =	sdelay $0x1  }
0xaf: {  	v3 =	vadd.s32 v1, v3;
	_ =	sdelay $0x2  }
0xb0: {  	[tilespmem:s24], [sflag:$0x2] =	stream.indirect_vreg.gather [hbm4b:s3+s2], $0x80, v4, vm0, $0xb8;
	[tilespmem:$0x10100] =	vst v63  }
0xb1: {  	_ = 	snop  }
0xb2: {  	[tilespmem:s25], [sflag:$0x2] =	stream.indirect_vreg.gather [hbm4b:s3+s2], $0x80, v3, vm0, $0xb8;
	[tilespmem:$0x10100] =	vst v63  }
0xb3: {  	v3 =	vld [tilespmem:$0xE0];
	_ =	sdelay $0x4  }
0xb4: {  	v62 =	vshll.u32 v3, $0x1  }
0xb5: {  	v3 =	vand.u32 $0x7, v3;
	v4 =	vand.u32 $0xFFFFFFF0, v62  }
0xb6: {  	v3 =	vor.u32 v3, v4  }
0xb7: {  	v4 =	vperm.xlane v3, v0;
	_ =	sdelay $0x1  }
0xb8: {  	v3 =	vperm.xlane v3, v2;
	v4 =	vadd.s32 v1, v4;
	_ =	sdelay $0x1  }
0xb9: {  	v3 =	vadd.s32 v1, v3;
	_ =	sdelay $0x2  }
0xba: {  	[tilespmem:s26], [sflag:$0x2] =	stream.indirect_vreg.gather [hbm4b:s3+s2], $0x80, v4, vm0, $0xb8;
	[tilespmem:$0x10100] =	vst v63  }
0xbb: {  	_ = 	snop  }
0xbc: {  	[tilespmem:s28], [sflag:$0x2] =	stream.indirect_vreg.gather [hbm4b:s3+s2], $0x80, v3, vm0, $0xb8;
	[tilespmem:$0x10100] =	vst v63  }
0xbd: {  	v3 =	vld [tilespmem:$0xF0];
	_ =	sdelay $0x4  }
0xbe: {  	v63 =	vshll.u32 v3, $0x1  }
0xbf: {  	v3 =	vand.u32 $0x7, v3;
	v4 =	vand.u32 $0xFFFFFFF0, v63  }
0xc0: {  	v3 =	vor.u32 v3, v4  }
0xc1: {  	v4 =	vperm.xlane v3, v0;
	_ =	sdelay $0x1  }
0xc2: {  	v3 =	vperm.xlane v3, v2;
	v4 =	vadd.s32 v1, v4;
	_ =	sdelay $0x1  }
0xc3: {  	v3 =	vadd.s32 v1, v3;
	_ =	sdelay $0x2  }
0xc4: {  	[tilespmem:s29], [sflag:$0x2] =	stream.indirect_vreg.gather [hbm4b:s3+s2], $0x80, v4, vm0, $0xb8;
	[tilespmem:$0x10100] =	vst v63  }
0xc5: {  	_ = 	snop  }
0xc6: {  	[tilespmem:s30], [sflag:$0x2] =	stream.indirect_vreg.gather [hbm4b:s3+s2], $0x80, v3, vm0, $0xb8;
	[tilespmem:$0x10100] =	vst v63  }
0xc7: {  	_ =	swait.ge [sflag:s31], $0x8000  }
0xc8: {  	[sflag:s31] =	ssyncset.done $0x0  }
0xc9: {  	s7 =	rddreg [dreg:$0x6];
	[sflag:s31] =	ssyncadd.s32 $0xFFFF8000  }
0xca: {  	[hbm4b:s7+s2] =	stream.linear.scatter [tilespmem:s6], [sflag:$0x3], $0x8000, $0x38;
	[tilespmem:$0x10100] =	vst v63  }
0xcb: {  	_ =	swait.ge [sflag:s5], $0x8000  }
0xcc: {  	[sflag:s5] =	ssyncset.done $0x0  }
0xcd: {  	[sflag:s5] =	ssyncadd.s32 $0xFFFF8000  }
0xce: {  	_ =	swait.ge [sflag:s1], $0x8000  }
0xcf: {  	p0 =	sne.s32 s4, $0x1;
	[sflag:s1] =	ssyncset.done $0x0  }
.Ltmp0:
0xd0: {  	s7 =	rddreg [dreg:$0x7];
	[sflag:s1] =	ssyncadd.s32 $0xFFFF8000;
	(pc) =	sbr.rel @p0 .LBB2_1-.Ltmp0, $4  }
0xd1: {  	[hbm4b:s7+s2] =	stream.linear.scatter [tilespmem:s14], [sflag:$0x3], $0x8000, $0x38;
	[tilespmem:$0x10100] =	vst v63  }
0xd2: {  	_ =	swait.ge [sflag:s5], $0x8000  }
0xd3: {  	[sflag:s5] =	ssyncset.done $0x0  }
0xd4: {  	s4 =	sadd.s32 $0xFFFFFFFF, s4;
	[sflag:s5] =	ssyncadd.s32 $0xFFFF8000  }
0xd5: {  	_ =	sfence.sel $0x180000  }
0xd6: {  	[bflag:$0x0] =	sbarrier.arrive $0xFFFF  }
0xd7: {  	_ =	strace $0x90000047  }
0xd8: {  	s0 =	stileid.u32;
	[bflag:$0x2] =	sbarrier.arrive $0xFFFF  }
0xd9: {  	p0 =	sne.s32 s0, $0x0;
	s0 =	rddreg [dreg:$0x3]  }
0xda: {  	s0 =	sadd.s32 @!p0 $0x100000, s0  }
0xdb: {  	[sflag:s0] =	ssyncadd.tile.s32 @!p0 $0x1;
	_ =	shalt  }
.Lfunc_end2:
_tile_overlayer_lowered:
.L_overlay_start_2:
0xdc: {  	(tag) =	ssettag $0x2  }
0xdd: {  	s0 =	rddreg [dreg:$0x0];
	s2 =	stileid.u32  }
0xde: {  	s1 =	rddreg [dreg:$0x1];
	p0 =	sne.s32 s2, $0x0  }
0xdf: {  	s3 =	rddreg [dreg:$0x2];
	[bflag:$0x3] =	sbarrier.arrive $0xFFFF;
	s2 =	simm.s32 @!p0 $0x1C03  }
0xe0: {  	[timem:s3], [sflag:s2] =	dma.local @!p0 [hbm:s0], s1  }
0xe1: {  	s0 =	simm.s32 @!p0 $0x3  }
0xe2: {  	_ =	swait.ge @!p0 [sflag:s0], s1  }
0xe3: {  	s1 =	ssub.s32 @!p0 $0x0, s1;
	[sflag:s0] =	ssyncset.done @!p0 $0x0  }
0xe4: {  	[sflag:s0] =	ssyncadd.s32 @!p0 s1  }
0xe5: {  	[bflag:$0x3] =	sbarrier.arrive $0xFFFF  }
0xe6: {  	_ =	shalt  }

// kernel: kernel.29.cloned.1.call-start
scs
__scs_entry_jumppad:
0x0: {  	(pc) =	sbr.rel $0x88, $3  }
0x1: {  	(tag) =	ssettag $0x0;
	lr =	simm.s32 $0x1  }
0x2: {  	[smem:$0x3F9F] =	sst lr;
	_ =	strace $0xD0000000  }
0x3: {  	_ = 	snop  }
0x4: {  	_ = 	snop  }
0x5: {  	_ = 	snop  }
0x6: {  	_ = 	snop  }
0x7: {  	_ = 	snop  }
__scs_overlays_trampoline_lowered:
0x8: {  	[smem:$0x3FAE] =	sst s0  }
0x9: {  	[smem:$0x3FAF] =	sst s1  }
0xa: {  	[smem:$0x3FB0] =	sst s2  }
0xb: {  	[smem:$0x3FB1] =	sst s3  }
0xc: {  	[smem:$0x3FB2] =	sst s4  }
0xd: {  	[smem:$0x3FB3] =	sst s5  }
0xe: {  	[smem:$0x3FB4] =	sst s6  }
0xf: {  	[smem:$0x3FB5] =	sst s7  }
0x10: {  	[smem:$0x3FB6] =	sst s8  }
0x11: {  	[smem:$0x3FB7] =	sst s9;
	s0 =	simm.s32 @!p0 $0x0  }
0x12: {  	s1 =	sld [smem:$0x3F9D];
	s0 =	simm.s32 @p0 $0x1  }
0x13: {  	[smem:$0x3FB8] =	sst s0;
	s0 =	simm.s32 @!p1 $0x0  }
0x14: {  	s2 =	sld [smem:$0x3F9C];
	s0 =	simm.s32 @p1 $0x1  }
0x15: {  	[smem:$0x3FB9] =	sst s0;
	s0 =	simm.s32 @!p2 $0x0  }
0x16: {  	s3 =	sld [smem:$0x3FDB];
	s0 =	simm.s32 @p2 $0x1  }
0x17: {  	s4 =	simm.s32 $0x1BF5;
	[smem:$0x3FBB] =	sst s0  }
0x18: {  	s0 =	sld [smem:$0x3F9E];
	_ =	swait.ge [sflag:s4], $0x0  }
0x19: {  	s7 =	sld [smem:$0x3F9F]  }
0x1a: {  	s8 =	sadd.s32 $0xFFFFE003, lr  }
0x1b: {  	s9 =	sadd.s32 $0xFFFFFEF7, lr;
	s5 =	simm.s32 $0xFFFFFFFF;
	p2 =	slt.u32 s8, $0xFFFFF086  }
0x1c: {  	p1 =	slt.u32 s9, $0xF7A;
	s5 =	simm.s32 @!p2 $0x0  }
0x1d: {  	s5 =	simm.s32 @p1 $0x1;
	p0 =	seq.s32 s7, s2  }
0x1e: {  	s7 =	smul.u32 @!p0 $0xF7A, s2;
	p2 =	seq.s32 @!p0 s5, $0x0  }
0x1f: {  	s9 =	smul.u32 $0xF7A, s1;
	s8 =	simm.s32 @!p0 $0x1BF5;
	p2 =	por !p2, p0  }
0x20: {  	[sflag:s8] =	ssyncset.s32 @!p0 $0xFFFFF086;
	s6 =	sadd.s32 @!p0 s3, s7;
	s7 =	simm.s32 @!p0 $0x108  }
0x21: {  	s3 =	sadd.s32 s3, s9;
	s6 =	sadd.s32 @!p0 $0x88, s6;
	s7 =	simm.s32 @p2 $0x1082  }
0x22: {  	[simem:s7], [sflag:s8] =	dma.local @!p0 [hbm:s6], $0xF7A  }
0x23: {  	s9 =	sor.u32 $0xD0000000, s2;
	s6 =	simm.s32 $0x108;
	_ =	swait.ge @!p0 [sflag:s8], $0x0  }
0x24: {  	s3 =	sadd.s32 $0x88, s3;
	s6 =	simm.s32 @!p1 $0x1082;
	[sflag:s4] =	ssyncset.s32 $0xFFFFF086  }
0x25: {  	[simem:s6], [sflag:s4] =	dma.local [hbm:s3], $0xF7A  }
0x26: {  	[smem:$0x3F9F] =	sst s1;
	(tag) =	ssettag s2;
	_ =	strace s9  }
0x27: {  	s1 =	sld [smem:$0x3FAF]  }
0x28: {  	s2 =	sld [smem:$0x3FB0]  }
0x29: {  	s4 =	sld [smem:$0x3FB2]  }
0x2a: {  	p0 =	seq.s32 s5, $0x0;
	s5 =	sld [smem:$0x3FB3]  }
0x2b: {  	s6 =	sld [smem:$0x3FB4]  }
0x2c: {  	s7 =	sld [smem:$0x3FB5]  }
0x2d: {  	s3 =	simm.s32 $0x108;
	s8 =	sld [smem:$0x3FB6]  }
0x2e: {  	s3 =	simm.s32 @!p0 $0x1082;
	s9 =	sld [smem:$0x3FB7]  }
0x2f: {  	lr =	sadd.s32 s0, s3;
	s0 =	sld [smem:$0x3FAE]  }
0x30: {  	s3 =	sld [smem:$0x3FB1]  }
0x31: {  	[smem:$0x3FBA] =	sst s10  }
0x32: {  	s10 =	sld [smem:$0x3FB8];
	_ =	sdelay $0x3  }
0x33: {  	p0 =	seq.s32 s10, $0x1;
	s10 =	sld [smem:$0x3FBA];
	_ =	sdelay $0x3  }
0x34: {  	[smem:$0x3FBA] =	sst s10  }
0x35: {  	s10 =	sld [smem:$0x3FB9];
	_ =	sdelay $0x3  }
0x36: {  	p1 =	seq.s32 s10, $0x1;
	s10 =	sld [smem:$0x3FBA];
	_ =	sdelay $0x3  }
0x37: {  	[smem:$0x3FBA] =	sst s10  }
0x38: {  	s10 =	sld [smem:$0x3FBB]  }
0x39: {  	_ = 	snop;
	(pc) =	sbr.ind lr, $3  }
0x3a: {  	_ = 	snop  }
0x3b: {  	_ = 	snop  }
0x3c: {  	p2 =	seq.s32 s10, $0x1;
	s10 =	sld [smem:$0x3FBA]  }
0x3d: {  	_ =	shalt  }
0x3e: {  	_ =	shalt  }
0x3f: {  	_ =	shalt  }
0x40: {  	_ =	shalt  }
0x41: {  	_ =	shalt  }
0x42: {  	_ =	shalt  }
0x43: {  	_ =	shalt  }
0x44: {  	_ =	shalt  }
0x45: {  	_ =	shalt  }
0x46: {  	_ =	shalt  }
0x47: {  	_ =	shalt  }
0x48: {  	_ =	shalt  }
0x49: {  	_ =	shalt  }
0x4a: {  	_ =	shalt  }
0x4b: {  	_ =	shalt  }
0x4c: {  	_ =	shalt  }
0x4d: {  	_ =	shalt  }
0x4e: {  	_ =	shalt  }
0x4f: {  	_ =	shalt  }
0x50: {  	_ =	shalt  }
0x51: {  	_ =	shalt  }
0x52: {  	_ =	shalt  }
0x53: {  	_ =	shalt  }
0x54: {  	_ =	shalt  }
0x55: {  	_ =	shalt  }
0x56: {  	_ =	shalt  }
0x57: {  	_ =	shalt  }
0x58: {  	_ =	shalt  }
0x59: {  	_ =	shalt  }
0x5a: {  	_ =	shalt  }
0x5b: {  	_ =	shalt  }
0x5c: {  	_ =	shalt  }
0x5d: {  	_ =	shalt  }
0x5e: {  	_ =	shalt  }
0x5f: {  	_ =	shalt  }
0x60: {  	_ =	shalt  }
0x61: {  	_ =	shalt  }
0x62: {  	_ =	shalt  }
0x63: {  	_ =	shalt  }
0x64: {  	_ =	shalt  }
0x65: {  	_ =	shalt  }
0x66: {  	_ =	shalt  }
0x67: {  	_ =	shalt  }
0x68: {  	_ =	shalt  }
0x69: {  	_ =	shalt  }
0x6a: {  	_ =	shalt  }
0x6b: {  	_ =	shalt  }
0x6c: {  	_ =	shalt  }
0x6d: {  	_ =	shalt  }
0x6e: {  	_ =	shalt  }
0x6f: {  	_ =	shalt  }
0x70: {  	_ =	shalt  }
0x71: {  	_ =	shalt  }
0x72: {  	_ =	shalt  }
0x73: {  	_ =	shalt  }
0x74: {  	_ =	shalt  }
0x75: {  	_ =	shalt  }
0x76: {  	_ =	shalt  }
0x77: {  	_ =	shalt  }
0x78: {  	_ =	shalt  }
0x79: {  	_ =	shalt  }
0x7a: {  	_ =	shalt  }
0x7b: {  	_ =	shalt  }
0x7c: {  	_ =	shalt  }
0x7d: {  	_ =	shalt  }
0x7e: {  	_ =	shalt  }
0x7f: {  	_ =	shalt  }
0x80: {  	_ =	shalt  }
0x81: {  	_ =	shalt  }
0x82: {  	_ =	shalt  }
0x83: {  	_ =	shalt  }
0x84: {  	_ =	shalt  }
0x85: {  	_ =	shalt  }
0x86: {  	_ =	shalt  }
0x87: {  	_ =	shalt  }
.Lfunc_end0:
.L_simem_size_0:
called_computation.1_lowered:
.L_overlay_start_0:
0x88: {  	s2 =	sld [smem:$0x3FD9]  }
0x89: {  	s3 =	sld [smem:$0x3FFE];
	_ =	sdelay $0x1  }
0x8a: {  	s1 =	srdreg.scid  }
0x8b: {  	s0 =	sand.u32 $0x1, s1  }
0x8c: {  	s14 =	sshll.u32 s0, $0xA;
	s2 =	sadd.s32 s3, s2  }
0x8d: {  	s2 =	sadd.s32 s2, s14  }
0x8e: {  	[smem:$0x3FC6] =	sst s2  }
0x8f: {  	_ = 	snop  }
0x90: {  	s2 =	sld [smem:$0x3FD0];
	_ =	sdelay $0x2  }
0x91: {  	s15 =	simm.s32 $0xA;
	s4 =	simm.s32 $0x10  }
0x92: {  	[smem:s4], [sflag:s15] =	dma.local [hbm:s2], $0x1  }
0x93: {  	_ =	swait.eq [sflag:s15], $0x1  }
0x94: {  	[sflag:s15] =	ssyncset.done $0x0  }
0x95: {  	s16 =	sld [smem:$0x10];
	[sflag:s15] =	ssyncadd.s32 $0xFFFFFFFF  }
0x96: {  	s17 =	sld [smem:$0x11];
	(tm) =	ssettm $0x1  }
0x97: {  	s18 =	sld [smem:$0x3FFB];
	_ =	sdelay $0x3  }
0x98: {  	_ =	strace s18  }
0x99: {  	s4 =	sld [smem:$0x3FFC];
	_ =	sdelay $0x3  }
0x9a: {  	_ =	strace s4  }
0x9b: {  	s4 =	sld [smem:$0x3FFD];
	_ =	sdelay $0x3  }
0x9c: {  	_ =	strace s4  }
0x9d: {  	_ =	strace $0x8FFFFFFF  }
0x9e: {  	s19 =	sld [smem:$0x3FDB];
	_ =	sdelay $0x1  }
0x9f: {  	s5 =	simm.s32 $_scs_section_size  }
0xa0: {  	s6 =	simm.s32 $_size__tile_overlayer_lowered;
	s7 =	simm.s32 $_tile_overlayer_lowered  }
0xa1: {  	s22 =	simm.s32 $0x1BFF;
	s21 =	sshll.u32 s7, $0x1;
	s4 =	sadd.s32 s5, s19  }
0xa2: {  	s8 =	simm.s32 $0x0;
	s20 =	sshll.u32 s6, $0x1;
	s6 =	sadd.s32 s21, s4  }
0xa3: {  	[timem:s8], [sflag:s22] =	dma.local [hbm:s6], s20  }
0xa4: {  	_ =	swait.ge [sflag:s22], s20  }
0xa5: {  	s5 =	ssub.s32 $0x0, s20;
	[sflag:s22] =	ssyncset.done $0x0  }
0xa6: {  	[sflag:s22] =	ssyncadd.s32 s5;
	_ =	sdelay $0x1  }
0xa7: {  	s23 =	simm.s32 $0x1B8B  }
0xa8: {  	_ =	swait.ge [sflag:s23], $0x1  }
0xa9: {  	[sflag:s23] =	ssyncset.done $0x0  }
0xaa: {  	s25 =	simm.s32 $0x1B8E;
	s24 =	sld [smem:$0x3FFE];
	[sflag:s23] =	ssyncadd.s32 $0xFFFFFFFF  }
0xab: {  	s26 =	simm.s32 $execute0_lowered;
	[smem:$0x3FD2] =	sst s25  }
0xac: {  	s6 =	sshll.u32 s26, $0x1;
	_ =	strace $0x80000049;
	[dreg:$0x1] =	wrdreg $0xFFFFFFFF  }
0xad: {  	s28 =	simm.s32 $_size_execute0_lowered;
	s4 =	sadd.s32 s4, s6;
	[dreg:$0x0] =	wrdreg $0x0  }
0xae: {  	s6 =	sshll.u32 s28, $0x1;
	[dreg:$0x2] =	wrdreg s4  }
0xaf: {  	[dreg:$0x3] =	wrdreg s6  }
0xb0: {  	[dreg:$0x4] =	wrdreg $0xC0  }
0xb1: {  	_ =	task [dreg:s8], $0x5FFFF  }
0xb2: {  	[dreg:$0x1] =	wrdreg $0xFFFFFFFF  }
0xb3: {  	[dreg:$0x0] =	wrdreg $0x60  }
0xb4: {  	[dreg:$0x2] =	wrdreg s24  }
0xb5: {  	[dreg:$0x3] =	wrdreg s16  }
0xb6: {  	[dreg:$0x4] =	wrdreg s17  }
0xb7: {  	[dreg:$0x5] =	wrdreg $0x9  }
0xb8: {  	_ =	task.clear_ibuf [dreg:s8], $0x6FFFF;
	_ =	strace $0x90000049  }
0xb9: {  	s29 =	simm.s32 $0x9;
	_ =	strace $0x8000004B  }
0xba: {  	_ =	swait.ge [sflag:s29], $0x1  }
0xbb: {  	[sflag:s29] =	ssyncadd.s32 $0xFFFFFFFF  }
0xbc: {  	_ =	strace $0x9000004B  }
0xbd: {  	_ =	sfence  }
0xbe: {  	s30 =	sld [smem:$0x0];
	_ =	sdelay $0x2  }
0xbf: {  	s31 =	sshll.u32 s1, $0xD;
	s1 =	sshrl.u32 s1, $0x2  }
0xc0: {  	s3 =	sand.u32 $0x4000, s31;
	s1 =	sadd.s32 s1, s30  }
0xc1: {  	s0 =	sor.u32 s3, s0;
	s1 =	sshll.u32 s1, $0x11  }
0xc2: {  	s0 =	sor.u32 s1, s0  }
0xc3: {  	s0 =	sadd.s32 $0x8F2B, s0  }
0xc4: {  	[sflag:s0] =	ssyncadd.remote.s32 $0x1  }
0xc5: {  	_ =	sfence.sel $0xFFFF  }
0xc6: {  	[dreg:$0x0] =	wrdreg $0xFFFFFFFF;
	(pc) =	sbr.abs _section_cstart, $3  }
0xc7: {  	[dreg:$0x1] =	wrdreg $0xFFFFFFFF  }
0xc8: {  	_ =	task.clear_ibuf [dreg:s8], $0x2FFFF;
	_ =	strace $0x9FFFFFFF  }
0xc9: {  	(tm) =	ssettm $0x7FFFFFFF  }
tec
execute0_lowered:
.L_overlay_start_1:
0x0: {  	(tag) =	ssettag $0x1  }
0x1: {  	s1 =	rddreg [dreg:$0x0];
	s2 =	srdreg.scid  }
0x2: {  	s3 =	rddreg [dreg:$0x1];
	s0 =	stileid.u32  }
0x3: {  	s5 =	rddreg [dreg:$0x2];
	s17 =	simm.s32 $0x80;
	s18 =	simm.s32 $0x900  }
0x4: {  	s19 =	simm.s32 $0x1100;
	s4 =	sand.u32 $0x1, s2;
	s2 =	simm.s32 $0x0  }
0x5: {  	s20 =	simm.s32 $0x1900;
	s21 =	simm.s32 $0x2100;
	[smem:$0x7FF] =	sst s2  }
0x6: {  	s23 =	simm.s32 $0x2900;
	_ =	strace $0x8000004A;
	[dreg:$0x8] =	wrdreg s17  }
0x7: {  	s24 =	simm.s32 $0x3100;
	s25 =	simm.s32 $0x3900;
	[dreg:$0x9] =	wrdreg s18  }
0x8: {  	s26 =	simm.s32 $0x4100;
	s9 =	simm.s32 $0x5900;
	[dreg:$0xa] =	wrdreg s19  }
0x9: {  	s10 =	simm.s32 $0x6100;
	s11 =	simm.s32 $0x6900;
	[dreg:$0xb] =	wrdreg s20  }
0xa: {  	s12 =	simm.s32 $0x7100;
	s28 =	simm.s32 $0xE900;
	[dreg:$0xc] =	wrdreg s21  }
0xb: {  	s29 =	simm.s32 $0xF100;
	s30 =	simm.s32 $0xF900;
	[dreg:$0xd] =	wrdreg s23  }
0xc: {  	s31 =	simm.s32 $0x1;
	s6 =	sshll.u32 s0, $0x8;
	[dreg:$0xe] =	wrdreg s24  }
0xd: {  	s7 =	sshll.u32 s4, $0x7;
	s4 =	ssub.s32 $0x2, s4;
	[dreg:$0xf] =	wrdreg s25  }
0xe: {  	s6 =	sor.u32 s7, s6;
	s22 =	sshrl.u32 s4, $0x1;
	[dreg:$0x10] =	wrdreg s26  }
0xf: {  	s17 =	simm.s32 $0x9900;
	s18 =	simm.s32 $0xA100;
	s19 =	simm.s32 $0xA900  }
0x10: {  	s20 =	simm.s32 $0xB100;
	s21 =	simm.s32 $0xB900;
	s23 =	simm.s32 $0xC900  }
0x11: {  	s24 =	simm.s32 $0xD100;
	s25 =	simm.s32 $0xD900;
	s26 =	simm.s32 $0xE100  }
0x12: {  	s7 =	sshrl.u32 s6, $0x3;
	s6 =	sshll.u32 s6, $0x5;
	s4 =	ssub.s32 s4, s22  }
0x13: {  	s22 =	simm.s32 $0xC100;
	s8 =	sadd.s32 s7, s1;
	s3 =	sadd.s32 s3, s7  }
0x14: {  	s14 =	sadd.s32 s6, s1;
	s15 =	sadd.s32 s5, s6;
	s4 =	smax.u32 s4, $0x1  }
0x15: {  	s5 =	simm.s32 $0x3;
	s6 =	simm.s32 $0x100;
	[dreg:$0x4] =	wrdreg s3  }
0x16: {  	s13 =	sadd.s32 $0x1CD400, s8;
	[dreg:$0x6] =	wrdreg s15;
	s16 =	sadd.s32 $0x1CD600, s14  }
0x17: {  	v2 =	vlaneseq.u32;
	s3 =	sadd.s32 $0xD400, s1;
	s8 =	simm.s32 $0x5100;
	s14 =	simm.s32 $0x8100  }
0x18: {  	vm0 =	vmmov $0xffff;
	v1 =	vshrl.u32 v2, $0x3;
	s15 =	simm.s32 $0x8900;
	s1 =	simm.s32 $0x2;
	[dreg:$0x5] =	wrdreg s13  }
0x19: {  	v0 =	vand.u32 $0x7, v2;
	v2 =	vor.u32 $0x8, v2;
	v1 =	vmul.u32 $0x8, v1;
	[dreg:$0x7] =	wrdreg s16;
	s13 =	simm.s32 $0x7900;
	s16 =	simm.s32 $0x9100  }
.LBB2_1:
0x1a: {  	s0 =	rddreg [dreg:$0x4]  }
0x1b: {  	[tilespmem:s2], [sflag:$0x3] =	stream.linear.gather [hbm4b:s0+s2], $0x80, $0x38;
	[tilespmem:$0x10100] =	vst v63  }
0x1c: {  	_ =	swait.ge [sflag:s5], $0x80  }
0x1d: {  	s0 =	rddreg [dreg:$0x5];
	[sflag:s5] =	ssyncset.done $0x0  }
0x1e: {  	s7 =	rddreg [dreg:$0x8];
	[sflag:s5] =	ssyncadd.s32 $0xFFFFFF80  }
0x1f: {  	[tilespmem:s7], [sflag:$0x3] =	stream.linear.gather [hbm4b:s0+s2], $0x80, $0x38;
	[tilespmem:$0x10100] =	vst v63  }
0x20: {  	_ =	swait.ge [sflag:s5], $0x80  }
0x21: {  	[sflag:s5] =	ssyncset.done $0x0  }
0x22: {  	[sflag:s5] =	ssyncadd.s32 $0xFFFFFF80  }
0x23: {  	v3 =	vld [tilespmem:$0x0];
	_ =	sdelay $0x4  }
0x24: {  	v4 =	vshll.u32 v3, $0x1  }
0x25: {  	v3 =	vand.u32 $0x7, v3;
	v4 =	vand.u32 $0xFFFFFFF0, v4  }
0x26: {  	v3 =	vor.u32 v3, v4  }
0x27: {  	v4 =	vperm.xlane v3, v0;
	_ =	sdelay $0x1  }
0x28: {  	v3 =	vperm.xlane v3, v2;
	v4 =	vadd.s32 v1, v4;
	_ =	sdelay $0x1  }
0x29: {  	v3 =	vadd.s32 v1, v3;
	_ =	sdelay $0x2  }
0x2a: {  	[tilespmem:s6], [sflag:$0x1] =	stream.indirect_vreg.gather [hbm4b:s3+s2], $0x80, v4, vm0, $0xb8;
	[tilespmem:$0x10100] =	vst v63  }
0x2b: {  	s7 =	rddreg [dreg:$0x9]  }
0x2c: {  	[tilespmem:s7], [sflag:$0x1] =	stream.indirect_vreg.gather [hbm4b:s3+s2], $0x80, v3, vm0, $0xb8;
	[tilespmem:$0x10100] =	vst v63  }
0x2d: {  	v3 =	vld [tilespmem:$0x10];
	_ =	sdelay $0x4  }
0x2e: {  	v49 =	vshll.u32 v3, $0x1  }
0x2f: {  	v3 =	vand.u32 $0x7, v3;
	v4 =	vand.u32 $0xFFFFFFF0, v49  }
0x30: {  	v3 =	vor.u32 v3, v4  }
0x31: {  	v4 =	vperm.xlane v3, v0;
	_ =	sdelay $0x1  }
0x32: {  	v3 =	vperm.xlane v3, v2;
	v4 =	vadd.s32 v1, v4;
	_ =	sdelay $0x1  }
0x33: {  	v3 =	vadd.s32 v1, v3;
	_ =	sdelay $0x1  }
0x34: {  	s0 =	rddreg [dreg:$0xa]  }
0x35: {  	[tilespmem:s0], [sflag:$0x1] =	stream.indirect_vreg.gather [hbm4b:s3+s2], $0x80, v4, vm0, $0xb8;
	[tilespmem:$0x10100] =	vst v63  }
0x36: {  	s7 =	rddreg [dreg:$0xb]  }
0x37: {  	[tilespmem:s7], [sflag:$0x1] =	stream.indirect_vreg.gather [hbm4b:s3+s2], $0x80, v3, vm0, $0xb8;
	[tilespmem:$0x10100] =	vst v63  }
0x38: {  	v3 =	vld [tilespmem:$0x20];
	_ =	sdelay $0x4  }
0x39: {  	v50 =	vshll.u32 v3, $0x1  }
0x3a: {  	v3 =	vand.u32 $0x7, v3;
	v4 =	vand.u32 $0xFFFFFFF0, v50  }
0x3b: {  	v3 =	vor.u32 v3, v4  }
0x3c: {  	v4 =	vperm.xlane v3, v0;
	_ =	sdelay $0x1  }
0x3d: {  	v3 =	vperm.xlane v3, v2;
	v4 =	vadd.s32 v1, v4;
	_ =	sdelay $0x1  }
0x3e: {  	v3 =	vadd.s32 v1, v3;
	_ =	sdelay $0x1  }
0x3f: {  	s0 =	rddreg [dreg:$0xc]  }
0x40: {  	[tilespmem:s0], [sflag:$0x1] =	stream.indirect_vreg.gather [hbm4b:s3+s2], $0x80, v4, vm0, $0xb8;
	[tilespmem:$0x10100] =	vst v63  }
0x41: {  	s7 =	rddreg [dreg:$0xd]  }
0x42: {  	[tilespmem:s7], [sflag:$0x1] =	stream.indirect_vreg.gather [hbm4b:s3+s2], $0x80, v3, vm0, $0xb8;
	[tilespmem:$0x10100] =	vst v63  }
0x43: {  	v3 =	vld [tilespmem:$0x30];
	_ =	sdelay $0x4  }
0x44: {  	v51 =	vshll.u32 v3, $0x1  }
0x45: {  	v3 =	vand.u32 $0x7, v3;
	v4 =	vand.u32 $0xFFFFFFF0, v51  }
0x46: {  	v3 =	vor.u32 v3, v4  }
0x47: {  	v4 =	vperm.xlane v3, v0;
	_ =	sdelay $0x1  }
0x48: {  	v3 =	vperm.xlane v3, v2;
	v4 =	vadd.s32 v1, v4;
	_ =	sdelay $0x1  }
0x49: {  	v3 =	vadd.s32 v1, v3;
	_ =	sdelay $0x1  }
0x4a: {  	s0 =	rddreg [dreg:$0xe]  }
0x4b: {  	[tilespmem:s0], [sflag:$0x1] =	stream.indirect_vreg.gather [hbm4b:s3+s2], $0x80, v4, vm0, $0xb8;
	[tilespmem:$0x10100] =	vst v63  }
0x4c: {  	s7 =	rddreg [dreg:$0xf]  }
0x4d: {  	[tilespmem:s7], [sflag:$0x1] =	stream.indirect_vreg.gather [hbm4b:s3+s2], $0x80, v3, vm0, $0xb8;
	[tilespmem:$0x10100] =	vst v63  }
0x4e: {  	v3 =	vld [tilespmem:$0x40];
	_ =	sdelay $0x4  }
0x4f: {  	v52 =	vshll.u32 v3, $0x1  }
0x50: {  	v3 =	vand.u32 $0x7, v3;
	v4 =	vand.u32 $0xFFFFFFF0, v52  }
0x51: {  	v3 =	vor.u32 v3, v4  }
0x52: {  	v4 =	vperm.xlane v3, v0;
	_ =	sdelay $0x1  }
0x53: {  	v3 =	vperm.xlane v3, v2;
	v4 =	vadd.s32 v1, v4;
	_ =	sdelay $0x1  }
0x54: {  	v3 =	vadd.s32 v1, v3;
	_ =	sdelay $0x1  }
0x55: {  	s7 =	rddreg [dreg:$0x10]  }
0x56: {  	[tilespmem:s7], [sflag:$0x1] =	stream.indirect_vreg.gather [hbm4b:s3+s2], $0x80, v4, vm0, $0xb8;
	[tilespmem:$0x10100] =	vst v63  }
0x57: {  	s7 =	simm.s32 $0x4900  }
0x58: {  	[tilespmem:s7], [sflag:$0x1] =	stream.indirect_vreg.gather [hbm4b:s3+s2], $0x80, v3, vm0, $0xb8;
	[tilespmem:$0x10100] =	vst v63  }
0x59: {  	v3 =	vld [tilespmem:$0x50];
	_ =	sdelay $0x4  }
0x5a: {  	v53 =	vshll.u32 v3, $0x1  }
0x5b: {  	v3 =	vand.u32 $0x7, v3;
	v4 =	vand.u32 $0xFFFFFFF0, v53  }
0x5c: {  	v3 =	vor.u32 v3, v4  }
0x5d: {  	v4 =	vperm.xlane v3, v0;
	_ =	sdelay $0x1  }
0x5e: {  	v3 =	vperm.xlane v3, v2;
	v4 =	vadd.s32 v1, v4;
	_ =	sdelay $0x1  }
0x5f: {  	v3 =	vadd.s32 v1, v3;
	_ =	sdelay $0x2  }
0x60: {  	[tilespmem:s8], [sflag:$0x1] =	stream.indirect_vreg.gather [hbm4b:s3+s2], $0x80, v4, vm0, $0xb8;
	[tilespmem:$0x10100] =	vst v63  }
0x61: {  	_ = 	snop  }
0x62: {  	[tilespmem:s9], [sflag:$0x1] =	stream.indirect_vreg.gather [hbm4b:s3+s2], $0x80, v3, vm0, $0xb8;
	[tilespmem:$0x10100] =	vst v63  }
0x63: {  	v3 =	vld [tilespmem:$0x60];
	_ =	sdelay $0x4  }
0x64: {  	v54 =	vshll.u32 v3, $0x1  }
0x65: {  	v3 =	vand.u32 $0x7, v3;
	v4 =	vand.u32 $0xFFFFFFF0, v54  }
0x66: {  	v3 =	vor.u32 v3, v4  }
0x67: {  	v4 =	vperm.xlane v3, v0;
	_ =	sdelay $0x1  }
0x68: {  	v3 =	vperm.xlane v3, v2;
	v4 =	vadd.s32 v1, v4;
	_ =	sdelay $0x1  }
0x69: {  	v3 =	vadd.s32 v1, v3;
	_ =	sdelay $0x2  }
0x6a: {  	[tilespmem:s10], [sflag:$0x1] =	stream.indirect_vreg.gather [hbm4b:s3+s2], $0x80, v4, vm0, $0xb8;
	[tilespmem:$0x10100] =	vst v63  }
0x6b: {  	_ = 	snop  }
0x6c: {  	[tilespmem:s11], [sflag:$0x1] =	stream.indirect_vreg.gather [hbm4b:s3+s2], $0x80, v3, vm0, $0xb8;
	[tilespmem:$0x10100] =	vst v63  }
0x6d: {  	v3 =	vld [tilespmem:$0x70];
	_ =	sdelay $0x4  }
0x6e: {  	v55 =	vshll.u32 v3, $0x1  }
0x6f: {  	v3 =	vand.u32 $0x7, v3;
	v4 =	vand.u32 $0xFFFFFFF0, v55  }
0x70: {  	v3 =	vor.u32 v3, v4  }
0x71: {  	v4 =	vperm.xlane v3, v0;
	_ =	sdelay $0x1  }
0x72: {  	v3 =	vperm.xlane v3, v2;
	v4 =	vadd.s32 v1, v4;
	_ =	sdelay $0x1  }
0x73: {  	v3 =	vadd.s32 v1, v3;
	_ =	sdelay $0x2  }
0x74: {  	[tilespmem:s12], [sflag:$0x1] =	stream.indirect_vreg.gather [hbm4b:s3+s2], $0x80, v4, vm0, $0xb8;
	[tilespmem:$0x10100] =	vst v63  }
0x75: {  	_ = 	snop  }
0x76: {  	[tilespmem:s13], [sflag:$0x1] =	stream.indirect_vreg.gather [hbm4b:s3+s2], $0x80, v3, vm0, $0xb8;
	[tilespmem:$0x10100] =	vst v63  }
0x77: {  	v3 =	vld [tilespmem:$0x80];
	_ =	sdelay $0x4  }
0x78: {  	v56 =	vshll.u32 v3, $0x1  }
0x79: {  	v3 =	vand.u32 $0x7, v3;
	v4 =	vand.u32 $0xFFFFFFF0, v56  }
0x7a: {  	v3 =	vor.u32 v3, v4  }
0x7b: {  	v4 =	vperm.xlane v3, v0;
	_ =	sdelay $0x1  }
0x7c: {  	v3 =	vperm.xlane v3, v2;
	v4 =	vadd.s32 v1, v4;
	_ =	sdelay $0x1  }
0x7d: {  	v3 =	vadd.s32 v1, v3;
	_ =	sdelay $0x2  }
0x7e: {  	[tilespmem:s14], [sflag:$0x2] =	stream.indirect_vreg.gather [hbm4b:s3+s2], $0x80, v4, vm0, $0xb8;
	[tilespmem:$0x10100] =	vst v63  }
0x7f: {  	_ = 	snop  }
0x80: {  	[tilespmem:s15], [sflag:$0x2] =	stream.indirect_vreg.gather [hbm4b:s3+s2], $0x80, v3, vm0, $0xb8;
	[tilespmem:$0x10100] =	vst v63  }
0x81: {  	v3 =	vld [tilespmem:$0x90];
	_ =	sdelay $0x4  }
0x82: {  	v57 =	vshll.u32 v3, $0x1  }
0x83: {  	v3 =	vand.u32 $0x7, v3;
	v4 =	vand.u32 $0xFFFFFFF0, v57  }
0x84: {  	v3 =	vor.u32 v3, v4  }
0x85: {  	v4 =	vperm.xlane v3, v0;
	_ =	sdelay $0x1  }
0x86: {  	v3 =	vperm.xlane v3, v2;
	v4 =	vadd.s32 v1, v4;
	_ =	sdelay $0x1  }
0x87: {  	v3 =	vadd.s32 v1, v3;
	_ =	sdelay $0x2  }
0x88: {  	[tilespmem:s16], [sflag:$0x2] =	stream.indirect_vreg.gather [hbm4b:s3+s2], $0x80, v4, vm0, $0xb8;
	[tilespmem:$0x10100] =	vst v63  }
0x89: {  	_ = 	snop  }
0x8a: {  	[tilespmem:s17], [sflag:$0x2] =	stream.indirect_vreg.gather [hbm4b:s3+s2], $0x80, v3, vm0, $0xb8;
	[tilespmem:$0x10100] =	vst v63  }
0x8b: {  	v3 =	vld [tilespmem:$0xA0];
	_ =	sdelay $0x4  }
0x8c: {  	v58 =	vshll.u32 v3, $0x1  }
0x8d: {  	v3 =	vand.u32 $0x7, v3;
	v4 =	vand.u32 $0xFFFFFFF0, v58  }
0x8e: {  	v3 =	vor.u32 v3, v4  }
0x8f: {  	v4 =	vperm.xlane v3, v0;
	_ =	sdelay $0x1  }
0x90: {  	v3 =	vperm.xlane v3, v2;
	v4 =	vadd.s32 v1, v4;
	_ =	sdelay $0x1  }
0x91: {  	v3 =	vadd.s32 v1, v3;
	_ =	sdelay $0x2  }
0x92: {  	[tilespmem:s18], [sflag:$0x2] =	stream.indirect_vreg.gather [hbm4b:s3+s2], $0x80, v4, vm0, $0xb8;
	[tilespmem:$0x10100] =	vst v63  }
0x93: {  	_ = 	snop  }
0x94: {  	[tilespmem:s19], [sflag:$0x2] =	stream.indirect_vreg.gather [hbm4b:s3+s2], $0x80, v3, vm0, $0xb8;
	[tilespmem:$0x10100] =	vst v63  }
0x95: {  	v3 =	vld [tilespmem:$0xB0];
	_ =	sdelay $0x4  }
0x96: {  	v59 =	vshll.u32 v3, $0x1  }
0x97: {  	v3 =	vand.u32 $0x7, v3;
	v4 =	vand.u32 $0xFFFFFFF0, v59  }
0x98: {  	v3 =	vor.u32 v3, v4  }
0x99: {  	v4 =	vperm.xlane v3, v0;
	_ =	sdelay $0x1  }
0x9a: {  	v3 =	vperm.xlane v3, v2;
	v4 =	vadd.s32 v1, v4;
	_ =	sdelay $0x1  }
0x9b: {  	v3 =	vadd.s32 v1, v3;
	_ =	sdelay $0x2  }
0x9c: {  	[tilespmem:s20], [sflag:$0x2] =	stream.indirect_vreg.gather [hbm4b:s3+s2], $0x80, v4, vm0, $0xb8;
	[tilespmem:$0x10100] =	vst v63  }
0x9d: {  	_ = 	snop  }
0x9e: {  	[tilespmem:s21], [sflag:$0x2] =	stream.indirect_vreg.gather [hbm4b:s3+s2], $0x80, v3, vm0, $0xb8;
	[tilespmem:$0x10100] =	vst v63  }
0x9f: {  	v3 =	vld [tilespmem:$0xC0];
	_ =	sdelay $0x4  }
0xa0: {  	v60 =	vshll.u32 v3, $0x1  }
0xa1: {  	v3 =	vand.u32 $0x7, v3;
	v4 =	vand.u32 $0xFFFFFFF0, v60  }
0xa2: {  	v3 =	vor.u32 v3, v4  }
0xa3: {  	v4 =	vperm.xlane v3, v0;
	_ =	sdelay $0x1  }
0xa4: {  	v3 =	vperm.xlane v3, v2;
	v4 =	vadd.s32 v1, v4;
	_ =	sdelay $0x1  }
0xa5: {  	v3 =	vadd.s32 v1, v3;
	_ =	sdelay $0x2  }
0xa6: {  	[tilespmem:s22], [sflag:$0x2] =	stream.indirect_vreg.gather [hbm4b:s3+s2], $0x80, v4, vm0, $0xb8;
	[tilespmem:$0x10100] =	vst v63  }
0xa7: {  	_ = 	snop  }
0xa8: {  	[tilespmem:s23], [sflag:$0x2] =	stream.indirect_vreg.gather [hbm4b:s3+s2], $0x80, v3, vm0, $0xb8;
	[tilespmem:$0x10100] =	vst v63  }
0xa9: {  	v3 =	vld [tilespmem:$0xD0];
	_ =	sdelay $0x4  }
0xaa: {  	v61 =	vshll.u32 v3, $0x1  }
0xab: {  	v3 =	vand.u32 $0x7, v3;
	v4 =	vand.u32 $0xFFFFFFF0, v61  }
0xac: {  	v3 =	vor.u32 v3, v4  }
0xad: {  	v4 =	vperm.xlane v3, v0;
	_ =	sdelay $0x1  }
0xae: {  	v3 =	vperm.xlane v3, v2;
	v4 =	vadd.s32 v1, v4;
	_ =	sdelay $0x1  }
0xaf: {  	v3 =	vadd.s32 v1, v3;
	_ =	sdelay $0x2  }
0xb0: {  	[tilespmem:s24], [sflag:$0x2] =	stream.indirect_vreg.gather [hbm4b:s3+s2], $0x80, v4, vm0, $0xb8;
	[tilespmem:$0x10100] =	vst v63  }
0xb1: {  	_ = 	snop  }
0xb2: {  	[tilespmem:s25], [sflag:$0x2] =	stream.indirect_vreg.gather [hbm4b:s3+s2], $0x80, v3, vm0, $0xb8;
	[tilespmem:$0x10100] =	vst v63  }
0xb3: {  	v3 =	vld [tilespmem:$0xE0];
	_ =	sdelay $0x4  }
0xb4: {  	v62 =	vshll.u32 v3, $0x1  }
0xb5: {  	v3 =	vand.u32 $0x7, v3;
	v4 =	vand.u32 $0xFFFFFFF0, v62  }
0xb6: {  	v3 =	vor.u32 v3, v4  }
0xb7: {  	v4 =	vperm.xlane v3, v0;
	_ =	sdelay $0x1  }
0xb8: {  	v3 =	vperm.xlane v3, v2;
	v4 =	vadd.s32 v1, v4;
	_ =	sdelay $0x1  }
0xb9: {  	v3 =	vadd.s32 v1, v3;
	_ =	sdelay $0x2  }
0xba: {  	[tilespmem:s26], [sflag:$0x2] =	stream.indirect_vreg.gather [hbm4b:s3+s2], $0x80, v4, vm0, $0xb8;
	[tilespmem:$0x10100] =	vst v63  }
0xbb: {  	_ = 	snop  }
0xbc: {  	[tilespmem:s28], [sflag:$0x2] =	stream.indirect_vreg.gather [hbm4b:s3+s2], $0x80, v3, vm0, $0xb8;
	[tilespmem:$0x10100] =	vst v63  }
0xbd: {  	v3 =	vld [tilespmem:$0xF0];
	_ =	sdelay $0x4  }
0xbe: {  	v63 =	vshll.u32 v3, $0x1  }
0xbf: {  	v3 =	vand.u32 $0x7, v3;
	v4 =	vand.u32 $0xFFFFFFF0, v63  }
0xc0: {  	v3 =	vor.u32 v3, v4  }
0xc1: {  	v4 =	vperm.xlane v3, v0;
	_ =	sdelay $0x1  }
0xc2: {  	v3 =	vperm.xlane v3, v2;
	v4 =	vadd.s32 v1, v4;
	_ =	sdelay $0x1  }
0xc3: {  	v3 =	vadd.s32 v1, v3;
	_ =	sdelay $0x2  }
0xc4: {  	[tilespmem:s29], [sflag:$0x2] =	stream.indirect_vreg.gather [hbm4b:s3+s2], $0x80, v4, vm0, $0xb8;
	[tilespmem:$0x10100] =	vst v63  }
0xc5: {  	_ = 	snop  }
0xc6: {  	[tilespmem:s30], [sflag:$0x2] =	stream.indirect_vreg.gather [hbm4b:s3+s2], $0x80, v3, vm0, $0xb8;
	[tilespmem:$0x10100] =	vst v63  }
0xc7: {  	_ =	swait.ge [sflag:s31], $0x8000  }
0xc8: {  	[sflag:s31] =	ssyncset.done $0x0  }
0xc9: {  	s7 =	rddreg [dreg:$0x6];
	[sflag:s31] =	ssyncadd.s32 $0xFFFF8000  }
0xca: {  	[hbm4b:s7+s2] =	stream.linear.scatter [tilespmem:s6], [sflag:$0x3], $0x8000, $0x38;
	[tilespmem:$0x10100] =	vst v63  }
0xcb: {  	_ =	swait.ge [sflag:s5], $0x8000  }
0xcc: {  	[sflag:s5] =	ssyncset.done $0x0  }
0xcd: {  	[sflag:s5] =	ssyncadd.s32 $0xFFFF8000  }
0xce: {  	_ =	swait.ge [sflag:s1], $0x8000  }
0xcf: {  	p0 =	sne.s32 s4, $0x1;
	[sflag:s1] =	ssyncset.done $0x0  }
.Ltmp0:
0xd0: {  	s7 =	rddreg [dreg:$0x7];
	[sflag:s1] =	ssyncadd.s32 $0xFFFF8000;
	(pc) =	sbr.rel @p0 .LBB2_1-.Ltmp0, $4  }
0xd1: {  	[hbm4b:s7+s2] =	stream.linear.scatter [tilespmem:s14], [sflag:$0x3], $0x8000, $0x38;
	[tilespmem:$0x10100] =	vst v63  }
0xd2: {  	_ =	swait.ge [sflag:s5], $0x8000  }
0xd3: {  	[sflag:s5] =	ssyncset.done $0x0  }
0xd4: {  	s4 =	sadd.s32 $0xFFFFFFFF, s4;
	[sflag:s5] =	ssyncadd.s32 $0xFFFF8000  }
0xd5: {  	_ =	sfence.sel $0x180000  }
0xd6: {  	[bflag:$0x0] =	sbarrier.arrive $0xFFFF  }
0xd7: {  	_ =	strace $0x9000004A  }
0xd8: {  	s0 =	stileid.u32;
	[bflag:$0x2] =	sbarrier.arrive $0xFFFF  }
0xd9: {  	p0 =	sne.s32 s0, $0x0;
	s0 =	rddreg [dreg:$0x3]  }
0xda: {  	s0 =	sadd.s32 @!p0 $0x100000, s0  }
0xdb: {  	[sflag:s0] =	ssyncadd.tile.s32 @!p0 $0x1;
	_ =	shalt  }
.Lfunc_end2:
_tile_overlayer_lowered:
.L_overlay_start_2:
0xdc: {  	(tag) =	ssettag $0x2  }
0xdd: {  	s0 =	rddreg [dreg:$0x0];
	s2 =	stileid.u32  }
0xde: {  	s1 =	rddreg [dreg:$0x1];
	p0 =	sne.s32 s2, $0x0  }
0xdf: {  	s3 =	rddreg [dreg:$0x2];
	[bflag:$0x3] =	sbarrier.arrive $0xFFFF;
	s2 =	simm.s32 @!p0 $0x1C03  }
0xe0: {  	[timem:s3], [sflag:s2] =	dma.local @!p0 [hbm:s0], s1  }
0xe1: {  	s0 =	simm.s32 @!p0 $0x3  }
0xe2: {  	_ =	swait.ge @!p0 [sflag:s0], s1  }
0xe3: {  	s1 =	ssub.s32 @!p0 $0x0, s1;
	[sflag:s0] =	ssyncset.done @!p0 $0x0  }
0xe4: {  	[sflag:s0] =	ssyncadd.s32 @!p0 s1  }
0xe5: {  	[bflag:$0x3] =	sbarrier.arrive $0xFFFF  }
0xe6: {  	_ =	shalt  }

// kernel: kernel.32.cloned.1.call-start
scs
__scs_entry_jumppad:
0x0: {  	(pc) =	sbr.rel $0x88, $3  }
0x1: {  	(tag) =	ssettag $0x0;
	lr =	simm.s32 $0x1  }
0x2: {  	[smem:$0x3F9F] =	sst lr;
	_ =	strace $0xD0000000  }
0x3: {  	_ = 	snop  }
0x4: {  	_ = 	snop  }
0x5: {  	_ = 	snop  }
0x6: {  	_ = 	snop  }
0x7: {  	_ = 	snop  }
__scs_overlays_trampoline_lowered:
0x8: {  	[smem:$0x3FAE] =	sst s0  }
0x9: {  	[smem:$0x3FAF] =	sst s1  }
0xa: {  	[smem:$0x3FB0] =	sst s2  }
0xb: {  	[smem:$0x3FB1] =	sst s3  }
0xc: {  	[smem:$0x3FB2] =	sst s4  }
0xd: {  	[smem:$0x3FB3] =	sst s5  }
0xe: {  	[smem:$0x3FB4] =	sst s6  }
0xf: {  	[smem:$0x3FB5] =	sst s7  }
0x10: {  	[smem:$0x3FB6] =	sst s8  }
0x11: {  	[smem:$0x3FB7] =	sst s9;
	s0 =	simm.s32 @!p0 $0x0  }
0x12: {  	s1 =	sld [smem:$0x3F9D];
	s0 =	simm.s32 @p0 $0x1  }
0x13: {  	[smem:$0x3FB8] =	sst s0;
	s0 =	simm.s32 @!p1 $0x0  }
0x14: {  	s2 =	sld [smem:$0x3F9C];
	s0 =	simm.s32 @p1 $0x1  }
0x15: {  	[smem:$0x3FB9] =	sst s0;
	s0 =	simm.s32 @!p2 $0x0  }
0x16: {  	s3 =	sld [smem:$0x3FDB];
	s0 =	simm.s32 @p2 $0x1  }
0x17: {  	s4 =	simm.s32 $0x1BF5;
	[smem:$0x3FBB] =	sst s0  }
0x18: {  	s0 =	sld [smem:$0x3F9E];
	_ =	swait.ge [sflag:s4], $0x0  }
0x19: {  	s7 =	sld [smem:$0x3F9F]  }
0x1a: {  	s8 =	sadd.s32 $0xFFFFE003, lr  }
0x1b: {  	s9 =	sadd.s32 $0xFFFFFEF7, lr;
	s5 =	simm.s32 $0xFFFFFFFF;
	p2 =	slt.u32 s8, $0xFFFFF086  }
0x1c: {  	p1 =	slt.u32 s9, $0xF7A;
	s5 =	simm.s32 @!p2 $0x0  }
0x1d: {  	s5 =	simm.s32 @p1 $0x1;
	p0 =	seq.s32 s7, s2  }
0x1e: {  	s7 =	smul.u32 @!p0 $0xF7A, s2;
	p2 =	seq.s32 @!p0 s5, $0x0  }
0x1f: {  	s9 =	smul.u32 $0xF7A, s1;
	s8 =	simm.s32 @!p0 $0x1BF5;
	p2 =	por !p2, p0  }
0x20: {  	[sflag:s8] =	ssyncset.s32 @!p0 $0xFFFFF086;
	s6 =	sadd.s32 @!p0 s3, s7;
	s7 =	simm.s32 @!p0 $0x108  }
0x21: {  	s3 =	sadd.s32 s3, s9;
	s6 =	sadd.s32 @!p0 $0x88, s6;
	s7 =	simm.s32 @p2 $0x1082  }
0x22: {  	[simem:s7], [sflag:s8] =	dma.local @!p0 [hbm:s6], $0xF7A  }
0x23: {  	s9 =	sor.u32 $0xD0000000, s2;
	s6 =	simm.s32 $0x108;
	_ =	swait.ge @!p0 [sflag:s8], $0x0  }
0x24: {  	s3 =	sadd.s32 $0x88, s3;
	s6 =	simm.s32 @!p1 $0x1082;
	[sflag:s4] =	ssyncset.s32 $0xFFFFF086  }
0x25: {  	[simem:s6], [sflag:s4] =	dma.local [hbm:s3], $0xF7A  }
0x26: {  	[smem:$0x3F9F] =	sst s1;
	(tag) =	ssettag s2;
	_ =	strace s9  }
0x27: {  	s1 =	sld [smem:$0x3FAF]  }
0x28: {  	s2 =	sld [smem:$0x3FB0]  }
0x29: {  	s4 =	sld [smem:$0x3FB2]  }
0x2a: {  	p0 =	seq.s32 s5, $0x0;
	s5 =	sld [smem:$0x3FB3]  }
0x2b: {  	s6 =	sld [smem:$0x3FB4]  }
0x2c: {  	s7 =	sld [smem:$0x3FB5]  }
0x2d: {  	s3 =	simm.s32 $0x108;
	s8 =	sld [smem:$0x3FB6]  }
0x2e: {  	s3 =	simm.s32 @!p0 $0x1082;
	s9 =	sld [smem:$0x3FB7]  }
0x2f: {  	lr =	sadd.s32 s0, s3;
	s0 =	sld [smem:$0x3FAE]  }
0x30: {  	s3 =	sld [smem:$0x3FB1]  }
0x31: {  	[smem:$0x3FBA] =	sst s10  }
0x32: {  	s10 =	sld [smem:$0x3FB8];
	_ =	sdelay $0x3  }
0x33: {  	p0 =	seq.s32 s10, $0x1;
	s10 =	sld [smem:$0x3FBA];
	_ =	sdelay $0x3  }
0x34: {  	[smem:$0x3FBA] =	sst s10  }
0x35: {  	s10 =	sld [smem:$0x3FB9];
	_ =	sdelay $0x3  }
0x36: {  	p1 =	seq.s32 s10, $0x1;
	s10 =	sld [smem:$0x3FBA];
	_ =	sdelay $0x3  }
0x37: {  	[smem:$0x3FBA] =	sst s10  }
0x38: {  	s10 =	sld [smem:$0x3FBB]  }
0x39: {  	_ = 	snop;
	(pc) =	sbr.ind lr, $3  }
0x3a: {  	_ = 	snop  }
0x3b: {  	_ = 	snop  }
0x3c: {  	p2 =	seq.s32 s10, $0x1;
	s10 =	sld [smem:$0x3FBA]  }
0x3d: {  	_ =	shalt  }
0x3e: {  	_ =	shalt  }
0x3f: {  	_ =	shalt  }
0x40: {  	_ =	shalt  }
0x41: {  	_ =	shalt  }
0x42: {  	_ =	shalt  }
0x43: {  	_ =	shalt  }
0x44: {  	_ =	shalt  }
0x45: {  	_ =	shalt  }
0x46: {  	_ =	shalt  }
0x47: {  	_ =	shalt  }
0x48: {  	_ =	shalt  }
0x49: {  	_ =	shalt  }
0x4a: {  	_ =	shalt  }
0x4b: {  	_ =	shalt  }
0x4c: {  	_ =	shalt  }
0x4d: {  	_ =	shalt  }
0x4e: {  	_ =	shalt  }
0x4f: {  	_ =	shalt  }
0x50: {  	_ =	shalt  }
0x51: {  	_ =	shalt  }
0x52: {  	_ =	shalt  }
0x53: {  	_ =	shalt  }
0x54: {  	_ =	shalt  }
0x55: {  	_ =	shalt  }
0x56: {  	_ =	shalt  }
0x57: {  	_ =	shalt  }
0x58: {  	_ =	shalt  }
0x59: {  	_ =	shalt  }
0x5a: {  	_ =	shalt  }
0x5b: {  	_ =	shalt  }
0x5c: {  	_ =	shalt  }
0x5d: {  	_ =	shalt  }
0x5e: {  	_ =	shalt  }
0x5f: {  	_ =	shalt  }
0x60: {  	_ =	shalt  }
0x61: {  	_ =	shalt  }
0x62: {  	_ =	shalt  }
0x63: {  	_ =	shalt  }
0x64: {  	_ =	shalt  }
0x65: {  	_ =	shalt  }
0x66: {  	_ =	shalt  }
0x67: {  	_ =	shalt  }
0x68: {  	_ =	shalt  }
0x69: {  	_ =	shalt  }
0x6a: {  	_ =	shalt  }
0x6b: {  	_ =	shalt  }
0x6c: {  	_ =	shalt  }
0x6d: {  	_ =	shalt  }
0x6e: {  	_ =	shalt  }
0x6f: {  	_ =	shalt  }
0x70: {  	_ =	shalt  }
0x71: {  	_ =	shalt  }
0x72: {  	_ =	shalt  }
0x73: {  	_ =	shalt  }
0x74: {  	_ =	shalt  }
0x75: {  	_ =	shalt  }
0x76: {  	_ =	shalt  }
0x77: {  	_ =	shalt  }
0x78: {  	_ =	shalt  }
0x79: {  	_ =	shalt  }
0x7a: {  	_ =	shalt  }
0x7b: {  	_ =	shalt  }
0x7c: {  	_ =	shalt  }
0x7d: {  	_ =	shalt  }
0x7e: {  	_ =	shalt  }
0x7f: {  	_ =	shalt  }
0x80: {  	_ =	shalt  }
0x81: {  	_ =	shalt  }
0x82: {  	_ =	shalt  }
0x83: {  	_ =	shalt  }
0x84: {  	_ =	shalt  }
0x85: {  	_ =	shalt  }
0x86: {  	_ =	shalt  }
0x87: {  	_ =	shalt  }
.Lfunc_end0:
.L_simem_size_0:
called_computation.2_lowered:
.L_overlay_start_0:
0x88: {  	s2 =	sld [smem:$0x3FD9]  }
0x89: {  	s3 =	sld [smem:$0x3FFE];
	_ =	sdelay $0x1  }
0x8a: {  	s1 =	srdreg.scid  }
0x8b: {  	s0 =	sand.u32 $0x1, s1  }
0x8c: {  	s14 =	sshll.u32 s0, $0xA;
	s2 =	sadd.s32 s3, s2  }
0x8d: {  	s2 =	sadd.s32 s2, s14  }
0x8e: {  	[smem:$0x3FC6] =	sst s2  }
0x8f: {  	_ = 	snop  }
0x90: {  	s2 =	sld [smem:$0x3FD0];
	_ =	sdelay $0x2  }
0x91: {  	s15 =	simm.s32 $0xA;
	s4 =	simm.s32 $0x10  }
0x92: {  	[smem:s4], [sflag:s15] =	dma.local [hbm:s2], $0x1  }
0x93: {  	_ =	swait.eq [sflag:s15], $0x1  }
0x94: {  	[sflag:s15] =	ssyncset.done $0x0  }
0x95: {  	s16 =	sld [smem:$0x10];
	[sflag:s15] =	ssyncadd.s32 $0xFFFFFFFF  }
0x96: {  	s17 =	sld [smem:$0x11];
	(tm) =	ssettm $0x1  }
0x97: {  	s18 =	sld [smem:$0x3FFB];
	_ =	sdelay $0x3  }
0x98: {  	_ =	strace s18  }
0x99: {  	s4 =	sld [smem:$0x3FFC];
	_ =	sdelay $0x3  }
0x9a: {  	_ =	strace s4  }
0x9b: {  	s4 =	sld [smem:$0x3FFD];
	_ =	sdelay $0x3  }
0x9c: {  	_ =	strace s4  }
0x9d: {  	_ =	strace $0x8FFFFFFF  }
0x9e: {  	s19 =	sld [smem:$0x3FDB];
	_ =	sdelay $0x1  }
0x9f: {  	s5 =	simm.s32 $_scs_section_size  }
0xa0: {  	s6 =	simm.s32 $_size__tile_overlayer_lowered;
	s7 =	simm.s32 $_tile_overlayer_lowered  }
0xa1: {  	s22 =	simm.s32 $0x1BFF;
	s21 =	sshll.u32 s7, $0x1;
	s4 =	sadd.s32 s5, s19  }
0xa2: {  	s8 =	simm.s32 $0x0;
	s20 =	sshll.u32 s6, $0x1;
	s6 =	sadd.s32 s21, s4  }
0xa3: {  	[timem:s8], [sflag:s22] =	dma.local [hbm:s6], s20  }
0xa4: {  	_ =	swait.ge [sflag:s22], s20  }
0xa5: {  	s5 =	ssub.s32 $0x0, s20;
	[sflag:s22] =	ssyncset.done $0x0  }
0xa6: {  	[sflag:s22] =	ssyncadd.s32 s5;
	_ =	sdelay $0x1  }
0xa7: {  	s23 =	simm.s32 $0x1B8B  }
0xa8: {  	_ =	swait.ge [sflag:s23], $0x1  }
0xa9: {  	[sflag:s23] =	ssyncset.done $0x0  }
0xaa: {  	s25 =	simm.s32 $0x1B8E;
	s24 =	sld [smem:$0x3FFE];
	[sflag:s23] =	ssyncadd.s32 $0xFFFFFFFF  }
0xab: {  	s26 =	simm.s32 $execute0_lowered;
	[smem:$0x3FD2] =	sst s25  }
0xac: {  	s6 =	sshll.u32 s26, $0x1;
	_ =	strace $0x8000004C;
	[dreg:$0x1] =	wrdreg $0xFFFFFFFF  }
0xad: {  	s28 =	simm.s32 $_size_execute0_lowered;
	s4 =	sadd.s32 s4, s6;
	[dreg:$0x0] =	wrdreg $0x0  }
0xae: {  	s6 =	sshll.u32 s28, $0x1;
	[dreg:$0x2] =	wrdreg s4  }
0xaf: {  	[dreg:$0x3] =	wrdreg s6  }
0xb0: {  	[dreg:$0x4] =	wrdreg $0xC0  }
0xb1: {  	_ =	task [dreg:s8], $0x5FFFF  }
0xb2: {  	[dreg:$0x1] =	wrdreg $0xFFFFFFFF  }
0xb3: {  	[dreg:$0x0] =	wrdreg $0x60  }
0xb4: {  	[dreg:$0x2] =	wrdreg s24  }
0xb5: {  	[dreg:$0x3] =	wrdreg s16  }
0xb6: {  	[dreg:$0x4] =	wrdreg s17  }
0xb7: {  	[dreg:$0x5] =	wrdreg $0x9  }
0xb8: {  	_ =	task.clear_ibuf [dreg:s8], $0x6FFFF;
	_ =	strace $0x9000004C  }
0xb9: {  	s29 =	simm.s32 $0x9;
	_ =	strace $0x8000004E  }
0xba: {  	_ =	swait.ge [sflag:s29], $0x1  }
0xbb: {  	[sflag:s29] =	ssyncadd.s32 $0xFFFFFFFF  }
0xbc: {  	_ =	strace $0x9000004E  }
0xbd: {  	_ =	sfence  }
0xbe: {  	s30 =	sld [smem:$0x0];
	_ =	sdelay $0x2  }
0xbf: {  	s31 =	sshll.u32 s1, $0xD;
	s1 =	sshrl.u32 s1, $0x2  }
0xc0: {  	s3 =	sand.u32 $0x4000, s31;
	s1 =	sadd.s32 s1, s30  }
0xc1: {  	s0 =	sor.u32 s3, s0;
	s1 =	sshll.u32 s1, $0x11  }
0xc2: {  	s0 =	sor.u32 s1, s0  }
0xc3: {  	s0 =	sadd.s32 $0x8F2B, s0  }
0xc4: {  	[sflag:s0] =	ssyncadd.remote.s32 $0x1  }
0xc5: {  	_ =	sfence.sel $0xFFFF  }
0xc6: {  	[dreg:$0x0] =	wrdreg $0xFFFFFFFF;
	(pc) =	sbr.abs _section_cstart, $3  }
0xc7: {  	[dreg:$0x1] =	wrdreg $0xFFFFFFFF  }
0xc8: {  	_ =	task.clear_ibuf [dreg:s8], $0x2FFFF;
	_ =	strace $0x9FFFFFFF  }
0xc9: {  	(tm) =	ssettm $0x7FFFFFFF  }
tec
execute0_lowered:
.L_overlay_start_1:
0x0: {  	(tag) =	ssettag $0x1  }
0x1: {  	s1 =	rddreg [dreg:$0x0];
	s2 =	srdreg.scid  }
0x2: {  	s3 =	rddreg [dreg:$0x1];
	s0 =	stileid.u32  }
0x3: {  	s5 =	rddreg [dreg:$0x2];
	s17 =	simm.s32 $0x80;
	s18 =	simm.s32 $0x900  }
0x4: {  	s19 =	simm.s32 $0x1100;
	s4 =	sand.u32 $0x1, s2;
	s2 =	simm.s32 $0x0  }
0x5: {  	s20 =	simm.s32 $0x1900;
	s21 =	simm.s32 $0x2100;
	[smem:$0x7FF] =	sst s2  }
0x6: {  	s23 =	simm.s32 $0x2900;
	_ =	strace $0x8000004D;
	[dreg:$0x8] =	wrdreg s17  }
0x7: {  	s24 =	simm.s32 $0x3100;
	s25 =	simm.s32 $0x3900;
	[dreg:$0x9] =	wrdreg s18  }
0x8: {  	s26 =	simm.s32 $0x4100;
	s9 =	simm.s32 $0x5900;
	[dreg:$0xa] =	wrdreg s19  }
0x9: {  	s10 =	simm.s32 $0x6100;
	s11 =	simm.s32 $0x6900;
	[dreg:$0xb] =	wrdreg s20  }
0xa: {  	s12 =	simm.s32 $0x7100;
	s28 =	simm.s32 $0xE900;
	[dreg:$0xc] =	wrdreg s21  }
0xb: {  	s29 =	simm.s32 $0xF100;
	s30 =	simm.s32 $0xF900;
	[dreg:$0xd] =	wrdreg s23  }
0xc: {  	s31 =	simm.s32 $0x1;
	s6 =	sshll.u32 s0, $0x8;
	[dreg:$0xe] =	wrdreg s24  }
0xd: {  	s7 =	sshll.u32 s4, $0x7;
	s4 =	ssub.s32 $0x2, s4;
	[dreg:$0xf] =	wrdreg s25  }
0xe: {  	s6 =	sor.u32 s7, s6;
	s22 =	sshrl.u32 s4, $0x1;
	[dreg:$0x10] =	wrdreg s26  }
0xf: {  	s17 =	simm.s32 $0x9900;
	s18 =	simm.s32 $0xA100;
	s19 =	simm.s32 $0xA900  }
0x10: {  	s20 =	simm.s32 $0xB100;
	s21 =	simm.s32 $0xB900;
	s23 =	simm.s32 $0xC900  }
0x11: {  	s24 =	simm.s32 $0xD100;
	s25 =	simm.s32 $0xD900;
	s26 =	simm.s32 $0xE100  }
0x12: {  	s7 =	sshrl.u32 s6, $0x3;
	s6 =	sshll.u32 s6, $0x5;
	s4 =	ssub.s32 s4, s22  }
0x13: {  	s22 =	simm.s32 $0xC100;
	s8 =	sadd.s32 s7, s1;
	s3 =	sadd.s32 s3, s7  }
0x14: {  	s14 =	sadd.s32 s6, s1;
	s15 =	sadd.s32 s5, s6;
	s4 =	smax.u32 s4, $0x1  }
0x15: {  	s5 =	simm.s32 $0x3;
	s6 =	simm.s32 $0x100;
	[dreg:$0x4] =	wrdreg s3  }
0x16: {  	s13 =	sadd.s32 $0xD400, s8;
	[dreg:$0x6] =	wrdreg s15;
	s16 =	sadd.s32 $0xD600, s14  }
0x17: {  	v2 =	vlaneseq.u32;
	s3 =	sadd.s32 $0x4D400, s1;
	s8 =	simm.s32 $0x5100;
	s14 =	simm.s32 $0x8100  }
0x18: {  	vm0 =	vmmov $0xffff;
	v1 =	vshrl.u32 v2, $0x3;
	s15 =	simm.s32 $0x8900;
	s1 =	simm.s32 $0x2;
	[dreg:$0x5] =	wrdreg s13  }
0x19: {  	v0 =	vand.u32 $0x7, v2;
	v2 =	vor.u32 $0x8, v2;
	v1 =	vmul.u32 $0x8, v1;
	[dreg:$0x7] =	wrdreg s16;
	s13 =	simm.s32 $0x7900;
	s16 =	simm.s32 $0x9100  }
.LBB2_1:
0x1a: {  	s0 =	rddreg [dreg:$0x4]  }
0x1b: {  	[tilespmem:s2], [sflag:$0x3] =	stream.linear.gather [hbm4b:s0+s2], $0x80, $0x38;
	[tilespmem:$0x10100] =	vst v63  }
0x1c: {  	_ =	swait.ge [sflag:s5], $0x80  }
0x1d: {  	s0 =	rddreg [dreg:$0x5];
	[sflag:s5] =	ssyncset.done $0x0  }
0x1e: {  	s7 =	rddreg [dreg:$0x8];
	[sflag:s5] =	ssyncadd.s32 $0xFFFFFF80  }
0x1f: {  	[tilespmem:s7], [sflag:$0x3] =	stream.linear.gather [hbm4b:s0+s2], $0x80, $0x38;
	[tilespmem:$0x10100] =	vst v63  }
0x20: {  	_ =	swait.ge [sflag:s5], $0x80  }
0x21: {  	[sflag:s5] =	ssyncset.done $0x0  }
0x22: {  	[sflag:s5] =	ssyncadd.s32 $0xFFFFFF80  }
0x23: {  	v3 =	vld [tilespmem:$0x0];
	_ =	sdelay $0x4  }
0x24: {  	v4 =	vshll.u32 v3, $0x1  }
0x25: {  	v3 =	vand.u32 $0x7, v3;
	v4 =	vand.u32 $0xFFFFFFF0, v4  }
0x26: {  	v3 =	vor.u32 v3, v4  }
0x27: {  	v4 =	vperm.xlane v3, v0;
	_ =	sdelay $0x1  }
0x28: {  	v3 =	vperm.xlane v3, v2;
	v4 =	vadd.s32 v1, v4;
	_ =	sdelay $0x1  }
0x29: {  	v3 =	vadd.s32 v1, v3;
	_ =	sdelay $0x2  }
0x2a: {  	[tilespmem:s6], [sflag:$0x1] =	stream.indirect_vreg.gather [hbm4b:s3+s2], $0x80, v4, vm0, $0xb8;
	[tilespmem:$0x10100] =	vst v63  }
0x2b: {  	s7 =	rddreg [dreg:$0x9]  }
0x2c: {  	[tilespmem:s7], [sflag:$0x1] =	stream.indirect_vreg.gather [hbm4b:s3+s2], $0x80, v3, vm0, $0xb8;
	[tilespmem:$0x10100] =	vst v63  }
0x2d: {  	v3 =	vld [tilespmem:$0x10];
	_ =	sdelay $0x4  }
0x2e: {  	v49 =	vshll.u32 v3, $0x1  }
0x2f: {  	v3 =	vand.u32 $0x7, v3;
	v4 =	vand.u32 $0xFFFFFFF0, v49  }
0x30: {  	v3 =	vor.u32 v3, v4  }
0x31: {  	v4 =	vperm.xlane v3, v0;
	_ =	sdelay $0x1  }
0x32: {  	v3 =	vperm.xlane v3, v2;
	v4 =	vadd.s32 v1, v4;
	_ =	sdelay $0x1  }
0x33: {  	v3 =	vadd.s32 v1, v3;
	_ =	sdelay $0x1  }
0x34: {  	s0 =	rddreg [dreg:$0xa]  }
0x35: {  	[tilespmem:s0], [sflag:$0x1] =	stream.indirect_vreg.gather [hbm4b:s3+s2], $0x80, v4, vm0, $0xb8;
	[tilespmem:$0x10100] =	vst v63  }
0x36: {  	s7 =	rddreg [dreg:$0xb]  }
0x37: {  	[tilespmem:s7], [sflag:$0x1] =	stream.indirect_vreg.gather [hbm4b:s3+s2], $0x80, v3, vm0, $0xb8;
	[tilespmem:$0x10100] =	vst v63  }
0x38: {  	v3 =	vld [tilespmem:$0x20];
	_ =	sdelay $0x4  }
0x39: {  	v50 =	vshll.u32 v3, $0x1  }
0x3a: {  	v3 =	vand.u32 $0x7, v3;
	v4 =	vand.u32 $0xFFFFFFF0, v50  }
0x3b: {  	v3 =	vor.u32 v3, v4  }
0x3c: {  	v4 =	vperm.xlane v3, v0;
	_ =	sdelay $0x1  }
0x3d: {  	v3 =	vperm.xlane v3, v2;
	v4 =	vadd.s32 v1, v4;
	_ =	sdelay $0x1  }
0x3e: {  	v3 =	vadd.s32 v1, v3;
	_ =	sdelay $0x1  }
0x3f: {  	s0 =	rddreg [dreg:$0xc]  }
0x40: {  	[tilespmem:s0], [sflag:$0x1] =	stream.indirect_vreg.gather [hbm4b:s3+s2], $0x80, v4, vm0, $0xb8;
	[tilespmem:$0x10100] =	vst v63  }
0x41: {  	s7 =	rddreg [dreg:$0xd]  }
0x42: {  	[tilespmem:s7], [sflag:$0x1] =	stream.indirect_vreg.gather [hbm4b:s3+s2], $0x80, v3, vm0, $0xb8;
	[tilespmem:$0x10100] =	vst v63  }
0x43: {  	v3 =	vld [tilespmem:$0x30];
	_ =	sdelay $0x4  }
0x44: {  	v51 =	vshll.u32 v3, $0x1  }
0x45: {  	v3 =	vand.u32 $0x7, v3;
	v4 =	vand.u32 $0xFFFFFFF0, v51  }
0x46: {  	v3 =	vor.u32 v3, v4  }
0x47: {  	v4 =	vperm.xlane v3, v0;
	_ =	sdelay $0x1  }
0x48: {  	v3 =	vperm.xlane v3, v2;
	v4 =	vadd.s32 v1, v4;
	_ =	sdelay $0x1  }
0x49: {  	v3 =	vadd.s32 v1, v3;
	_ =	sdelay $0x1  }
0x4a: {  	s0 =	rddreg [dreg:$0xe]  }
0x4b: {  	[tilespmem:s0], [sflag:$0x1] =	stream.indirect_vreg.gather [hbm4b:s3+s2], $0x80, v4, vm0, $0xb8;
	[tilespmem:$0x10100] =	vst v63  }
0x4c: {  	s7 =	rddreg [dreg:$0xf]  }
0x4d: {  	[tilespmem:s7], [sflag:$0x1] =	stream.indirect_vreg.gather [hbm4b:s3+s2], $0x80, v3, vm0, $0xb8;
	[tilespmem:$0x10100] =	vst v63  }
0x4e: {  	v3 =	vld [tilespmem:$0x40];
	_ =	sdelay $0x4  }
0x4f: {  	v52 =	vshll.u32 v3, $0x1  }
0x50: {  	v3 =	vand.u32 $0x7, v3;
	v4 =	vand.u32 $0xFFFFFFF0, v52  }
0x51: {  	v3 =	vor.u32 v3, v4  }
0x52: {  	v4 =	vperm.xlane v3, v0;
	_ =	sdelay $0x1  }
0x53: {  	v3 =	vperm.xlane v3, v2;
	v4 =	vadd.s32 v1, v4;
	_ =	sdelay $0x1  }
0x54: {  	v3 =	vadd.s32 v1, v3;
	_ =	sdelay $0x1  }
0x55: {  	s7 =	rddreg [dreg:$0x10]  }
0x56: {  	[tilespmem:s7], [sflag:$0x1] =	stream.indirect_vreg.gather [hbm4b:s3+s2], $0x80, v4, vm0, $0xb8;
	[tilespmem:$0x10100] =	vst v63  }
0x57: {  	s7 =	simm.s32 $0x4900  }
0x58: {  	[tilespmem:s7], [sflag:$0x1] =	stream.indirect_vreg.gather [hbm4b:s3+s2], $0x80, v3, vm0, $0xb8;
	[tilespmem:$0x10100] =	vst v63  }
0x59: {  	v3 =	vld [tilespmem:$0x50];
	_ =	sdelay $0x4  }
0x5a: {  	v53 =	vshll.u32 v3, $0x1  }
0x5b: {  	v3 =	vand.u32 $0x7, v3;
	v4 =	vand.u32 $0xFFFFFFF0, v53  }
0x5c: {  	v3 =	vor.u32 v3, v4  }
0x5d: {  	v4 =	vperm.xlane v3, v0;
	_ =	sdelay $0x1  }
0x5e: {  	v3 =	vperm.xlane v3, v2;
	v4 =	vadd.s32 v1, v4;
	_ =	sdelay $0x1  }
0x5f: {  	v3 =	vadd.s32 v1, v3;
	_ =	sdelay $0x2  }
0x60: {  	[tilespmem:s8], [sflag:$0x1] =	stream.indirect_vreg.gather [hbm4b:s3+s2], $0x80, v4, vm0, $0xb8;
	[tilespmem:$0x10100] =	vst v63  }
0x61: {  	_ = 	snop  }
0x62: {  	[tilespmem:s9], [sflag:$0x1] =	stream.indirect_vreg.gather [hbm4b:s3+s2], $0x80, v3, vm0, $0xb8;
	[tilespmem:$0x10100] =	vst v63  }
0x63: {  	v3 =	vld [tilespmem:$0x60];
	_ =	sdelay $0x4  }
0x64: {  	v54 =	vshll.u32 v3, $0x1  }
0x65: {  	v3 =	vand.u32 $0x7, v3;
	v4 =	vand.u32 $0xFFFFFFF0, v54  }
0x66: {  	v3 =	vor.u32 v3, v4  }
0x67: {  	v4 =	vperm.xlane v3, v0;
	_ =	sdelay $0x1  }
0x68: {  	v3 =	vperm.xlane v3, v2;
	v4 =	vadd.s32 v1, v4;
	_ =	sdelay $0x1  }
0x69: {  	v3 =	vadd.s32 v1, v3;
	_ =	sdelay $0x2  }
0x6a: {  	[tilespmem:s10], [sflag:$0x1] =	stream.indirect_vreg.gather [hbm4b:s3+s2], $0x80, v4, vm0, $0xb8;
	[tilespmem:$0x10100] =	vst v63  }
0x6b: {  	_ = 	snop  }
0x6c: {  	[tilespmem:s11], [sflag:$0x1] =	stream.indirect_vreg.gather [hbm4b:s3+s2], $0x80, v3, vm0, $0xb8;
	[tilespmem:$0x10100] =	vst v63  }
0x6d: {  	v3 =	vld [tilespmem:$0x70];
	_ =	sdelay $0x4  }
0x6e: {  	v55 =	vshll.u32 v3, $0x1  }
0x6f: {  	v3 =	vand.u32 $0x7, v3;
	v4 =	vand.u32 $0xFFFFFFF0, v55  }
0x70: {  	v3 =	vor.u32 v3, v4  }
0x71: {  	v4 =	vperm.xlane v3, v0;
	_ =	sdelay $0x1  }
0x72: {  	v3 =	vperm.xlane v3, v2;
	v4 =	vadd.s32 v1, v4;
	_ =	sdelay $0x1  }
0x73: {  	v3 =	vadd.s32 v1, v3;
	_ =	sdelay $0x2  }
0x74: {  	[tilespmem:s12], [sflag:$0x1] =	stream.indirect_vreg.gather [hbm4b:s3+s2], $0x80, v4, vm0, $0xb8;
	[tilespmem:$0x10100] =	vst v63  }
0x75: {  	_ = 	snop  }
0x76: {  	[tilespmem:s13], [sflag:$0x1] =	stream.indirect_vreg.gather [hbm4b:s3+s2], $0x80, v3, vm0, $0xb8;
	[tilespmem:$0x10100] =	vst v63  }
0x77: {  	v3 =	vld [tilespmem:$0x80];
	_ =	sdelay $0x4  }
0x78: {  	v56 =	vshll.u32 v3, $0x1  }
0x79: {  	v3 =	vand.u32 $0x7, v3;
	v4 =	vand.u32 $0xFFFFFFF0, v56  }
0x7a: {  	v3 =	vor.u32 v3, v4  }
0x7b: {  	v4 =	vperm.xlane v3, v0;
	_ =	sdelay $0x1  }
0x7c: {  	v3 =	vperm.xlane v3, v2;
	v4 =	vadd.s32 v1, v4;
	_ =	sdelay $0x1  }
0x7d: {  	v3 =	vadd.s32 v1, v3;
	_ =	sdelay $0x2  }
0x7e: {  	[tilespmem:s14], [sflag:$0x2] =	stream.indirect_vreg.gather [hbm4b:s3+s2], $0x80, v4, vm0, $0xb8;
	[tilespmem:$0x10100] =	vst v63  }
0x7f: {  	_ = 	snop  }
0x80: {  	[tilespmem:s15], [sflag:$0x2] =	stream.indirect_vreg.gather [hbm4b:s3+s2], $0x80, v3, vm0, $0xb8;
	[tilespmem:$0x10100] =	vst v63  }
0x81: {  	v3 =	vld [tilespmem:$0x90];
	_ =	sdelay $0x4  }
0x82: {  	v57 =	vshll.u32 v3, $0x1  }
0x83: {  	v3 =	vand.u32 $0x7, v3;
	v4 =	vand.u32 $0xFFFFFFF0, v57  }
0x84: {  	v3 =	vor.u32 v3, v4  }
0x85: {  	v4 =	vperm.xlane v3, v0;
	_ =	sdelay $0x1  }
0x86: {  	v3 =	vperm.xlane v3, v2;
	v4 =	vadd.s32 v1, v4;
	_ =	sdelay $0x1  }
0x87: {  	v3 =	vadd.s32 v1, v3;
	_ =	sdelay $0x2  }
0x88: {  	[tilespmem:s16], [sflag:$0x2] =	stream.indirect_vreg.gather [hbm4b:s3+s2], $0x80, v4, vm0, $0xb8;
	[tilespmem:$0x10100] =	vst v63  }
0x89: {  	_ = 	snop  }
0x8a: {  	[tilespmem:s17], [sflag:$0x2] =	stream.indirect_vreg.gather [hbm4b:s3+s2], $0x80, v3, vm0, $0xb8;
	[tilespmem:$0x10100] =	vst v63  }
0x8b: {  	v3 =	vld [tilespmem:$0xA0];
	_ =	sdelay $0x4  }
0x8c: {  	v58 =	vshll.u32 v3, $0x1  }
0x8d: {  	v3 =	vand.u32 $0x7, v3;
	v4 =	vand.u32 $0xFFFFFFF0, v58  }
0x8e: {  	v3 =	vor.u32 v3, v4  }
0x8f: {  	v4 =	vperm.xlane v3, v0;
	_ =	sdelay $0x1  }
0x90: {  	v3 =	vperm.xlane v3, v2;
	v4 =	vadd.s32 v1, v4;
	_ =	sdelay $0x1  }
0x91: {  	v3 =	vadd.s32 v1, v3;
	_ =	sdelay $0x2  }
0x92: {  	[tilespmem:s18], [sflag:$0x2] =	stream.indirect_vreg.gather [hbm4b:s3+s2], $0x80, v4, vm0, $0xb8;
	[tilespmem:$0x10100] =	vst v63  }
0x93: {  	_ = 	snop  }
0x94: {  	[tilespmem:s19], [sflag:$0x2] =	stream.indirect_vreg.gather [hbm4b:s3+s2], $0x80, v3, vm0, $0xb8;
	[tilespmem:$0x10100] =	vst v63  }
0x95: {  	v3 =	vld [tilespmem:$0xB0];
	_ =	sdelay $0x4  }
0x96: {  	v59 =	vshll.u32 v3, $0x1  }
0x97: {  	v3 =	vand.u32 $0x7, v3;
	v4 =	vand.u32 $0xFFFFFFF0, v59  }
0x98: {  	v3 =	vor.u32 v3, v4  }
0x99: {  	v4 =	vperm.xlane v3, v0;
	_ =	sdelay $0x1  }
0x9a: {  	v3 =	vperm.xlane v3, v2;
	v4 =	vadd.s32 v1, v4;
	_ =	sdelay $0x1  }
0x9b: {  	v3 =	vadd.s32 v1, v3;
	_ =	sdelay $0x2  }
0x9c: {  	[tilespmem:s20], [sflag:$0x2] =	stream.indirect_vreg.gather [hbm4b:s3+s2], $0x80, v4, vm0, $0xb8;
	[tilespmem:$0x10100] =	vst v63  }
0x9d: {  	_ = 	snop  }
0x9e: {  	[tilespmem:s21], [sflag:$0x2] =	stream.indirect_vreg.gather [hbm4b:s3+s2], $0x80, v3, vm0, $0xb8;
	[tilespmem:$0x10100] =	vst v63  }
0x9f: {  	v3 =	vld [tilespmem:$0xC0];
	_ =	sdelay $0x4  }
0xa0: {  	v60 =	vshll.u32 v3, $0x1  }
0xa1: {  	v3 =	vand.u32 $0x7, v3;
	v4 =	vand.u32 $0xFFFFFFF0, v60  }
0xa2: {  	v3 =	vor.u32 v3, v4  }
0xa3: {  	v4 =	vperm.xlane v3, v0;
	_ =	sdelay $0x1  }
0xa4: {  	v3 =	vperm.xlane v3, v2;
	v4 =	vadd.s32 v1, v4;
	_ =	sdelay $0x1  }
0xa5: {  	v3 =	vadd.s32 v1, v3;
	_ =	sdelay $0x2  }
0xa6: {  	[tilespmem:s22], [sflag:$0x2] =	stream.indirect_vreg.gather [hbm4b:s3+s2], $0x80, v4, vm0, $0xb8;
	[tilespmem:$0x10100] =	vst v63  }
0xa7: {  	_ = 	snop  }
0xa8: {  	[tilespmem:s23], [sflag:$0x2] =	stream.indirect_vreg.gather [hbm4b:s3+s2], $0x80, v3, vm0, $0xb8;
	[tilespmem:$0x10100] =	vst v63  }
0xa9: {  	v3 =	vld [tilespmem:$0xD0];
	_ =	sdelay $0x4  }
0xaa: {  	v61 =	vshll.u32 v3, $0x1  }
0xab: {  	v3 =	vand.u32 $0x7, v3;
	v4 =	vand.u32 $0xFFFFFFF0, v61  }
0xac: {  	v3 =	vor.u32 v3, v4  }
0xad: {  	v4 =	vperm.xlane v3, v0;
	_ =	sdelay $0x1  }
0xae: {  	v3 =	vperm.xlane v3, v2;
	v4 =	vadd.s32 v1, v4;
	_ =	sdelay $0x1  }
0xaf: {  	v3 =	vadd.s32 v1, v3;
	_ =	sdelay $0x2  }
0xb0: {  	[tilespmem:s24], [sflag:$0x2] =	stream.indirect_vreg.gather [hbm4b:s3+s2], $0x80, v4, vm0, $0xb8;
	[tilespmem:$0x10100] =	vst v63  }
0xb1: {  	_ = 	snop  }
0xb2: {  	[tilespmem:s25], [sflag:$0x2] =	stream.indirect_vreg.gather [hbm4b:s3+s2], $0x80, v3, vm0, $0xb8;
	[tilespmem:$0x10100] =	vst v63  }
0xb3: {  	v3 =	vld [tilespmem:$0xE0];
	_ =	sdelay $0x4  }
0xb4: {  	v62 =	vshll.u32 v3, $0x1  }
0xb5: {  	v3 =	vand.u32 $0x7, v3;
	v4 =	vand.u32 $0xFFFFFFF0, v62  }
0xb6: {  	v3 =	vor.u32 v3, v4  }
0xb7: {  	v4 =	vperm.xlane v3, v0;
	_ =	sdelay $0x1  }
0xb8: {  	v3 =	vperm.xlane v3, v2;
	v4 =	vadd.s32 v1, v4;
	_ =	sdelay $0x1  }
0xb9: {  	v3 =	vadd.s32 v1, v3;
	_ =	sdelay $0x2  }
0xba: {  	[tilespmem:s26], [sflag:$0x2] =	stream.indirect_vreg.gather [hbm4b:s3+s2], $0x80, v4, vm0, $0xb8;
	[tilespmem:$0x10100] =	vst v63  }
0xbb: {  	_ = 	snop  }
0xbc: {  	[tilespmem:s28], [sflag:$0x2] =	stream.indirect_vreg.gather [hbm4b:s3+s2], $0x80, v3, vm0, $0xb8;
	[tilespmem:$0x10100] =	vst v63  }
0xbd: {  	v3 =	vld [tilespmem:$0xF0];
	_ =	sdelay $0x4  }
0xbe: {  	v63 =	vshll.u32 v3, $0x1  }
0xbf: {  	v3 =	vand.u32 $0x7, v3;
	v4 =	vand.u32 $0xFFFFFFF0, v63  }
0xc0: {  	v3 =	vor.u32 v3, v4  }
0xc1: {  	v4 =	vperm.xlane v3, v0;
	_ =	sdelay $0x1  }
0xc2: {  	v3 =	vperm.xlane v3, v2;
	v4 =	vadd.s32 v1, v4;
	_ =	sdelay $0x1  }
0xc3: {  	v3 =	vadd.s32 v1, v3;
	_ =	sdelay $0x2  }
0xc4: {  	[tilespmem:s29], [sflag:$0x2] =	stream.indirect_vreg.gather [hbm4b:s3+s2], $0x80, v4, vm0, $0xb8;
	[tilespmem:$0x10100] =	vst v63  }
0xc5: {  	_ = 	snop  }
0xc6: {  	[tilespmem:s30], [sflag:$0x2] =	stream.indirect_vreg.gather [hbm4b:s3+s2], $0x80, v3, vm0, $0xb8;
	[tilespmem:$0x10100] =	vst v63  }
0xc7: {  	_ =	swait.ge [sflag:s31], $0x8000  }
0xc8: {  	[sflag:s31] =	ssyncset.done $0x0  }
0xc9: {  	s7 =	rddreg [dreg:$0x6];
	[sflag:s31] =	ssyncadd.s32 $0xFFFF8000  }
0xca: {  	[hbm4b:s7+s2] =	stream.linear.scatter [tilespmem:s6], [sflag:$0x3], $0x8000, $0x38;
	[tilespmem:$0x10100] =	vst v63  }
0xcb: {  	_ =	swait.ge [sflag:s5], $0x8000  }
0xcc: {  	[sflag:s5] =	ssyncset.done $0x0  }
0xcd: {  	[sflag:s5] =	ssyncadd.s32 $0xFFFF8000  }
0xce: {  	_ =	swait.ge [sflag:s1], $0x8000  }
0xcf: {  	p0 =	sne.s32 s4, $0x1;
	[sflag:s1] =	ssyncset.done $0x0  }
.Ltmp0:
0xd0: {  	s7 =	rddreg [dreg:$0x7];
	[sflag:s1] =	ssyncadd.s32 $0xFFFF8000;
	(pc) =	sbr.rel @p0 .LBB2_1-.Ltmp0, $4  }
0xd1: {  	[hbm4b:s7+s2] =	stream.linear.scatter [tilespmem:s14], [sflag:$0x3], $0x8000, $0x38;
	[tilespmem:$0x10100] =	vst v63  }
0xd2: {  	_ =	swait.ge [sflag:s5], $0x8000  }
0xd3: {  	[sflag:s5] =	ssyncset.done $0x0  }
0xd4: {  	s4 =	sadd.s32 $0xFFFFFFFF, s4;
	[sflag:s5] =	ssyncadd.s32 $0xFFFF8000  }
0xd5: {  	_ =	sfence.sel $0x180000  }
0xd6: {  	[bflag:$0x0] =	sbarrier.arrive $0xFFFF  }
0xd7: {  	_ =	strace $0x9000004D  }
0xd8: {  	s0 =	stileid.u32;
	[bflag:$0x2] =	sbarrier.arrive $0xFFFF  }
0xd9: {  	p0 =	sne.s32 s0, $0x0;
	s0 =	rddreg [dreg:$0x3]  }
0xda: {  	s0 =	sadd.s32 @!p0 $0x100000, s0  }
0xdb: {  	[sflag:s0] =	ssyncadd.tile.s32 @!p0 $0x1;
	_ =	shalt  }
.Lfunc_end2:
_tile_overlayer_lowered:
.L_overlay_start_2:
0xdc: {  	(tag) =	ssettag $0x2  }
0xdd: {  	s0 =	rddreg [dreg:$0x0];
	s2 =	stileid.u32  }
0xde: {  	s1 =	rddreg [dreg:$0x1];
	p0 =	sne.s32 s2, $0x0  }
0xdf: {  	s3 =	rddreg [dreg:$0x2];
	[bflag:$0x3] =	sbarrier.arrive $0xFFFF;
	s2 =	simm.s32 @!p0 $0x1C03  }
0xe0: {  	[timem:s3], [sflag:s2] =	dma.local @!p0 [hbm:s0], s1  }
0xe1: {  	s0 =	simm.s32 @!p0 $0x3  }
0xe2: {  	_ =	swait.ge @!p0 [sflag:s0], s1  }
0xe3: {  	s1 =	ssub.s32 @!p0 $0x0, s1;
	[sflag:s0] =	ssyncset.done @!p0 $0x0  }
0xe4: {  	[sflag:s0] =	ssyncadd.s32 @!p0 s1  }
0xe5: {  	[bflag:$0x3] =	sbarrier.arrive $0xFFFF  }
0xe6: {  	_ =	shalt  }

// kernel: kernel.35.cloned.1.call-start
scs
__scs_entry_jumppad:
0x0: {  	(pc) =	sbr.rel $0x88, $3  }
0x1: {  	(tag) =	ssettag $0x0;
	lr =	simm.s32 $0x1  }
0x2: {  	[smem:$0x3F9F] =	sst lr;
	_ =	strace $0xD0000000  }
0x3: {  	_ = 	snop  }
0x4: {  	_ = 	snop  }
0x5: {  	_ = 	snop  }
0x6: {  	_ = 	snop  }
0x7: {  	_ = 	snop  }
__scs_overlays_trampoline_lowered:
0x8: {  	[smem:$0x3FAE] =	sst s0  }
0x9: {  	[smem:$0x3FAF] =	sst s1  }
0xa: {  	[smem:$0x3FB0] =	sst s2  }
0xb: {  	[smem:$0x3FB1] =	sst s3  }
0xc: {  	[smem:$0x3FB2] =	sst s4  }
0xd: {  	[smem:$0x3FB3] =	sst s5  }
0xe: {  	[smem:$0x3FB4] =	sst s6  }
0xf: {  	[smem:$0x3FB5] =	sst s7  }
0x10: {  	[smem:$0x3FB6] =	sst s8  }
0x11: {  	[smem:$0x3FB7] =	sst s9;
	s0 =	simm.s32 @!p0 $0x0  }
0x12: {  	s1 =	sld [smem:$0x3F9D];
	s0 =	simm.s32 @p0 $0x1  }
0x13: {  	[smem:$0x3FB8] =	sst s0;
	s0 =	simm.s32 @!p1 $0x0  }
0x14: {  	s2 =	sld [smem:$0x3F9C];
	s0 =	simm.s32 @p1 $0x1  }
0x15: {  	[smem:$0x3FB9] =	sst s0;
	s0 =	simm.s32 @!p2 $0x0  }
0x16: {  	s3 =	sld [smem:$0x3FDB];
	s0 =	simm.s32 @p2 $0x1  }
0x17: {  	s4 =	simm.s32 $0x1BF5;
	[smem:$0x3FBB] =	sst s0  }
0x18: {  	s0 =	sld [smem:$0x3F9E];
	_ =	swait.ge [sflag:s4], $0x0  }
0x19: {  	s7 =	sld [smem:$0x3F9F]  }
0x1a: {  	s8 =	sadd.s32 $0xFFFFE003, lr  }
0x1b: {  	s9 =	sadd.s32 $0xFFFFFEF7, lr;
	s5 =	simm.s32 $0xFFFFFFFF;
	p2 =	slt.u32 s8, $0xFFFFF086  }
0x1c: {  	p1 =	slt.u32 s9, $0xF7A;
	s5 =	simm.s32 @!p2 $0x0  }
0x1d: {  	s5 =	simm.s32 @p1 $0x1;
	p0 =	seq.s32 s7, s2  }
0x1e: {  	s7 =	smul.u32 @!p0 $0xF7A, s2;
	p2 =	seq.s32 @!p0 s5, $0x0  }
0x1f: {  	s9 =	smul.u32 $0xF7A, s1;
	s8 =	simm.s32 @!p0 $0x1BF5;
	p2 =	por !p2, p0  }
0x20: {  	[sflag:s8] =	ssyncset.s32 @!p0 $0xFFFFF086;
	s6 =	sadd.s32 @!p0 s3, s7;
	s7 =	simm.s32 @!p0 $0x108  }
0x21: {  	s3 =	sadd.s32 s3, s9;
	s6 =	sadd.s32 @!p0 $0x88, s6;
	s7 =	simm.s32 @p2 $0x1082  }
0x22: {  	[simem:s7], [sflag:s8] =	dma.local @!p0 [hbm:s6], $0xF7A  }
0x23: {  	s9 =	sor.u32 $0xD0000000, s2;
	s6 =	simm.s32 $0x108;
	_ =	swait.ge @!p0 [sflag:s8], $0x0  }
0x24: {  	s3 =	sadd.s32 $0x88, s3;
	s6 =	simm.s32 @!p1 $0x1082;
	[sflag:s4] =	ssyncset.s32 $0xFFFFF086  }
0x25: {  	[simem:s6], [sflag:s4] =	dma.local [hbm:s3], $0xF7A  }
0x26: {  	[smem:$0x3F9F] =	sst s1;
	(tag) =	ssettag s2;
	_ =	strace s9  }
0x27: {  	s1 =	sld [smem:$0x3FAF]  }
0x28: {  	s2 =	sld [smem:$0x3FB0]  }
0x29: {  	s4 =	sld [smem:$0x3FB2]  }
0x2a: {  	p0 =	seq.s32 s5, $0x0;
	s5 =	sld [smem:$0x3FB3]  }
0x2b: {  	s6 =	sld [smem:$0x3FB4]  }
0x2c: {  	s7 =	sld [smem:$0x3FB5]  }
0x2d: {  	s3 =	simm.s32 $0x108;
	s8 =	sld [smem:$0x3FB6]  }
0x2e: {  	s3 =	simm.s32 @!p0 $0x1082;
	s9 =	sld [smem:$0x3FB7]  }
0x2f: {  	lr =	sadd.s32 s0, s3;
	s0 =	sld [smem:$0x3FAE]  }
0x30: {  	s3 =	sld [smem:$0x3FB1]  }
0x31: {  	[smem:$0x3FBA] =	sst s10  }
0x32: {  	s10 =	sld [smem:$0x3FB8];
	_ =	sdelay $0x3  }
0x33: {  	p0 =	seq.s32 s10, $0x1;
	s10 =	sld [smem:$0x3FBA];
	_ =	sdelay $0x3  }
0x34: {  	[smem:$0x3FBA] =	sst s10  }
0x35: {  	s10 =	sld [smem:$0x3FB9];
	_ =	sdelay $0x3  }
0x36: {  	p1 =	seq.s32 s10, $0x1;
	s10 =	sld [smem:$0x3FBA];
	_ =	sdelay $0x3  }
0x37: {  	[smem:$0x3FBA] =	sst s10  }
0x38: {  	s10 =	sld [smem:$0x3FBB]  }
0x39: {  	_ = 	snop;
	(pc) =	sbr.ind lr, $3  }
0x3a: {  	_ = 	snop  }
0x3b: {  	_ = 	snop  }
0x3c: {  	p2 =	seq.s32 s10, $0x1;
	s10 =	sld [smem:$0x3FBA]  }
0x3d: {  	_ =	shalt  }
0x3e: {  	_ =	shalt  }
0x3f: {  	_ =	shalt  }
0x40: {  	_ =	shalt  }
0x41: {  	_ =	shalt  }
0x42: {  	_ =	shalt  }
0x43: {  	_ =	shalt  }
0x44: {  	_ =	shalt  }
0x45: {  	_ =	shalt  }
0x46: {  	_ =	shalt  }
0x47: {  	_ =	shalt  }
0x48: {  	_ =	shalt  }
0x49: {  	_ =	shalt  }
0x4a: {  	_ =	shalt  }
0x4b: {  	_ =	shalt  }
0x4c: {  	_ =	shalt  }
0x4d: {  	_ =	shalt  }
0x4e: {  	_ =	shalt  }
0x4f: {  	_ =	shalt  }
0x50: {  	_ =	shalt  }
0x51: {  	_ =	shalt  }
0x52: {  	_ =	shalt  }
0x53: {  	_ =	shalt  }
0x54: {  	_ =	shalt  }
0x55: {  	_ =	shalt  }
0x56: {  	_ =	shalt  }
0x57: {  	_ =	shalt  }
0x58: {  	_ =	shalt  }
0x59: {  	_ =	shalt  }
0x5a: {  	_ =	shalt  }
0x5b: {  	_ =	shalt  }
0x5c: {  	_ =	shalt  }
0x5d: {  	_ =	shalt  }
0x5e: {  	_ =	shalt  }
0x5f: {  	_ =	shalt  }
0x60: {  	_ =	shalt  }
0x61: {  	_ =	shalt  }
0x62: {  	_ =	shalt  }
0x63: {  	_ =	shalt  }
0x64: {  	_ =	shalt  }
0x65: {  	_ =	shalt  }
0x66: {  	_ =	shalt  }
0x67: {  	_ =	shalt  }
0x68: {  	_ =	shalt  }
0x69: {  	_ =	shalt  }
0x6a: {  	_ =	shalt  }
0x6b: {  	_ =	shalt  }
0x6c: {  	_ =	shalt  }
0x6d: {  	_ =	shalt  }
0x6e: {  	_ =	shalt  }
0x6f: {  	_ =	shalt  }
0x70: {  	_ =	shalt  }
0x71: {  	_ =	shalt  }
0x72: {  	_ =	shalt  }
0x73: {  	_ =	shalt  }
0x74: {  	_ =	shalt  }
0x75: {  	_ =	shalt  }
0x76: {  	_ =	shalt  }
0x77: {  	_ =	shalt  }
0x78: {  	_ =	shalt  }
0x79: {  	_ =	shalt  }
0x7a: {  	_ =	shalt  }
0x7b: {  	_ =	shalt  }
0x7c: {  	_ =	shalt  }
0x7d: {  	_ =	shalt  }
0x7e: {  	_ =	shalt  }
0x7f: {  	_ =	shalt  }
0x80: {  	_ =	shalt  }
0x81: {  	_ =	shalt  }
0x82: {  	_ =	shalt  }
0x83: {  	_ =	shalt  }
0x84: {  	_ =	shalt  }
0x85: {  	_ =	shalt  }
0x86: {  	_ =	shalt  }
0x87: {  	_ =	shalt  }
.Lfunc_end0:
.L_simem_size_0:
called_computation.3_lowered:
.L_overlay_start_0:
0x88: {  	s2 =	sld [smem:$0x3FD9]  }
0x89: {  	s3 =	sld [smem:$0x3FFE];
	_ =	sdelay $0x1  }
0x8a: {  	s1 =	srdreg.scid  }
0x8b: {  	s0 =	sand.u32 $0x1, s1  }
0x8c: {  	s14 =	sshll.u32 s0, $0xA;
	s2 =	sadd.s32 s3, s2  }
0x8d: {  	s2 =	sadd.s32 s2, s14  }
0x8e: {  	[smem:$0x3FC6] =	sst s2  }
0x8f: {  	_ = 	snop  }
0x90: {  	s2 =	sld [smem:$0x3FD0];
	_ =	sdelay $0x2  }
0x91: {  	s15 =	simm.s32 $0xA;
	s4 =	simm.s32 $0x10  }
0x92: {  	[smem:s4], [sflag:s15] =	dma.local [hbm:s2], $0x1  }
0x93: {  	_ =	swait.eq [sflag:s15], $0x1  }
0x94: {  	[sflag:s15] =	ssyncset.done $0x0  }
0x95: {  	s16 =	sld [smem:$0x10];
	[sflag:s15] =	ssyncadd.s32 $0xFFFFFFFF  }
0x96: {  	s17 =	sld [smem:$0x11];
	(tm) =	ssettm $0x1  }
0x97: {  	s18 =	sld [smem:$0x3FFB];
	_ =	sdelay $0x3  }
0x98: {  	_ =	strace s18  }
0x99: {  	s4 =	sld [smem:$0x3FFC];
	_ =	sdelay $0x3  }
0x9a: {  	_ =	strace s4  }
0x9b: {  	s4 =	sld [smem:$0x3FFD];
	_ =	sdelay $0x3  }
0x9c: {  	_ =	strace s4  }
0x9d: {  	_ =	strace $0x8FFFFFFF  }
0x9e: {  	s19 =	sld [smem:$0x3FDB];
	_ =	sdelay $0x1  }
0x9f: {  	s5 =	simm.s32 $_scs_section_size  }
0xa0: {  	s6 =	simm.s32 $_size__tile_overlayer_lowered;
	s7 =	simm.s32 $_tile_overlayer_lowered  }
0xa1: {  	s22 =	simm.s32 $0x1BFF;
	s21 =	sshll.u32 s7, $0x1;
	s4 =	sadd.s32 s5, s19  }
0xa2: {  	s8 =	simm.s32 $0x0;
	s20 =	sshll.u32 s6, $0x1;
	s6 =	sadd.s32 s21, s4  }
0xa3: {  	[timem:s8], [sflag:s22] =	dma.local [hbm:s6], s20  }
0xa4: {  	_ =	swait.ge [sflag:s22], s20  }
0xa5: {  	s5 =	ssub.s32 $0x0, s20;
	[sflag:s22] =	ssyncset.done $0x0  }
0xa6: {  	[sflag:s22] =	ssyncadd.s32 s5;
	_ =	sdelay $0x1  }
0xa7: {  	s23 =	simm.s32 $0x1B8B  }
0xa8: {  	_ =	swait.ge [sflag:s23], $0x1  }
0xa9: {  	[sflag:s23] =	ssyncset.done $0x0  }
0xaa: {  	s25 =	simm.s32 $0x1B8E;
	s24 =	sld [smem:$0x3FFE];
	[sflag:s23] =	ssyncadd.s32 $0xFFFFFFFF  }
0xab: {  	s26 =	simm.s32 $execute0_lowered;
	[smem:$0x3FD2] =	sst s25  }
0xac: {  	s6 =	sshll.u32 s26, $0x1;
	_ =	strace $0x8000004F;
	[dreg:$0x1] =	wrdreg $0xFFFFFFFF  }
0xad: {  	s28 =	simm.s32 $_size_execute0_lowered;
	s4 =	sadd.s32 s4, s6;
	[dreg:$0x0] =	wrdreg $0x0  }
0xae: {  	s6 =	sshll.u32 s28, $0x1;
	[dreg:$0x2] =	wrdreg s4  }
0xaf: {  	[dreg:$0x3] =	wrdreg s6  }
0xb0: {  	[dreg:$0x4] =	wrdreg $0xC0  }
0xb1: {  	_ =	task [dreg:s8], $0x5FFFF  }
0xb2: {  	[dreg:$0x1] =	wrdreg $0xFFFFFFFF  }
0xb3: {  	[dreg:$0x0] =	wrdreg $0x60  }
0xb4: {  	[dreg:$0x2] =	wrdreg s24  }
0xb5: {  	[dreg:$0x3] =	wrdreg s16  }
0xb6: {  	[dreg:$0x4] =	wrdreg s17  }
0xb7: {  	[dreg:$0x5] =	wrdreg $0x9  }
0xb8: {  	_ =	task.clear_ibuf [dreg:s8], $0x6FFFF;
	_ =	strace $0x9000004F  }
0xb9: {  	s29 =	simm.s32 $0x9;
	_ =	strace $0x80000051  }
0xba: {  	_ =	swait.ge [sflag:s29], $0x1  }
0xbb: {  	[sflag:s29] =	ssyncadd.s32 $0xFFFFFFFF  }
0xbc: {  	_ =	strace $0x90000051  }
0xbd: {  	_ =	sfence  }
0xbe: {  	s30 =	sld [smem:$0x0];
	_ =	sdelay $0x2  }
0xbf: {  	s31 =	sshll.u32 s1, $0xD;
	s1 =	sshrl.u32 s1, $0x2  }
0xc0: {  	s3 =	sand.u32 $0x4000, s31;
	s1 =	sadd.s32 s1, s30  }
0xc1: {  	s0 =	sor.u32 s3, s0;
	s1 =	sshll.u32 s1, $0x11  }
0xc2: {  	s0 =	sor.u32 s1, s0  }
0xc3: {  	s0 =	sadd.s32 $0x8F2B, s0  }
0xc4: {  	[sflag:s0] =	ssyncadd.remote.s32 $0x1  }
0xc5: {  	_ =	sfence.sel $0xFFFF  }
0xc6: {  	[dreg:$0x0] =	wrdreg $0xFFFFFFFF;
	(pc) =	sbr.abs _section_cstart, $3  }
0xc7: {  	[dreg:$0x1] =	wrdreg $0xFFFFFFFF  }
0xc8: {  	_ =	task.clear_ibuf [dreg:s8], $0x2FFFF;
	_ =	strace $0x9FFFFFFF  }
0xc9: {  	(tm) =	ssettm $0x7FFFFFFF  }
tec
execute0_lowered:
.L_overlay_start_1:
0x0: {  	(tag) =	ssettag $0x1  }
0x1: {  	s1 =	rddreg [dreg:$0x0];
	s2 =	srdreg.scid  }
0x2: {  	s3 =	rddreg [dreg:$0x1];
	s0 =	stileid.u32  }
0x3: {  	s5 =	rddreg [dreg:$0x2];
	s17 =	simm.s32 $0x80;
	s18 =	simm.s32 $0x900  }
0x4: {  	s19 =	simm.s32 $0x1100;
	s4 =	sand.u32 $0x1, s2;
	s2 =	simm.s32 $0x0  }
0x5: {  	s20 =	simm.s32 $0x1900;
	s21 =	simm.s32 $0x2100;
	[smem:$0x7FF] =	sst s2  }
0x6: {  	s23 =	simm.s32 $0x2900;
	_ =	strace $0x80000050;
	[dreg:$0x8] =	wrdreg s17  }
0x7: {  	s24 =	simm.s32 $0x3100;
	s25 =	simm.s32 $0x3900;
	[dreg:$0x9] =	wrdreg s18  }
0x8: {  	s26 =	simm.s32 $0x4100;
	s9 =	simm.s32 $0x5900;
	[dreg:$0xa] =	wrdreg s19  }
0x9: {  	s10 =	simm.s32 $0x6100;
	s11 =	simm.s32 $0x6900;
	[dreg:$0xb] =	wrdreg s20  }
0xa: {  	s12 =	simm.s32 $0x7100;
	s28 =	simm.s32 $0xE900;
	[dreg:$0xc] =	wrdreg s21  }
0xb: {  	s29 =	simm.s32 $0xF100;
	s30 =	simm.s32 $0xF900;
	[dreg:$0xd] =	wrdreg s23  }
0xc: {  	s31 =	simm.s32 $0x1;
	s6 =	sshll.u32 s0, $0x8;
	[dreg:$0xe] =	wrdreg s24  }
0xd: {  	s7 =	sshll.u32 s4, $0x7;
	s4 =	ssub.s32 $0x2, s4;
	[dreg:$0xf] =	wrdreg s25  }
0xe: {  	s6 =	sor.u32 s7, s6;
	s22 =	sshrl.u32 s4, $0x1;
	[dreg:$0x10] =	wrdreg s26  }
0xf: {  	s17 =	simm.s32 $0x9900;
	s18 =	simm.s32 $0xA100;
	s19 =	simm.s32 $0xA900  }
0x10: {  	s20 =	simm.s32 $0xB100;
	s21 =	simm.s32 $0xB900;
	s23 =	simm.s32 $0xC900  }
0x11: {  	s24 =	simm.s32 $0xD100;
	s25 =	simm.s32 $0xD900;
	s26 =	simm.s32 $0xE100  }
0x12: {  	s7 =	sshrl.u32 s6, $0x3;
	s6 =	sshll.u32 s6, $0x5;
	s4 =	ssub.s32 s4, s22  }
0x13: {  	s22 =	simm.s32 $0xC100;
	s8 =	sadd.s32 s7, s1;
	s3 =	sadd.s32 s3, s7  }
0x14: {  	s14 =	sadd.s32 s6, s1;
	s15 =	sadd.s32 s5, s6;
	s4 =	smax.u32 s4, $0x1  }
0x15: {  	s5 =	simm.s32 $0x3;
	s6 =	simm.s32 $0x100;
	[dreg:$0x4] =	wrdreg s3  }
0x16: {  	s13 =	sadd.s32 $0xD400, s8;
	[dreg:$0x6] =	wrdreg s15;
	s16 =	sadd.s32 $0xD600, s14  }
0x17: {  	v2 =	vlaneseq.u32;
	s3 =	sadd.s32 $0x8D400, s1;
	s8 =	simm.s32 $0x5100;
	s14 =	simm.s32 $0x8100  }
0x18: {  	vm0 =	vmmov $0xffff;
	v1 =	vshrl.u32 v2, $0x3;
	s15 =	simm.s32 $0x8900;
	s1 =	simm.s32 $0x2;
	[dreg:$0x5] =	wrdreg s13  }
0x19: {  	v0 =	vand.u32 $0x7, v2;
	v2 =	vor.u32 $0x8, v2;
	v1 =	vmul.u32 $0x8, v1;
	[dreg:$0x7] =	wrdreg s16;
	s13 =	simm.s32 $0x7900;
	s16 =	simm.s32 $0x9100  }
.LBB2_1:
0x1a: {  	s0 =	rddreg [dreg:$0x4]  }
0x1b: {  	[tilespmem:s2], [sflag:$0x3] =	stream.linear.gather [hbm4b:s0+s2], $0x80, $0x38;
	[tilespmem:$0x10100] =	vst v63  }
0x1c: {  	_ =	swait.ge [sflag:s5], $0x80  }
0x1d: {  	s0 =	rddreg [dreg:$0x5];
	[sflag:s5] =	ssyncset.done $0x0  }
0x1e: {  	s7 =	rddreg [dreg:$0x8];
	[sflag:s5] =	ssyncadd.s32 $0xFFFFFF80  }
0x1f: {  	[tilespmem:s7], [sflag:$0x3] =	stream.linear.gather [hbm4b:s0+s2], $0x80, $0x38;
	[tilespmem:$0x10100] =	vst v63  }
0x20: {  	_ =	swait.ge [sflag:s5], $0x80  }
0x21: {  	[sflag:s5] =	ssyncset.done $0x0  }
0x22: {  	[sflag:s5] =	ssyncadd.s32 $0xFFFFFF80  }
0x23: {  	v3 =	vld [tilespmem:$0x0];
	_ =	sdelay $0x4  }
0x24: {  	v4 =	vshll.u32 v3, $0x1  }
0x25: {  	v3 =	vand.u32 $0x7, v3;
	v4 =	vand.u32 $0xFFFFFFF0, v4  }
0x26: {  	v3 =	vor.u32 v3, v4  }
0x27: {  	v4 =	vperm.xlane v3, v0;
	_ =	sdelay $0x1  }
0x28: {  	v3 =	vperm.xlane v3, v2;
	v4 =	vadd.s32 v1, v4;
	_ =	sdelay $0x1  }
0x29: {  	v3 =	vadd.s32 v1, v3;
	_ =	sdelay $0x2  }
0x2a: {  	[tilespmem:s6], [sflag:$0x1] =	stream.indirect_vreg.gather [hbm4b:s3+s2], $0x80, v4, vm0, $0xb8;
	[tilespmem:$0x10100] =	vst v63  }
0x2b: {  	s7 =	rddreg [dreg:$0x9]  }
0x2c: {  	[tilespmem:s7], [sflag:$0x1] =	stream.indirect_vreg.gather [hbm4b:s3+s2], $0x80, v3, vm0, $0xb8;
	[tilespmem:$0x10100] =	vst v63  }
0x2d: {  	v3 =	vld [tilespmem:$0x10];
	_ =	sdelay $0x4  }
0x2e: {  	v49 =	vshll.u32 v3, $0x1  }
0x2f: {  	v3 =	vand.u32 $0x7, v3;
	v4 =	vand.u32 $0xFFFFFFF0, v49  }
0x30: {  	v3 =	vor.u32 v3, v4  }
0x31: {  	v4 =	vperm.xlane v3, v0;
	_ =	sdelay $0x1  }
0x32: {  	v3 =	vperm.xlane v3, v2;
	v4 =	vadd.s32 v1, v4;
	_ =	sdelay $0x1  }
0x33: {  	v3 =	vadd.s32 v1, v3;
	_ =	sdelay $0x1  }
0x34: {  	s0 =	rddreg [dreg:$0xa]  }
0x35: {  	[tilespmem:s0], [sflag:$0x1] =	stream.indirect_vreg.gather [hbm4b:s3+s2], $0x80, v4, vm0, $0xb8;
	[tilespmem:$0x10100] =	vst v63  }
0x36: {  	s7 =	rddreg [dreg:$0xb]  }
0x37: {  	[tilespmem:s7], [sflag:$0x1] =	stream.indirect_vreg.gather [hbm4b:s3+s2], $0x80, v3, vm0, $0xb8;
	[tilespmem:$0x10100] =	vst v63  }
0x38: {  	v3 =	vld [tilespmem:$0x20];
	_ =	sdelay $0x4  }
0x39: {  	v50 =	vshll.u32 v3, $0x1  }
0x3a: {  	v3 =	vand.u32 $0x7, v3;
	v4 =	vand.u32 $0xFFFFFFF0, v50  }
0x3b: {  	v3 =	vor.u32 v3, v4  }
0x3c: {  	v4 =	vperm.xlane v3, v0;
	_ =	sdelay $0x1  }
0x3d: {  	v3 =	vperm.xlane v3, v2;
	v4 =	vadd.s32 v1, v4;
	_ =	sdelay $0x1  }
0x3e: {  	v3 =	vadd.s32 v1, v3;
	_ =	sdelay $0x1  }
0x3f: {  	s0 =	rddreg [dreg:$0xc]  }
0x40: {  	[tilespmem:s0], [sflag:$0x1] =	stream.indirect_vreg.gather [hbm4b:s3+s2], $0x80, v4, vm0, $0xb8;
	[tilespmem:$0x10100] =	vst v63  }
0x41: {  	s7 =	rddreg [dreg:$0xd]  }
0x42: {  	[tilespmem:s7], [sflag:$0x1] =	stream.indirect_vreg.gather [hbm4b:s3+s2], $0x80, v3, vm0, $0xb8;
	[tilespmem:$0x10100] =	vst v63  }
0x43: {  	v3 =	vld [tilespmem:$0x30];
	_ =	sdelay $0x4  }
0x44: {  	v51 =	vshll.u32 v3, $0x1  }
0x45: {  	v3 =	vand.u32 $0x7, v3;
	v4 =	vand.u32 $0xFFFFFFF0, v51  }
0x46: {  	v3 =	vor.u32 v3, v4  }
0x47: {  	v4 =	vperm.xlane v3, v0;
	_ =	sdelay $0x1  }
0x48: {  	v3 =	vperm.xlane v3, v2;
	v4 =	vadd.s32 v1, v4;
	_ =	sdelay $0x1  }
0x49: {  	v3 =	vadd.s32 v1, v3;
	_ =	sdelay $0x1  }
0x4a: {  	s0 =	rddreg [dreg:$0xe]  }
0x4b: {  	[tilespmem:s0], [sflag:$0x1] =	stream.indirect_vreg.gather [hbm4b:s3+s2], $0x80, v4, vm0, $0xb8;
	[tilespmem:$0x10100] =	vst v63  }
0x4c: {  	s7 =	rddreg [dreg:$0xf]  }
0x4d: {  	[tilespmem:s7], [sflag:$0x1] =	stream.indirect_vreg.gather [hbm4b:s3+s2], $0x80, v3, vm0, $0xb8;
	[tilespmem:$0x10100] =	vst v63  }
0x4e: {  	v3 =	vld [tilespmem:$0x40];
	_ =	sdelay $0x4  }
0x4f: {  	v52 =	vshll.u32 v3, $0x1  }
0x50: {  	v3 =	vand.u32 $0x7, v3;
	v4 =	vand.u32 $0xFFFFFFF0, v52  }
0x51: {  	v3 =	vor.u32 v3, v4  }
0x52: {  	v4 =	vperm.xlane v3, v0;
	_ =	sdelay $0x1  }
0x53: {  	v3 =	vperm.xlane v3, v2;
	v4 =	vadd.s32 v1, v4;
	_ =	sdelay $0x1  }
0x54: {  	v3 =	vadd.s32 v1, v3;
	_ =	sdelay $0x1  }
0x55: {  	s7 =	rddreg [dreg:$0x10]  }
0x56: {  	[tilespmem:s7], [sflag:$0x1] =	stream.indirect_vreg.gather [hbm4b:s3+s2], $0x80, v4, vm0, $0xb8;
	[tilespmem:$0x10100] =	vst v63  }
0x57: {  	s7 =	simm.s32 $0x4900  }
0x58: {  	[tilespmem:s7], [sflag:$0x1] =	stream.indirect_vreg.gather [hbm4b:s3+s2], $0x80, v3, vm0, $0xb8;
	[tilespmem:$0x10100] =	vst v63  }
0x59: {  	v3 =	vld [tilespmem:$0x50];
	_ =	sdelay $0x4  }
0x5a: {  	v53 =	vshll.u32 v3, $0x1  }
0x5b: {  	v3 =	vand.u32 $0x7, v3;
	v4 =	vand.u32 $0xFFFFFFF0, v53  }
0x5c: {  	v3 =	vor.u32 v3, v4  }
0x5d: {  	v4 =	vperm.xlane v3, v0;
	_ =	sdelay $0x1  }
0x5e: {  	v3 =	vperm.xlane v3, v2;
	v4 =	vadd.s32 v1, v4;
	_ =	sdelay $0x1  }
0x5f: {  	v3 =	vadd.s32 v1, v3;
	_ =	sdelay $0x2  }
0x60: {  	[tilespmem:s8], [sflag:$0x1] =	stream.indirect_vreg.gather [hbm4b:s3+s2], $0x80, v4, vm0, $0xb8;
	[tilespmem:$0x10100] =	vst v63  }
0x61: {  	_ = 	snop  }
0x62: {  	[tilespmem:s9], [sflag:$0x1] =	stream.indirect_vreg.gather [hbm4b:s3+s2], $0x80, v3, vm0, $0xb8;
	[tilespmem:$0x10100] =	vst v63  }
0x63: {  	v3 =	vld [tilespmem:$0x60];
	_ =	sdelay $0x4  }
0x64: {  	v54 =	vshll.u32 v3, $0x1  }
0x65: {  	v3 =	vand.u32 $0x7, v3;
	v4 =	vand.u32 $0xFFFFFFF0, v54  }
0x66: {  	v3 =	vor.u32 v3, v4  }
0x67: {  	v4 =	vperm.xlane v3, v0;
	_ =	sdelay $0x1  }
0x68: {  	v3 =	vperm.xlane v3, v2;
	v4 =	vadd.s32 v1, v4;
	_ =	sdelay $0x1  }
0x69: {  	v3 =	vadd.s32 v1, v3;
	_ =	sdelay $0x2  }
0x6a: {  	[tilespmem:s10], [sflag:$0x1] =	stream.indirect_vreg.gather [hbm4b:s3+s2], $0x80, v4, vm0, $0xb8;
	[tilespmem:$0x10100] =	vst v63  }
0x6b: {  	_ = 	snop  }
0x6c: {  	[tilespmem:s11], [sflag:$0x1] =	stream.indirect_vreg.gather [hbm4b:s3+s2], $0x80, v3, vm0, $0xb8;
	[tilespmem:$0x10100] =	vst v63  }
0x6d: {  	v3 =	vld [tilespmem:$0x70];
	_ =	sdelay $0x4  }
0x6e: {  	v55 =	vshll.u32 v3, $0x1  }
0x6f: {  	v3 =	vand.u32 $0x7, v3;
	v4 =	vand.u32 $0xFFFFFFF0, v55  }
0x70: {  	v3 =	vor.u32 v3, v4  }
0x71: {  	v4 =	vperm.xlane v3, v0;
	_ =	sdelay $0x1  }
0x72: {  	v3 =	vperm.xlane v3, v2;
	v4 =	vadd.s32 v1, v4;
	_ =	sdelay $0x1  }
0x73: {  	v3 =	vadd.s32 v1, v3;
	_ =	sdelay $0x2  }
0x74: {  	[tilespmem:s12], [sflag:$0x1] =	stream.indirect_vreg.gather [hbm4b:s3+s2], $0x80, v4, vm0, $0xb8;
	[tilespmem:$0x10100] =	vst v63  }
0x75: {  	_ = 	snop  }
0x76: {  	[tilespmem:s13], [sflag:$0x1] =	stream.indirect_vreg.gather [hbm4b:s3+s2], $0x80, v3, vm0, $0xb8;
	[tilespmem:$0x10100] =	vst v63  }
0x77: {  	v3 =	vld [tilespmem:$0x80];
	_ =	sdelay $0x4  }
0x78: {  	v56 =	vshll.u32 v3, $0x1  }
0x79: {  	v3 =	vand.u32 $0x7, v3;
	v4 =	vand.u32 $0xFFFFFFF0, v56  }
0x7a: {  	v3 =	vor.u32 v3, v4  }
0x7b: {  	v4 =	vperm.xlane v3, v0;
	_ =	sdelay $0x1  }
0x7c: {  	v3 =	vperm.xlane v3, v2;
	v4 =	vadd.s32 v1, v4;
	_ =	sdelay $0x1  }
0x7d: {  	v3 =	vadd.s32 v1, v3;
	_ =	sdelay $0x2  }
0x7e: {  	[tilespmem:s14], [sflag:$0x2] =	stream.indirect_vreg.gather [hbm4b:s3+s2], $0x80, v4, vm0, $0xb8;
	[tilespmem:$0x10100] =	vst v63  }
0x7f: {  	_ = 	snop  }
0x80: {  	[tilespmem:s15], [sflag:$0x2] =	stream.indirect_vreg.gather [hbm4b:s3+s2], $0x80, v3, vm0, $0xb8;
	[tilespmem:$0x10100] =	vst v63  }
0x81: {  	v3 =	vld [tilespmem:$0x90];
	_ =	sdelay $0x4  }
0x82: {  	v57 =	vshll.u32 v3, $0x1  }
0x83: {  	v3 =	vand.u32 $0x7, v3;
	v4 =	vand.u32 $0xFFFFFFF0, v57  }
0x84: {  	v3 =	vor.u32 v3, v4  }
0x85: {  	v4 =	vperm.xlane v3, v0;
	_ =	sdelay $0x1  }
0x86: {  	v3 =	vperm.xlane v3, v2;
	v4 =	vadd.s32 v1, v4;
	_ =	sdelay $0x1  }
0x87: {  	v3 =	vadd.s32 v1, v3;
	_ =	sdelay $0x2  }
0x88: {  	[tilespmem:s16], [sflag:$0x2] =	stream.indirect_vreg.gather [hbm4b:s3+s2], $0x80, v4, vm0, $0xb8;
	[tilespmem:$0x10100] =	vst v63  }
0x89: {  	_ = 	snop  }
0x8a: {  	[tilespmem:s17], [sflag:$0x2] =	stream.indirect_vreg.gather [hbm4b:s3+s2], $0x80, v3, vm0, $0xb8;
	[tilespmem:$0x10100] =	vst v63  }
0x8b: {  	v3 =	vld [tilespmem:$0xA0];
	_ =	sdelay $0x4  }
0x8c: {  	v58 =	vshll.u32 v3, $0x1  }
0x8d: {  	v3 =	vand.u32 $0x7, v3;
	v4 =	vand.u32 $0xFFFFFFF0, v58  }
0x8e: {  	v3 =	vor.u32 v3, v4  }
0x8f: {  	v4 =	vperm.xlane v3, v0;
	_ =	sdelay $0x1  }
0x90: {  	v3 =	vperm.xlane v3, v2;
	v4 =	vadd.s32 v1, v4;
	_ =	sdelay $0x1  }
0x91: {  	v3 =	vadd.s32 v1, v3;
	_ =	sdelay $0x2  }
0x92: {  	[tilespmem:s18], [sflag:$0x2] =	stream.indirect_vreg.gather [hbm4b:s3+s2], $0x80, v4, vm0, $0xb8;
	[tilespmem:$0x10100] =	vst v63  }
0x93: {  	_ = 	snop  }
0x94: {  	[tilespmem:s19], [sflag:$0x2] =	stream.indirect_vreg.gather [hbm4b:s3+s2], $0x80, v3, vm0, $0xb8;
	[tilespmem:$0x10100] =	vst v63  }
0x95: {  	v3 =	vld [tilespmem:$0xB0];
	_ =	sdelay $0x4  }
0x96: {  	v59 =	vshll.u32 v3, $0x1  }
0x97: {  	v3 =	vand.u32 $0x7, v3;
	v4 =	vand.u32 $0xFFFFFFF0, v59  }
0x98: {  	v3 =	vor.u32 v3, v4  }
0x99: {  	v4 =	vperm.xlane v3, v0;
	_ =	sdelay $0x1  }
0x9a: {  	v3 =	vperm.xlane v3, v2;
	v4 =	vadd.s32 v1, v4;
	_ =	sdelay $0x1  }
0x9b: {  	v3 =	vadd.s32 v1, v3;
	_ =	sdelay $0x2  }
0x9c: {  	[tilespmem:s20], [sflag:$0x2] =	stream.indirect_vreg.gather [hbm4b:s3+s2], $0x80, v4, vm0, $0xb8;
	[tilespmem:$0x10100] =	vst v63  }
0x9d: {  	_ = 	snop  }
0x9e: {  	[tilespmem:s21], [sflag:$0x2] =	stream.indirect_vreg.gather [hbm4b:s3+s2], $0x80, v3, vm0, $0xb8;
	[tilespmem:$0x10100] =	vst v63  }
0x9f: {  	v3 =	vld [tilespmem:$0xC0];
	_ =	sdelay $0x4  }
0xa0: {  	v60 =	vshll.u32 v3, $0x1  }
0xa1: {  	v3 =	vand.u32 $0x7, v3;
	v4 =	vand.u32 $0xFFFFFFF0, v60  }
0xa2: {  	v3 =	vor.u32 v3, v4  }
0xa3: {  	v4 =	vperm.xlane v3, v0;
	_ =	sdelay $0x1  }
0xa4: {  	v3 =	vperm.xlane v3, v2;
	v4 =	vadd.s32 v1, v4;
	_ =	sdelay $0x1  }
0xa5: {  	v3 =	vadd.s32 v1, v3;
	_ =	sdelay $0x2  }
0xa6: {  	[tilespmem:s22], [sflag:$0x2] =	stream.indirect_vreg.gather [hbm4b:s3+s2], $0x80, v4, vm0, $0xb8;
	[tilespmem:$0x10100] =	vst v63  }
0xa7: {  	_ = 	snop  }
0xa8: {  	[tilespmem:s23], [sflag:$0x2] =	stream.indirect_vreg.gather [hbm4b:s3+s2], $0x80, v3, vm0, $0xb8;
	[tilespmem:$0x10100] =	vst v63  }
0xa9: {  	v3 =	vld [tilespmem:$0xD0];
	_ =	sdelay $0x4  }
0xaa: {  	v61 =	vshll.u32 v3, $0x1  }
0xab: {  	v3 =	vand.u32 $0x7, v3;
	v4 =	vand.u32 $0xFFFFFFF0, v61  }
0xac: {  	v3 =	vor.u32 v3, v4  }
0xad: {  	v4 =	vperm.xlane v3, v0;
	_ =	sdelay $0x1  }
0xae: {  	v3 =	vperm.xlane v3, v2;
	v4 =	vadd.s32 v1, v4;
	_ =	sdelay $0x1  }
0xaf: {  	v3 =	vadd.s32 v1, v3;
	_ =	sdelay $0x2  }
0xb0: {  	[tilespmem:s24], [sflag:$0x2] =	stream.indirect_vreg.gather [hbm4b:s3+s2], $0x80, v4, vm0, $0xb8;
	[tilespmem:$0x10100] =	vst v63  }
0xb1: {  	_ = 	snop  }
0xb2: {  	[tilespmem:s25], [sflag:$0x2] =	stream.indirect_vreg.gather [hbm4b:s3+s2], $0x80, v3, vm0, $0xb8;
	[tilespmem:$0x10100] =	vst v63  }
0xb3: {  	v3 =	vld [tilespmem:$0xE0];
	_ =	sdelay $0x4  }
0xb4: {  	v62 =	vshll.u32 v3, $0x1  }
0xb5: {  	v3 =	vand.u32 $0x7, v3;
	v4 =	vand.u32 $0xFFFFFFF0, v62  }
0xb6: {  	v3 =	vor.u32 v3, v4  }
0xb7: {  	v4 =	vperm.xlane v3, v0;
	_ =	sdelay $0x1  }
0xb8: {  	v3 =	vperm.xlane v3, v2;
	v4 =	vadd.s32 v1, v4;
	_ =	sdelay $0x1  }
0xb9: {  	v3 =	vadd.s32 v1, v3;
	_ =	sdelay $0x2  }
0xba: {  	[tilespmem:s26], [sflag:$0x2] =	stream.indirect_vreg.gather [hbm4b:s3+s2], $0x80, v4, vm0, $0xb8;
	[tilespmem:$0x10100] =	vst v63  }
0xbb: {  	_ = 	snop  }
0xbc: {  	[tilespmem:s28], [sflag:$0x2] =	stream.indirect_vreg.gather [hbm4b:s3+s2], $0x80, v3, vm0, $0xb8;
	[tilespmem:$0x10100] =	vst v63  }
0xbd: {  	v3 =	vld [tilespmem:$0xF0];
	_ =	sdelay $0x4  }
0xbe: {  	v63 =	vshll.u32 v3, $0x1  }
0xbf: {  	v3 =	vand.u32 $0x7, v3;
	v4 =	vand.u32 $0xFFFFFFF0, v63  }
0xc0: {  	v3 =	vor.u32 v3, v4  }
0xc1: {  	v4 =	vperm.xlane v3, v0;
	_ =	sdelay $0x1  }
0xc2: {  	v3 =	vperm.xlane v3, v2;
	v4 =	vadd.s32 v1, v4;
	_ =	sdelay $0x1  }
0xc3: {  	v3 =	vadd.s32 v1, v3;
	_ =	sdelay $0x2  }
0xc4: {  	[tilespmem:s29], [sflag:$0x2] =	stream.indirect_vreg.gather [hbm4b:s3+s2], $0x80, v4, vm0, $0xb8;
	[tilespmem:$0x10100] =	vst v63  }
0xc5: {  	_ = 	snop  }
0xc6: {  	[tilespmem:s30], [sflag:$0x2] =	stream.indirect_vreg.gather [hbm4b:s3+s2], $0x80, v3, vm0, $0xb8;
	[tilespmem:$0x10100] =	vst v63  }
0xc7: {  	_ =	swait.ge [sflag:s31], $0x8000  }
0xc8: {  	[sflag:s31] =	ssyncset.done $0x0  }
0xc9: {  	s7 =	rddreg [dreg:$0x6];
	[sflag:s31] =	ssyncadd.s32 $0xFFFF8000  }
0xca: {  	[hbm4b:s7+s2] =	stream.linear.scatter [tilespmem:s6], [sflag:$0x3], $0x8000, $0x38;
	[tilespmem:$0x10100] =	vst v63  }
0xcb: {  	_ =	swait.ge [sflag:s5], $0x8000  }
0xcc: {  	[sflag:s5] =	ssyncset.done $0x0  }
0xcd: {  	[sflag:s5] =	ssyncadd.s32 $0xFFFF8000  }
0xce: {  	_ =	swait.ge [sflag:s1], $0x8000  }
0xcf: {  	p0 =	sne.s32 s4, $0x1;
	[sflag:s1] =	ssyncset.done $0x0  }
.Ltmp0:
0xd0: {  	s7 =	rddreg [dreg:$0x7];
	[sflag:s1] =	ssyncadd.s32 $0xFFFF8000;
	(pc) =	sbr.rel @p0 .LBB2_1-.Ltmp0, $4  }
0xd1: {  	[hbm4b:s7+s2] =	stream.linear.scatter [tilespmem:s14], [sflag:$0x3], $0x8000, $0x38;
	[tilespmem:$0x10100] =	vst v63  }
0xd2: {  	_ =	swait.ge [sflag:s5], $0x8000  }
0xd3: {  	[sflag:s5] =	ssyncset.done $0x0  }
0xd4: {  	s4 =	sadd.s32 $0xFFFFFFFF, s4;
	[sflag:s5] =	ssyncadd.s32 $0xFFFF8000  }
0xd5: {  	_ =	sfence.sel $0x180000  }
0xd6: {  	[bflag:$0x0] =	sbarrier.arrive $0xFFFF  }
0xd7: {  	_ =	strace $0x90000050  }
0xd8: {  	s0 =	stileid.u32;
	[bflag:$0x2] =	sbarrier.arrive $0xFFFF  }
0xd9: {  	p0 =	sne.s32 s0, $0x0;
	s0 =	rddreg [dreg:$0x3]  }
0xda: {  	s0 =	sadd.s32 @!p0 $0x100000, s0  }
0xdb: {  	[sflag:s0] =	ssyncadd.tile.s32 @!p0 $0x1;
	_ =	shalt  }
.Lfunc_end2:
_tile_overlayer_lowered:
.L_overlay_start_2:
0xdc: {  	(tag) =	ssettag $0x2  }
0xdd: {  	s0 =	rddreg [dreg:$0x0];
	s2 =	stileid.u32  }
0xde: {  	s1 =	rddreg [dreg:$0x1];
	p0 =	sne.s32 s2, $0x0  }
0xdf: {  	s3 =	rddreg [dreg:$0x2];
	[bflag:$0x3] =	sbarrier.arrive $0xFFFF;
	s2 =	simm.s32 @!p0 $0x1C03  }
0xe0: {  	[timem:s3], [sflag:s2] =	dma.local @!p0 [hbm:s0], s1  }
0xe1: {  	s0 =	simm.s32 @!p0 $0x3  }
0xe2: {  	_ =	swait.ge @!p0 [sflag:s0], s1  }
0xe3: {  	s1 =	ssub.s32 @!p0 $0x0, s1;
	[sflag:s0] =	ssyncset.done @!p0 $0x0  }
0xe4: {  	[sflag:s0] =	ssyncadd.s32 @!p0 s1  }
0xe5: {  	[bflag:$0x3] =	sbarrier.arrive $0xFFFF  }
0xe6: {  	_ =	shalt  }

// kernel: kernel.38.cloned.1.call-start
scs
__scs_entry_jumppad:
0x0: {  	(pc) =	sbr.rel $0x88, $3  }
0x1: {  	(tag) =	ssettag $0x0;
	lr =	simm.s32 $0x1  }
0x2: {  	[smem:$0x3F9F] =	sst lr;
	_ =	strace $0xD0000000  }
0x3: {  	_ = 	snop  }
0x4: {  	_ = 	snop  }
0x5: {  	_ = 	snop  }
0x6: {  	_ = 	snop  }
0x7: {  	_ = 	snop  }
__scs_overlays_trampoline_lowered:
0x8: {  	[smem:$0x3FAE] =	sst s0  }
0x9: {  	[smem:$0x3FAF] =	sst s1  }
0xa: {  	[smem:$0x3FB0] =	sst s2  }
0xb: {  	[smem:$0x3FB1] =	sst s3  }
0xc: {  	[smem:$0x3FB2] =	sst s4  }
0xd: {  	[smem:$0x3FB3] =	sst s5  }
0xe: {  	[smem:$0x3FB4] =	sst s6  }
0xf: {  	[smem:$0x3FB5] =	sst s7  }
0x10: {  	[smem:$0x3FB6] =	sst s8  }
0x11: {  	[smem:$0x3FB7] =	sst s9;
	s0 =	simm.s32 @!p0 $0x0  }
0x12: {  	s1 =	sld [smem:$0x3F9D];
	s0 =	simm.s32 @p0 $0x1  }
0x13: {  	[smem:$0x3FB8] =	sst s0;
	s0 =	simm.s32 @!p1 $0x0  }
0x14: {  	s2 =	sld [smem:$0x3F9C];
	s0 =	simm.s32 @p1 $0x1  }
0x15: {  	[smem:$0x3FB9] =	sst s0;
	s0 =	simm.s32 @!p2 $0x0  }
0x16: {  	s3 =	sld [smem:$0x3FDB];
	s0 =	simm.s32 @p2 $0x1  }
0x17: {  	s4 =	simm.s32 $0x1BF5;
	[smem:$0x3FBB] =	sst s0  }
0x18: {  	s0 =	sld [smem:$0x3F9E];
	_ =	swait.ge [sflag:s4], $0x0  }
0x19: {  	s7 =	sld [smem:$0x3F9F]  }
0x1a: {  	s8 =	sadd.s32 $0xFFFFE003, lr  }
0x1b: {  	s9 =	sadd.s32 $0xFFFFFEF7, lr;
	s5 =	simm.s32 $0xFFFFFFFF;
	p2 =	slt.u32 s8, $0xFFFFF086  }
0x1c: {  	p1 =	slt.u32 s9, $0xF7A;
	s5 =	simm.s32 @!p2 $0x0  }
0x1d: {  	s5 =	simm.s32 @p1 $0x1;
	p0 =	seq.s32 s7, s2  }
0x1e: {  	s7 =	smul.u32 @!p0 $0xF7A, s2;
	p2 =	seq.s32 @!p0 s5, $0x0  }
0x1f: {  	s9 =	smul.u32 $0xF7A, s1;
	s8 =	simm.s32 @!p0 $0x1BF5;
	p2 =	por !p2, p0  }
0x20: {  	[sflag:s8] =	ssyncset.s32 @!p0 $0xFFFFF086;
	s6 =	sadd.s32 @!p0 s3, s7;
	s7 =	simm.s32 @!p0 $0x108  }
0x21: {  	s3 =	sadd.s32 s3, s9;
	s6 =	sadd.s32 @!p0 $0x88, s6;
	s7 =	simm.s32 @p2 $0x1082  }
0x22: {  	[simem:s7], [sflag:s8] =	dma.local @!p0 [hbm:s6], $0xF7A  }
0x23: {  	s9 =	sor.u32 $0xD0000000, s2;
	s6 =	simm.s32 $0x108;
	_ =	swait.ge @!p0 [sflag:s8], $0x0  }
0x24: {  	s3 =	sadd.s32 $0x88, s3;
	s6 =	simm.s32 @!p1 $0x1082;
	[sflag:s4] =	ssyncset.s32 $0xFFFFF086  }
0x25: {  	[simem:s6], [sflag:s4] =	dma.local [hbm:s3], $0xF7A  }
0x26: {  	[smem:$0x3F9F] =	sst s1;
	(tag) =	ssettag s2;
	_ =	strace s9  }
0x27: {  	s1 =	sld [smem:$0x3FAF]  }
0x28: {  	s2 =	sld [smem:$0x3FB0]  }
0x29: {  	s4 =	sld [smem:$0x3FB2]  }
0x2a: {  	p0 =	seq.s32 s5, $0x0;
	s5 =	sld [smem:$0x3FB3]  }
0x2b: {  	s6 =	sld [smem:$0x3FB4]  }
0x2c: {  	s7 =	sld [smem:$0x3FB5]  }
0x2d: {  	s3 =	simm.s32 $0x108;
	s8 =	sld [smem:$0x3FB6]  }
0x2e: {  	s3 =	simm.s32 @!p0 $0x1082;
	s9 =	sld [smem:$0x3FB7]  }
0x2f: {  	lr =	sadd.s32 s0, s3;
	s0 =	sld [smem:$0x3FAE]  }
0x30: {  	s3 =	sld [smem:$0x3FB1]  }
0x31: {  	[smem:$0x3FBA] =	sst s10  }
0x32: {  	s10 =	sld [smem:$0x3FB8];
	_ =	sdelay $0x3  }
0x33: {  	p0 =	seq.s32 s10, $0x1;
	s10 =	sld [smem:$0x3FBA];
	_ =	sdelay $0x3  }
0x34: {  	[smem:$0x3FBA] =	sst s10  }
0x35: {  	s10 =	sld [smem:$0x3FB9];
	_ =	sdelay $0x3  }
0x36: {  	p1 =	seq.s32 s10, $0x1;
	s10 =	sld [smem:$0x3FBA];
	_ =	sdelay $0x3  }
0x37: {  	[smem:$0x3FBA] =	sst s10  }
0x38: {  	s10 =	sld [smem:$0x3FBB]  }
0x39: {  	_ = 	snop;
	(pc) =	sbr.ind lr, $3  }
0x3a: {  	_ = 	snop  }
0x3b: {  	_ = 	snop  }
0x3c: {  	p2 =	seq.s32 s10, $0x1;
	s10 =	sld [smem:$0x3FBA]  }
0x3d: {  	_ =	shalt  }
0x3e: {  	_ =	shalt  }
0x3f: {  	_ =	shalt  }
0x40: {  	_ =	shalt  }
0x41: {  	_ =	shalt  }
0x42: {  	_ =	shalt  }
0x43: {  	_ =	shalt  }
0x44: {  	_ =	shalt  }
0x45: {  	_ =	shalt  }
0x46: {  	_ =	shalt  }
0x47: {  	_ =	shalt  }
0x48: {  	_ =	shalt  }
0x49: {  	_ =	shalt  }
0x4a: {  	_ =	shalt  }
0x4b: {  	_ =	shalt  }
0x4c: {  	_ =	shalt  }
0x4d: {  	_ =	shalt  }
0x4e: {  	_ =	shalt  }
0x4f: {  	_ =	shalt  }
0x50: {  	_ =	shalt  }
0x51: {  	_ =	shalt  }
0x52: {  	_ =	shalt  }
0x53: {  	_ =	shalt  }
0x54: {  	_ =	shalt  }
0x55: {  	_ =	shalt  }
0x56: {  	_ =	shalt  }
0x57: {  	_ =	shalt  }
0x58: {  	_ =	shalt  }
0x59: {  	_ =	shalt  }
0x5a: {  	_ =	shalt  }
0x5b: {  	_ =	shalt  }
0x5c: {  	_ =	shalt  }
0x5d: {  	_ =	shalt  }
0x5e: {  	_ =	shalt  }
0x5f: {  	_ =	shalt  }
0x60: {  	_ =	shalt  }
0x61: {  	_ =	shalt  }
0x62: {  	_ =	shalt  }
0x63: {  	_ =	shalt  }
0x64: {  	_ =	shalt  }
0x65: {  	_ =	shalt  }
0x66: {  	_ =	shalt  }
0x67: {  	_ =	shalt  }
0x68: {  	_ =	shalt  }
0x69: {  	_ =	shalt  }
0x6a: {  	_ =	shalt  }
0x6b: {  	_ =	shalt  }
0x6c: {  	_ =	shalt  }
0x6d: {  	_ =	shalt  }
0x6e: {  	_ =	shalt  }
0x6f: {  	_ =	shalt  }
0x70: {  	_ =	shalt  }
0x71: {  	_ =	shalt  }
0x72: {  	_ =	shalt  }
0x73: {  	_ =	shalt  }
0x74: {  	_ =	shalt  }
0x75: {  	_ =	shalt  }
0x76: {  	_ =	shalt  }
0x77: {  	_ =	shalt  }
0x78: {  	_ =	shalt  }
0x79: {  	_ =	shalt  }
0x7a: {  	_ =	shalt  }
0x7b: {  	_ =	shalt  }
0x7c: {  	_ =	shalt  }
0x7d: {  	_ =	shalt  }
0x7e: {  	_ =	shalt  }
0x7f: {  	_ =	shalt  }
0x80: {  	_ =	shalt  }
0x81: {  	_ =	shalt  }
0x82: {  	_ =	shalt  }
0x83: {  	_ =	shalt  }
0x84: {  	_ =	shalt  }
0x85: {  	_ =	shalt  }
0x86: {  	_ =	shalt  }
0x87: {  	_ =	shalt  }
.Lfunc_end0:
.L_simem_size_0:
called_computation.4_lowered:
.L_overlay_start_0:
0x88: {  	s2 =	sld [smem:$0x3FD9]  }
0x89: {  	s3 =	sld [smem:$0x3FFE];
	_ =	sdelay $0x1  }
0x8a: {  	s1 =	srdreg.scid  }
0x8b: {  	s0 =	sand.u32 $0x1, s1  }
0x8c: {  	s14 =	sshll.u32 s0, $0xA;
	s2 =	sadd.s32 s3, s2  }
0x8d: {  	s2 =	sadd.s32 s2, s14  }
0x8e: {  	[smem:$0x3FC6] =	sst s2  }
0x8f: {  	_ = 	snop  }
0x90: {  	s2 =	sld [smem:$0x3FD0];
	_ =	sdelay $0x2  }
0x91: {  	s15 =	simm.s32 $0xA;
	s4 =	simm.s32 $0x10  }
0x92: {  	[smem:s4], [sflag:s15] =	dma.local [hbm:s2], $0x1  }
0x93: {  	_ =	swait.eq [sflag:s15], $0x1  }
0x94: {  	[sflag:s15] =	ssyncset.done $0x0  }
0x95: {  	s16 =	sld [smem:$0x10];
	[sflag:s15] =	ssyncadd.s32 $0xFFFFFFFF  }
0x96: {  	s17 =	sld [smem:$0x11];
	(tm) =	ssettm $0x1  }
0x97: {  	s18 =	sld [smem:$0x3FFB];
	_ =	sdelay $0x3  }
0x98: {  	_ =	strace s18  }
0x99: {  	s4 =	sld [smem:$0x3FFC];
	_ =	sdelay $0x3  }
0x9a: {  	_ =	strace s4  }
0x9b: {  	s4 =	sld [smem:$0x3FFD];
	_ =	sdelay $0x3  }
0x9c: {  	_ =	strace s4  }
0x9d: {  	_ =	strace $0x8FFFFFFF  }
0x9e: {  	s19 =	sld [smem:$0x3FDB];
	_ =	sdelay $0x1  }
0x9f: {  	s5 =	simm.s32 $_scs_section_size  }
0xa0: {  	s6 =	simm.s32 $_size__tile_overlayer_lowered;
	s7 =	simm.s32 $_tile_overlayer_lowered  }
0xa1: {  	s22 =	simm.s32 $0x1BFF;
	s21 =	sshll.u32 s7, $0x1;
	s4 =	sadd.s32 s5, s19  }
0xa2: {  	s8 =	simm.s32 $0x0;
	s20 =	sshll.u32 s6, $0x1;
	s6 =	sadd.s32 s21, s4  }
0xa3: {  	[timem:s8], [sflag:s22] =	dma.local [hbm:s6], s20  }
0xa4: {  	_ =	swait.ge [sflag:s22], s20  }
0xa5: {  	s5 =	ssub.s32 $0x0, s20;
	[sflag:s22] =	ssyncset.done $0x0  }
0xa6: {  	[sflag:s22] =	ssyncadd.s32 s5;
	_ =	sdelay $0x1  }
0xa7: {  	s23 =	simm.s32 $0x1B8B  }
0xa8: {  	_ =	swait.ge [sflag:s23], $0x1  }
0xa9: {  	[sflag:s23] =	ssyncset.done $0x0  }
0xaa: {  	s25 =	simm.s32 $0x1B8E;
	s24 =	sld [smem:$0x3FFE];
	[sflag:s23] =	ssyncadd.s32 $0xFFFFFFFF  }
0xab: {  	s26 =	simm.s32 $execute0_lowered;
	[smem:$0x3FD2] =	sst s25  }
0xac: {  	s6 =	sshll.u32 s26, $0x1;
	_ =	strace $0x80000052;
	[dreg:$0x1] =	wrdreg $0xFFFFFFFF  }
0xad: {  	s28 =	simm.s32 $_size_execute0_lowered;
	s4 =	sadd.s32 s4, s6;
	[dreg:$0x0] =	wrdreg $0x0  }
0xae: {  	s6 =	sshll.u32 s28, $0x1;
	[dreg:$0x2] =	wrdreg s4  }
0xaf: {  	[dreg:$0x3] =	wrdreg s6  }
0xb0: {  	[dreg:$0x4] =	wrdreg $0xC0  }
0xb1: {  	_ =	task [dreg:s8], $0x5FFFF  }
0xb2: {  	[dreg:$0x1] =	wrdreg $0xFFFFFFFF  }
0xb3: {  	[dreg:$0x0] =	wrdreg $0x60  }
0xb4: {  	[dreg:$0x2] =	wrdreg s24  }
0xb5: {  	[dreg:$0x3] =	wrdreg s16  }
0xb6: {  	[dreg:$0x4] =	wrdreg s17  }
0xb7: {  	[dreg:$0x5] =	wrdreg $0x9  }
0xb8: {  	_ =	task.clear_ibuf [dreg:s8], $0x6FFFF;
	_ =	strace $0x90000052  }
0xb9: {  	s29 =	simm.s32 $0x9;
	_ =	strace $0x80000054  }
0xba: {  	_ =	swait.ge [sflag:s29], $0x1  }
0xbb: {  	[sflag:s29] =	ssyncadd.s32 $0xFFFFFFFF  }
0xbc: {  	_ =	strace $0x90000054  }
0xbd: {  	_ =	sfence  }
0xbe: {  	s30 =	sld [smem:$0x0];
	_ =	sdelay $0x2  }
0xbf: {  	s31 =	sshll.u32 s1, $0xD;
	s1 =	sshrl.u32 s1, $0x2  }
0xc0: {  	s3 =	sand.u32 $0x4000, s31;
	s1 =	sadd.s32 s1, s30  }
0xc1: {  	s0 =	sor.u32 s3, s0;
	s1 =	sshll.u32 s1, $0x11  }
0xc2: {  	s0 =	sor.u32 s1, s0  }
0xc3: {  	s0 =	sadd.s32 $0x8F2B, s0  }
0xc4: {  	[sflag:s0] =	ssyncadd.remote.s32 $0x1  }
0xc5: {  	_ =	sfence.sel $0xFFFF  }
0xc6: {  	[dreg:$0x0] =	wrdreg $0xFFFFFFFF;
	(pc) =	sbr.abs _section_cstart, $3  }
0xc7: {  	[dreg:$0x1] =	wrdreg $0xFFFFFFFF  }
0xc8: {  	_ =	task.clear_ibuf [dreg:s8], $0x2FFFF;
	_ =	strace $0x9FFFFFFF  }
0xc9: {  	(tm) =	ssettm $0x7FFFFFFF  }
tec
execute0_lowered:
.L_overlay_start_1:
0x0: {  	(tag) =	ssettag $0x1  }
0x1: {  	s1 =	rddreg [dreg:$0x0];
	s2 =	srdreg.scid  }
0x2: {  	s3 =	rddreg [dreg:$0x1];
	s0 =	stileid.u32  }
0x3: {  	s5 =	rddreg [dreg:$0x2];
	s17 =	simm.s32 $0x80;
	s18 =	simm.s32 $0x900  }
0x4: {  	s19 =	simm.s32 $0x1100;
	s4 =	sand.u32 $0x1, s2;
	s2 =	simm.s32 $0x0  }
0x5: {  	s20 =	simm.s32 $0x1900;
	s21 =	simm.s32 $0x2100;
	[smem:$0x7FF] =	sst s2  }
0x6: {  	s23 =	simm.s32 $0x2900;
	_ =	strace $0x80000053;
	[dreg:$0x8] =	wrdreg s17  }
0x7: {  	s24 =	simm.s32 $0x3100;
	s25 =	simm.s32 $0x3900;
	[dreg:$0x9] =	wrdreg s18  }
0x8: {  	s26 =	simm.s32 $0x4100;
	s9 =	simm.s32 $0x5900;
	[dreg:$0xa] =	wrdreg s19  }
0x9: {  	s10 =	simm.s32 $0x6100;
	s11 =	simm.s32 $0x6900;
	[dreg:$0xb] =	wrdreg s20  }
0xa: {  	s12 =	simm.s32 $0x7100;
	s28 =	simm.s32 $0xE900;
	[dreg:$0xc] =	wrdreg s21  }
0xb: {  	s29 =	simm.s32 $0xF100;
	s30 =	simm.s32 $0xF900;
	[dreg:$0xd] =	wrdreg s23  }
0xc: {  	s31 =	simm.s32 $0x1;
	s6 =	sshll.u32 s0, $0x8;
	[dreg:$0xe] =	wrdreg s24  }
0xd: {  	s7 =	sshll.u32 s4, $0x7;
	s4 =	ssub.s32 $0x2, s4;
	[dreg:$0xf] =	wrdreg s25  }
0xe: {  	s6 =	sor.u32 s7, s6;
	s22 =	sshrl.u32 s4, $0x1;
	[dreg:$0x10] =	wrdreg s26  }
0xf: {  	s17 =	simm.s32 $0x9900;
	s18 =	simm.s32 $0xA100;
	s19 =	simm.s32 $0xA900  }
0x10: {  	s20 =	simm.s32 $0xB100;
	s21 =	simm.s32 $0xB900;
	s23 =	simm.s32 $0xC900  }
0x11: {  	s24 =	simm.s32 $0xD100;
	s25 =	simm.s32 $0xD900;
	s26 =	simm.s32 $0xE100  }
0x12: {  	s7 =	sshrl.u32 s6, $0x3;
	s6 =	sshll.u32 s6, $0x5;
	s4 =	ssub.s32 s4, s22  }
0x13: {  	s22 =	simm.s32 $0xC100;
	s8 =	sadd.s32 s7, s1;
	s3 =	sadd.s32 s3, s7  }
0x14: {  	s14 =	sadd.s32 s6, s1;
	s15 =	sadd.s32 s5, s6;
	s4 =	smax.u32 s4, $0x1  }
0x15: {  	s5 =	simm.s32 $0x3;
	s6 =	simm.s32 $0x100;
	[dreg:$0x4] =	wrdreg s3  }
0x16: {  	s13 =	sadd.s32 $0xD400, s8;
	[dreg:$0x6] =	wrdreg s15;
	s16 =	sadd.s32 $0xD600, s14  }
0x17: {  	v2 =	vlaneseq.u32;
	s3 =	sadd.s32 $0xCD400, s1;
	s8 =	simm.s32 $0x5100;
	s14 =	simm.s32 $0x8100  }
0x18: {  	vm0 =	vmmov $0xffff;
	v1 =	vshrl.u32 v2, $0x3;
	s15 =	simm.s32 $0x8900;
	s1 =	simm.s32 $0x2;
	[dreg:$0x5] =	wrdreg s13  }
0x19: {  	v0 =	vand.u32 $0x7, v2;
	v2 =	vor.u32 $0x8, v2;
	v1 =	vmul.u32 $0x8, v1;
	[dreg:$0x7] =	wrdreg s16;
	s13 =	simm.s32 $0x7900;
	s16 =	simm.s32 $0x9100  }
.LBB2_1:
0x1a: {  	s0 =	rddreg [dreg:$0x4]  }
0x1b: {  	[tilespmem:s2], [sflag:$0x3] =	stream.linear.gather [hbm4b:s0+s2], $0x80, $0x38;
	[tilespmem:$0x10100] =	vst v63  }
0x1c: {  	_ =	swait.ge [sflag:s5], $0x80  }
0x1d: {  	s0 =	rddreg [dreg:$0x5];
	[sflag:s5] =	ssyncset.done $0x0  }
0x1e: {  	s7 =	rddreg [dreg:$0x8];
	[sflag:s5] =	ssyncadd.s32 $0xFFFFFF80  }
0x1f: {  	[tilespmem:s7], [sflag:$0x3] =	stream.linear.gather [hbm4b:s0+s2], $0x80, $0x38;
	[tilespmem:$0x10100] =	vst v63  }
0x20: {  	_ =	swait.ge [sflag:s5], $0x80  }
0x21: {  	[sflag:s5] =	ssyncset.done $0x0  }
0x22: {  	[sflag:s5] =	ssyncadd.s32 $0xFFFFFF80  }
0x23: {  	v3 =	vld [tilespmem:$0x0];
	_ =	sdelay $0x4  }
0x24: {  	v4 =	vshll.u32 v3, $0x1  }
0x25: {  	v3 =	vand.u32 $0x7, v3;
	v4 =	vand.u32 $0xFFFFFFF0, v4  }
0x26: {  	v3 =	vor.u32 v3, v4  }
0x27: {  	v4 =	vperm.xlane v3, v0;
	_ =	sdelay $0x1  }
0x28: {  	v3 =	vperm.xlane v3, v2;
	v4 =	vadd.s32 v1, v4;
	_ =	sdelay $0x1  }
0x29: {  	v3 =	vadd.s32 v1, v3;
	_ =	sdelay $0x2  }
0x2a: {  	[tilespmem:s6], [sflag:$0x1] =	stream.indirect_vreg.gather [hbm4b:s3+s2], $0x80, v4, vm0, $0xb8;
	[tilespmem:$0x10100] =	vst v63  }
0x2b: {  	s7 =	rddreg [dreg:$0x9]  }
0x2c: {  	[tilespmem:s7], [sflag:$0x1] =	stream.indirect_vreg.gather [hbm4b:s3+s2], $0x80, v3, vm0, $0xb8;
	[tilespmem:$0x10100] =	vst v63  }
0x2d: {  	v3 =	vld [tilespmem:$0x10];
	_ =	sdelay $0x4  }
0x2e: {  	v49 =	vshll.u32 v3, $0x1  }
0x2f: {  	v3 =	vand.u32 $0x7, v3;
	v4 =	vand.u32 $0xFFFFFFF0, v49  }
0x30: {  	v3 =	vor.u32 v3, v4  }
0x31: {  	v4 =	vperm.xlane v3, v0;
	_ =	sdelay $0x1  }
0x32: {  	v3 =	vperm.xlane v3, v2;
	v4 =	vadd.s32 v1, v4;
	_ =	sdelay $0x1  }
0x33: {  	v3 =	vadd.s32 v1, v3;
	_ =	sdelay $0x1  }
0x34: {  	s0 =	rddreg [dreg:$0xa]  }
0x35: {  	[tilespmem:s0], [sflag:$0x1] =	stream.indirect_vreg.gather [hbm4b:s3+s2], $0x80, v4, vm0, $0xb8;
	[tilespmem:$0x10100] =	vst v63  }
0x36: {  	s7 =	rddreg [dreg:$0xb]  }
0x37: {  	[tilespmem:s7], [sflag:$0x1] =	stream.indirect_vreg.gather [hbm4b:s3+s2], $0x80, v3, vm0, $0xb8;
	[tilespmem:$0x10100] =	vst v63  }
0x38: {  	v3 =	vld [tilespmem:$0x20];
	_ =	sdelay $0x4  }
0x39: {  	v50 =	vshll.u32 v3, $0x1  }
0x3a: {  	v3 =	vand.u32 $0x7, v3;
	v4 =	vand.u32 $0xFFFFFFF0, v50  }
0x3b: {  	v3 =	vor.u32 v3, v4  }
0x3c: {  	v4 =	vperm.xlane v3, v0;
	_ =	sdelay $0x1  }
0x3d: {  	v3 =	vperm.xlane v3, v2;
	v4 =	vadd.s32 v1, v4;
	_ =	sdelay $0x1  }
0x3e: {  	v3 =	vadd.s32 v1, v3;
	_ =	sdelay $0x1  }
0x3f: {  	s0 =	rddreg [dreg:$0xc]  }
0x40: {  	[tilespmem:s0], [sflag:$0x1] =	stream.indirect_vreg.gather [hbm4b:s3+s2], $0x80, v4, vm0, $0xb8;
	[tilespmem:$0x10100] =	vst v63  }
0x41: {  	s7 =	rddreg [dreg:$0xd]  }
0x42: {  	[tilespmem:s7], [sflag:$0x1] =	stream.indirect_vreg.gather [hbm4b:s3+s2], $0x80, v3, vm0, $0xb8;
	[tilespmem:$0x10100] =	vst v63  }
0x43: {  	v3 =	vld [tilespmem:$0x30];
	_ =	sdelay $0x4  }
0x44: {  	v51 =	vshll.u32 v3, $0x1  }
0x45: {  	v3 =	vand.u32 $0x7, v3;
	v4 =	vand.u32 $0xFFFFFFF0, v51  }
0x46: {  	v3 =	vor.u32 v3, v4  }
0x47: {  	v4 =	vperm.xlane v3, v0;
	_ =	sdelay $0x1  }
0x48: {  	v3 =	vperm.xlane v3, v2;
	v4 =	vadd.s32 v1, v4;
	_ =	sdelay $0x1  }
0x49: {  	v3 =	vadd.s32 v1, v3;
	_ =	sdelay $0x1  }
0x4a: {  	s0 =	rddreg [dreg:$0xe]  }
0x4b: {  	[tilespmem:s0], [sflag:$0x1] =	stream.indirect_vreg.gather [hbm4b:s3+s2], $0x80, v4, vm0, $0xb8;
	[tilespmem:$0x10100] =	vst v63  }
0x4c: {  	s7 =	rddreg [dreg:$0xf]  }
0x4d: {  	[tilespmem:s7], [sflag:$0x1] =	stream.indirect_vreg.gather [hbm4b:s3+s2], $0x80, v3, vm0, $0xb8;
	[tilespmem:$0x10100] =	vst v63  }
0x4e: {  	v3 =	vld [tilespmem:$0x40];
	_ =	sdelay $0x4  }
0x4f: {  	v52 =	vshll.u32 v3, $0x1  }
0x50: {  	v3 =	vand.u32 $0x7, v3;
	v4 =	vand.u32 $0xFFFFFFF0, v52  }
0x51: {  	v3 =	vor.u32 v3, v4  }
0x52: {  	v4 =	vperm.xlane v3, v0;
	_ =	sdelay $0x1  }
0x53: {  	v3 =	vperm.xlane v3, v2;
	v4 =	vadd.s32 v1, v4;
	_ =	sdelay $0x1  }
0x54: {  	v3 =	vadd.s32 v1, v3;
	_ =	sdelay $0x1  }
0x55: {  	s7 =	rddreg [dreg:$0x10]  }
0x56: {  	[tilespmem:s7], [sflag:$0x1] =	stream.indirect_vreg.gather [hbm4b:s3+s2], $0x80, v4, vm0, $0xb8;
	[tilespmem:$0x10100] =	vst v63  }
0x57: {  	s7 =	simm.s32 $0x4900  }
0x58: {  	[tilespmem:s7], [sflag:$0x1] =	stream.indirect_vreg.gather [hbm4b:s3+s2], $0x80, v3, vm0, $0xb8;
	[tilespmem:$0x10100] =	vst v63  }
0x59: {  	v3 =	vld [tilespmem:$0x50];
	_ =	sdelay $0x4  }
0x5a: {  	v53 =	vshll.u32 v3, $0x1  }
0x5b: {  	v3 =	vand.u32 $0x7, v3;
	v4 =	vand.u32 $0xFFFFFFF0, v53  }
0x5c: {  	v3 =	vor.u32 v3, v4  }
0x5d: {  	v4 =	vperm.xlane v3, v0;
	_ =	sdelay $0x1  }
0x5e: {  	v3 =	vperm.xlane v3, v2;
	v4 =	vadd.s32 v1, v4;
	_ =	sdelay $0x1  }
0x5f: {  	v3 =	vadd.s32 v1, v3;
	_ =	sdelay $0x2  }
0x60: {  	[tilespmem:s8], [sflag:$0x1] =	stream.indirect_vreg.gather [hbm4b:s3+s2], $0x80, v4, vm0, $0xb8;
	[tilespmem:$0x10100] =	vst v63  }
0x61: {  	_ = 	snop  }
0x62: {  	[tilespmem:s9], [sflag:$0x1] =	stream.indirect_vreg.gather [hbm4b:s3+s2], $0x80, v3, vm0, $0xb8;
	[tilespmem:$0x10100] =	vst v63  }
0x63: {  	v3 =	vld [tilespmem:$0x60];
	_ =	sdelay $0x4  }
0x64: {  	v54 =	vshll.u32 v3, $0x1  }
0x65: {  	v3 =	vand.u32 $0x7, v3;
	v4 =	vand.u32 $0xFFFFFFF0, v54  }
0x66: {  	v3 =	vor.u32 v3, v4  }
0x67: {  	v4 =	vperm.xlane v3, v0;
	_ =	sdelay $0x1  }
0x68: {  	v3 =	vperm.xlane v3, v2;
	v4 =	vadd.s32 v1, v4;
	_ =	sdelay $0x1  }
0x69: {  	v3 =	vadd.s32 v1, v3;
	_ =	sdelay $0x2  }
0x6a: {  	[tilespmem:s10], [sflag:$0x1] =	stream.indirect_vreg.gather [hbm4b:s3+s2], $0x80, v4, vm0, $0xb8;
	[tilespmem:$0x10100] =	vst v63  }
0x6b: {  	_ = 	snop  }
0x6c: {  	[tilespmem:s11], [sflag:$0x1] =	stream.indirect_vreg.gather [hbm4b:s3+s2], $0x80, v3, vm0, $0xb8;
	[tilespmem:$0x10100] =	vst v63  }
0x6d: {  	v3 =	vld [tilespmem:$0x70];
	_ =	sdelay $0x4  }
0x6e: {  	v55 =	vshll.u32 v3, $0x1  }
0x6f: {  	v3 =	vand.u32 $0x7, v3;
	v4 =	vand.u32 $0xFFFFFFF0, v55  }
0x70: {  	v3 =	vor.u32 v3, v4  }
0x71: {  	v4 =	vperm.xlane v3, v0;
	_ =	sdelay $0x1  }
0x72: {  	v3 =	vperm.xlane v3, v2;
	v4 =	vadd.s32 v1, v4;
	_ =	sdelay $0x1  }
0x73: {  	v3 =	vadd.s32 v1, v3;
	_ =	sdelay $0x2  }
0x74: {  	[tilespmem:s12], [sflag:$0x1] =	stream.indirect_vreg.gather [hbm4b:s3+s2], $0x80, v4, vm0, $0xb8;
	[tilespmem:$0x10100] =	vst v63  }
0x75: {  	_ = 	snop  }
0x76: {  	[tilespmem:s13], [sflag:$0x1] =	stream.indirect_vreg.gather [hbm4b:s3+s2], $0x80, v3, vm0, $0xb8;
	[tilespmem:$0x10100] =	vst v63  }
0x77: {  	v3 =	vld [tilespmem:$0x80];
	_ =	sdelay $0x4  }
0x78: {  	v56 =	vshll.u32 v3, $0x1  }
0x79: {  	v3 =	vand.u32 $0x7, v3;
	v4 =	vand.u32 $0xFFFFFFF0, v56  }
0x7a: {  	v3 =	vor.u32 v3, v4  }
0x7b: {  	v4 =	vperm.xlane v3, v0;
	_ =	sdelay $0x1  }
0x7c: {  	v3 =	vperm.xlane v3, v2;
	v4 =	vadd.s32 v1, v4;
	_ =	sdelay $0x1  }
0x7d: {  	v3 =	vadd.s32 v1, v3;
	_ =	sdelay $0x2  }
0x7e: {  	[tilespmem:s14], [sflag:$0x2] =	stream.indirect_vreg.gather [hbm4b:s3+s2], $0x80, v4, vm0, $0xb8;
	[tilespmem:$0x10100] =	vst v63  }
0x7f: {  	_ = 	snop  }
0x80: {  	[tilespmem:s15], [sflag:$0x2] =	stream.indirect_vreg.gather [hbm4b:s3+s2], $0x80, v3, vm0, $0xb8;
	[tilespmem:$0x10100] =	vst v63  }
0x81: {  	v3 =	vld [tilespmem:$0x90];
	_ =	sdelay $0x4  }
0x82: {  	v57 =	vshll.u32 v3, $0x1  }
0x83: {  	v3 =	vand.u32 $0x7, v3;
	v4 =	vand.u32 $0xFFFFFFF0, v57  }
0x84: {  	v3 =	vor.u32 v3, v4  }
0x85: {  	v4 =	vperm.xlane v3, v0;
	_ =	sdelay $0x1  }
0x86: {  	v3 =	vperm.xlane v3, v2;
	v4 =	vadd.s32 v1, v4;
	_ =	sdelay $0x1  }
0x87: {  	v3 =	vadd.s32 v1, v3;
	_ =	sdelay $0x2  }
0x88: {  	[tilespmem:s16], [sflag:$0x2] =	stream.indirect_vreg.gather [hbm4b:s3+s2], $0x80, v4, vm0, $0xb8;
	[tilespmem:$0x10100] =	vst v63  }
0x89: {  	_ = 	snop  }
0x8a: {  	[tilespmem:s17], [sflag:$0x2] =	stream.indirect_vreg.gather [hbm4b:s3+s2], $0x80, v3, vm0, $0xb8;
	[tilespmem:$0x10100] =	vst v63  }
0x8b: {  	v3 =	vld [tilespmem:$0xA0];
	_ =	sdelay $0x4  }
0x8c: {  	v58 =	vshll.u32 v3, $0x1  }
0x8d: {  	v3 =	vand.u32 $0x7, v3;
	v4 =	vand.u32 $0xFFFFFFF0, v58  }
0x8e: {  	v3 =	vor.u32 v3, v4  }
0x8f: {  	v4 =	vperm.xlane v3, v0;
	_ =	sdelay $0x1  }
0x90: {  	v3 =	vperm.xlane v3, v2;
	v4 =	vadd.s32 v1, v4;
	_ =	sdelay $0x1  }
0x91: {  	v3 =	vadd.s32 v1, v3;
	_ =	sdelay $0x2  }
0x92: {  	[tilespmem:s18], [sflag:$0x2] =	stream.indirect_vreg.gather [hbm4b:s3+s2], $0x80, v4, vm0, $0xb8;
	[tilespmem:$0x10100] =	vst v63  }
0x93: {  	_ = 	snop  }
0x94: {  	[tilespmem:s19], [sflag:$0x2] =	stream.indirect_vreg.gather [hbm4b:s3+s2], $0x80, v3, vm0, $0xb8;
	[tilespmem:$0x10100] =	vst v63  }
0x95: {  	v3 =	vld [tilespmem:$0xB0];
	_ =	sdelay $0x4  }
0x96: {  	v59 =	vshll.u32 v3, $0x1  }
0x97: {  	v3 =	vand.u32 $0x7, v3;
	v4 =	vand.u32 $0xFFFFFFF0, v59  }
0x98: {  	v3 =	vor.u32 v3, v4  }
0x99: {  	v4 =	vperm.xlane v3, v0;
	_ =	sdelay $0x1  }
0x9a: {  	v3 =	vperm.xlane v3, v2;
	v4 =	vadd.s32 v1, v4;
	_ =	sdelay $0x1  }
0x9b: {  	v3 =	vadd.s32 v1, v3;
	_ =	sdelay $0x2  }
0x9c: {  	[tilespmem:s20], [sflag:$0x2] =	stream.indirect_vreg.gather [hbm4b:s3+s2], $0x80, v4, vm0, $0xb8;
	[tilespmem:$0x10100] =	vst v63  }
0x9d: {  	_ = 	snop  }
0x9e: {  	[tilespmem:s21], [sflag:$0x2] =	stream.indirect_vreg.gather [hbm4b:s3+s2], $0x80, v3, vm0, $0xb8;
	[tilespmem:$0x10100] =	vst v63  }
0x9f: {  	v3 =	vld [tilespmem:$0xC0];
	_ =	sdelay $0x4  }
0xa0: {  	v60 =	vshll.u32 v3, $0x1  }
0xa1: {  	v3 =	vand.u32 $0x7, v3;
	v4 =	vand.u32 $0xFFFFFFF0, v60  }
0xa2: {  	v3 =	vor.u32 v3, v4  }
0xa3: {  	v4 =	vperm.xlane v3, v0;
	_ =	sdelay $0x1  }
0xa4: {  	v3 =	vperm.xlane v3, v2;
	v4 =	vadd.s32 v1, v4;
	_ =	sdelay $0x1  }
0xa5: {  	v3 =	vadd.s32 v1, v3;
	_ =	sdelay $0x2  }
0xa6: {  	[tilespmem:s22], [sflag:$0x2] =	stream.indirect_vreg.gather [hbm4b:s3+s2], $0x80, v4, vm0, $0xb8;
	[tilespmem:$0x10100] =	vst v63  }
0xa7: {  	_ = 	snop  }
0xa8: {  	[tilespmem:s23], [sflag:$0x2] =	stream.indirect_vreg.gather [hbm4b:s3+s2], $0x80, v3, vm0, $0xb8;
	[tilespmem:$0x10100] =	vst v63  }
0xa9: {  	v3 =	vld [tilespmem:$0xD0];
	_ =	sdelay $0x4  }
0xaa: {  	v61 =	vshll.u32 v3, $0x1  }
0xab: {  	v3 =	vand.u32 $0x7, v3;
	v4 =	vand.u32 $0xFFFFFFF0, v61  }
0xac: {  	v3 =	vor.u32 v3, v4  }
0xad: {  	v4 =	vperm.xlane v3, v0;
	_ =	sdelay $0x1  }
0xae: {  	v3 =	vperm.xlane v3, v2;
	v4 =	vadd.s32 v1, v4;
	_ =	sdelay $0x1  }
0xaf: {  	v3 =	vadd.s32 v1, v3;
	_ =	sdelay $0x2  }
0xb0: {  	[tilespmem:s24], [sflag:$0x2] =	stream.indirect_vreg.gather [hbm4b:s3+s2], $0x80, v4, vm0, $0xb8;
	[tilespmem:$0x10100] =	vst v63  }
0xb1: {  	_ = 	snop  }
0xb2: {  	[tilespmem:s25], [sflag:$0x2] =	stream.indirect_vreg.gather [hbm4b:s3+s2], $0x80, v3, vm0, $0xb8;
	[tilespmem:$0x10100] =	vst v63  }
0xb3: {  	v3 =	vld [tilespmem:$0xE0];
	_ =	sdelay $0x4  }
0xb4: {  	v62 =	vshll.u32 v3, $0x1  }
0xb5: {  	v3 =	vand.u32 $0x7, v3;
	v4 =	vand.u32 $0xFFFFFFF0, v62  }
0xb6: {  	v3 =	vor.u32 v3, v4  }
0xb7: {  	v4 =	vperm.xlane v3, v0;
	_ =	sdelay $0x1  }
0xb8: {  	v3 =	vperm.xlane v3, v2;
	v4 =	vadd.s32 v1, v4;
	_ =	sdelay $0x1  }
0xb9: {  	v3 =	vadd.s32 v1, v3;
	_ =	sdelay $0x2  }
0xba: {  	[tilespmem:s26], [sflag:$0x2] =	stream.indirect_vreg.gather [hbm4b:s3+s2], $0x80, v4, vm0, $0xb8;
	[tilespmem:$0x10100] =	vst v63  }
0xbb: {  	_ = 	snop  }
0xbc: {  	[tilespmem:s28], [sflag:$0x2] =	stream.indirect_vreg.gather [hbm4b:s3+s2], $0x80, v3, vm0, $0xb8;
	[tilespmem:$0x10100] =	vst v63  }
0xbd: {  	v3 =	vld [tilespmem:$0xF0];
	_ =	sdelay $0x4  }
0xbe: {  	v63 =	vshll.u32 v3, $0x1  }
0xbf: {  	v3 =	vand.u32 $0x7, v3;
	v4 =	vand.u32 $0xFFFFFFF0, v63  }
0xc0: {  	v3 =	vor.u32 v3, v4  }
0xc1: {  	v4 =	vperm.xlane v3, v0;
	_ =	sdelay $0x1  }
0xc2: {  	v3 =	vperm.xlane v3, v2;
	v4 =	vadd.s32 v1, v4;
	_ =	sdelay $0x1  }
0xc3: {  	v3 =	vadd.s32 v1, v3;
	_ =	sdelay $0x2  }
0xc4: {  	[tilespmem:s29], [sflag:$0x2] =	stream.indirect_vreg.gather [hbm4b:s3+s2], $0x80, v4, vm0, $0xb8;
	[tilespmem:$0x10100] =	vst v63  }
0xc5: {  	_ = 	snop  }
0xc6: {  	[tilespmem:s30], [sflag:$0x2] =	stream.indirect_vreg.gather [hbm4b:s3+s2], $0x80, v3, vm0, $0xb8;
	[tilespmem:$0x10100] =	vst v63  }
0xc7: {  	_ =	swait.ge [sflag:s31], $0x8000  }
0xc8: {  	[sflag:s31] =	ssyncset.done $0x0  }
0xc9: {  	s7 =	rddreg [dreg:$0x6];
	[sflag:s31] =	ssyncadd.s32 $0xFFFF8000  }
0xca: {  	[hbm4b:s7+s2] =	stream.linear.scatter [tilespmem:s6], [sflag:$0x3], $0x8000, $0x38;
	[tilespmem:$0x10100] =	vst v63  }
0xcb: {  	_ =	swait.ge [sflag:s5], $0x8000  }
0xcc: {  	[sflag:s5] =	ssyncset.done $0x0  }
0xcd: {  	[sflag:s5] =	ssyncadd.s32 $0xFFFF8000  }
0xce: {  	_ =	swait.ge [sflag:s1], $0x8000  }
0xcf: {  	p0 =	sne.s32 s4, $0x1;
	[sflag:s1] =	ssyncset.done $0x0  }
.Ltmp0:
0xd0: {  	s7 =	rddreg [dreg:$0x7];
	[sflag:s1] =	ssyncadd.s32 $0xFFFF8000;
	(pc) =	sbr.rel @p0 .LBB2_1-.Ltmp0, $4  }
0xd1: {  	[hbm4b:s7+s2] =	stream.linear.scatter [tilespmem:s14], [sflag:$0x3], $0x8000, $0x38;
	[tilespmem:$0x10100] =	vst v63  }
0xd2: {  	_ =	swait.ge [sflag:s5], $0x8000  }
0xd3: {  	[sflag:s5] =	ssyncset.done $0x0  }
0xd4: {  	s4 =	sadd.s32 $0xFFFFFFFF, s4;
	[sflag:s5] =	ssyncadd.s32 $0xFFFF8000  }
0xd5: {  	_ =	sfence.sel $0x180000  }
0xd6: {  	[bflag:$0x0] =	sbarrier.arrive $0xFFFF  }
0xd7: {  	_ =	strace $0x90000053  }
0xd8: {  	s0 =	stileid.u32;
	[bflag:$0x2] =	sbarrier.arrive $0xFFFF  }
0xd9: {  	p0 =	sne.s32 s0, $0x0;
	s0 =	rddreg [dreg:$0x3]  }
0xda: {  	s0 =	sadd.s32 @!p0 $0x100000, s0  }
0xdb: {  	[sflag:s0] =	ssyncadd.tile.s32 @!p0 $0x1;
	_ =	shalt  }
.Lfunc_end2:
_tile_overlayer_lowered:
.L_overlay_start_2:
0xdc: {  	(tag) =	ssettag $0x2  }
0xdd: {  	s0 =	rddreg [dreg:$0x0];
	s2 =	stileid.u32  }
0xde: {  	s1 =	rddreg [dreg:$0x1];
	p0 =	sne.s32 s2, $0x0  }
0xdf: {  	s3 =	rddreg [dreg:$0x2];
	[bflag:$0x3] =	sbarrier.arrive $0xFFFF;
	s2 =	simm.s32 @!p0 $0x1C03  }
0xe0: {  	[timem:s3], [sflag:s2] =	dma.local @!p0 [hbm:s0], s1  }
0xe1: {  	s0 =	simm.s32 @!p0 $0x3  }
0xe2: {  	_ =	swait.ge @!p0 [sflag:s0], s1  }
0xe3: {  	s1 =	ssub.s32 @!p0 $0x0, s1;
	[sflag:s0] =	ssyncset.done @!p0 $0x0  }
0xe4: {  	[sflag:s0] =	ssyncadd.s32 @!p0 s1  }
0xe5: {  	[bflag:$0x3] =	sbarrier.arrive $0xFFFF  }
0xe6: {  	_ =	shalt  }

// kernel: kernel.41.cloned.1.call-start
scs
__scs_entry_jumppad:
0x0: {  	(pc) =	sbr.rel $0x88, $3  }
0x1: {  	(tag) =	ssettag $0x0;
	lr =	simm.s32 $0x1  }
0x2: {  	[smem:$0x3F9F] =	sst lr;
	_ =	strace $0xD0000000  }
0x3: {  	_ = 	snop  }
0x4: {  	_ = 	snop  }
0x5: {  	_ = 	snop  }
0x6: {  	_ = 	snop  }
0x7: {  	_ = 	snop  }
__scs_overlays_trampoline_lowered:
0x8: {  	[smem:$0x3FAE] =	sst s0  }
0x9: {  	[smem:$0x3FAF] =	sst s1  }
0xa: {  	[smem:$0x3FB0] =	sst s2  }
0xb: {  	[smem:$0x3FB1] =	sst s3  }
0xc: {  	[smem:$0x3FB2] =	sst s4  }
0xd: {  	[smem:$0x3FB3] =	sst s5  }
0xe: {  	[smem:$0x3FB4] =	sst s6  }
0xf: {  	[smem:$0x3FB5] =	sst s7  }
0x10: {  	[smem:$0x3FB6] =	sst s8  }
0x11: {  	[smem:$0x3FB7] =	sst s9;
	s0 =	simm.s32 @!p0 $0x0  }
0x12: {  	s1 =	sld [smem:$0x3F9D];
	s0 =	simm.s32 @p0 $0x1  }
0x13: {  	[smem:$0x3FB8] =	sst s0;
	s0 =	simm.s32 @!p1 $0x0  }
0x14: {  	s2 =	sld [smem:$0x3F9C];
	s0 =	simm.s32 @p1 $0x1  }
0x15: {  	[smem:$0x3FB9] =	sst s0;
	s0 =	simm.s32 @!p2 $0x0  }
0x16: {  	s3 =	sld [smem:$0x3FDB];
	s0 =	simm.s32 @p2 $0x1  }
0x17: {  	s4 =	simm.s32 $0x1BF5;
	[smem:$0x3FBB] =	sst s0  }
0x18: {  	s0 =	sld [smem:$0x3F9E];
	_ =	swait.ge [sflag:s4], $0x0  }
0x19: {  	s7 =	sld [smem:$0x3F9F]  }
0x1a: {  	s8 =	sadd.s32 $0xFFFFE003, lr  }
0x1b: {  	s9 =	sadd.s32 $0xFFFFFEF7, lr;
	s5 =	simm.s32 $0xFFFFFFFF;
	p2 =	slt.u32 s8, $0xFFFFF086  }
0x1c: {  	p1 =	slt.u32 s9, $0xF7A;
	s5 =	simm.s32 @!p2 $0x0  }
0x1d: {  	s5 =	simm.s32 @p1 $0x1;
	p0 =	seq.s32 s7, s2  }
0x1e: {  	s7 =	smul.u32 @!p0 $0xF7A, s2;
	p2 =	seq.s32 @!p0 s5, $0x0  }
0x1f: {  	s9 =	smul.u32 $0xF7A, s1;
	s8 =	simm.s32 @!p0 $0x1BF5;
	p2 =	por !p2, p0  }
0x20: {  	[sflag:s8] =	ssyncset.s32 @!p0 $0xFFFFF086;
	s6 =	sadd.s32 @!p0 s3, s7;
	s7 =	simm.s32 @!p0 $0x108  }
0x21: {  	s3 =	sadd.s32 s3, s9;
	s6 =	sadd.s32 @!p0 $0x88, s6;
	s7 =	simm.s32 @p2 $0x1082  }
0x22: {  	[simem:s7], [sflag:s8] =	dma.local @!p0 [hbm:s6], $0xF7A  }
0x23: {  	s9 =	sor.u32 $0xD0000000, s2;
	s6 =	simm.s32 $0x108;
	_ =	swait.ge @!p0 [sflag:s8], $0x0  }
0x24: {  	s3 =	sadd.s32 $0x88, s3;
	s6 =	simm.s32 @!p1 $0x1082;
	[sflag:s4] =	ssyncset.s32 $0xFFFFF086  }
0x25: {  	[simem:s6], [sflag:s4] =	dma.local [hbm:s3], $0xF7A  }
0x26: {  	[smem:$0x3F9F] =	sst s1;
	(tag) =	ssettag s2;
	_ =	strace s9  }
0x27: {  	s1 =	sld [smem:$0x3FAF]  }
0x28: {  	s2 =	sld [smem:$0x3FB0]  }
0x29: {  	s4 =	sld [smem:$0x3FB2]  }
0x2a: {  	p0 =	seq.s32 s5, $0x0;
	s5 =	sld [smem:$0x3FB3]  }
0x2b: {  	s6 =	sld [smem:$0x3FB4]  }
0x2c: {  	s7 =	sld [smem:$0x3FB5]  }
0x2d: {  	s3 =	simm.s32 $0x108;
	s8 =	sld [smem:$0x3FB6]  }
0x2e: {  	s3 =	simm.s32 @!p0 $0x1082;
	s9 =	sld [smem:$0x3FB7]  }
0x2f: {  	lr =	sadd.s32 s0, s3;
	s0 =	sld [smem:$0x3FAE]  }
0x30: {  	s3 =	sld [smem:$0x3FB1]  }
0x31: {  	[smem:$0x3FBA] =	sst s10  }
0x32: {  	s10 =	sld [smem:$0x3FB8];
	_ =	sdelay $0x3  }
0x33: {  	p0 =	seq.s32 s10, $0x1;
	s10 =	sld [smem:$0x3FBA];
	_ =	sdelay $0x3  }
0x34: {  	[smem:$0x3FBA] =	sst s10  }
0x35: {  	s10 =	sld [smem:$0x3FB9];
	_ =	sdelay $0x3  }
0x36: {  	p1 =	seq.s32 s10, $0x1;
	s10 =	sld [smem:$0x3FBA];
	_ =	sdelay $0x3  }
0x37: {  	[smem:$0x3FBA] =	sst s10  }
0x38: {  	s10 =	sld [smem:$0x3FBB]  }
0x39: {  	_ = 	snop;
	(pc) =	sbr.ind lr, $3  }
0x3a: {  	_ = 	snop  }
0x3b: {  	_ = 	snop  }
0x3c: {  	p2 =	seq.s32 s10, $0x1;
	s10 =	sld [smem:$0x3FBA]  }
0x3d: {  	_ =	shalt  }
0x3e: {  	_ =	shalt  }
0x3f: {  	_ =	shalt  }
0x40: {  	_ =	shalt  }
0x41: {  	_ =	shalt  }
0x42: {  	_ =	shalt  }
0x43: {  	_ =	shalt  }
0x44: {  	_ =	shalt  }
0x45: {  	_ =	shalt  }
0x46: {  	_ =	shalt  }
0x47: {  	_ =	shalt  }
0x48: {  	_ =	shalt  }
0x49: {  	_ =	shalt  }
0x4a: {  	_ =	shalt  }
0x4b: {  	_ =	shalt  }
0x4c: {  	_ =	shalt  }
0x4d: {  	_ =	shalt  }
0x4e: {  	_ =	shalt  }
0x4f: {  	_ =	shalt  }
0x50: {  	_ =	shalt  }
0x51: {  	_ =	shalt  }
0x52: {  	_ =	shalt  }
0x53: {  	_ =	shalt  }
0x54: {  	_ =	shalt  }
0x55: {  	_ =	shalt  }
0x56: {  	_ =	shalt  }
0x57: {  	_ =	shalt  }
0x58: {  	_ =	shalt  }
0x59: {  	_ =	shalt  }
0x5a: {  	_ =	shalt  }
0x5b: {  	_ =	shalt  }
0x5c: {  	_ =	shalt  }
0x5d: {  	_ =	shalt  }
0x5e: {  	_ =	shalt  }
0x5f: {  	_ =	shalt  }
0x60: {  	_ =	shalt  }
0x61: {  	_ =	shalt  }
0x62: {  	_ =	shalt  }
0x63: {  	_ =	shalt  }
0x64: {  	_ =	shalt  }
0x65: {  	_ =	shalt  }
0x66: {  	_ =	shalt  }
0x67: {  	_ =	shalt  }
0x68: {  	_ =	shalt  }
0x69: {  	_ =	shalt  }
0x6a: {  	_ =	shalt  }
0x6b: {  	_ =	shalt  }
0x6c: {  	_ =	shalt  }
0x6d: {  	_ =	shalt  }
0x6e: {  	_ =	shalt  }
0x6f: {  	_ =	shalt  }
0x70: {  	_ =	shalt  }
0x71: {  	_ =	shalt  }
0x72: {  	_ =	shalt  }
0x73: {  	_ =	shalt  }
0x74: {  	_ =	shalt  }
0x75: {  	_ =	shalt  }
0x76: {  	_ =	shalt  }
0x77: {  	_ =	shalt  }
0x78: {  	_ =	shalt  }
0x79: {  	_ =	shalt  }
0x7a: {  	_ =	shalt  }
0x7b: {  	_ =	shalt  }
0x7c: {  	_ =	shalt  }
0x7d: {  	_ =	shalt  }
0x7e: {  	_ =	shalt  }
0x7f: {  	_ =	shalt  }
0x80: {  	_ =	shalt  }
0x81: {  	_ =	shalt  }
0x82: {  	_ =	shalt  }
0x83: {  	_ =	shalt  }
0x84: {  	_ =	shalt  }
0x85: {  	_ =	shalt  }
0x86: {  	_ =	shalt  }
0x87: {  	_ =	shalt  }
.Lfunc_end0:
.L_simem_size_0:
called_computation.5_lowered:
.L_overlay_start_0:
0x88: {  	s2 =	sld [smem:$0x3FD9]  }
0x89: {  	s3 =	sld [smem:$0x3FFE];
	_ =	sdelay $0x1  }
0x8a: {  	s1 =	srdreg.scid  }
0x8b: {  	s0 =	sand.u32 $0x1, s1  }
0x8c: {  	s14 =	sshll.u32 s0, $0xA;
	s2 =	sadd.s32 s3, s2  }
0x8d: {  	s2 =	sadd.s32 s2, s14  }
0x8e: {  	[smem:$0x3FC6] =	sst s2  }
0x8f: {  	_ = 	snop  }
0x90: {  	s2 =	sld [smem:$0x3FD0];
	_ =	sdelay $0x2  }
0x91: {  	s15 =	simm.s32 $0xA;
	s4 =	simm.s32 $0x10  }
0x92: {  	[smem:s4], [sflag:s15] =	dma.local [hbm:s2], $0x1  }
0x93: {  	_ =	swait.eq [sflag:s15], $0x1  }
0x94: {  	[sflag:s15] =	ssyncset.done $0x0  }
0x95: {  	s16 =	sld [smem:$0x10];
	[sflag:s15] =	ssyncadd.s32 $0xFFFFFFFF  }
0x96: {  	s17 =	sld [smem:$0x11];
	(tm) =	ssettm $0x1  }
0x97: {  	s18 =	sld [smem:$0x3FFB];
	_ =	sdelay $0x3  }
0x98: {  	_ =	strace s18  }
0x99: {  	s4 =	sld [smem:$0x3FFC];
	_ =	sdelay $0x3  }
0x9a: {  	_ =	strace s4  }
0x9b: {  	s4 =	sld [smem:$0x3FFD];
	_ =	sdelay $0x3  }
0x9c: {  	_ =	strace s4  }
0x9d: {  	_ =	strace $0x8FFFFFFF  }
0x9e: {  	s19 =	sld [smem:$0x3FDB];
	_ =	sdelay $0x1  }
0x9f: {  	s5 =	simm.s32 $_scs_section_size  }
0xa0: {  	s6 =	simm.s32 $_size__tile_overlayer_lowered;
	s7 =	simm.s32 $_tile_overlayer_lowered  }
0xa1: {  	s22 =	simm.s32 $0x1BFF;
	s21 =	sshll.u32 s7, $0x1;
	s4 =	sadd.s32 s5, s19  }
0xa2: {  	s8 =	simm.s32 $0x0;
	s20 =	sshll.u32 s6, $0x1;
	s6 =	sadd.s32 s21, s4  }
0xa3: {  	[timem:s8], [sflag:s22] =	dma.local [hbm:s6], s20  }
0xa4: {  	_ =	swait.ge [sflag:s22], s20  }
0xa5: {  	s5 =	ssub.s32 $0x0, s20;
	[sflag:s22] =	ssyncset.done $0x0  }
0xa6: {  	[sflag:s22] =	ssyncadd.s32 s5;
	_ =	sdelay $0x1  }
0xa7: {  	s23 =	simm.s32 $0x1B8B  }
0xa8: {  	_ =	swait.ge [sflag:s23], $0x1  }
0xa9: {  	[sflag:s23] =	ssyncset.done $0x0  }
0xaa: {  	s25 =	simm.s32 $0x1B8E;
	s24 =	sld [smem:$0x3FFE];
	[sflag:s23] =	ssyncadd.s32 $0xFFFFFFFF  }
0xab: {  	s26 =	simm.s32 $execute0_lowered;
	[smem:$0x3FD2] =	sst s25  }
0xac: {  	s6 =	sshll.u32 s26, $0x1;
	_ =	strace $0x80000055;
	[dreg:$0x1] =	wrdreg $0xFFFFFFFF  }
0xad: {  	s28 =	simm.s32 $_size_execute0_lowered;
	s4 =	sadd.s32 s4, s6;
	[dreg:$0x0] =	wrdreg $0x0  }
0xae: {  	s6 =	sshll.u32 s28, $0x1;
	[dreg:$0x2] =	wrdreg s4  }
0xaf: {  	[dreg:$0x3] =	wrdreg s6  }
0xb0: {  	[dreg:$0x4] =	wrdreg $0xC0  }
0xb1: {  	_ =	task [dreg:s8], $0x5FFFF  }
0xb2: {  	[dreg:$0x1] =	wrdreg $0xFFFFFFFF  }
0xb3: {  	[dreg:$0x0] =	wrdreg $0x60  }
0xb4: {  	[dreg:$0x2] =	wrdreg s24  }
0xb5: {  	[dreg:$0x3] =	wrdreg s16  }
0xb6: {  	[dreg:$0x4] =	wrdreg s17  }
0xb7: {  	[dreg:$0x5] =	wrdreg $0x9  }
0xb8: {  	_ =	task.clear_ibuf [dreg:s8], $0x6FFFF;
	_ =	strace $0x90000055  }
0xb9: {  	s29 =	simm.s32 $0x9;
	_ =	strace $0x80000057  }
0xba: {  	_ =	swait.ge [sflag:s29], $0x1  }
0xbb: {  	[sflag:s29] =	ssyncadd.s32 $0xFFFFFFFF  }
0xbc: {  	_ =	strace $0x90000057  }
0xbd: {  	_ =	sfence  }
0xbe: {  	s30 =	sld [smem:$0x0];
	_ =	sdelay $0x2  }
0xbf: {  	s31 =	sshll.u32 s1, $0xD;
	s1 =	sshrl.u32 s1, $0x2  }
0xc0: {  	s3 =	sand.u32 $0x4000, s31;
	s1 =	sadd.s32 s1, s30  }
0xc1: {  	s0 =	sor.u32 s3, s0;
	s1 =	sshll.u32 s1, $0x11  }
0xc2: {  	s0 =	sor.u32 s1, s0  }
0xc3: {  	s0 =	sadd.s32 $0x8F2B, s0  }
0xc4: {  	[sflag:s0] =	ssyncadd.remote.s32 $0x1  }
0xc5: {  	_ =	sfence.sel $0xFFFF  }
0xc6: {  	[dreg:$0x0] =	wrdreg $0xFFFFFFFF;
	(pc) =	sbr.abs _section_cstart, $3  }
0xc7: {  	[dreg:$0x1] =	wrdreg $0xFFFFFFFF  }
0xc8: {  	_ =	task.clear_ibuf [dreg:s8], $0x2FFFF;
	_ =	strace $0x9FFFFFFF  }
0xc9: {  	(tm) =	ssettm $0x7FFFFFFF  }
tec
execute0_lowered:
.L_overlay_start_1:
0x0: {  	(tag) =	ssettag $0x1  }
0x1: {  	s1 =	rddreg [dreg:$0x0];
	s2 =	srdreg.scid  }
0x2: {  	s3 =	rddreg [dreg:$0x1];
	s0 =	stileid.u32  }
0x3: {  	s5 =	rddreg [dreg:$0x2];
	s17 =	simm.s32 $0x80;
	s18 =	simm.s32 $0x900  }
0x4: {  	s19 =	simm.s32 $0x1100;
	s4 =	sand.u32 $0x1, s2;
	s2 =	simm.s32 $0x0  }
0x5: {  	s20 =	simm.s32 $0x1900;
	s21 =	simm.s32 $0x2100;
	[smem:$0x7FF] =	sst s2  }
0x6: {  	s23 =	simm.s32 $0x2900;
	_ =	strace $0x80000056;
	[dreg:$0x8] =	wrdreg s17  }
0x7: {  	s24 =	simm.s32 $0x3100;
	s25 =	simm.s32 $0x3900;
	[dreg:$0x9] =	wrdreg s18  }
0x8: {  	s26 =	simm.s32 $0x4100;
	s9 =	simm.s32 $0x5900;
	[dreg:$0xa] =	wrdreg s19  }
0x9: {  	s10 =	simm.s32 $0x6100;
	s11 =	simm.s32 $0x6900;
	[dreg:$0xb] =	wrdreg s20  }
0xa: {  	s12 =	simm.s32 $0x7100;
	s28 =	simm.s32 $0xE900;
	[dreg:$0xc] =	wrdreg s21  }
0xb: {  	s29 =	simm.s32 $0xF100;
	s30 =	simm.s32 $0xF900;
	[dreg:$0xd] =	wrdreg s23  }
0xc: {  	s31 =	simm.s32 $0x1;
	s6 =	sshll.u32 s0, $0x8;
	[dreg:$0xe] =	wrdreg s24  }
0xd: {  	s7 =	sshll.u32 s4, $0x7;
	s4 =	ssub.s32 $0x2, s4;
	[dreg:$0xf] =	wrdreg s25  }
0xe: {  	s6 =	sor.u32 s7, s6;
	s22 =	sshrl.u32 s4, $0x1;
	[dreg:$0x10] =	wrdreg s26  }
0xf: {  	s17 =	simm.s32 $0x9900;
	s18 =	simm.s32 $0xA100;
	s19 =	simm.s32 $0xA900  }
0x10: {  	s20 =	simm.s32 $0xB100;
	s21 =	simm.s32 $0xB900;
	s23 =	simm.s32 $0xC900  }
0x11: {  	s24 =	simm.s32 $0xD100;
	s25 =	simm.s32 $0xD900;
	s26 =	simm.s32 $0xE100  }
0x12: {  	s7 =	sshrl.u32 s6, $0x3;
	s6 =	sshll.u32 s6, $0x5;
	s4 =	ssub.s32 s4, s22  }
0x13: {  	s22 =	simm.s32 $0xC100;
	s8 =	sadd.s32 s7, s1;
	s3 =	sadd.s32 s3, s7  }
0x14: {  	s14 =	sadd.s32 s6, s1;
	s15 =	sadd.s32 s5, s6;
	s4 =	smax.u32 s4, $0x1  }
0x15: {  	s5 =	simm.s32 $0x3;
	s6 =	simm.s32 $0x100;
	[dreg:$0x4] =	wrdreg s3  }
0x16: {  	s13 =	sadd.s32 $0xD400, s8;
	[dreg:$0x6] =	wrdreg s15;
	s16 =	sadd.s32 $0xD600, s14  }
0x17: {  	v2 =	vlaneseq.u32;
	s3 =	sadd.s32 $0x10D400, s1;
	s8 =	simm.s32 $0x5100;
	s14 =	simm.s32 $0x8100  }
0x18: {  	vm0 =	vmmov $0xffff;
	v1 =	vshrl.u32 v2, $0x3;
	s15 =	simm.s32 $0x8900;
	s1 =	simm.s32 $0x2;
	[dreg:$0x5] =	wrdreg s13  }
0x19: {  	v0 =	vand.u32 $0x7, v2;
	v2 =	vor.u32 $0x8, v2;
	v1 =	vmul.u32 $0x8, v1;
	[dreg:$0x7] =	wrdreg s16;
	s13 =	simm.s32 $0x7900;
	s16 =	simm.s32 $0x9100  }
.LBB2_1:
0x1a: {  	s0 =	rddreg [dreg:$0x4]  }
0x1b: {  	[tilespmem:s2], [sflag:$0x3] =	stream.linear.gather [hbm4b:s0+s2], $0x80, $0x38;
	[tilespmem:$0x10100] =	vst v63  }
0x1c: {  	_ =	swait.ge [sflag:s5], $0x80  }
0x1d: {  	s0 =	rddreg [dreg:$0x5];
	[sflag:s5] =	ssyncset.done $0x0  }
0x1e: {  	s7 =	rddreg [dreg:$0x8];
	[sflag:s5] =	ssyncadd.s32 $0xFFFFFF80  }
0x1f: {  	[tilespmem:s7], [sflag:$0x3] =	stream.linear.gather [hbm4b:s0+s2], $0x80, $0x38;
	[tilespmem:$0x10100] =	vst v63  }
0x20: {  	_ =	swait.ge [sflag:s5], $0x80  }
0x21: {  	[sflag:s5] =	ssyncset.done $0x0  }
0x22: {  	[sflag:s5] =	ssyncadd.s32 $0xFFFFFF80  }
0x23: {  	v3 =	vld [tilespmem:$0x0];
	_ =	sdelay $0x4  }
0x24: {  	v4 =	vshll.u32 v3, $0x1  }
0x25: {  	v3 =	vand.u32 $0x7, v3;
	v4 =	vand.u32 $0xFFFFFFF0, v4  }
0x26: {  	v3 =	vor.u32 v3, v4  }
0x27: {  	v4 =	vperm.xlane v3, v0;
	_ =	sdelay $0x1  }
0x28: {  	v3 =	vperm.xlane v3, v2;
	v4 =	vadd.s32 v1, v4;
	_ =	sdelay $0x1  }
0x29: {  	v3 =	vadd.s32 v1, v3;
	_ =	sdelay $0x2  }
0x2a: {  	[tilespmem:s6], [sflag:$0x1] =	stream.indirect_vreg.gather [hbm4b:s3+s2], $0x80, v4, vm0, $0xb8;
	[tilespmem:$0x10100] =	vst v63  }
0x2b: {  	s7 =	rddreg [dreg:$0x9]  }
0x2c: {  	[tilespmem:s7], [sflag:$0x1] =	stream.indirect_vreg.gather [hbm4b:s3+s2], $0x80, v3, vm0, $0xb8;
	[tilespmem:$0x10100] =	vst v63  }
0x2d: {  	v3 =	vld [tilespmem:$0x10];
	_ =	sdelay $0x4  }
0x2e: {  	v49 =	vshll.u32 v3, $0x1  }
0x2f: {  	v3 =	vand.u32 $0x7, v3;
	v4 =	vand.u32 $0xFFFFFFF0, v49  }
0x30: {  	v3 =	vor.u32 v3, v4  }
0x31: {  	v4 =	vperm.xlane v3, v0;
	_ =	sdelay $0x1  }
0x32: {  	v3 =	vperm.xlane v3, v2;
	v4 =	vadd.s32 v1, v4;
	_ =	sdelay $0x1  }
0x33: {  	v3 =	vadd.s32 v1, v3;
	_ =	sdelay $0x1  }
0x34: {  	s0 =	rddreg [dreg:$0xa]  }
0x35: {  	[tilespmem:s0], [sflag:$0x1] =	stream.indirect_vreg.gather [hbm4b:s3+s2], $0x80, v4, vm0, $0xb8;
	[tilespmem:$0x10100] =	vst v63  }
0x36: {  	s7 =	rddreg [dreg:$0xb]  }
0x37: {  	[tilespmem:s7], [sflag:$0x1] =	stream.indirect_vreg.gather [hbm4b:s3+s2], $0x80, v3, vm0, $0xb8;
	[tilespmem:$0x10100] =	vst v63  }
0x38: {  	v3 =	vld [tilespmem:$0x20];
	_ =	sdelay $0x4  }
0x39: {  	v50 =	vshll.u32 v3, $0x1  }
0x3a: {  	v3 =	vand.u32 $0x7, v3;
	v4 =	vand.u32 $0xFFFFFFF0, v50  }
0x3b: {  	v3 =	vor.u32 v3, v4  }
0x3c: {  	v4 =	vperm.xlane v3, v0;
	_ =	sdelay $0x1  }
0x3d: {  	v3 =	vperm.xlane v3, v2;
	v4 =	vadd.s32 v1, v4;
	_ =	sdelay $0x1  }
0x3e: {  	v3 =	vadd.s32 v1, v3;
	_ =	sdelay $0x1  }
0x3f: {  	s0 =	rddreg [dreg:$0xc]  }
0x40: {  	[tilespmem:s0], [sflag:$0x1] =	stream.indirect_vreg.gather [hbm4b:s3+s2], $0x80, v4, vm0, $0xb8;
	[tilespmem:$0x10100] =	vst v63  }
0x41: {  	s7 =	rddreg [dreg:$0xd]  }
0x42: {  	[tilespmem:s7], [sflag:$0x1] =	stream.indirect_vreg.gather [hbm4b:s3+s2], $0x80, v3, vm0, $0xb8;
	[tilespmem:$0x10100] =	vst v63  }
0x43: {  	v3 =	vld [tilespmem:$0x30];
	_ =	sdelay $0x4  }
0x44: {  	v51 =	vshll.u32 v3, $0x1  }
0x45: {  	v3 =	vand.u32 $0x7, v3;
	v4 =	vand.u32 $0xFFFFFFF0, v51  }
0x46: {  	v3 =	vor.u32 v3, v4  }
0x47: {  	v4 =	vperm.xlane v3, v0;
	_ =	sdelay $0x1  }
0x48: {  	v3 =	vperm.xlane v3, v2;
	v4 =	vadd.s32 v1, v4;
	_ =	sdelay $0x1  }
0x49: {  	v3 =	vadd.s32 v1, v3;
	_ =	sdelay $0x1  }
0x4a: {  	s0 =	rddreg [dreg:$0xe]  }
0x4b: {  	[tilespmem:s0], [sflag:$0x1] =	stream.indirect_vreg.gather [hbm4b:s3+s2], $0x80, v4, vm0, $0xb8;
	[tilespmem:$0x10100] =	vst v63  }
0x4c: {  	s7 =	rddreg [dreg:$0xf]  }
0x4d: {  	[tilespmem:s7], [sflag:$0x1] =	stream.indirect_vreg.gather [hbm4b:s3+s2], $0x80, v3, vm0, $0xb8;
	[tilespmem:$0x10100] =	vst v63  }
0x4e: {  	v3 =	vld [tilespmem:$0x40];
	_ =	sdelay $0x4  }
0x4f: {  	v52 =	vshll.u32 v3, $0x1  }
0x50: {  	v3 =	vand.u32 $0x7, v3;
	v4 =	vand.u32 $0xFFFFFFF0, v52  }
0x51: {  	v3 =	vor.u32 v3, v4  }
0x52: {  	v4 =	vperm.xlane v3, v0;
	_ =	sdelay $0x1  }
0x53: {  	v3 =	vperm.xlane v3, v2;
	v4 =	vadd.s32 v1, v4;
	_ =	sdelay $0x1  }
0x54: {  	v3 =	vadd.s32 v1, v3;
	_ =	sdelay $0x1  }
0x55: {  	s7 =	rddreg [dreg:$0x10]  }
0x56: {  	[tilespmem:s7], [sflag:$0x1] =	stream.indirect_vreg.gather [hbm4b:s3+s2], $0x80, v4, vm0, $0xb8;
	[tilespmem:$0x10100] =	vst v63  }
0x57: {  	s7 =	simm.s32 $0x4900  }
0x58: {  	[tilespmem:s7], [sflag:$0x1] =	stream.indirect_vreg.gather [hbm4b:s3+s2], $0x80, v3, vm0, $0xb8;
	[tilespmem:$0x10100] =	vst v63  }
0x59: {  	v3 =	vld [tilespmem:$0x50];
	_ =	sdelay $0x4  }
0x5a: {  	v53 =	vshll.u32 v3, $0x1  }
0x5b: {  	v3 =	vand.u32 $0x7, v3;
	v4 =	vand.u32 $0xFFFFFFF0, v53  }
0x5c: {  	v3 =	vor.u32 v3, v4  }
0x5d: {  	v4 =	vperm.xlane v3, v0;
	_ =	sdelay $0x1  }
0x5e: {  	v3 =	vperm.xlane v3, v2;
	v4 =	vadd.s32 v1, v4;
	_ =	sdelay $0x1  }
0x5f: {  	v3 =	vadd.s32 v1, v3;
	_ =	sdelay $0x2  }
0x60: {  	[tilespmem:s8], [sflag:$0x1] =	stream.indirect_vreg.gather [hbm4b:s3+s2], $0x80, v4, vm0, $0xb8;
	[tilespmem:$0x10100] =	vst v63  }
0x61: {  	_ = 	snop  }
0x62: {  	[tilespmem:s9], [sflag:$0x1] =	stream.indirect_vreg.gather [hbm4b:s3+s2], $0x80, v3, vm0, $0xb8;
	[tilespmem:$0x10100] =	vst v63  }
0x63: {  	v3 =	vld [tilespmem:$0x60];
	_ =	sdelay $0x4  }
0x64: {  	v54 =	vshll.u32 v3, $0x1  }
0x65: {  	v3 =	vand.u32 $0x7, v3;
	v4 =	vand.u32 $0xFFFFFFF0, v54  }
0x66: {  	v3 =	vor.u32 v3, v4  }
0x67: {  	v4 =	vperm.xlane v3, v0;
	_ =	sdelay $0x1  }
0x68: {  	v3 =	vperm.xlane v3, v2;
	v4 =	vadd.s32 v1, v4;
	_ =	sdelay $0x1  }
0x69: {  	v3 =	vadd.s32 v1, v3;
	_ =	sdelay $0x2  }
0x6a: {  	[tilespmem:s10], [sflag:$0x1] =	stream.indirect_vreg.gather [hbm4b:s3+s2], $0x80, v4, vm0, $0xb8;
	[tilespmem:$0x10100] =	vst v63  }
0x6b: {  	_ = 	snop  }
0x6c: {  	[tilespmem:s11], [sflag:$0x1] =	stream.indirect_vreg.gather [hbm4b:s3+s2], $0x80, v3, vm0, $0xb8;
	[tilespmem:$0x10100] =	vst v63  }
0x6d: {  	v3 =	vld [tilespmem:$0x70];
	_ =	sdelay $0x4  }
0x6e: {  	v55 =	vshll.u32 v3, $0x1  }
0x6f: {  	v3 =	vand.u32 $0x7, v3;
	v4 =	vand.u32 $0xFFFFFFF0, v55  }
0x70: {  	v3 =	vor.u32 v3, v4  }
0x71: {  	v4 =	vperm.xlane v3, v0;
	_ =	sdelay $0x1  }
0x72: {  	v3 =	vperm.xlane v3, v2;
	v4 =	vadd.s32 v1, v4;
	_ =	sdelay $0x1  }
0x73: {  	v3 =	vadd.s32 v1, v3;
	_ =	sdelay $0x2  }
0x74: {  	[tilespmem:s12], [sflag:$0x1] =	stream.indirect_vreg.gather [hbm4b:s3+s2], $0x80, v4, vm0, $0xb8;
	[tilespmem:$0x10100] =	vst v63  }
0x75: {  	_ = 	snop  }
0x76: {  	[tilespmem:s13], [sflag:$0x1] =	stream.indirect_vreg.gather [hbm4b:s3+s2], $0x80, v3, vm0, $0xb8;
	[tilespmem:$0x10100] =	vst v63  }
0x77: {  	v3 =	vld [tilespmem:$0x80];
	_ =	sdelay $0x4  }
0x78: {  	v56 =	vshll.u32 v3, $0x1  }
0x79: {  	v3 =	vand.u32 $0x7, v3;
	v4 =	vand.u32 $0xFFFFFFF0, v56  }
0x7a: {  	v3 =	vor.u32 v3, v4  }
0x7b: {  	v4 =	vperm.xlane v3, v0;
	_ =	sdelay $0x1  }
0x7c: {  	v3 =	vperm.xlane v3, v2;
	v4 =	vadd.s32 v1, v4;
	_ =	sdelay $0x1  }
0x7d: {  	v3 =	vadd.s32 v1, v3;
	_ =	sdelay $0x2  }
0x7e: {  	[tilespmem:s14], [sflag:$0x2] =	stream.indirect_vreg.gather [hbm4b:s3+s2], $0x80, v4, vm0, $0xb8;
	[tilespmem:$0x10100] =	vst v63  }
0x7f: {  	_ = 	snop  }
0x80: {  	[tilespmem:s15], [sflag:$0x2] =	stream.indirect_vreg.gather [hbm4b:s3+s2], $0x80, v3, vm0, $0xb8;
	[tilespmem:$0x10100] =	vst v63  }
0x81: {  	v3 =	vld [tilespmem:$0x90];
	_ =	sdelay $0x4  }
0x82: {  	v57 =	vshll.u32 v3, $0x1  }
0x83: {  	v3 =	vand.u32 $0x7, v3;
	v4 =	vand.u32 $0xFFFFFFF0, v57  }
0x84: {  	v3 =	vor.u32 v3, v4  }
0x85: {  	v4 =	vperm.xlane v3, v0;
	_ =	sdelay $0x1  }
0x86: {  	v3 =	vperm.xlane v3, v2;
	v4 =	vadd.s32 v1, v4;
	_ =	sdelay $0x1  }
0x87: {  	v3 =	vadd.s32 v1, v3;
	_ =	sdelay $0x2  }
0x88: {  	[tilespmem:s16], [sflag:$0x2] =	stream.indirect_vreg.gather [hbm4b:s3+s2], $0x80, v4, vm0, $0xb8;
	[tilespmem:$0x10100] =	vst v63  }
0x89: {  	_ = 	snop  }
0x8a: {  	[tilespmem:s17], [sflag:$0x2] =	stream.indirect_vreg.gather [hbm4b:s3+s2], $0x80, v3, vm0, $0xb8;
	[tilespmem:$0x10100] =	vst v63  }
0x8b: {  	v3 =	vld [tilespmem:$0xA0];
	_ =	sdelay $0x4  }
0x8c: {  	v58 =	vshll.u32 v3, $0x1  }
0x8d: {  	v3 =	vand.u32 $0x7, v3;
	v4 =	vand.u32 $0xFFFFFFF0, v58  }
0x8e: {  	v3 =	vor.u32 v3, v4  }
0x8f: {  	v4 =	vperm.xlane v3, v0;
	_ =	sdelay $0x1  }
0x90: {  	v3 =	vperm.xlane v3, v2;
	v4 =	vadd.s32 v1, v4;
	_ =	sdelay $0x1  }
0x91: {  	v3 =	vadd.s32 v1, v3;
	_ =	sdelay $0x2  }
0x92: {  	[tilespmem:s18], [sflag:$0x2] =	stream.indirect_vreg.gather [hbm4b:s3+s2], $0x80, v4, vm0, $0xb8;
	[tilespmem:$0x10100] =	vst v63  }
0x93: {  	_ = 	snop  }
0x94: {  	[tilespmem:s19], [sflag:$0x2] =	stream.indirect_vreg.gather [hbm4b:s3+s2], $0x80, v3, vm0, $0xb8;
	[tilespmem:$0x10100] =	vst v63  }
0x95: {  	v3 =	vld [tilespmem:$0xB0];
	_ =	sdelay $0x4  }
0x96: {  	v59 =	vshll.u32 v3, $0x1  }
0x97: {  	v3 =	vand.u32 $0x7, v3;
	v4 =	vand.u32 $0xFFFFFFF0, v59  }
0x98: {  	v3 =	vor.u32 v3, v4  }
0x99: {  	v4 =	vperm.xlane v3, v0;
	_ =	sdelay $0x1  }
0x9a: {  	v3 =	vperm.xlane v3, v2;
	v4 =	vadd.s32 v1, v4;
	_ =	sdelay $0x1  }
0x9b: {  	v3 =	vadd.s32 v1, v3;
	_ =	sdelay $0x2  }
0x9c: {  	[tilespmem:s20], [sflag:$0x2] =	stream.indirect_vreg.gather [hbm4b:s3+s2], $0x80, v4, vm0, $0xb8;
	[tilespmem:$0x10100] =	vst v63  }
0x9d: {  	_ = 	snop  }
0x9e: {  	[tilespmem:s21], [sflag:$0x2] =	stream.indirect_vreg.gather [hbm4b:s3+s2], $0x80, v3, vm0, $0xb8;
	[tilespmem:$0x10100] =	vst v63  }
0x9f: {  	v3 =	vld [tilespmem:$0xC0];
	_ =	sdelay $0x4  }
0xa0: {  	v60 =	vshll.u32 v3, $0x1  }
0xa1: {  	v3 =	vand.u32 $0x7, v3;
	v4 =	vand.u32 $0xFFFFFFF0, v60  }
0xa2: {  	v3 =	vor.u32 v3, v4  }
0xa3: {  	v4 =	vperm.xlane v3, v0;
	_ =	sdelay $0x1  }
0xa4: {  	v3 =	vperm.xlane v3, v2;
	v4 =	vadd.s32 v1, v4;
	_ =	sdelay $0x1  }
0xa5: {  	v3 =	vadd.s32 v1, v3;
	_ =	sdelay $0x2  }
0xa6: {  	[tilespmem:s22], [sflag:$0x2] =	stream.indirect_vreg.gather [hbm4b:s3+s2], $0x80, v4, vm0, $0xb8;
	[tilespmem:$0x10100] =	vst v63  }
0xa7: {  	_ = 	snop  }
0xa8: {  	[tilespmem:s23], [sflag:$0x2] =	stream.indirect_vreg.gather [hbm4b:s3+s2], $0x80, v3, vm0, $0xb8;
	[tilespmem:$0x10100] =	vst v63  }
0xa9: {  	v3 =	vld [tilespmem:$0xD0];
	_ =	sdelay $0x4  }
0xaa: {  	v61 =	vshll.u32 v3, $0x1  }
0xab: {  	v3 =	vand.u32 $0x7, v3;
	v4 =	vand.u32 $0xFFFFFFF0, v61  }
0xac: {  	v3 =	vor.u32 v3, v4  }
0xad: {  	v4 =	vperm.xlane v3, v0;
	_ =	sdelay $0x1  }
0xae: {  	v3 =	vperm.xlane v3, v2;
	v4 =	vadd.s32 v1, v4;
	_ =	sdelay $0x1  }
0xaf: {  	v3 =	vadd.s32 v1, v3;
	_ =	sdelay $0x2  }
0xb0: {  	[tilespmem:s24], [sflag:$0x2] =	stream.indirect_vreg.gather [hbm4b:s3+s2], $0x80, v4, vm0, $0xb8;
	[tilespmem:$0x10100] =	vst v63  }
0xb1: {  	_ = 	snop  }
0xb2: {  	[tilespmem:s25], [sflag:$0x2] =	stream.indirect_vreg.gather [hbm4b:s3+s2], $0x80, v3, vm0, $0xb8;
	[tilespmem:$0x10100] =	vst v63  }
0xb3: {  	v3 =	vld [tilespmem:$0xE0];
	_ =	sdelay $0x4  }
0xb4: {  	v62 =	vshll.u32 v3, $0x1  }
0xb5: {  	v3 =	vand.u32 $0x7, v3;
	v4 =	vand.u32 $0xFFFFFFF0, v62  }
0xb6: {  	v3 =	vor.u32 v3, v4  }
0xb7: {  	v4 =	vperm.xlane v3, v0;
	_ =	sdelay $0x1  }
0xb8: {  	v3 =	vperm.xlane v3, v2;
	v4 =	vadd.s32 v1, v4;
	_ =	sdelay $0x1  }
0xb9: {  	v3 =	vadd.s32 v1, v3;
	_ =	sdelay $0x2  }
0xba: {  	[tilespmem:s26], [sflag:$0x2] =	stream.indirect_vreg.gather [hbm4b:s3+s2], $0x80, v4, vm0, $0xb8;
	[tilespmem:$0x10100] =	vst v63  }
0xbb: {  	_ = 	snop  }
0xbc: {  	[tilespmem:s28], [sflag:$0x2] =	stream.indirect_vreg.gather [hbm4b:s3+s2], $0x80, v3, vm0, $0xb8;
	[tilespmem:$0x10100] =	vst v63  }
0xbd: {  	v3 =	vld [tilespmem:$0xF0];
	_ =	sdelay $0x4  }
0xbe: {  	v63 =	vshll.u32 v3, $0x1  }
0xbf: {  	v3 =	vand.u32 $0x7, v3;
	v4 =	vand.u32 $0xFFFFFFF0, v63  }
0xc0: {  	v3 =	vor.u32 v3, v4  }
0xc1: {  	v4 =	vperm.xlane v3, v0;
	_ =	sdelay $0x1  }
0xc2: {  	v3 =	vperm.xlane v3, v2;
	v4 =	vadd.s32 v1, v4;
	_ =	sdelay $0x1  }
0xc3: {  	v3 =	vadd.s32 v1, v3;
	_ =	sdelay $0x2  }
0xc4: {  	[tilespmem:s29], [sflag:$0x2] =	stream.indirect_vreg.gather [hbm4b:s3+s2], $0x80, v4, vm0, $0xb8;
	[tilespmem:$0x10100] =	vst v63  }
0xc5: {  	_ = 	snop  }
0xc6: {  	[tilespmem:s30], [sflag:$0x2] =	stream.indirect_vreg.gather [hbm4b:s3+s2], $0x80, v3, vm0, $0xb8;
	[tilespmem:$0x10100] =	vst v63  }
0xc7: {  	_ =	swait.ge [sflag:s31], $0x8000  }
0xc8: {  	[sflag:s31] =	ssyncset.done $0x0  }
0xc9: {  	s7 =	rddreg [dreg:$0x6];
	[sflag:s31] =	ssyncadd.s32 $0xFFFF8000  }
0xca: {  	[hbm4b:s7+s2] =	stream.linear.scatter [tilespmem:s6], [sflag:$0x3], $0x8000, $0x38;
	[tilespmem:$0x10100] =	vst v63  }
0xcb: {  	_ =	swait.ge [sflag:s5], $0x8000  }
0xcc: {  	[sflag:s5] =	ssyncset.done $0x0  }
0xcd: {  	[sflag:s5] =	ssyncadd.s32 $0xFFFF8000  }
0xce: {  	_ =	swait.ge [sflag:s1], $0x8000  }
0xcf: {  	p0 =	sne.s32 s4, $0x1;
	[sflag:s1] =	ssyncset.done $0x0  }
.Ltmp0:
0xd0: {  	s7 =	rddreg [dreg:$0x7];
	[sflag:s1] =	ssyncadd.s32 $0xFFFF8000;
	(pc) =	sbr.rel @p0 .LBB2_1-.Ltmp0, $4  }
0xd1: {  	[hbm4b:s7+s2] =	stream.linear.scatter [tilespmem:s14], [sflag:$0x3], $0x8000, $0x38;
	[tilespmem:$0x10100] =	vst v63  }
0xd2: {  	_ =	swait.ge [sflag:s5], $0x8000  }
0xd3: {  	[sflag:s5] =	ssyncset.done $0x0  }
0xd4: {  	s4 =	sadd.s32 $0xFFFFFFFF, s4;
	[sflag:s5] =	ssyncadd.s32 $0xFFFF8000  }
0xd5: {  	_ =	sfence.sel $0x180000  }
0xd6: {  	[bflag:$0x0] =	sbarrier.arrive $0xFFFF  }
0xd7: {  	_ =	strace $0x90000056  }
0xd8: {  	s0 =	stileid.u32;
	[bflag:$0x2] =	sbarrier.arrive $0xFFFF  }
0xd9: {  	p0 =	sne.s32 s0, $0x0;
	s0 =	rddreg [dreg:$0x3]  }
0xda: {  	s0 =	sadd.s32 @!p0 $0x100000, s0  }
0xdb: {  	[sflag:s0] =	ssyncadd.tile.s32 @!p0 $0x1;
	_ =	shalt  }
.Lfunc_end2:
_tile_overlayer_lowered:
.L_overlay_start_2:
0xdc: {  	(tag) =	ssettag $0x2  }
0xdd: {  	s0 =	rddreg [dreg:$0x0];
	s2 =	stileid.u32  }
0xde: {  	s1 =	rddreg [dreg:$0x1];
	p0 =	sne.s32 s2, $0x0  }
0xdf: {  	s3 =	rddreg [dreg:$0x2];
	[bflag:$0x3] =	sbarrier.arrive $0xFFFF;
	s2 =	simm.s32 @!p0 $0x1C03  }
0xe0: {  	[timem:s3], [sflag:s2] =	dma.local @!p0 [hbm:s0], s1  }
0xe1: {  	s0 =	simm.s32 @!p0 $0x3  }
0xe2: {  	_ =	swait.ge @!p0 [sflag:s0], s1  }
0xe3: {  	s1 =	ssub.s32 @!p0 $0x0, s1;
	[sflag:s0] =	ssyncset.done @!p0 $0x0  }
0xe4: {  	[sflag:s0] =	ssyncadd.s32 @!p0 s1  }
0xe5: {  	[bflag:$0x3] =	sbarrier.arrive $0xFFFF  }
0xe6: {  	_ =	shalt  }

// kernel: kernel.44.cloned.1.call-start
scs
__scs_entry_jumppad:
0x0: {  	(pc) =	sbr.rel $0x88, $3  }
0x1: {  	(tag) =	ssettag $0x0;
	lr =	simm.s32 $0x1  }
0x2: {  	[smem:$0x3F9F] =	sst lr;
	_ =	strace $0xD0000000  }
0x3: {  	_ = 	snop  }
0x4: {  	_ = 	snop  }
0x5: {  	_ = 	snop  }
0x6: {  	_ = 	snop  }
0x7: {  	_ = 	snop  }
__scs_overlays_trampoline_lowered:
0x8: {  	[smem:$0x3FAE] =	sst s0  }
0x9: {  	[smem:$0x3FAF] =	sst s1  }
0xa: {  	[smem:$0x3FB0] =	sst s2  }
0xb: {  	[smem:$0x3FB1] =	sst s3  }
0xc: {  	[smem:$0x3FB2] =	sst s4  }
0xd: {  	[smem:$0x3FB3] =	sst s5  }
0xe: {  	[smem:$0x3FB4] =	sst s6  }
0xf: {  	[smem:$0x3FB5] =	sst s7  }
0x10: {  	[smem:$0x3FB6] =	sst s8  }
0x11: {  	[smem:$0x3FB7] =	sst s9;
	s0 =	simm.s32 @!p0 $0x0  }
0x12: {  	s1 =	sld [smem:$0x3F9D];
	s0 =	simm.s32 @p0 $0x1  }
0x13: {  	[smem:$0x3FB8] =	sst s0;
	s0 =	simm.s32 @!p1 $0x0  }
0x14: {  	s2 =	sld [smem:$0x3F9C];
	s0 =	simm.s32 @p1 $0x1  }
0x15: {  	[smem:$0x3FB9] =	sst s0;
	s0 =	simm.s32 @!p2 $0x0  }
0x16: {  	s3 =	sld [smem:$0x3FDB];
	s0 =	simm.s32 @p2 $0x1  }
0x17: {  	s4 =	simm.s32 $0x1BF5;
	[smem:$0x3FBB] =	sst s0  }
0x18: {  	s0 =	sld [smem:$0x3F9E];
	_ =	swait.ge [sflag:s4], $0x0  }
0x19: {  	s7 =	sld [smem:$0x3F9F]  }
0x1a: {  	s8 =	sadd.s32 $0xFFFFE003, lr  }
0x1b: {  	s9 =	sadd.s32 $0xFFFFFEF7, lr;
	s5 =	simm.s32 $0xFFFFFFFF;
	p2 =	slt.u32 s8, $0xFFFFF086  }
0x1c: {  	p1 =	slt.u32 s9, $0xF7A;
	s5 =	simm.s32 @!p2 $0x0  }
0x1d: {  	s5 =	simm.s32 @p1 $0x1;
	p0 =	seq.s32 s7, s2  }
0x1e: {  	s7 =	smul.u32 @!p0 $0xF7A, s2;
	p2 =	seq.s32 @!p0 s5, $0x0  }
0x1f: {  	s9 =	smul.u32 $0xF7A, s1;
	s8 =	simm.s32 @!p0 $0x1BF5;
	p2 =	por !p2, p0  }
0x20: {  	[sflag:s8] =	ssyncset.s32 @!p0 $0xFFFFF086;
	s6 =	sadd.s32 @!p0 s3, s7;
	s7 =	simm.s32 @!p0 $0x108  }
0x21: {  	s3 =	sadd.s32 s3, s9;
	s6 =	sadd.s32 @!p0 $0x88, s6;
	s7 =	simm.s32 @p2 $0x1082  }
0x22: {  	[simem:s7], [sflag:s8] =	dma.local @!p0 [hbm:s6], $0xF7A  }
0x23: {  	s9 =	sor.u32 $0xD0000000, s2;
	s6 =	simm.s32 $0x108;
	_ =	swait.ge @!p0 [sflag:s8], $0x0  }
0x24: {  	s3 =	sadd.s32 $0x88, s3;
	s6 =	simm.s32 @!p1 $0x1082;
	[sflag:s4] =	ssyncset.s32 $0xFFFFF086  }
0x25: {  	[simem:s6], [sflag:s4] =	dma.local [hbm:s3], $0xF7A  }
0x26: {  	[smem:$0x3F9F] =	sst s1;
	(tag) =	ssettag s2;
	_ =	strace s9  }
0x27: {  	s1 =	sld [smem:$0x3FAF]  }
0x28: {  	s2 =	sld [smem:$0x3FB0]  }
0x29: {  	s4 =	sld [smem:$0x3FB2]  }
0x2a: {  	p0 =	seq.s32 s5, $0x0;
	s5 =	sld [smem:$0x3FB3]  }
0x2b: {  	s6 =	sld [smem:$0x3FB4]  }
0x2c: {  	s7 =	sld [smem:$0x3FB5]  }
0x2d: {  	s3 =	simm.s32 $0x108;
	s8 =	sld [smem:$0x3FB6]  }
0x2e: {  	s3 =	simm.s32 @!p0 $0x1082;
	s9 =	sld [smem:$0x3FB7]  }
0x2f: {  	lr =	sadd.s32 s0, s3;
	s0 =	sld [smem:$0x3FAE]  }
0x30: {  	s3 =	sld [smem:$0x3FB1]  }
0x31: {  	[smem:$0x3FBA] =	sst s10  }
0x32: {  	s10 =	sld [smem:$0x3FB8];
	_ =	sdelay $0x3  }
0x33: {  	p0 =	seq.s32 s10, $0x1;
	s10 =	sld [smem:$0x3FBA];
	_ =	sdelay $0x3  }
0x34: {  	[smem:$0x3FBA] =	sst s10  }
0x35: {  	s10 =	sld [smem:$0x3FB9];
	_ =	sdelay $0x3  }
0x36: {  	p1 =	seq.s32 s10, $0x1;
	s10 =	sld [smem:$0x3FBA];
	_ =	sdelay $0x3  }
0x37: {  	[smem:$0x3FBA] =	sst s10  }
0x38: {  	s10 =	sld [smem:$0x3FBB]  }
0x39: {  	_ = 	snop;
	(pc) =	sbr.ind lr, $3  }
0x3a: {  	_ = 	snop  }
0x3b: {  	_ = 	snop  }
0x3c: {  	p2 =	seq.s32 s10, $0x1;
	s10 =	sld [smem:$0x3FBA]  }
0x3d: {  	_ =	shalt  }
0x3e: {  	_ =	shalt  }
0x3f: {  	_ =	shalt  }
0x40: {  	_ =	shalt  }
0x41: {  	_ =	shalt  }
0x42: {  	_ =	shalt  }
0x43: {  	_ =	shalt  }
0x44: {  	_ =	shalt  }
0x45: {  	_ =	shalt  }
0x46: {  	_ =	shalt  }
0x47: {  	_ =	shalt  }
0x48: {  	_ =	shalt  }
0x49: {  	_ =	shalt  }
0x4a: {  	_ =	shalt  }
0x4b: {  	_ =	shalt  }
0x4c: {  	_ =	shalt  }
0x4d: {  	_ =	shalt  }
0x4e: {  	_ =	shalt  }
0x4f: {  	_ =	shalt  }
0x50: {  	_ =	shalt  }
0x51: {  	_ =	shalt  }
0x52: {  	_ =	shalt  }
0x53: {  	_ =	shalt  }
0x54: {  	_ =	shalt  }
0x55: {  	_ =	shalt  }
0x56: {  	_ =	shalt  }
0x57: {  	_ =	shalt  }
0x58: {  	_ =	shalt  }
0x59: {  	_ =	shalt  }
0x5a: {  	_ =	shalt  }
0x5b: {  	_ =	shalt  }
0x5c: {  	_ =	shalt  }
0x5d: {  	_ =	shalt  }
0x5e: {  	_ =	shalt  }
0x5f: {  	_ =	shalt  }
0x60: {  	_ =	shalt  }
0x61: {  	_ =	shalt  }
0x62: {  	_ =	shalt  }
0x63: {  	_ =	shalt  }
0x64: {  	_ =	shalt  }
0x65: {  	_ =	shalt  }
0x66: {  	_ =	shalt  }
0x67: {  	_ =	shalt  }
0x68: {  	_ =	shalt  }
0x69: {  	_ =	shalt  }
0x6a: {  	_ =	shalt  }
0x6b: {  	_ =	shalt  }
0x6c: {  	_ =	shalt  }
0x6d: {  	_ =	shalt  }
0x6e: {  	_ =	shalt  }
0x6f: {  	_ =	shalt  }
0x70: {  	_ =	shalt  }
0x71: {  	_ =	shalt  }
0x72: {  	_ =	shalt  }
0x73: {  	_ =	shalt  }
0x74: {  	_ =	shalt  }
0x75: {  	_ =	shalt  }
0x76: {  	_ =	shalt  }
0x77: {  	_ =	shalt  }
0x78: {  	_ =	shalt  }
0x79: {  	_ =	shalt  }
0x7a: {  	_ =	shalt  }
0x7b: {  	_ =	shalt  }
0x7c: {  	_ =	shalt  }
0x7d: {  	_ =	shalt  }
0x7e: {  	_ =	shalt  }
0x7f: {  	_ =	shalt  }
0x80: {  	_ =	shalt  }
0x81: {  	_ =	shalt  }
0x82: {  	_ =	shalt  }
0x83: {  	_ =	shalt  }
0x84: {  	_ =	shalt  }
0x85: {  	_ =	shalt  }
0x86: {  	_ =	shalt  }
0x87: {  	_ =	shalt  }
.Lfunc_end0:
.L_simem_size_0:
called_computation.6_lowered:
.L_overlay_start_0:
0x88: {  	s2 =	sld [smem:$0x3FD9]  }
0x89: {  	s3 =	sld [smem:$0x3FFE];
	_ =	sdelay $0x1  }
0x8a: {  	s1 =	srdreg.scid  }
0x8b: {  	s0 =	sand.u32 $0x1, s1  }
0x8c: {  	s14 =	sshll.u32 s0, $0xA;
	s2 =	sadd.s32 s3, s2  }
0x8d: {  	s2 =	sadd.s32 s2, s14  }
0x8e: {  	[smem:$0x3FC6] =	sst s2  }
0x8f: {  	_ = 	snop  }
0x90: {  	s2 =	sld [smem:$0x3FD0];
	_ =	sdelay $0x2  }
0x91: {  	s15 =	simm.s32 $0xA;
	s4 =	simm.s32 $0x10  }
0x92: {  	[smem:s4], [sflag:s15] =	dma.local [hbm:s2], $0x1  }
0x93: {  	_ =	swait.eq [sflag:s15], $0x1  }
0x94: {  	[sflag:s15] =	ssyncset.done $0x0  }
0x95: {  	s16 =	sld [smem:$0x10];
	[sflag:s15] =	ssyncadd.s32 $0xFFFFFFFF  }
0x96: {  	s17 =	sld [smem:$0x11];
	(tm) =	ssettm $0x1  }
0x97: {  	s18 =	sld [smem:$0x3FFB];
	_ =	sdelay $0x3  }
0x98: {  	_ =	strace s18  }
0x99: {  	s4 =	sld [smem:$0x3FFC];
	_ =	sdelay $0x3  }
0x9a: {  	_ =	strace s4  }
0x9b: {  	s4 =	sld [smem:$0x3FFD];
	_ =	sdelay $0x3  }
0x9c: {  	_ =	strace s4  }
0x9d: {  	_ =	strace $0x8FFFFFFF  }
0x9e: {  	s19 =	sld [smem:$0x3FDB];
	_ =	sdelay $0x1  }
0x9f: {  	s5 =	simm.s32 $_scs_section_size  }
0xa0: {  	s6 =	simm.s32 $_size__tile_overlayer_lowered;
	s7 =	simm.s32 $_tile_overlayer_lowered  }
0xa1: {  	s22 =	simm.s32 $0x1BFF;
	s21 =	sshll.u32 s7, $0x1;
	s4 =	sadd.s32 s5, s19  }
0xa2: {  	s8 =	simm.s32 $0x0;
	s20 =	sshll.u32 s6, $0x1;
	s6 =	sadd.s32 s21, s4  }
0xa3: {  	[timem:s8], [sflag:s22] =	dma.local [hbm:s6], s20  }
0xa4: {  	_ =	swait.ge [sflag:s22], s20  }
0xa5: {  	s5 =	ssub.s32 $0x0, s20;
	[sflag:s22] =	ssyncset.done $0x0  }
0xa6: {  	[sflag:s22] =	ssyncadd.s32 s5;
	_ =	sdelay $0x1  }
0xa7: {  	s23 =	simm.s32 $0x1B8B  }
0xa8: {  	_ =	swait.ge [sflag:s23], $0x1  }
0xa9: {  	[sflag:s23] =	ssyncset.done $0x0  }
0xaa: {  	s25 =	simm.s32 $0x1B8E;
	s24 =	sld [smem:$0x3FFE];
	[sflag:s23] =	ssyncadd.s32 $0xFFFFFFFF  }
0xab: {  	s26 =	simm.s32 $execute0_lowered;
	[smem:$0x3FD2] =	sst s25  }
0xac: {  	s6 =	sshll.u32 s26, $0x1;
	_ =	strace $0x80000058;
	[dreg:$0x1] =	wrdreg $0xFFFFFFFF  }
0xad: {  	s28 =	simm.s32 $_size_execute0_lowered;
	s4 =	sadd.s32 s4, s6;
	[dreg:$0x0] =	wrdreg $0x0  }
0xae: {  	s6 =	sshll.u32 s28, $0x1;
	[dreg:$0x2] =	wrdreg s4  }
0xaf: {  	[dreg:$0x3] =	wrdreg s6  }
0xb0: {  	[dreg:$0x4] =	wrdreg $0xC0  }
0xb1: {  	_ =	task [dreg:s8], $0x5FFFF  }
0xb2: {  	[dreg:$0x1] =	wrdreg $0xFFFFFFFF  }
0xb3: {  	[dreg:$0x0] =	wrdreg $0x60  }
0xb4: {  	[dreg:$0x2] =	wrdreg s24  }
0xb5: {  	[dreg:$0x3] =	wrdreg s16  }
0xb6: {  	[dreg:$0x4] =	wrdreg s17  }
0xb7: {  	[dreg:$0x5] =	wrdreg $0x9  }
0xb8: {  	_ =	task.clear_ibuf [dreg:s8], $0x6FFFF;
	_ =	strace $0x90000058  }
0xb9: {  	s29 =	simm.s32 $0x9;
	_ =	strace $0x8000005A  }
0xba: {  	_ =	swait.ge [sflag:s29], $0x1  }
0xbb: {  	[sflag:s29] =	ssyncadd.s32 $0xFFFFFFFF  }
0xbc: {  	_ =	strace $0x9000005A  }
0xbd: {  	_ =	sfence  }
0xbe: {  	s30 =	sld [smem:$0x0];
	_ =	sdelay $0x2  }
0xbf: {  	s31 =	sshll.u32 s1, $0xD;
	s1 =	sshrl.u32 s1, $0x2  }
0xc0: {  	s3 =	sand.u32 $0x4000, s31;
	s1 =	sadd.s32 s1, s30  }
0xc1: {  	s0 =	sor.u32 s3, s0;
	s1 =	sshll.u32 s1, $0x11  }
0xc2: {  	s0 =	sor.u32 s1, s0  }
0xc3: {  	s0 =	sadd.s32 $0x8F2B, s0  }
0xc4: {  	[sflag:s0] =	ssyncadd.remote.s32 $0x1  }
0xc5: {  	_ =	sfence.sel $0xFFFF  }
0xc6: {  	[dreg:$0x0] =	wrdreg $0xFFFFFFFF;
	(pc) =	sbr.abs _section_cstart, $3  }
0xc7: {  	[dreg:$0x1] =	wrdreg $0xFFFFFFFF  }
0xc8: {  	_ =	task.clear_ibuf [dreg:s8], $0x2FFFF;
	_ =	strace $0x9FFFFFFF  }
0xc9: {  	(tm) =	ssettm $0x7FFFFFFF  }
tec
execute0_lowered:
.L_overlay_start_1:
0x0: {  	(tag) =	ssettag $0x1  }
0x1: {  	s1 =	rddreg [dreg:$0x0];
	s2 =	srdreg.scid  }
0x2: {  	s3 =	rddreg [dreg:$0x1];
	s0 =	stileid.u32  }
0x3: {  	s5 =	rddreg [dreg:$0x2];
	s17 =	simm.s32 $0x80;
	s18 =	simm.s32 $0x900  }
0x4: {  	s19 =	simm.s32 $0x1100;
	s4 =	sand.u32 $0x1, s2;
	s2 =	simm.s32 $0x0  }
0x5: {  	s20 =	simm.s32 $0x1900;
	s21 =	simm.s32 $0x2100;
	[smem:$0x7FF] =	sst s2  }
0x6: {  	s23 =	simm.s32 $0x2900;
	_ =	strace $0x80000059;
	[dreg:$0x8] =	wrdreg s17  }
0x7: {  	s24 =	simm.s32 $0x3100;
	s25 =	simm.s32 $0x3900;
	[dreg:$0x9] =	wrdreg s18  }
0x8: {  	s26 =	simm.s32 $0x4100;
	s9 =	simm.s32 $0x5900;
	[dreg:$0xa] =	wrdreg s19  }
0x9: {  	s10 =	simm.s32 $0x6100;
	s11 =	simm.s32 $0x6900;
	[dreg:$0xb] =	wrdreg s20  }
0xa: {  	s12 =	simm.s32 $0x7100;
	s28 =	simm.s32 $0xE900;
	[dreg:$0xc] =	wrdreg s21  }
0xb: {  	s29 =	simm.s32 $0xF100;
	s30 =	simm.s32 $0xF900;
	[dreg:$0xd] =	wrdreg s23  }
0xc: {  	s31 =	simm.s32 $0x1;
	s6 =	sshll.u32 s0, $0x8;
	[dreg:$0xe] =	wrdreg s24  }
0xd: {  	s7 =	sshll.u32 s4, $0x7;
	s4 =	ssub.s32 $0x2, s4;
	[dreg:$0xf] =	wrdreg s25  }
0xe: {  	s6 =	sor.u32 s7, s6;
	s22 =	sshrl.u32 s4, $0x1;
	[dreg:$0x10] =	wrdreg s26  }
0xf: {  	s17 =	simm.s32 $0x9900;
	s18 =	simm.s32 $0xA100;
	s19 =	simm.s32 $0xA900  }
0x10: {  	s20 =	simm.s32 $0xB100;
	s21 =	simm.s32 $0xB900;
	s23 =	simm.s32 $0xC900  }
0x11: {  	s24 =	simm.s32 $0xD100;
	s25 =	simm.s32 $0xD900;
	s26 =	simm.s32 $0xE100  }
0x12: {  	s7 =	sshrl.u32 s6, $0x3;
	s6 =	sshll.u32 s6, $0x5;
	s4 =	ssub.s32 s4, s22  }
0x13: {  	s22 =	simm.s32 $0xC100;
	s8 =	sadd.s32 s7, s1;
	s3 =	sadd.s32 s3, s7  }
0x14: {  	s14 =	sadd.s32 s6, s1;
	s15 =	sadd.s32 s5, s6;
	s4 =	smax.u32 s4, $0x1  }
0x15: {  	s5 =	simm.s32 $0x3;
	s6 =	simm.s32 $0x100;
	[dreg:$0x4] =	wrdreg s3  }
0x16: {  	s13 =	sadd.s32 $0xD400, s8;
	[dreg:$0x6] =	wrdreg s15;
	s16 =	sadd.s32 $0xD600, s14  }
0x17: {  	v2 =	vlaneseq.u32;
	s3 =	sadd.s32 $0x14D400, s1;
	s8 =	simm.s32 $0x5100;
	s14 =	simm.s32 $0x8100  }
0x18: {  	vm0 =	vmmov $0xffff;
	v1 =	vshrl.u32 v2, $0x3;
	s15 =	simm.s32 $0x8900;
	s1 =	simm.s32 $0x2;
	[dreg:$0x5] =	wrdreg s13  }
0x19: {  	v0 =	vand.u32 $0x7, v2;
	v2 =	vor.u32 $0x8, v2;
	v1 =	vmul.u32 $0x8, v1;
	[dreg:$0x7] =	wrdreg s16;
	s13 =	simm.s32 $0x7900;
	s16 =	simm.s32 $0x9100  }
.LBB2_1:
0x1a: {  	s0 =	rddreg [dreg:$0x4]  }
0x1b: {  	[tilespmem:s2], [sflag:$0x3] =	stream.linear.gather [hbm4b:s0+s2], $0x80, $0x38;
	[tilespmem:$0x10100] =	vst v63  }
0x1c: {  	_ =	swait.ge [sflag:s5], $0x80  }
0x1d: {  	s0 =	rddreg [dreg:$0x5];
	[sflag:s5] =	ssyncset.done $0x0  }
0x1e: {  	s7 =	rddreg [dreg:$0x8];
	[sflag:s5] =	ssyncadd.s32 $0xFFFFFF80  }
0x1f: {  	[tilespmem:s7], [sflag:$0x3] =	stream.linear.gather [hbm4b:s0+s2], $0x80, $0x38;
	[tilespmem:$0x10100] =	vst v63  }
0x20: {  	_ =	swait.ge [sflag:s5], $0x80  }
0x21: {  	[sflag:s5] =	ssyncset.done $0x0  }
0x22: {  	[sflag:s5] =	ssyncadd.s32 $0xFFFFFF80  }
0x23: {  	v3 =	vld [tilespmem:$0x0];
	_ =	sdelay $0x4  }
0x24: {  	v4 =	vshll.u32 v3, $0x1  }
0x25: {  	v3 =	vand.u32 $0x7, v3;
	v4 =	vand.u32 $0xFFFFFFF0, v4  }
0x26: {  	v3 =	vor.u32 v3, v4  }
0x27: {  	v4 =	vperm.xlane v3, v0;
	_ =	sdelay $0x1  }
0x28: {  	v3 =	vperm.xlane v3, v2;
	v4 =	vadd.s32 v1, v4;
	_ =	sdelay $0x1  }
0x29: {  	v3 =	vadd.s32 v1, v3;
	_ =	sdelay $0x2  }
0x2a: {  	[tilespmem:s6], [sflag:$0x1] =	stream.indirect_vreg.gather [hbm4b:s3+s2], $0x80, v4, vm0, $0xb8;
	[tilespmem:$0x10100] =	vst v63  }
0x2b: {  	s7 =	rddreg [dreg:$0x9]  }
0x2c: {  	[tilespmem:s7], [sflag:$0x1] =	stream.indirect_vreg.gather [hbm4b:s3+s2], $0x80, v3, vm0, $0xb8;
	[tilespmem:$0x10100] =	vst v63  }
0x2d: {  	v3 =	vld [tilespmem:$0x10];
	_ =	sdelay $0x4  }
0x2e: {  	v49 =	vshll.u32 v3, $0x1  }
0x2f: {  	v3 =	vand.u32 $0x7, v3;
	v4 =	vand.u32 $0xFFFFFFF0, v49  }
0x30: {  	v3 =	vor.u32 v3, v4  }
0x31: {  	v4 =	vperm.xlane v3, v0;
	_ =	sdelay $0x1  }
0x32: {  	v3 =	vperm.xlane v3, v2;
	v4 =	vadd.s32 v1, v4;
	_ =	sdelay $0x1  }
0x33: {  	v3 =	vadd.s32 v1, v3;
	_ =	sdelay $0x1  }
0x34: {  	s0 =	rddreg [dreg:$0xa]  }
0x35: {  	[tilespmem:s0], [sflag:$0x1] =	stream.indirect_vreg.gather [hbm4b:s3+s2], $0x80, v4, vm0, $0xb8;
	[tilespmem:$0x10100] =	vst v63  }
0x36: {  	s7 =	rddreg [dreg:$0xb]  }
0x37: {  	[tilespmem:s7], [sflag:$0x1] =	stream.indirect_vreg.gather [hbm4b:s3+s2], $0x80, v3, vm0, $0xb8;
	[tilespmem:$0x10100] =	vst v63  }
0x38: {  	v3 =	vld [tilespmem:$0x20];
	_ =	sdelay $0x4  }
0x39: {  	v50 =	vshll.u32 v3, $0x1  }
0x3a: {  	v3 =	vand.u32 $0x7, v3;
	v4 =	vand.u32 $0xFFFFFFF0, v50  }
0x3b: {  	v3 =	vor.u32 v3, v4  }
0x3c: {  	v4 =	vperm.xlane v3, v0;
	_ =	sdelay $0x1  }
0x3d: {  	v3 =	vperm.xlane v3, v2;
	v4 =	vadd.s32 v1, v4;
	_ =	sdelay $0x1  }
0x3e: {  	v3 =	vadd.s32 v1, v3;
	_ =	sdelay $0x1  }
0x3f: {  	s0 =	rddreg [dreg:$0xc]  }
0x40: {  	[tilespmem:s0], [sflag:$0x1] =	stream.indirect_vreg.gather [hbm4b:s3+s2], $0x80, v4, vm0, $0xb8;
	[tilespmem:$0x10100] =	vst v63  }
0x41: {  	s7 =	rddreg [dreg:$0xd]  }
0x42: {  	[tilespmem:s7], [sflag:$0x1] =	stream.indirect_vreg.gather [hbm4b:s3+s2], $0x80, v3, vm0, $0xb8;
	[tilespmem:$0x10100] =	vst v63  }
0x43: {  	v3 =	vld [tilespmem:$0x30];
	_ =	sdelay $0x4  }
0x44: {  	v51 =	vshll.u32 v3, $0x1  }
0x45: {  	v3 =	vand.u32 $0x7, v3;
	v4 =	vand.u32 $0xFFFFFFF0, v51  }
0x46: {  	v3 =	vor.u32 v3, v4  }
0x47: {  	v4 =	vperm.xlane v3, v0;
	_ =	sdelay $0x1  }
0x48: {  	v3 =	vperm.xlane v3, v2;
	v4 =	vadd.s32 v1, v4;
	_ =	sdelay $0x1  }
0x49: {  	v3 =	vadd.s32 v1, v3;
	_ =	sdelay $0x1  }
0x4a: {  	s0 =	rddreg [dreg:$0xe]  }
0x4b: {  	[tilespmem:s0], [sflag:$0x1] =	stream.indirect_vreg.gather [hbm4b:s3+s2], $0x80, v4, vm0, $0xb8;
	[tilespmem:$0x10100] =	vst v63  }
0x4c: {  	s7 =	rddreg [dreg:$0xf]  }
0x4d: {  	[tilespmem:s7], [sflag:$0x1] =	stream.indirect_vreg.gather [hbm4b:s3+s2], $0x80, v3, vm0, $0xb8;
	[tilespmem:$0x10100] =	vst v63  }
0x4e: {  	v3 =	vld [tilespmem:$0x40];
	_ =	sdelay $0x4  }
0x4f: {  	v52 =	vshll.u32 v3, $0x1  }
0x50: {  	v3 =	vand.u32 $0x7, v3;
	v4 =	vand.u32 $0xFFFFFFF0, v52  }
0x51: {  	v3 =	vor.u32 v3, v4  }
0x52: {  	v4 =	vperm.xlane v3, v0;
	_ =	sdelay $0x1  }
0x53: {  	v3 =	vperm.xlane v3, v2;
	v4 =	vadd.s32 v1, v4;
	_ =	sdelay $0x1  }
0x54: {  	v3 =	vadd.s32 v1, v3;
	_ =	sdelay $0x1  }
0x55: {  	s7 =	rddreg [dreg:$0x10]  }
0x56: {  	[tilespmem:s7], [sflag:$0x1] =	stream.indirect_vreg.gather [hbm4b:s3+s2], $0x80, v4, vm0, $0xb8;
	[tilespmem:$0x10100] =	vst v63  }
0x57: {  	s7 =	simm.s32 $0x4900  }
0x58: {  	[tilespmem:s7], [sflag:$0x1] =	stream.indirect_vreg.gather [hbm4b:s3+s2], $0x80, v3, vm0, $0xb8;
	[tilespmem:$0x10100] =	vst v63  }
0x59: {  	v3 =	vld [tilespmem:$0x50];
	_ =	sdelay $0x4  }
0x5a: {  	v53 =	vshll.u32 v3, $0x1  }
0x5b: {  	v3 =	vand.u32 $0x7, v3;
	v4 =	vand.u32 $0xFFFFFFF0, v53  }
0x5c: {  	v3 =	vor.u32 v3, v4  }
0x5d: {  	v4 =	vperm.xlane v3, v0;
	_ =	sdelay $0x1  }
0x5e: {  	v3 =	vperm.xlane v3, v2;
	v4 =	vadd.s32 v1, v4;
	_ =	sdelay $0x1  }
0x5f: {  	v3 =	vadd.s32 v1, v3;
	_ =	sdelay $0x2  }
0x60: {  	[tilespmem:s8], [sflag:$0x1] =	stream.indirect_vreg.gather [hbm4b:s3+s2], $0x80, v4, vm0, $0xb8;
	[tilespmem:$0x10100] =	vst v63  }
0x61: {  	_ = 	snop  }
0x62: {  	[tilespmem:s9], [sflag:$0x1] =	stream.indirect_vreg.gather [hbm4b:s3+s2], $0x80, v3, vm0, $0xb8;
	[tilespmem:$0x10100] =	vst v63  }
0x63: {  	v3 =	vld [tilespmem:$0x60];
	_ =	sdelay $0x4  }
0x64: {  	v54 =	vshll.u32 v3, $0x1  }
0x65: {  	v3 =	vand.u32 $0x7, v3;
	v4 =	vand.u32 $0xFFFFFFF0, v54  }
0x66: {  	v3 =	vor.u32 v3, v4  }
0x67: {  	v4 =	vperm.xlane v3, v0;
	_ =	sdelay $0x1  }
0x68: {  	v3 =	vperm.xlane v3, v2;
	v4 =	vadd.s32 v1, v4;
	_ =	sdelay $0x1  }
0x69: {  	v3 =	vadd.s32 v1, v3;
	_ =	sdelay $0x2  }
0x6a: {  	[tilespmem:s10], [sflag:$0x1] =	stream.indirect_vreg.gather [hbm4b:s3+s2], $0x80, v4, vm0, $0xb8;
	[tilespmem:$0x10100] =	vst v63  }
0x6b: {  	_ = 	snop  }
0x6c: {  	[tilespmem:s11], [sflag:$0x1] =	stream.indirect_vreg.gather [hbm4b:s3+s2], $0x80, v3, vm0, $0xb8;
	[tilespmem:$0x10100] =	vst v63  }
0x6d: {  	v3 =	vld [tilespmem:$0x70];
	_ =	sdelay $0x4  }
0x6e: {  	v55 =	vshll.u32 v3, $0x1  }
0x6f: {  	v3 =	vand.u32 $0x7, v3;
	v4 =	vand.u32 $0xFFFFFFF0, v55  }
0x70: {  	v3 =	vor.u32 v3, v4  }
0x71: {  	v4 =	vperm.xlane v3, v0;
	_ =	sdelay $0x1  }
0x72: {  	v3 =	vperm.xlane v3, v2;
	v4 =	vadd.s32 v1, v4;
	_ =	sdelay $0x1  }
0x73: {  	v3 =	vadd.s32 v1, v3;
	_ =	sdelay $0x2  }
0x74: {  	[tilespmem:s12], [sflag:$0x1] =	stream.indirect_vreg.gather [hbm4b:s3+s2], $0x80, v4, vm0, $0xb8;
	[tilespmem:$0x10100] =	vst v63  }
0x75: {  	_ = 	snop  }
0x76: {  	[tilespmem:s13], [sflag:$0x1] =	stream.indirect_vreg.gather [hbm4b:s3+s2], $0x80, v3, vm0, $0xb8;
	[tilespmem:$0x10100] =	vst v63  }
0x77: {  	v3 =	vld [tilespmem:$0x80];
	_ =	sdelay $0x4  }
0x78: {  	v56 =	vshll.u32 v3, $0x1  }
0x79: {  	v3 =	vand.u32 $0x7, v3;
	v4 =	vand.u32 $0xFFFFFFF0, v56  }
0x7a: {  	v3 =	vor.u32 v3, v4  }
0x7b: {  	v4 =	vperm.xlane v3, v0;
	_ =	sdelay $0x1  }
0x7c: {  	v3 =	vperm.xlane v3, v2;
	v4 =	vadd.s32 v1, v4;
	_ =	sdelay $0x1  }
0x7d: {  	v3 =	vadd.s32 v1, v3;
	_ =	sdelay $0x2  }
0x7e: {  	[tilespmem:s14], [sflag:$0x2] =	stream.indirect_vreg.gather [hbm4b:s3+s2], $0x80, v4, vm0, $0xb8;
	[tilespmem:$0x10100] =	vst v63  }
0x7f: {  	_ = 	snop  }
0x80: {  	[tilespmem:s15], [sflag:$0x2] =	stream.indirect_vreg.gather [hbm4b:s3+s2], $0x80, v3, vm0, $0xb8;
	[tilespmem:$0x10100] =	vst v63  }
0x81: {  	v3 =	vld [tilespmem:$0x90];
	_ =	sdelay $0x4  }
0x82: {  	v57 =	vshll.u32 v3, $0x1  }
0x83: {  	v3 =	vand.u32 $0x7, v3;
	v4 =	vand.u32 $0xFFFFFFF0, v57  }
0x84: {  	v3 =	vor.u32 v3, v4  }
0x85: {  	v4 =	vperm.xlane v3, v0;
	_ =	sdelay $0x1  }
0x86: {  	v3 =	vperm.xlane v3, v2;
	v4 =	vadd.s32 v1, v4;
	_ =	sdelay $0x1  }
0x87: {  	v3 =	vadd.s32 v1, v3;
	_ =	sdelay $0x2  }
0x88: {  	[tilespmem:s16], [sflag:$0x2] =	stream.indirect_vreg.gather [hbm4b:s3+s2], $0x80, v4, vm0, $0xb8;
	[tilespmem:$0x10100] =	vst v63  }
0x89: {  	_ = 	snop  }
0x8a: {  	[tilespmem:s17], [sflag:$0x2] =	stream.indirect_vreg.gather [hbm4b:s3+s2], $0x80, v3, vm0, $0xb8;
	[tilespmem:$0x10100] =	vst v63  }
0x8b: {  	v3 =	vld [tilespmem:$0xA0];
	_ =	sdelay $0x4  }
0x8c: {  	v58 =	vshll.u32 v3, $0x1  }
0x8d: {  	v3 =	vand.u32 $0x7, v3;
	v4 =	vand.u32 $0xFFFFFFF0, v58  }
0x8e: {  	v3 =	vor.u32 v3, v4  }
0x8f: {  	v4 =	vperm.xlane v3, v0;
	_ =	sdelay $0x1  }
0x90: {  	v3 =	vperm.xlane v3, v2;
	v4 =	vadd.s32 v1, v4;
	_ =	sdelay $0x1  }
0x91: {  	v3 =	vadd.s32 v1, v3;
	_ =	sdelay $0x2  }
0x92: {  	[tilespmem:s18], [sflag:$0x2] =	stream.indirect_vreg.gather [hbm4b:s3+s2], $0x80, v4, vm0, $0xb8;
	[tilespmem:$0x10100] =	vst v63  }
0x93: {  	_ = 	snop  }
0x94: {  	[tilespmem:s19], [sflag:$0x2] =	stream.indirect_vreg.gather [hbm4b:s3+s2], $0x80, v3, vm0, $0xb8;
	[tilespmem:$0x10100] =	vst v63  }
0x95: {  	v3 =	vld [tilespmem:$0xB0];
	_ =	sdelay $0x4  }
0x96: {  	v59 =	vshll.u32 v3, $0x1  }
0x97: {  	v3 =	vand.u32 $0x7, v3;
	v4 =	vand.u32 $0xFFFFFFF0, v59  }
0x98: {  	v3 =	vor.u32 v3, v4  }
0x99: {  	v4 =	vperm.xlane v3, v0;
	_ =	sdelay $0x1  }
0x9a: {  	v3 =	vperm.xlane v3, v2;
	v4 =	vadd.s32 v1, v4;
	_ =	sdelay $0x1  }
0x9b: {  	v3 =	vadd.s32 v1, v3;
	_ =	sdelay $0x2  }
0x9c: {  	[tilespmem:s20], [sflag:$0x2] =	stream.indirect_vreg.gather [hbm4b:s3+s2], $0x80, v4, vm0, $0xb8;
	[tilespmem:$0x10100] =	vst v63  }
0x9d: {  	_ = 	snop  }
0x9e: {  	[tilespmem:s21], [sflag:$0x2] =	stream.indirect_vreg.gather [hbm4b:s3+s2], $0x80, v3, vm0, $0xb8;
	[tilespmem:$0x10100] =	vst v63  }
0x9f: {  	v3 =	vld [tilespmem:$0xC0];
	_ =	sdelay $0x4  }
0xa0: {  	v60 =	vshll.u32 v3, $0x1  }
0xa1: {  	v3 =	vand.u32 $0x7, v3;
	v4 =	vand.u32 $0xFFFFFFF0, v60  }
0xa2: {  	v3 =	vor.u32 v3, v4  }
0xa3: {  	v4 =	vperm.xlane v3, v0;
	_ =	sdelay $0x1  }
0xa4: {  	v3 =	vperm.xlane v3, v2;
	v4 =	vadd.s32 v1, v4;
	_ =	sdelay $0x1  }
0xa5: {  	v3 =	vadd.s32 v1, v3;
	_ =	sdelay $0x2  }
0xa6: {  	[tilespmem:s22], [sflag:$0x2] =	stream.indirect_vreg.gather [hbm4b:s3+s2], $0x80, v4, vm0, $0xb8;
	[tilespmem:$0x10100] =	vst v63  }
0xa7: {  	_ = 	snop  }
0xa8: {  	[tilespmem:s23], [sflag:$0x2] =	stream.indirect_vreg.gather [hbm4b:s3+s2], $0x80, v3, vm0, $0xb8;
	[tilespmem:$0x10100] =	vst v63  }
0xa9: {  	v3 =	vld [tilespmem:$0xD0];
	_ =	sdelay $0x4  }
0xaa: {  	v61 =	vshll.u32 v3, $0x1  }
0xab: {  	v3 =	vand.u32 $0x7, v3;
	v4 =	vand.u32 $0xFFFFFFF0, v61  }
0xac: {  	v3 =	vor.u32 v3, v4  }
0xad: {  	v4 =	vperm.xlane v3, v0;
	_ =	sdelay $0x1  }
0xae: {  	v3 =	vperm.xlane v3, v2;
	v4 =	vadd.s32 v1, v4;
	_ =	sdelay $0x1  }
0xaf: {  	v3 =	vadd.s32 v1, v3;
	_ =	sdelay $0x2  }
0xb0: {  	[tilespmem:s24], [sflag:$0x2] =	stream.indirect_vreg.gather [hbm4b:s3+s2], $0x80, v4, vm0, $0xb8;
	[tilespmem:$0x10100] =	vst v63  }
0xb1: {  	_ = 	snop  }
0xb2: {  	[tilespmem:s25], [sflag:$0x2] =	stream.indirect_vreg.gather [hbm4b:s3+s2], $0x80, v3, vm0, $0xb8;
	[tilespmem:$0x10100] =	vst v63  }
0xb3: {  	v3 =	vld [tilespmem:$0xE0];
	_ =	sdelay $0x4  }
0xb4: {  	v62 =	vshll.u32 v3, $0x1  }
0xb5: {  	v3 =	vand.u32 $0x7, v3;
	v4 =	vand.u32 $0xFFFFFFF0, v62  }
0xb6: {  	v3 =	vor.u32 v3, v4  }
0xb7: {  	v4 =	vperm.xlane v3, v0;
	_ =	sdelay $0x1  }
0xb8: {  	v3 =	vperm.xlane v3, v2;
	v4 =	vadd.s32 v1, v4;
	_ =	sdelay $0x1  }
0xb9: {  	v3 =	vadd.s32 v1, v3;
	_ =	sdelay $0x2  }
0xba: {  	[tilespmem:s26], [sflag:$0x2] =	stream.indirect_vreg.gather [hbm4b:s3+s2], $0x80, v4, vm0, $0xb8;
	[tilespmem:$0x10100] =	vst v63  }
0xbb: {  	_ = 	snop  }
0xbc: {  	[tilespmem:s28], [sflag:$0x2] =	stream.indirect_vreg.gather [hbm4b:s3+s2], $0x80, v3, vm0, $0xb8;
	[tilespmem:$0x10100] =	vst v63  }
0xbd: {  	v3 =	vld [tilespmem:$0xF0];
	_ =	sdelay $0x4  }
0xbe: {  	v63 =	vshll.u32 v3, $0x1  }
0xbf: {  	v3 =	vand.u32 $0x7, v3;
	v4 =	vand.u32 $0xFFFFFFF0, v63  }
0xc0: {  	v3 =	vor.u32 v3, v4  }
0xc1: {  	v4 =	vperm.xlane v3, v0;
	_ =	sdelay $0x1  }
0xc2: {  	v3 =	vperm.xlane v3, v2;
	v4 =	vadd.s32 v1, v4;
	_ =	sdelay $0x1  }
0xc3: {  	v3 =	vadd.s32 v1, v3;
	_ =	sdelay $0x2  }
0xc4: {  	[tilespmem:s29], [sflag:$0x2] =	stream.indirect_vreg.gather [hbm4b:s3+s2], $0x80, v4, vm0, $0xb8;
	[tilespmem:$0x10100] =	vst v63  }
0xc5: {  	_ = 	snop  }
0xc6: {  	[tilespmem:s30], [sflag:$0x2] =	stream.indirect_vreg.gather [hbm4b:s3+s2], $0x80, v3, vm0, $0xb8;
	[tilespmem:$0x10100] =	vst v63  }
0xc7: {  	_ =	swait.ge [sflag:s31], $0x8000  }
0xc8: {  	[sflag:s31] =	ssyncset.done $0x0  }
0xc9: {  	s7 =	rddreg [dreg:$0x6];
	[sflag:s31] =	ssyncadd.s32 $0xFFFF8000  }
0xca: {  	[hbm4b:s7+s2] =	stream.linear.scatter [tilespmem:s6], [sflag:$0x3], $0x8000, $0x38;
	[tilespmem:$0x10100] =	vst v63  }
0xcb: {  	_ =	swait.ge [sflag:s5], $0x8000  }
0xcc: {  	[sflag:s5] =	ssyncset.done $0x0  }
0xcd: {  	[sflag:s5] =	ssyncadd.s32 $0xFFFF8000  }
0xce: {  	_ =	swait.ge [sflag:s1], $0x8000  }
0xcf: {  	p0 =	sne.s32 s4, $0x1;
	[sflag:s1] =	ssyncset.done $0x0  }
.Ltmp0:
0xd0: {  	s7 =	rddreg [dreg:$0x7];
	[sflag:s1] =	ssyncadd.s32 $0xFFFF8000;
	(pc) =	sbr.rel @p0 .LBB2_1-.Ltmp0, $4  }
0xd1: {  	[hbm4b:s7+s2] =	stream.linear.scatter [tilespmem:s14], [sflag:$0x3], $0x8000, $0x38;
	[tilespmem:$0x10100] =	vst v63  }
0xd2: {  	_ =	swait.ge [sflag:s5], $0x8000  }
0xd3: {  	[sflag:s5] =	ssyncset.done $0x0  }
0xd4: {  	s4 =	sadd.s32 $0xFFFFFFFF, s4;
	[sflag:s5] =	ssyncadd.s32 $0xFFFF8000  }
0xd5: {  	_ =	sfence.sel $0x180000  }
0xd6: {  	[bflag:$0x0] =	sbarrier.arrive $0xFFFF  }
0xd7: {  	_ =	strace $0x90000059  }
0xd8: {  	s0 =	stileid.u32;
	[bflag:$0x2] =	sbarrier.arrive $0xFFFF  }
0xd9: {  	p0 =	sne.s32 s0, $0x0;
	s0 =	rddreg [dreg:$0x3]  }
0xda: {  	s0 =	sadd.s32 @!p0 $0x100000, s0  }
0xdb: {  	[sflag:s0] =	ssyncadd.tile.s32 @!p0 $0x1;
	_ =	shalt  }
.Lfunc_end2:
_tile_overlayer_lowered:
.L_overlay_start_2:
0xdc: {  	(tag) =	ssettag $0x2  }
0xdd: {  	s0 =	rddreg [dreg:$0x0];
	s2 =	stileid.u32  }
0xde: {  	s1 =	rddreg [dreg:$0x1];
	p0 =	sne.s32 s2, $0x0  }
0xdf: {  	s3 =	rddreg [dreg:$0x2];
	[bflag:$0x3] =	sbarrier.arrive $0xFFFF;
	s2 =	simm.s32 @!p0 $0x1C03  }
0xe0: {  	[timem:s3], [sflag:s2] =	dma.local @!p0 [hbm:s0], s1  }
0xe1: {  	s0 =	simm.s32 @!p0 $0x3  }
0xe2: {  	_ =	swait.ge @!p0 [sflag:s0], s1  }
0xe3: {  	s1 =	ssub.s32 @!p0 $0x0, s1;
	[sflag:s0] =	ssyncset.done @!p0 $0x0  }
0xe4: {  	[sflag:s0] =	ssyncadd.s32 @!p0 s1  }
0xe5: {  	[bflag:$0x3] =	sbarrier.arrive $0xFFFF  }
0xe6: {  	_ =	shalt  }

// kernel: kernel.47.cloned.1.call-start
scs
__scs_entry_jumppad:
0x0: {  	(pc) =	sbr.rel $0x88, $3  }
0x1: {  	(tag) =	ssettag $0x0;
	lr =	simm.s32 $0x1  }
0x2: {  	[smem:$0x3F9F] =	sst lr;
	_ =	strace $0xD0000000  }
0x3: {  	_ = 	snop  }
0x4: {  	_ = 	snop  }
0x5: {  	_ = 	snop  }
0x6: {  	_ = 	snop  }
0x7: {  	_ = 	snop  }
__scs_overlays_trampoline_lowered:
0x8: {  	[smem:$0x3FAE] =	sst s0  }
0x9: {  	[smem:$0x3FAF] =	sst s1  }
0xa: {  	[smem:$0x3FB0] =	sst s2  }
0xb: {  	[smem:$0x3FB1] =	sst s3  }
0xc: {  	[smem:$0x3FB2] =	sst s4  }
0xd: {  	[smem:$0x3FB3] =	sst s5  }
0xe: {  	[smem:$0x3FB4] =	sst s6  }
0xf: {  	[smem:$0x3FB5] =	sst s7  }
0x10: {  	[smem:$0x3FB6] =	sst s8  }
0x11: {  	[smem:$0x3FB7] =	sst s9;
	s0 =	simm.s32 @!p0 $0x0  }
0x12: {  	s1 =	sld [smem:$0x3F9D];
	s0 =	simm.s32 @p0 $0x1  }
0x13: {  	[smem:$0x3FB8] =	sst s0;
	s0 =	simm.s32 @!p1 $0x0  }
0x14: {  	s2 =	sld [smem:$0x3F9C];
	s0 =	simm.s32 @p1 $0x1  }
0x15: {  	[smem:$0x3FB9] =	sst s0;
	s0 =	simm.s32 @!p2 $0x0  }
0x16: {  	s3 =	sld [smem:$0x3FDB];
	s0 =	simm.s32 @p2 $0x1  }
0x17: {  	s4 =	simm.s32 $0x1BF5;
	[smem:$0x3FBB] =	sst s0  }
0x18: {  	s0 =	sld [smem:$0x3F9E];
	_ =	swait.ge [sflag:s4], $0x0  }
0x19: {  	s7 =	sld [smem:$0x3F9F]  }
0x1a: {  	s8 =	sadd.s32 $0xFFFFE003, lr  }
0x1b: {  	s9 =	sadd.s32 $0xFFFFFEF7, lr;
	s5 =	simm.s32 $0xFFFFFFFF;
	p2 =	slt.u32 s8, $0xFFFFF086  }
0x1c: {  	p1 =	slt.u32 s9, $0xF7A;
	s5 =	simm.s32 @!p2 $0x0  }
0x1d: {  	s5 =	simm.s32 @p1 $0x1;
	p0 =	seq.s32 s7, s2  }
0x1e: {  	s7 =	smul.u32 @!p0 $0xF7A, s2;
	p2 =	seq.s32 @!p0 s5, $0x0  }
0x1f: {  	s9 =	smul.u32 $0xF7A, s1;
	s8 =	simm.s32 @!p0 $0x1BF5;
	p2 =	por !p2, p0  }
0x20: {  	[sflag:s8] =	ssyncset.s32 @!p0 $0xFFFFF086;
	s6 =	sadd.s32 @!p0 s3, s7;
	s7 =	simm.s32 @!p0 $0x108  }
0x21: {  	s3 =	sadd.s32 s3, s9;
	s6 =	sadd.s32 @!p0 $0x88, s6;
	s7 =	simm.s32 @p2 $0x1082  }
0x22: {  	[simem:s7], [sflag:s8] =	dma.local @!p0 [hbm:s6], $0xF7A  }
0x23: {  	s9 =	sor.u32 $0xD0000000, s2;
	s6 =	simm.s32 $0x108;
	_ =	swait.ge @!p0 [sflag:s8], $0x0  }
0x24: {  	s3 =	sadd.s32 $0x88, s3;
	s6 =	simm.s32 @!p1 $0x1082;
	[sflag:s4] =	ssyncset.s32 $0xFFFFF086  }
0x25: {  	[simem:s6], [sflag:s4] =	dma.local [hbm:s3], $0xF7A  }
0x26: {  	[smem:$0x3F9F] =	sst s1;
	(tag) =	ssettag s2;
	_ =	strace s9  }
0x27: {  	s1 =	sld [smem:$0x3FAF]  }
0x28: {  	s2 =	sld [smem:$0x3FB0]  }
0x29: {  	s4 =	sld [smem:$0x3FB2]  }
0x2a: {  	p0 =	seq.s32 s5, $0x0;
	s5 =	sld [smem:$0x3FB3]  }
0x2b: {  	s6 =	sld [smem:$0x3FB4]  }
0x2c: {  	s7 =	sld [smem:$0x3FB5]  }
0x2d: {  	s3 =	simm.s32 $0x108;
	s8 =	sld [smem:$0x3FB6]  }
0x2e: {  	s3 =	simm.s32 @!p0 $0x1082;
	s9 =	sld [smem:$0x3FB7]  }
0x2f: {  	lr =	sadd.s32 s0, s3;
	s0 =	sld [smem:$0x3FAE]  }
0x30: {  	s3 =	sld [smem:$0x3FB1]  }
0x31: {  	[smem:$0x3FBA] =	sst s10  }
0x32: {  	s10 =	sld [smem:$0x3FB8];
	_ =	sdelay $0x3  }
0x33: {  	p0 =	seq.s32 s10, $0x1;
	s10 =	sld [smem:$0x3FBA];
	_ =	sdelay $0x3  }
0x34: {  	[smem:$0x3FBA] =	sst s10  }
0x35: {  	s10 =	sld [smem:$0x3FB9];
	_ =	sdelay $0x3  }
0x36: {  	p1 =	seq.s32 s10, $0x1;
	s10 =	sld [smem:$0x3FBA];
	_ =	sdelay $0x3  }
0x37: {  	[smem:$0x3FBA] =	sst s10  }
0x38: {  	s10 =	sld [smem:$0x3FBB]  }
0x39: {  	_ = 	snop;
	(pc) =	sbr.ind lr, $3  }
0x3a: {  	_ = 	snop  }
0x3b: {  	_ = 	snop  }
0x3c: {  	p2 =	seq.s32 s10, $0x1;
	s10 =	sld [smem:$0x3FBA]  }
0x3d: {  	_ =	shalt  }
0x3e: {  	_ =	shalt  }
0x3f: {  	_ =	shalt  }
0x40: {  	_ =	shalt  }
0x41: {  	_ =	shalt  }
0x42: {  	_ =	shalt  }
0x43: {  	_ =	shalt  }
0x44: {  	_ =	shalt  }
0x45: {  	_ =	shalt  }
0x46: {  	_ =	shalt  }
0x47: {  	_ =	shalt  }
0x48: {  	_ =	shalt  }
0x49: {  	_ =	shalt  }
0x4a: {  	_ =	shalt  }
0x4b: {  	_ =	shalt  }
0x4c: {  	_ =	shalt  }
0x4d: {  	_ =	shalt  }
0x4e: {  	_ =	shalt  }
0x4f: {  	_ =	shalt  }
0x50: {  	_ =	shalt  }
0x51: {  	_ =	shalt  }
0x52: {  	_ =	shalt  }
0x53: {  	_ =	shalt  }
0x54: {  	_ =	shalt  }
0x55: {  	_ =	shalt  }
0x56: {  	_ =	shalt  }
0x57: {  	_ =	shalt  }
0x58: {  	_ =	shalt  }
0x59: {  	_ =	shalt  }
0x5a: {  	_ =	shalt  }
0x5b: {  	_ =	shalt  }
0x5c: {  	_ =	shalt  }
0x5d: {  	_ =	shalt  }
0x5e: {  	_ =	shalt  }
0x5f: {  	_ =	shalt  }
0x60: {  	_ =	shalt  }
0x61: {  	_ =	shalt  }
0x62: {  	_ =	shalt  }
0x63: {  	_ =	shalt  }
0x64: {  	_ =	shalt  }
0x65: {  	_ =	shalt  }
0x66: {  	_ =	shalt  }
0x67: {  	_ =	shalt  }
0x68: {  	_ =	shalt  }
0x69: {  	_ =	shalt  }
0x6a: {  	_ =	shalt  }
0x6b: {  	_ =	shalt  }
0x6c: {  	_ =	shalt  }
0x6d: {  	_ =	shalt  }
0x6e: {  	_ =	shalt  }
0x6f: {  	_ =	shalt  }
0x70: {  	_ =	shalt  }
0x71: {  	_ =	shalt  }
0x72: {  	_ =	shalt  }
0x73: {  	_ =	shalt  }
0x74: {  	_ =	shalt  }
0x75: {  	_ =	shalt  }
0x76: {  	_ =	shalt  }
0x77: {  	_ =	shalt  }
0x78: {  	_ =	shalt  }
0x79: {  	_ =	shalt  }
0x7a: {  	_ =	shalt  }
0x7b: {  	_ =	shalt  }
0x7c: {  	_ =	shalt  }
0x7d: {  	_ =	shalt  }
0x7e: {  	_ =	shalt  }
0x7f: {  	_ =	shalt  }
0x80: {  	_ =	shalt  }
0x81: {  	_ =	shalt  }
0x82: {  	_ =	shalt  }
0x83: {  	_ =	shalt  }
0x84: {  	_ =	shalt  }
0x85: {  	_ =	shalt  }
0x86: {  	_ =	shalt  }
0x87: {  	_ =	shalt  }
.Lfunc_end0:
.L_simem_size_0:
called_computation.7_lowered:
.L_overlay_start_0:
0x88: {  	s2 =	sld [smem:$0x3FD9]  }
0x89: {  	s3 =	sld [smem:$0x3FFE];
	_ =	sdelay $0x1  }
0x8a: {  	s1 =	srdreg.scid  }
0x8b: {  	s0 =	sand.u32 $0x1, s1  }
0x8c: {  	s14 =	sshll.u32 s0, $0xA;
	s2 =	sadd.s32 s3, s2  }
0x8d: {  	s2 =	sadd.s32 s2, s14  }
0x8e: {  	[smem:$0x3FC6] =	sst s2  }
0x8f: {  	_ = 	snop  }
0x90: {  	s2 =	sld [smem:$0x3FD0];
	_ =	sdelay $0x2  }
0x91: {  	s15 =	simm.s32 $0xA;
	s4 =	simm.s32 $0x10  }
0x92: {  	[smem:s4], [sflag:s15] =	dma.local [hbm:s2], $0x1  }
0x93: {  	_ =	swait.eq [sflag:s15], $0x1  }
0x94: {  	[sflag:s15] =	ssyncset.done $0x0  }
0x95: {  	s16 =	sld [smem:$0x10];
	[sflag:s15] =	ssyncadd.s32 $0xFFFFFFFF  }
0x96: {  	s17 =	sld [smem:$0x11];
	(tm) =	ssettm $0x1  }
0x97: {  	s18 =	sld [smem:$0x3FFB];
	_ =	sdelay $0x3  }
0x98: {  	_ =	strace s18  }
0x99: {  	s4 =	sld [smem:$0x3FFC];
	_ =	sdelay $0x3  }
0x9a: {  	_ =	strace s4  }
0x9b: {  	s4 =	sld [smem:$0x3FFD];
	_ =	sdelay $0x3  }
0x9c: {  	_ =	strace s4  }
0x9d: {  	_ =	strace $0x8FFFFFFF  }
0x9e: {  	s19 =	sld [smem:$0x3FDB];
	_ =	sdelay $0x1  }
0x9f: {  	s5 =	simm.s32 $_scs_section_size  }
0xa0: {  	s6 =	simm.s32 $_size__tile_overlayer_lowered;
	s7 =	simm.s32 $_tile_overlayer_lowered  }
0xa1: {  	s22 =	simm.s32 $0x1BFF;
	s21 =	sshll.u32 s7, $0x1;
	s4 =	sadd.s32 s5, s19  }
0xa2: {  	s8 =	simm.s32 $0x0;
	s20 =	sshll.u32 s6, $0x1;
	s6 =	sadd.s32 s21, s4  }
0xa3: {  	[timem:s8], [sflag:s22] =	dma.local [hbm:s6], s20  }
0xa4: {  	_ =	swait.ge [sflag:s22], s20  }
0xa5: {  	s5 =	ssub.s32 $0x0, s20;
	[sflag:s22] =	ssyncset.done $0x0  }
0xa6: {  	[sflag:s22] =	ssyncadd.s32 s5;
	_ =	sdelay $0x1  }
0xa7: {  	s23 =	simm.s32 $0x1B8B  }
0xa8: {  	_ =	swait.ge [sflag:s23], $0x1  }
0xa9: {  	[sflag:s23] =	ssyncset.done $0x0  }
0xaa: {  	s25 =	simm.s32 $0x1B8E;
	s24 =	sld [smem:$0x3FFE];
	[sflag:s23] =	ssyncadd.s32 $0xFFFFFFFF  }
0xab: {  	s26 =	simm.s32 $execute0_lowered;
	[smem:$0x3FD2] =	sst s25  }
0xac: {  	s6 =	sshll.u32 s26, $0x1;
	_ =	strace $0x8000005B;
	[dreg:$0x1] =	wrdreg $0xFFFFFFFF  }
0xad: {  	s28 =	simm.s32 $_size_execute0_lowered;
	s4 =	sadd.s32 s4, s6;
	[dreg:$0x0] =	wrdreg $0x0  }
0xae: {  	s6 =	sshll.u32 s28, $0x1;
	[dreg:$0x2] =	wrdreg s4  }
0xaf: {  	[dreg:$0x3] =	wrdreg s6  }
0xb0: {  	[dreg:$0x4] =	wrdreg $0xC0  }
0xb1: {  	_ =	task [dreg:s8], $0x5FFFF  }
0xb2: {  	[dreg:$0x1] =	wrdreg $0xFFFFFFFF  }
0xb3: {  	[dreg:$0x0] =	wrdreg $0x60  }
0xb4: {  	[dreg:$0x2] =	wrdreg s24  }
0xb5: {  	[dreg:$0x3] =	wrdreg s16  }
0xb6: {  	[dreg:$0x4] =	wrdreg s17  }
0xb7: {  	[dreg:$0x5] =	wrdreg $0x9  }
0xb8: {  	_ =	task.clear_ibuf [dreg:s8], $0x6FFFF;
	_ =	strace $0x9000005B  }
0xb9: {  	s29 =	simm.s32 $0x9;
	_ =	strace $0x8000005D  }
0xba: {  	_ =	swait.ge [sflag:s29], $0x1  }
0xbb: {  	[sflag:s29] =	ssyncadd.s32 $0xFFFFFFFF  }
0xbc: {  	_ =	strace $0x9000005D  }
0xbd: {  	_ =	sfence  }
0xbe: {  	s30 =	sld [smem:$0x0];
	_ =	sdelay $0x2  }
0xbf: {  	s31 =	sshll.u32 s1, $0xD;
	s1 =	sshrl.u32 s1, $0x2  }
0xc0: {  	s3 =	sand.u32 $0x4000, s31;
	s1 =	sadd.s32 s1, s30  }
0xc1: {  	s0 =	sor.u32 s3, s0;
	s1 =	sshll.u32 s1, $0x11  }
0xc2: {  	s0 =	sor.u32 s1, s0  }
0xc3: {  	s0 =	sadd.s32 $0x8F2B, s0  }
0xc4: {  	[sflag:s0] =	ssyncadd.remote.s32 $0x1  }
0xc5: {  	_ =	sfence.sel $0xFFFF  }
0xc6: {  	[dreg:$0x0] =	wrdreg $0xFFFFFFFF;
	(pc) =	sbr.abs _section_cstart, $3  }
0xc7: {  	[dreg:$0x1] =	wrdreg $0xFFFFFFFF  }
0xc8: {  	_ =	task.clear_ibuf [dreg:s8], $0x2FFFF;
	_ =	strace $0x9FFFFFFF  }
0xc9: {  	(tm) =	ssettm $0x7FFFFFFF  }
tec
execute0_lowered:
.L_overlay_start_1:
0x0: {  	(tag) =	ssettag $0x1  }
0x1: {  	s1 =	rddreg [dreg:$0x0];
	s2 =	srdreg.scid  }
0x2: {  	s3 =	rddreg [dreg:$0x1];
	s0 =	stileid.u32  }
0x3: {  	s5 =	rddreg [dreg:$0x2];
	s17 =	simm.s32 $0x80;
	s18 =	simm.s32 $0x900  }
0x4: {  	s19 =	simm.s32 $0x1100;
	s4 =	sand.u32 $0x1, s2;
	s2 =	simm.s32 $0x0  }
0x5: {  	s20 =	simm.s32 $0x1900;
	s21 =	simm.s32 $0x2100;
	[smem:$0x7FF] =	sst s2  }
0x6: {  	s23 =	simm.s32 $0x2900;
	_ =	strace $0x8000005C;
	[dreg:$0x8] =	wrdreg s17  }
0x7: {  	s24 =	simm.s32 $0x3100;
	s25 =	simm.s32 $0x3900;
	[dreg:$0x9] =	wrdreg s18  }
0x8: {  	s26 =	simm.s32 $0x4100;
	s9 =	simm.s32 $0x5900;
	[dreg:$0xa] =	wrdreg s19  }
0x9: {  	s10 =	simm.s32 $0x6100;
	s11 =	simm.s32 $0x6900;
	[dreg:$0xb] =	wrdreg s20  }
0xa: {  	s12 =	simm.s32 $0x7100;
	s28 =	simm.s32 $0xE900;
	[dreg:$0xc] =	wrdreg s21  }
0xb: {  	s29 =	simm.s32 $0xF100;
	s30 =	simm.s32 $0xF900;
	[dreg:$0xd] =	wrdreg s23  }
0xc: {  	s31 =	simm.s32 $0x1;
	s6 =	sshll.u32 s0, $0x8;
	[dreg:$0xe] =	wrdreg s24  }
0xd: {  	s7 =	sshll.u32 s4, $0x7;
	s4 =	ssub.s32 $0x2, s4;
	[dreg:$0xf] =	wrdreg s25  }
0xe: {  	s6 =	sor.u32 s7, s6;
	s22 =	sshrl.u32 s4, $0x1;
	[dreg:$0x10] =	wrdreg s26  }
0xf: {  	s17 =	simm.s32 $0x9900;
	s18 =	simm.s32 $0xA100;
	s19 =	simm.s32 $0xA900  }
0x10: {  	s20 =	simm.s32 $0xB100;
	s21 =	simm.s32 $0xB900;
	s23 =	simm.s32 $0xC900  }
0x11: {  	s24 =	simm.s32 $0xD100;
	s25 =	simm.s32 $0xD900;
	s26 =	simm.s32 $0xE100  }
0x12: {  	s7 =	sshrl.u32 s6, $0x3;
	s6 =	sshll.u32 s6, $0x5;
	s4 =	ssub.s32 s4, s22  }
0x13: {  	s22 =	simm.s32 $0xC100;
	s8 =	sadd.s32 s7, s1;
	s3 =	sadd.s32 s3, s7  }
0x14: {  	s14 =	sadd.s32 s6, s1;
	s15 =	sadd.s32 s5, s6;
	s4 =	smax.u32 s4, $0x1  }
0x15: {  	s5 =	simm.s32 $0x3;
	s6 =	simm.s32 $0x100;
	[dreg:$0x4] =	wrdreg s3  }
0x16: {  	s13 =	sadd.s32 $0xD400, s8;
	[dreg:$0x6] =	wrdreg s15;
	s16 =	sadd.s32 $0xD600, s14  }
0x17: {  	v2 =	vlaneseq.u32;
	s3 =	sadd.s32 $0x18D400, s1;
	s8 =	simm.s32 $0x5100;
	s14 =	simm.s32 $0x8100  }
0x18: {  	vm0 =	vmmov $0xffff;
	v1 =	vshrl.u32 v2, $0x3;
	s15 =	simm.s32 $0x8900;
	s1 =	simm.s32 $0x2;
	[dreg:$0x5] =	wrdreg s13  }
0x19: {  	v0 =	vand.u32 $0x7, v2;
	v2 =	vor.u32 $0x8, v2;
	v1 =	vmul.u32 $0x8, v1;
	[dreg:$0x7] =	wrdreg s16;
	s13 =	simm.s32 $0x7900;
	s16 =	simm.s32 $0x9100  }
.LBB2_1:
0x1a: {  	s0 =	rddreg [dreg:$0x4]  }
0x1b: {  	[tilespmem:s2], [sflag:$0x3] =	stream.linear.gather [hbm4b:s0+s2], $0x80, $0x38;
	[tilespmem:$0x10100] =	vst v63  }
0x1c: {  	_ =	swait.ge [sflag:s5], $0x80  }
0x1d: {  	s0 =	rddreg [dreg:$0x5];
	[sflag:s5] =	ssyncset.done $0x0  }
0x1e: {  	s7 =	rddreg [dreg:$0x8];
	[sflag:s5] =	ssyncadd.s32 $0xFFFFFF80  }
0x1f: {  	[tilespmem:s7], [sflag:$0x3] =	stream.linear.gather [hbm4b:s0+s2], $0x80, $0x38;
	[tilespmem:$0x10100] =	vst v63  }
0x20: {  	_ =	swait.ge [sflag:s5], $0x80  }
0x21: {  	[sflag:s5] =	ssyncset.done $0x0  }
0x22: {  	[sflag:s5] =	ssyncadd.s32 $0xFFFFFF80  }
0x23: {  	v3 =	vld [tilespmem:$0x0];
	_ =	sdelay $0x4  }
0x24: {  	v4 =	vshll.u32 v3, $0x1  }
0x25: {  	v3 =	vand.u32 $0x7, v3;
	v4 =	vand.u32 $0xFFFFFFF0, v4  }
0x26: {  	v3 =	vor.u32 v3, v4  }
0x27: {  	v4 =	vperm.xlane v3, v0;
	_ =	sdelay $0x1  }
0x28: {  	v3 =	vperm.xlane v3, v2;
	v4 =	vadd.s32 v1, v4;
	_ =	sdelay $0x1  }
0x29: {  	v3 =	vadd.s32 v1, v3;
	_ =	sdelay $0x2  }
0x2a: {  	[tilespmem:s6], [sflag:$0x1] =	stream.indirect_vreg.gather [hbm4b:s3+s2], $0x80, v4, vm0, $0xb8;
	[tilespmem:$0x10100] =	vst v63  }
0x2b: {  	s7 =	rddreg [dreg:$0x9]  }
0x2c: {  	[tilespmem:s7], [sflag:$0x1] =	stream.indirect_vreg.gather [hbm4b:s3+s2], $0x80, v3, vm0, $0xb8;
	[tilespmem:$0x10100] =	vst v63  }
0x2d: {  	v3 =	vld [tilespmem:$0x10];
	_ =	sdelay $0x4  }
0x2e: {  	v49 =	vshll.u32 v3, $0x1  }
0x2f: {  	v3 =	vand.u32 $0x7, v3;
	v4 =	vand.u32 $0xFFFFFFF0, v49  }
0x30: {  	v3 =	vor.u32 v3, v4  }
0x31: {  	v4 =	vperm.xlane v3, v0;
	_ =	sdelay $0x1  }
0x32: {  	v3 =	vperm.xlane v3, v2;
	v4 =	vadd.s32 v1, v4;
	_ =	sdelay $0x1  }
0x33: {  	v3 =	vadd.s32 v1, v3;
	_ =	sdelay $0x1  }
0x34: {  	s0 =	rddreg [dreg:$0xa]  }
0x35: {  	[tilespmem:s0], [sflag:$0x1] =	stream.indirect_vreg.gather [hbm4b:s3+s2], $0x80, v4, vm0, $0xb8;
	[tilespmem:$0x10100] =	vst v63  }
0x36: {  	s7 =	rddreg [dreg:$0xb]  }
0x37: {  	[tilespmem:s7], [sflag:$0x1] =	stream.indirect_vreg.gather [hbm4b:s3+s2], $0x80, v3, vm0, $0xb8;
	[tilespmem:$0x10100] =	vst v63  }
0x38: {  	v3 =	vld [tilespmem:$0x20];
	_ =	sdelay $0x4  }
0x39: {  	v50 =	vshll.u32 v3, $0x1  }
0x3a: {  	v3 =	vand.u32 $0x7, v3;
	v4 =	vand.u32 $0xFFFFFFF0, v50  }
0x3b: {  	v3 =	vor.u32 v3, v4  }
0x3c: {  	v4 =	vperm.xlane v3, v0;
	_ =	sdelay $0x1  }
0x3d: {  	v3 =	vperm.xlane v3, v2;
	v4 =	vadd.s32 v1, v4;
	_ =	sdelay $0x1  }
0x3e: {  	v3 =	vadd.s32 v1, v3;
	_ =	sdelay $0x1  }
0x3f: {  	s0 =	rddreg [dreg:$0xc]  }
0x40: {  	[tilespmem:s0], [sflag:$0x1] =	stream.indirect_vreg.gather [hbm4b:s3+s2], $0x80, v4, vm0, $0xb8;
	[tilespmem:$0x10100] =	vst v63  }
0x41: {  	s7 =	rddreg [dreg:$0xd]  }
0x42: {  	[tilespmem:s7], [sflag:$0x1] =	stream.indirect_vreg.gather [hbm4b:s3+s2], $0x80, v3, vm0, $0xb8;
	[tilespmem:$0x10100] =	vst v63  }
0x43: {  	v3 =	vld [tilespmem:$0x30];
	_ =	sdelay $0x4  }
0x44: {  	v51 =	vshll.u32 v3, $0x1  }
0x45: {  	v3 =	vand.u32 $0x7, v3;
	v4 =	vand.u32 $0xFFFFFFF0, v51  }
0x46: {  	v3 =	vor.u32 v3, v4  }
0x47: {  	v4 =	vperm.xlane v3, v0;
	_ =	sdelay $0x1  }
0x48: {  	v3 =	vperm.xlane v3, v2;
	v4 =	vadd.s32 v1, v4;
	_ =	sdelay $0x1  }
0x49: {  	v3 =	vadd.s32 v1, v3;
	_ =	sdelay $0x1  }
0x4a: {  	s0 =	rddreg [dreg:$0xe]  }
0x4b: {  	[tilespmem:s0], [sflag:$0x1] =	stream.indirect_vreg.gather [hbm4b:s3+s2], $0x80, v4, vm0, $0xb8;
	[tilespmem:$0x10100] =	vst v63  }
0x4c: {  	s7 =	rddreg [dreg:$0xf]  }
0x4d: {  	[tilespmem:s7], [sflag:$0x1] =	stream.indirect_vreg.gather [hbm4b:s3+s2], $0x80, v3, vm0, $0xb8;
	[tilespmem:$0x10100] =	vst v63  }
0x4e: {  	v3 =	vld [tilespmem:$0x40];
	_ =	sdelay $0x4  }
0x4f: {  	v52 =	vshll.u32 v3, $0x1  }
0x50: {  	v3 =	vand.u32 $0x7, v3;
	v4 =	vand.u32 $0xFFFFFFF0, v52  }
0x51: {  	v3 =	vor.u32 v3, v4  }
0x52: {  	v4 =	vperm.xlane v3, v0;
	_ =	sdelay $0x1  }
0x53: {  	v3 =	vperm.xlane v3, v2;
	v4 =	vadd.s32 v1, v4;
	_ =	sdelay $0x1  }
0x54: {  	v3 =	vadd.s32 v1, v3;
	_ =	sdelay $0x1  }
0x55: {  	s7 =	rddreg [dreg:$0x10]  }
0x56: {  	[tilespmem:s7], [sflag:$0x1] =	stream.indirect_vreg.gather [hbm4b:s3+s2], $0x80, v4, vm0, $0xb8;
	[tilespmem:$0x10100] =	vst v63  }
0x57: {  	s7 =	simm.s32 $0x4900  }
0x58: {  	[tilespmem:s7], [sflag:$0x1] =	stream.indirect_vreg.gather [hbm4b:s3+s2], $0x80, v3, vm0, $0xb8;
	[tilespmem:$0x10100] =	vst v63  }
0x59: {  	v3 =	vld [tilespmem:$0x50];
	_ =	sdelay $0x4  }
0x5a: {  	v53 =	vshll.u32 v3, $0x1  }
0x5b: {  	v3 =	vand.u32 $0x7, v3;
	v4 =	vand.u32 $0xFFFFFFF0, v53  }
0x5c: {  	v3 =	vor.u32 v3, v4  }
0x5d: {  	v4 =	vperm.xlane v3, v0;
	_ =	sdelay $0x1  }
0x5e: {  	v3 =	vperm.xlane v3, v2;
	v4 =	vadd.s32 v1, v4;
	_ =	sdelay $0x1  }
0x5f: {  	v3 =	vadd.s32 v1, v3;
	_ =	sdelay $0x2  }
0x60: {  	[tilespmem:s8], [sflag:$0x1] =	stream.indirect_vreg.gather [hbm4b:s3+s2], $0x80, v4, vm0, $0xb8;
	[tilespmem:$0x10100] =	vst v63  }
0x61: {  	_ = 	snop  }
0x62: {  	[tilespmem:s9], [sflag:$0x1] =	stream.indirect_vreg.gather [hbm4b:s3+s2], $0x80, v3, vm0, $0xb8;
	[tilespmem:$0x10100] =	vst v63  }
0x63: {  	v3 =	vld [tilespmem:$0x60];
	_ =	sdelay $0x4  }
0x64: {  	v54 =	vshll.u32 v3, $0x1  }
0x65: {  	v3 =	vand.u32 $0x7, v3;
	v4 =	vand.u32 $0xFFFFFFF0, v54  }
0x66: {  	v3 =	vor.u32 v3, v4  }
0x67: {  	v4 =	vperm.xlane v3, v0;
	_ =	sdelay $0x1  }
0x68: {  	v3 =	vperm.xlane v3, v2;
	v4 =	vadd.s32 v1, v4;
	_ =	sdelay $0x1  }
0x69: {  	v3 =	vadd.s32 v1, v3;
	_ =	sdelay $0x2  }
0x6a: {  	[tilespmem:s10], [sflag:$0x1] =	stream.indirect_vreg.gather [hbm4b:s3+s2], $0x80, v4, vm0, $0xb8;
	[tilespmem:$0x10100] =	vst v63  }
0x6b: {  	_ = 	snop  }
0x6c: {  	[tilespmem:s11], [sflag:$0x1] =	stream.indirect_vreg.gather [hbm4b:s3+s2], $0x80, v3, vm0, $0xb8;
	[tilespmem:$0x10100] =	vst v63  }
0x6d: {  	v3 =	vld [tilespmem:$0x70];
	_ =	sdelay $0x4  }
0x6e: {  	v55 =	vshll.u32 v3, $0x1  }
0x6f: {  	v3 =	vand.u32 $0x7, v3;
	v4 =	vand.u32 $0xFFFFFFF0, v55  }
0x70: {  	v3 =	vor.u32 v3, v4  }
0x71: {  	v4 =	vperm.xlane v3, v0;
	_ =	sdelay $0x1  }
0x72: {  	v3 =	vperm.xlane v3, v2;
	v4 =	vadd.s32 v1, v4;
	_ =	sdelay $0x1  }
0x73: {  	v3 =	vadd.s32 v1, v3;
	_ =	sdelay $0x2  }
0x74: {  	[tilespmem:s12], [sflag:$0x1] =	stream.indirect_vreg.gather [hbm4b:s3+s2], $0x80, v4, vm0, $0xb8;
	[tilespmem:$0x10100] =	vst v63  }
0x75: {  	_ = 	snop  }
0x76: {  	[tilespmem:s13], [sflag:$0x1] =	stream.indirect_vreg.gather [hbm4b:s3+s2], $0x80, v3, vm0, $0xb8;
	[tilespmem:$0x10100] =	vst v63  }
0x77: {  	v3 =	vld [tilespmem:$0x80];
	_ =	sdelay $0x4  }
0x78: {  	v56 =	vshll.u32 v3, $0x1  }
0x79: {  	v3 =	vand.u32 $0x7, v3;
	v4 =	vand.u32 $0xFFFFFFF0, v56  }
0x7a: {  	v3 =	vor.u32 v3, v4  }
0x7b: {  	v4 =	vperm.xlane v3, v0;
	_ =	sdelay $0x1  }
0x7c: {  	v3 =	vperm.xlane v3, v2;
	v4 =	vadd.s32 v1, v4;
	_ =	sdelay $0x1  }
0x7d: {  	v3 =	vadd.s32 v1, v3;
	_ =	sdelay $0x2  }
0x7e: {  	[tilespmem:s14], [sflag:$0x2] =	stream.indirect_vreg.gather [hbm4b:s3+s2], $0x80, v4, vm0, $0xb8;
	[tilespmem:$0x10100] =	vst v63  }
0x7f: {  	_ = 	snop  }
0x80: {  	[tilespmem:s15], [sflag:$0x2] =	stream.indirect_vreg.gather [hbm4b:s3+s2], $0x80, v3, vm0, $0xb8;
	[tilespmem:$0x10100] =	vst v63  }
0x81: {  	v3 =	vld [tilespmem:$0x90];
	_ =	sdelay $0x4  }
0x82: {  	v57 =	vshll.u32 v3, $0x1  }
0x83: {  	v3 =	vand.u32 $0x7, v3;
	v4 =	vand.u32 $0xFFFFFFF0, v57  }
0x84: {  	v3 =	vor.u32 v3, v4  }
0x85: {  	v4 =	vperm.xlane v3, v0;
	_ =	sdelay $0x1  }
0x86: {  	v3 =	vperm.xlane v3, v2;
	v4 =	vadd.s32 v1, v4;
	_ =	sdelay $0x1  }
0x87: {  	v3 =	vadd.s32 v1, v3;
	_ =	sdelay $0x2  }
0x88: {  	[tilespmem:s16], [sflag:$0x2] =	stream.indirect_vreg.gather [hbm4b:s3+s2], $0x80, v4, vm0, $0xb8;
	[tilespmem:$0x10100] =	vst v63  }
0x89: {  	_ = 	snop  }
0x8a: {  	[tilespmem:s17], [sflag:$0x2] =	stream.indirect_vreg.gather [hbm4b:s3+s2], $0x80, v3, vm0, $0xb8;
	[tilespmem:$0x10100] =	vst v63  }
0x8b: {  	v3 =	vld [tilespmem:$0xA0];
	_ =	sdelay $0x4  }
0x8c: {  	v58 =	vshll.u32 v3, $0x1  }
0x8d: {  	v3 =	vand.u32 $0x7, v3;
	v4 =	vand.u32 $0xFFFFFFF0, v58  }
0x8e: {  	v3 =	vor.u32 v3, v4  }
0x8f: {  	v4 =	vperm.xlane v3, v0;
	_ =	sdelay $0x1  }
0x90: {  	v3 =	vperm.xlane v3, v2;
	v4 =	vadd.s32 v1, v4;
	_ =	sdelay $0x1  }
0x91: {  	v3 =	vadd.s32 v1, v3;
	_ =	sdelay $0x2  }
0x92: {  	[tilespmem:s18], [sflag:$0x2] =	stream.indirect_vreg.gather [hbm4b:s3+s2], $0x80, v4, vm0, $0xb8;
	[tilespmem:$0x10100] =	vst v63  }
0x93: {  	_ = 	snop  }
0x94: {  	[tilespmem:s19], [sflag:$0x2] =	stream.indirect_vreg.gather [hbm4b:s3+s2], $0x80, v3, vm0, $0xb8;
	[tilespmem:$0x10100] =	vst v63  }
0x95: {  	v3 =	vld [tilespmem:$0xB0];
	_ =	sdelay $0x4  }
0x96: {  	v59 =	vshll.u32 v3, $0x1  }
0x97: {  	v3 =	vand.u32 $0x7, v3;
	v4 =	vand.u32 $0xFFFFFFF0, v59  }
0x98: {  	v3 =	vor.u32 v3, v4  }
0x99: {  	v4 =	vperm.xlane v3, v0;
	_ =	sdelay $0x1  }
0x9a: {  	v3 =	vperm.xlane v3, v2;
	v4 =	vadd.s32 v1, v4;
	_ =	sdelay $0x1  }
0x9b: {  	v3 =	vadd.s32 v1, v3;
	_ =	sdelay $0x2  }
0x9c: {  	[tilespmem:s20], [sflag:$0x2] =	stream.indirect_vreg.gather [hbm4b:s3+s2], $0x80, v4, vm0, $0xb8;
	[tilespmem:$0x10100] =	vst v63  }
0x9d: {  	_ = 	snop  }
0x9e: {  	[tilespmem:s21], [sflag:$0x2] =	stream.indirect_vreg.gather [hbm4b:s3+s2], $0x80, v3, vm0, $0xb8;
	[tilespmem:$0x10100] =	vst v63  }
0x9f: {  	v3 =	vld [tilespmem:$0xC0];
	_ =	sdelay $0x4  }
0xa0: {  	v60 =	vshll.u32 v3, $0x1  }
0xa1: {  	v3 =	vand.u32 $0x7, v3;
	v4 =	vand.u32 $0xFFFFFFF0, v60  }
0xa2: {  	v3 =	vor.u32 v3, v4  }
0xa3: {  	v4 =	vperm.xlane v3, v0;
	_ =	sdelay $0x1  }
0xa4: {  	v3 =	vperm.xlane v3, v2;
	v4 =	vadd.s32 v1, v4;
	_ =	sdelay $0x1  }
0xa5: {  	v3 =	vadd.s32 v1, v3;
	_ =	sdelay $0x2  }
0xa6: {  	[tilespmem:s22], [sflag:$0x2] =	stream.indirect_vreg.gather [hbm4b:s3+s2], $0x80, v4, vm0, $0xb8;
	[tilespmem:$0x10100] =	vst v63  }
0xa7: {  	_ = 	snop  }
0xa8: {  	[tilespmem:s23], [sflag:$0x2] =	stream.indirect_vreg.gather [hbm4b:s3+s2], $0x80, v3, vm0, $0xb8;
	[tilespmem:$0x10100] =	vst v63  }
0xa9: {  	v3 =	vld [tilespmem:$0xD0];
	_ =	sdelay $0x4  }
0xaa: {  	v61 =	vshll.u32 v3, $0x1  }
0xab: {  	v3 =	vand.u32 $0x7, v3;
	v4 =	vand.u32 $0xFFFFFFF0, v61  }
0xac: {  	v3 =	vor.u32 v3, v4  }
0xad: {  	v4 =	vperm.xlane v3, v0;
	_ =	sdelay $0x1  }
0xae: {  	v3 =	vperm.xlane v3, v2;
	v4 =	vadd.s32 v1, v4;
	_ =	sdelay $0x1  }
0xaf: {  	v3 =	vadd.s32 v1, v3;
	_ =	sdelay $0x2  }
0xb0: {  	[tilespmem:s24], [sflag:$0x2] =	stream.indirect_vreg.gather [hbm4b:s3+s2], $0x80, v4, vm0, $0xb8;
	[tilespmem:$0x10100] =	vst v63  }
0xb1: {  	_ = 	snop  }
0xb2: {  	[tilespmem:s25], [sflag:$0x2] =	stream.indirect_vreg.gather [hbm4b:s3+s2], $0x80, v3, vm0, $0xb8;
	[tilespmem:$0x10100] =	vst v63  }
0xb3: {  	v3 =	vld [tilespmem:$0xE0];
	_ =	sdelay $0x4  }
0xb4: {  	v62 =	vshll.u32 v3, $0x1  }
0xb5: {  	v3 =	vand.u32 $0x7, v3;
	v4 =	vand.u32 $0xFFFFFFF0, v62  }
0xb6: {  	v3 =	vor.u32 v3, v4  }
0xb7: {  	v4 =	vperm.xlane v3, v0;
	_ =	sdelay $0x1  }
0xb8: {  	v3 =	vperm.xlane v3, v2;
	v4 =	vadd.s32 v1, v4;
	_ =	sdelay $0x1  }
0xb9: {  	v3 =	vadd.s32 v1, v3;
	_ =	sdelay $0x2  }
0xba: {  	[tilespmem:s26], [sflag:$0x2] =	stream.indirect_vreg.gather [hbm4b:s3+s2], $0x80, v4, vm0, $0xb8;
	[tilespmem:$0x10100] =	vst v63  }
0xbb: {  	_ = 	snop  }
0xbc: {  	[tilespmem:s28], [sflag:$0x2] =	stream.indirect_vreg.gather [hbm4b:s3+s2], $0x80, v3, vm0, $0xb8;
	[tilespmem:$0x10100] =	vst v63  }
0xbd: {  	v3 =	vld [tilespmem:$0xF0];
	_ =	sdelay $0x4  }
0xbe: {  	v63 =	vshll.u32 v3, $0x1  }
0xbf: {  	v3 =	vand.u32 $0x7, v3;
	v4 =	vand.u32 $0xFFFFFFF0, v63  }
0xc0: {  	v3 =	vor.u32 v3, v4  }
0xc1: {  	v4 =	vperm.xlane v3, v0;
	_ =	sdelay $0x1  }
0xc2: {  	v3 =	vperm.xlane v3, v2;
	v4 =	vadd.s32 v1, v4;
	_ =	sdelay $0x1  }
0xc3: {  	v3 =	vadd.s32 v1, v3;
	_ =	sdelay $0x2  }
0xc4: {  	[tilespmem:s29], [sflag:$0x2] =	stream.indirect_vreg.gather [hbm4b:s3+s2], $0x80, v4, vm0, $0xb8;
	[tilespmem:$0x10100] =	vst v63  }
0xc5: {  	_ = 	snop  }
0xc6: {  	[tilespmem:s30], [sflag:$0x2] =	stream.indirect_vreg.gather [hbm4b:s3+s2], $0x80, v3, vm0, $0xb8;
	[tilespmem:$0x10100] =	vst v63  }
0xc7: {  	_ =	swait.ge [sflag:s31], $0x8000  }
0xc8: {  	[sflag:s31] =	ssyncset.done $0x0  }
0xc9: {  	s7 =	rddreg [dreg:$0x6];
	[sflag:s31] =	ssyncadd.s32 $0xFFFF8000  }
0xca: {  	[hbm4b:s7+s2] =	stream.linear.scatter [tilespmem:s6], [sflag:$0x3], $0x8000, $0x38;
	[tilespmem:$0x10100] =	vst v63  }
0xcb: {  	_ =	swait.ge [sflag:s5], $0x8000  }
0xcc: {  	[sflag:s5] =	ssyncset.done $0x0  }
0xcd: {  	[sflag:s5] =	ssyncadd.s32 $0xFFFF8000  }
0xce: {  	_ =	swait.ge [sflag:s1], $0x8000  }
0xcf: {  	p0 =	sne.s32 s4, $0x1;
	[sflag:s1] =	ssyncset.done $0x0  }
.Ltmp0:
0xd0: {  	s7 =	rddreg [dreg:$0x7];
	[sflag:s1] =	ssyncadd.s32 $0xFFFF8000;
	(pc) =	sbr.rel @p0 .LBB2_1-.Ltmp0, $4  }
0xd1: {  	[hbm4b:s7+s2] =	stream.linear.scatter [tilespmem:s14], [sflag:$0x3], $0x8000, $0x38;
	[tilespmem:$0x10100] =	vst v63  }
0xd2: {  	_ =	swait.ge [sflag:s5], $0x8000  }
0xd3: {  	[sflag:s5] =	ssyncset.done $0x0  }
0xd4: {  	s4 =	sadd.s32 $0xFFFFFFFF, s4;
	[sflag:s5] =	ssyncadd.s32 $0xFFFF8000  }
0xd5: {  	_ =	sfence.sel $0x180000  }
0xd6: {  	[bflag:$0x0] =	sbarrier.arrive $0xFFFF  }
0xd7: {  	_ =	strace $0x9000005C  }
0xd8: {  	s0 =	stileid.u32;
	[bflag:$0x2] =	sbarrier.arrive $0xFFFF  }
0xd9: {  	p0 =	sne.s32 s0, $0x0;
	s0 =	rddreg [dreg:$0x3]  }
0xda: {  	s0 =	sadd.s32 @!p0 $0x100000, s0  }
0xdb: {  	[sflag:s0] =	ssyncadd.tile.s32 @!p0 $0x1;
	_ =	shalt  }
.Lfunc_end2:
_tile_overlayer_lowered:
.L_overlay_start_2:
0xdc: {  	(tag) =	ssettag $0x2  }
0xdd: {  	s0 =	rddreg [dreg:$0x0];
	s2 =	stileid.u32  }
0xde: {  	s1 =	rddreg [dreg:$0x1];
	p0 =	sne.s32 s2, $0x0  }
0xdf: {  	s3 =	rddreg [dreg:$0x2];
	[bflag:$0x3] =	sbarrier.arrive $0xFFFF;
	s2 =	simm.s32 @!p0 $0x1C03  }
0xe0: {  	[timem:s3], [sflag:s2] =	dma.local @!p0 [hbm:s0], s1  }
0xe1: {  	s0 =	simm.s32 @!p0 $0x3  }
0xe2: {  	_ =	swait.ge @!p0 [sflag:s0], s1  }
0xe3: {  	s1 =	ssub.s32 @!p0 $0x0, s1;
	[sflag:s0] =	ssyncset.done @!p0 $0x0  }
0xe4: {  	[sflag:s0] =	ssyncadd.s32 @!p0 s1  }
0xe5: {  	[bflag:$0x3] =	sbarrier.arrive $0xFFFF  }
0xe6: {  	_ =	shalt  }

</sc_bundles>
